<compile_context>
chip_gen: v7x
topology: tpu7x:2x2x1
jax: 0.10.2.dev20260603
libtpu: 0.0.44.dev20260713+nightly
codegen_flags: <defaults>
</compile_context>

<pallas_src>
import functools

import jax
import jax.numpy as jnp
from jax import lax
from jax.experimental import pallas as pl
from jax.experimental.pallas import tpu as pltpu
from jax.experimental.pallas import tpu_sc as plsc

B = 16384
NW = 32
PW = B // NW
CH = 128
NCH = PW // CH
NT = 6
L = 16
V = 1000000
BK = 262144
NBK = (V + BK - 1) // BK
VP = 8388608


def _split_body(gu_ref, gi_ref, mu_ref, mi_ref,
                o0_ref, o1_ref, o2_ref, o3_ref, o4_ref, o5_ref):
    o0_ref[...] = gu_ref[0, :]
    o1_ref[...] = gu_ref[1, :]
    o2_ref[...] = gi_ref[0, :]
    o3_ref[...] = gi_ref[1, :]
    o4_ref[...] = mu_ref[0, :]
    o5_ref[...] = mi_ref[0, :]


def _split_columns(gmf_u, gmf_i, mlp_u, mlp_i):
    row_spec = pl.BlockSpec((2, BK), lambda j: (0, j))
    one_spec = pl.BlockSpec((1, BK), lambda j: (0, j))
    col_spec = pl.BlockSpec((BK,), lambda j: (j,))
    return pl.pallas_call(
        _split_body,
        grid=(NBK,),
        in_specs=[row_spec, row_spec, one_spec, one_spec],
        out_specs=[col_spec] * NT,
        out_shape=[jax.ShapeDtypeStruct((VP,), jnp.float32)] * NT,
    )(gmf_u.T, gmf_i.T, mlp_u.T, mlp_i.T)


def _ncf_body(user, item, gu0, gu1, gi0, gi1, mu, mi, wmat,
              out_hbm,
              idx_v, gat_v, w_v, out_v, sem, csem):
    c = lax.axis_index("c")
    s = lax.axis_index("s")
    wid = s * 2 + c
    base = wid * PW

    cps = [pltpu.async_copy(user.at[pl.ds(base, PW)], idx_v.at[0], sem),
           pltpu.async_copy(item.at[pl.ds(base, PW)], idx_v.at[1], sem),
           pltpu.async_copy(wmat, w_v, sem)]
    for cp in cps:
        cp.wait()

    tabs = ((gu0, 0), (gu1, 0), (gi0, 1), (gi1, 1), (mu, 0), (mi, 1))
    gs = {j: [] for j in range(NCH)}
    for j in range(NCH):
        for t, (tab, which) in enumerate(tabs):
            gs[j].append(pltpu.async_copy(
                tab.at[idx_v.at[which, pl.ds(j * CH, CH)]],
                gat_v.at[t, pl.ds(j * CH, CH)],
                csem.at[j]))

    w = [w_v[r] for r in range(29)]

    for j in range(NCH):
        for g in gs[j]:
            g.wait()
        for ic in range(CH // L):
            i = j * (CH // L) + ic
            dv = pl.ds(i * L, L)
            a0 = gat_v[0, dv]
            a1 = gat_v[1, dv]
            b0 = gat_v[2, dv]
            b1 = gat_v[3, dv]
            x0 = gat_v[4, dv]
            x1 = gat_v[5, dv]
            g0 = a0 * b0
            g1 = a1 * b1
            for li in range(4):
                n0 = jnp.maximum(w[4 * li] * x0 + w[4 * li + 1] * x1
                                 + w[16 + 2 * li], 0.0)
                n1 = jnp.maximum(w[4 * li + 2] * x0 + w[4 * li + 3] * x1
                                 + w[16 + 2 * li + 1], 0.0)
                x0, x1 = n0, n1
            z = w[24] * g0 + w[25] * g1 + w[26] * x0 + w[27] * x1 + w[28]
            out_v[dv] = 1.0 / (1.0 + jnp.exp(-z))

    pltpu.sync_copy(out_v, out_hbm.at[pl.ds(base, PW)])


@jax.jit
def _ncf_sc(user, item, gu0, gu1, gi0, gi1, mu, mi, wmat):
    mesh = plsc.VectorSubcoreMesh(core_axis_name="c", subcore_axis_name="s")
    run = functools.partial(
        pl.kernel,
        out_type=jax.ShapeDtypeStruct((B,), jnp.float32),
        mesh=mesh,
        scratch_types=[
            pltpu.VMEM((2, PW), jnp.int32),
            pltpu.VMEM((NT, PW), jnp.float32),
            pltpu.VMEM((29, L), jnp.float32),
            pltpu.VMEM((PW,), jnp.float32),
            pltpu.SemaphoreType.DMA,
            pltpu.SemaphoreType.DMA((NCH,)),
        ],
        compiler_params=pltpu.CompilerParams(skip_device_barrier=True),
    )(_ncf_body)
    return run(user, item, gu0, gu1, gi0, gi1, mu, mi, wmat)


def kernel(user, item, gmf_user_w, gmf_item_w, mlp_user_w, mlp_item_w,
           fc_W, fc_b, pred_W, pred_b):
    user = user.astype(jnp.int32)
    item = item.astype(jnp.int32)
    gu0, gu1, gi0, gi1, mu, mi = _split_columns(
        gmf_user_w, gmf_item_w, mlp_user_w, mlp_item_w)
    w29 = jnp.concatenate([
        fc_W.reshape(-1),
        fc_b.reshape(-1),
        pred_W.reshape(-1),
        pred_b.reshape(-1),
    ])
    wmat = jnp.broadcast_to(w29[:, None], (29, L))
    out = _ncf_sc(user, item, gu0, gu1, gi0, gi1, mu, mi, wmat)
    return out.reshape(B, 1)

# --- scband reference (transcript-rebuilt; emitter-appended) ---
"""Pipeline reference for scband-ncf-10093173146134 (READ-ONLY COPY).

The authoritative reference and input builder live on the scoring server;
editing this copy changes nothing except your own understanding.
"""

import jax, jax.numpy as jnp
import numpy as np

B = 16384
U = 1000000
I = 1000000
FACTOR = 2
MLP_DIM = 1  # layers[0] // 2 with layers = [2,2,2,2,2]
N_FC = 4     # len(zip(layers[:-1], layers[1:]))


def setup_inputs(seed: int = 0) -> dict:
    key = jax.random.key(seed)
    ks = jax.random.split(key, 12)
    user = jax.random.randint(ks[0], (B,), 0, U)
    item = jax.random.randint(ks[1], (B,), 0, I)
    gmf_user_w = jax.random.normal(ks[2], (U, FACTOR), dtype=jnp.float32) * 0.01
    gmf_item_w = jax.random.normal(ks[3], (I, FACTOR), dtype=jnp.float32) * 0.01
    mlp_user_w = jax.random.normal(ks[4], (U, MLP_DIM), dtype=jnp.float32) * 0.01
    mlp_item_w = jax.random.normal(ks[5], (I, MLP_DIM), dtype=jnp.float32) * 0.01
    # FC layers: Linear(2, 2) x 4 (xavier-uniform-ish)
    lim = float(np.sqrt(6.0 / (2 + 2)))
    fc_W = jax.random.uniform(ks[6], (N_FC, 2, 2), dtype=jnp.float32, minval=-lim, maxval=lim)
    fc_b = jnp.zeros((N_FC, 2), dtype=jnp.float32)
    # predict layer: Linear(4, 1)
    lim_p = float(np.sqrt(6.0 / 4))
    pred_W = jax.random.uniform(ks[7], (1, 4), dtype=jnp.float32, minval=-lim_p, maxval=lim_p)
    pred_b = jnp.zeros((1,), dtype=jnp.float32)
    return {
        "user": user,
        "item": item,
        "gmf_user_w": gmf_user_w,
        "gmf_item_w": gmf_item_w,
        "mlp_user_w": mlp_user_w,
        "mlp_item_w": mlp_item_w,
        "fc_W": fc_W,
        "fc_b": fc_b,
        "pred_W": pred_W,
        "pred_b": pred_b,
    }


def reference(user, item, gmf_user_w, gmf_item_w, mlp_user_w, mlp_item_w, fc_W, fc_b, pred_W, pred_b):
    gmf_u = jnp.take(gmf_user_w, user, axis=0)
    gmf_i = jnp.take(gmf_item_w, item, axis=0)
    gmf_emb = gmf_u * gmf_i
    mlp_u = jnp.take(mlp_user_w, user, axis=0)
    mlp_i = jnp.take(mlp_item_w, item, axis=0)
    mlp_emb = jnp.concatenate([mlp_u, mlp_i], axis=-1)
    for li in range(N_FC):
        mlp_emb = jax.nn.relu(mlp_emb @ fc_W[li].T + fc_b[li])
    ncf_emb = jnp.concatenate([gmf_emb, mlp_emb], axis=-1)
    prediction = ncf_emb @ pred_W.T + pred_b
    return jax.nn.sigmoid(prediction)

if __name__ == "__main__":
    import jax
    _d = setup_inputs()
    print(jax.jit(kernel)(*tuple(_d.values())))

</pallas_src>

<mosaic_0001>
#map = affine_map<(d0, d1) -> (0)>
#map1 = affine_map<(d0, d1) -> (0, 0)>
module attributes {stable_mosaic.version = 14 : i64} {
  func.func @_ncf_body(%arg0: i32, %arg1: i32, %arg2: memref<16384xi32, #tpu.memory_space<hbm>>, %arg3: memref<16384xi32, #tpu.memory_space<hbm>>, %arg4: memref<8388608xf32, #tpu.memory_space<hbm>>, %arg5: memref<8388608xf32, #tpu.memory_space<hbm>>, %arg6: memref<8388608xf32, #tpu.memory_space<hbm>>, %arg7: memref<8388608xf32, #tpu.memory_space<hbm>>, %arg8: memref<8388608xf32, #tpu.memory_space<hbm>>, %arg9: memref<8388608xf32, #tpu.memory_space<hbm>>, %arg10: memref<29x16xf32, #tpu.memory_space<hbm>>, %arg11: memref<16384xf32, #tpu.memory_space<hbm>>, %arg12: memref<2x512xi32, #tpu.memory_space<vmem>>, %arg13: memref<6x512xf32, #tpu.memory_space<vmem>>, %arg14: memref<29x16xf32, #tpu.memory_space<vmem>>, %arg15: memref<512xf32, #tpu.memory_space<vmem>>, %arg16: memref<!tpu.dma_semaphore, #tpu.memory_space<semaphore_mem>>, %arg17: memref<4x!tpu.dma_semaphore, #tpu.memory_space<semaphore_mem>>) attributes {dimension_semantics = [#tpu.dimension_semantics<core_parallel>, #tpu.dimension_semantics<subcore_parallel>], iteration_bounds = array<i64: 2, 16>, scalar_prefetch = 0 : i64, scratch_operands = 6 : i64, tpu.core_type = #tpu.core_type<sc_vector_subcore>, window_params = [{transform_indices = #map}, {transform_indices = #map}, {transform_indices = #map}, {transform_indices = #map}, {transform_indices = #map}, {transform_indices = #map}, {transform_indices = #map}, {transform_indices = #map}, {transform_indices = #map1}, {transform_indices = #map}]} {
    %mul3A = arith.constant 2 : i32
    %mul3A_0 = arith.muli %arg1, %mul3A : i32
    %add3A = arith.addi %mul3A_0, %arg0 : i32
    %mul3A_1 = arith.constant 512 : i32
    %mul3A_2 = arith.muli %add3A, %mul3A_1 : i32
    %dma_start3A = arith.constant 0 : i32
    %dma_start3A_3 = arith.constant 0 : i32
    %dma_start3A_4 = tpu.memref_slice %arg12[%dma_start3A, %dma_start3A_3] : memref<2x512xi32, #tpu.memory_space<vmem>> -> memref<1x512xi32, #tpu.memory_space<vmem>>
    %dma_start3A_5 = tpu.memref_squeeze %dma_start3A_4 : memref<1x512xi32, #tpu.memory_space<vmem>> -> memref<512xi32, #tpu.memory_space<vmem>>
    %dma_start3A_6 = tpu.memref_slice %arg2[%mul3A_2] : memref<16384xi32, #tpu.memory_space<hbm>> -> memref<512xi32, #tpu.memory_space<hbm>>
    %dma_start3A_7 = arith.constant 0 : i32
    %dma_start3A_8 = tpu.memref_slice %arg12[%dma_start3A, %dma_start3A_7] : memref<2x512xi32, #tpu.memory_space<vmem>> -> memref<1x512xi32, #tpu.memory_space<vmem>>
    %dma_start3A_9 = tpu.memref_squeeze %dma_start3A_8 : memref<1x512xi32, #tpu.memory_space<vmem>> -> memref<512xi32, #tpu.memory_space<vmem>>
    %dma_start3A_10 = tpu.memref_slice %arg2[%mul3A_2] : memref<16384xi32, #tpu.memory_space<hbm>> -> memref<512xi32, #tpu.memory_space<hbm>>
    tpu.enqueue_dma source(%dma_start3A_10 : memref<512xi32, #tpu.memory_space<hbm>>) target(%dma_start3A_9 : memref<512xi32, #tpu.memory_space<vmem>>) target_semaphore(%arg16 : memref<!tpu.dma_semaphore, #tpu.memory_space<semaphore_mem>>)
    %dma_start3A_11 = arith.constant 1 : i32
    %dma_start3A_12 = arith.constant 0 : i32
    %dma_start3A_13 = tpu.memref_slice %arg12[%dma_start3A_11, %dma_start3A_12] : memref<2x512xi32, #tpu.memory_space<vmem>> -> memref<1x512xi32, #tpu.memory_space<vmem>>
    %dma_start3A_14 = tpu.memref_squeeze %dma_start3A_13 : memref<1x512xi32, #tpu.memory_space<vmem>> -> memref<512xi32, #tpu.memory_space<vmem>>
    %dma_start3A_15 = tpu.memref_slice %arg3[%mul3A_2] : memref<16384xi32, #tpu.memory_space<hbm>> -> memref<512xi32, #tpu.memory_space<hbm>>
    %dma_start3A_16 = arith.constant 0 : i32
    %dma_start3A_17 = tpu.memref_slice %arg12[%dma_start3A_11, %dma_start3A_16] : memref<2x512xi32, #tpu.memory_space<vmem>> -> memref<1x512xi32, #tpu.memory_space<vmem>>
    %dma_start3A_18 = tpu.memref_squeeze %dma_start3A_17 : memref<1x512xi32, #tpu.memory_space<vmem>> -> memref<512xi32, #tpu.memory_space<vmem>>
    %dma_start3A_19 = tpu.memref_slice %arg3[%mul3A_2] : memref<16384xi32, #tpu.memory_space<hbm>> -> memref<512xi32, #tpu.memory_space<hbm>>
    tpu.enqueue_dma source(%dma_start3A_19 : memref<512xi32, #tpu.memory_space<hbm>>) target(%dma_start3A_18 : memref<512xi32, #tpu.memory_space<vmem>>) target_semaphore(%arg16 : memref<!tpu.dma_semaphore, #tpu.memory_space<semaphore_mem>>)
    tpu.enqueue_dma source(%arg10 : memref<29x16xf32, #tpu.memory_space<hbm>>) target(%arg14 : memref<29x16xf32, #tpu.memory_space<vmem>>) target_semaphore(%arg16 : memref<!tpu.dma_semaphore, #tpu.memory_space<semaphore_mem>>)
    %dma_wait3A = arith.constant 0 : i32
    %dma_wait3A_20 = arith.constant 0 : i32
    %dma_wait3A_21 = tpu.memref_slice %arg12[%dma_wait3A, %dma_wait3A_20] : memref<2x512xi32, #tpu.memory_space<vmem>> -> memref<1x512xi32, #tpu.memory_space<vmem>>
    %dma_wait3A_22 = tpu.memref_squeeze %dma_wait3A_21 : memref<1x512xi32, #tpu.memory_space<vmem>> -> memref<512xi32, #tpu.memory_space<vmem>>
    %dma_wait3A_23 = tpu.memref_slice %arg2[%mul3A_2] : memref<16384xi32, #tpu.memory_space<hbm>> -> memref<512xi32, #tpu.memory_space<hbm>>
    %dma_wait3A_24 = arith.constant 0 : i32
    %dma_wait3A_25 = tpu.memref_slice %arg12[%dma_wait3A, %dma_wait3A_24] : memref<2x512xi32, #tpu.memory_space<vmem>> -> memref<1x512xi32, #tpu.memory_space<vmem>>
    %dma_wait3A_26 = tpu.memref_squeeze %dma_wait3A_25 : memref<1x512xi32, #tpu.memory_space<vmem>> -> memref<512xi32, #tpu.memory_space<vmem>>
    %dma_wait3A_27 = tpu.memref_slice %arg2[%mul3A_2] : memref<16384xi32, #tpu.memory_space<hbm>> -> memref<512xi32, #tpu.memory_space<hbm>>
    tpu.wait_dma2 semaphore(%arg16 : memref<!tpu.dma_semaphore, #tpu.memory_space<semaphore_mem>>) src(%dma_wait3A_27 : memref<512xi32, #tpu.memory_space<hbm>>) dst(%dma_wait3A_26 : memref<512xi32, #tpu.memory_space<vmem>>)
    %dma_wait3A_28 = arith.constant 1 : i32
    %dma_wait3A_29 = arith.constant 0 : i32
    %dma_wait3A_30 = tpu.memref_slice %arg12[%dma_wait3A_28, %dma_wait3A_29] : memref<2x512xi32, #tpu.memory_space<vmem>> -> memref<1x512xi32, #tpu.memory_space<vmem>>
    %dma_wait3A_31 = tpu.memref_squeeze %dma_wait3A_30 : memref<1x512xi32, #tpu.memory_space<vmem>> -> memref<512xi32, #tpu.memory_space<vmem>>
    %dma_wait3A_32 = tpu.memref_slice %arg3[%mul3A_2] : memref<16384xi32, #tpu.memory_space<hbm>> -> memref<512xi32, #tpu.memory_space<hbm>>
    %dma_wait3A_33 = arith.constant 0 : i32
    %dma_wait3A_34 = tpu.memref_slice %arg12[%dma_wait3A_28, %dma_wait3A_33] : memref<2x512xi32, #tpu.memory_space<vmem>> -> memref<1x512xi32, #tpu.memory_space<vmem>>
    %dma_wait3A_35 = tpu.memref_squeeze %dma_wait3A_34 : memref<1x512xi32, #tpu.memory_space<vmem>> -> memref<512xi32, #tpu.memory_space<vmem>>
    %dma_wait3A_36 = tpu.memref_slice %arg3[%mul3A_2] : memref<16384xi32, #tpu.memory_space<hbm>> -> memref<512xi32, #tpu.memory_space<hbm>>
    tpu.wait_dma2 semaphore(%arg16 : memref<!tpu.dma_semaphore, #tpu.memory_space<semaphore_mem>>) src(%dma_wait3A_36 : memref<512xi32, #tpu.memory_space<hbm>>) dst(%dma_wait3A_35 : memref<512xi32, #tpu.memory_space<vmem>>)
    tpu.wait_dma2 semaphore(%arg16 : memref<!tpu.dma_semaphore, #tpu.memory_space<semaphore_mem>>) src(%arg10 : memref<29x16xf32, #tpu.memory_space<hbm>>) dst(%arg14 : memref<29x16xf32, #tpu.memory_space<vmem>>)
    %dma_start3A_37 = arith.constant 0 : i32
    %dma_start3A_38 = arith.constant 0 : i32
    %dma_start3A_39 = arith.constant 0 : i32
    %dma_start3A_40 = arith.constant 0 : i32
    %dma_start3A_41 = tpu.memref_slice %arg13[%dma_start3A_38, %dma_start3A_40] : memref<6x512xf32, #tpu.memory_space<vmem>> -> memref<1x128xf32, #tpu.memory_space<vmem>>
    %dma_start3A_42 = tpu.memref_squeeze %dma_start3A_41 : memref<1x128xf32, #tpu.memory_space<vmem>> -> memref<128xf32, #tpu.memory_space<vmem>>
    %dma_start3A_43 = arith.constant 0 : i32
    %dma_start3A_44 = tpu.memref_slice %arg12[%dma_start3A_37, %dma_start3A_43] : memref<2x512xi32, #tpu.memory_space<vmem>> -> memref<1x128xi32, #tpu.memory_space<vmem>>
    %dma_start3A_45 = tpu.memref_squeeze %dma_start3A_44 : memref<1x128xi32, #tpu.memory_space<vmem>> -> memref<128xi32, #tpu.memory_space<vmem>>
    %dma_start3A_46 = arith.constant 0 : i32
    %dma_start3A_47 = tpu.memref_slice %arg4[%dma_start3A_46] : memref<8388608xf32, #tpu.memory_space<hbm>> -> memref<8388608xf32, #tpu.memory_space<hbm>>
    %dma_start3A_48 = tpu.memref_slice %arg17[%dma_start3A_39] : memref<4x!tpu.dma_semaphore, #tpu.memory_space<semaphore_mem>> -> memref<1x!tpu.dma_semaphore, #tpu.memory_space<semaphore_mem>>
    %dma_start3A_49 = tpu.memref_squeeze %dma_start3A_48 : memref<1x!tpu.dma_semaphore, #tpu.memory_space<semaphore_mem>> -> memref<!tpu.dma_semaphore, #tpu.memory_space<semaphore_mem>>
    tpu.enqueue_indirect_dma source(%dma_start3A_47 : memref<8388608xf32, #tpu.memory_space<hbm>>) target(%dma_start3A_42 : memref<128xf32, #tpu.memory_space<vmem>>) offsets(%dma_start3A_45 : memref<128xi32, #tpu.memory_space<vmem>>) semaphore(%dma_start3A_49 : memref<!tpu.dma_semaphore, #tpu.memory_space<semaphore_mem>>)
    %dma_start3A_50 = arith.constant 0 : i32
    %dma_start3A_51 = arith.constant 1 : i32
    %dma_start3A_52 = arith.constant 0 : i32
    %dma_start3A_53 = arith.constant 0 : i32
    %dma_start3A_54 = tpu.memref_slice %arg13[%dma_start3A_51, %dma_start3A_53] : memref<6x512xf32, #tpu.memory_space<vmem>> -> memref<1x128xf32, #tpu.memory_space<vmem>>
    %dma_start3A_55 = tpu.memref_squeeze %dma_start3A_54 : memref<1x128xf32, #tpu.memory_space<vmem>> -> memref<128xf32, #tpu.memory_space<vmem>>
    %dma_start3A_56 = arith.constant 0 : i32
    %dma_start3A_57 = tpu.memref_slice %arg12[%dma_start3A_50, %dma_start3A_56] : memref<2x512xi32, #tpu.memory_space<vmem>> -> memref<1x128xi32, #tpu.memory_space<vmem>>
    %dma_start3A_58 = tpu.memref_squeeze %dma_start3A_57 : memref<1x128xi32, #tpu.memory_space<vmem>> -> memref<128xi32, #tpu.memory_space<vmem>>
    %dma_start3A_59 = arith.constant 0 : i32
    %dma_start3A_60 = tpu.memref_slice %arg5[%dma_start3A_59] : memref<8388608xf32, #tpu.memory_space<hbm>> -> memref<8388608xf32, #tpu.memory_space<hbm>>
    %dma_start3A_61 = tpu.memref_slice %arg17[%dma_start3A_52] : memref<4x!tpu.dma_semaphore, #tpu.memory_space<semaphore_mem>> -> memref<1x!tpu.dma_semaphore, #tpu.memory_space<semaphore_mem>>
    %dma_start3A_62 = tpu.memref_squeeze %dma_start3A_61 : memref<1x!tpu.dma_semaphore, #tpu.memory_space<semaphore_mem>> -> memref<!tpu.dma_semaphore, #tpu.memory_space<semaphore_mem>>
    tpu.enqueue_indirect_dma source(%dma_start3A_60 : memref<8388608xf32, #tpu.memory_space<hbm>>) target(%dma_start3A_55 : memref<128xf32, #tpu.memory_space<vmem>>) offsets(%dma_start3A_58 : memref<128xi32, #tpu.memory_space<vmem>>) semaphore(%dma_start3A_62 : memref<!tpu.dma_semaphore, #tpu.memory_space<semaphore_mem>>)
    %dma_start3A_63 = arith.constant 1 : i32
    %dma_start3A_64 = arith.constant 2 : i32
    %dma_start3A_65 = arith.constant 0 : i32
    %dma_start3A_66 = arith.constant 0 : i32
    %dma_start3A_67 = tpu.memref_slice %arg13[%dma_start3A_64, %dma_start3A_66] : memref<6x512xf32, #tpu.memory_space<vmem>> -> memref<1x128xf32, #tpu.memory_space<vmem>>
    %dma_start3A_68 = tpu.memref_squeeze %dma_start3A_67 : memref<1x128xf32, #tpu.memory_space<vmem>> -> memref<128xf32, #tpu.memory_space<vmem>>
    %dma_start3A_69 = arith.constant 0 : i32
    %dma_start3A_70 = tpu.memref_slice %arg12[%dma_start3A_63, %dma_start3A_69] : memref<2x512xi32, #tpu.memory_space<vmem>> -> memref<1x128xi32, #tpu.memory_space<vmem>>
    %dma_start3A_71 = tpu.memref_squeeze %dma_start3A_70 : memref<1x128xi32, #tpu.memory_space<vmem>> -> memref<128xi32, #tpu.memory_space<vmem>>
    %dma_start3A_72 = arith.constant 0 : i32
    %dma_start3A_73 = tpu.memref_slice %arg6[%dma_start3A_72] : memref<8388608xf32, #tpu.memory_space<hbm>> -> memref<8388608xf32, #tpu.memory_space<hbm>>
    %dma_start3A_74 = tpu.memref_slice %arg17[%dma_start3A_65] : memref<4x!tpu.dma_semaphore, #tpu.memory_space<semaphore_mem>> -> memref<1x!tpu.dma_semaphore, #tpu.memory_space<semaphore_mem>>
    %dma_start3A_75 = tpu.memref_squeeze %dma_start3A_74 : memref<1x!tpu.dma_semaphore, #tpu.memory_space<semaphore_mem>> -> memref<!tpu.dma_semaphore, #tpu.memory_space<semaphore_mem>>
    tpu.enqueue_indirect_dma source(%dma_start3A_73 : memref<8388608xf32, #tpu.memory_space<hbm>>) target(%dma_start3A_68 : memref<128xf32, #tpu.memory_space<vmem>>) offsets(%dma_start3A_71 : memref<128xi32, #tpu.memory_space<vmem>>) semaphore(%dma_start3A_75 : memref<!tpu.dma_semaphore, #tpu.memory_space<semaphore_mem>>)
    %dma_start3A_76 = arith.constant 1 : i32
    %dma_start3A_77 = arith.constant 3 : i32
    %dma_start3A_78 = arith.constant 0 : i32
    %dma_start3A_79 = arith.constant 0 : i32
    %dma_start3A_80 = tpu.memref_slice %arg13[%dma_start3A_77, %dma_start3A_79] : memref<6x512xf32, #tpu.memory_space<vmem>> -> memref<1x128xf32, #tpu.memory_space<vmem>>
    %dma_start3A_81 = tpu.memref_squeeze %dma_start3A_80 : memref<1x128xf32, #tpu.memory_space<vmem>> -> memref<128xf32, #tpu.memory_space<vmem>>
    %dma_start3A_82 = arith.constant 0 : i32
    %dma_start3A_83 = tpu.memref_slice %arg12[%dma_start3A_76, %dma_start3A_82] : memref<2x512xi32, #tpu.memory_space<vmem>> -> memref<1x128xi32, #tpu.memory_space<vmem>>
    %dma_start3A_84 = tpu.memref_squeeze %dma_start3A_83 : memref<1x128xi32, #tpu.memory_space<vmem>> -> memref<128xi32, #tpu.memory_space<vmem>>
    %dma_start3A_85 = arith.constant 0 : i32
    %dma_start3A_86 = tpu.memref_slice %arg7[%dma_start3A_85] : memref<8388608xf32, #tpu.memory_space<hbm>> -> memref<8388608xf32, #tpu.memory_space<hbm>>
    %dma_start3A_87 = tpu.memref_slice %arg17[%dma_start3A_78] : memref<4x!tpu.dma_semaphore, #tpu.memory_space<semaphore_mem>> -> memref<1x!tpu.dma_semaphore, #tpu.memory_space<semaphore_mem>>
    %dma_start3A_88 = tpu.memref_squeeze %dma_start3A_87 : memref<1x!tpu.dma_semaphore, #tpu.memory_space<semaphore_mem>> -> memref<!tpu.dma_semaphore, #tpu.memory_space<semaphore_mem>>
    tpu.enqueue_indirect_dma source(%dma_start3A_86 : memref<8388608xf32, #tpu.memory_space<hbm>>) target(%dma_start3A_81 : memref<128xf32, #tpu.memory_space<vmem>>) offsets(%dma_start3A_84 : memref<128xi32, #tpu.memory_space<vmem>>) semaphore(%dma_start3A_88 : memref<!tpu.dma_semaphore, #tpu.memory_space<semaphore_mem>>)
    %dma_start3A_89 = arith.constant 0 : i32
    %dma_start3A_90 = arith.constant 4 : i32
    %dma_start3A_91 = arith.constant 0 : i32
    %dma_start3A_92 = arith.constant 0 : i32
    %dma_start3A_93 = tpu.memref_slice %arg13[%dma_start3A_90, %dma_start3A_92] : memref<6x512xf32, #tpu.memory_space<vmem>> -> memref<1x128xf32, #tpu.memory_space<vmem>>
    %dma_start3A_94 = tpu.memref_squeeze %dma_start3A_93 : memref<1x128xf32, #tpu.memory_space<vmem>> -> memref<128xf32, #tpu.memory_space<vmem>>
    %dma_start3A_95 = arith.constant 0 : i32
    %dma_start3A_96 = tpu.memref_slice %arg12[%dma_start3A_89, %dma_start3A_95] : memref<2x512xi32, #tpu.memory_space<vmem>> -> memref<1x128xi32, #tpu.memory_space<vmem>>
    %dma_start3A_97 = tpu.memref_squeeze %dma_start3A_96 : memref<1x128xi32, #tpu.memory_space<vmem>> -> memref<128xi32, #tpu.memory_space<vmem>>
    %dma_start3A_98 = arith.constant 0 : i32
    %dma_start3A_99 = tpu.memref_slice %arg8[%dma_start3A_98] : memref<8388608xf32, #tpu.memory_space<hbm>> -> memref<8388608xf32, #tpu.memory_space<hbm>>
    %dma_start3A_100 = tpu.memref_slice %arg17[%dma_start3A_91] : memref<4x!tpu.dma_semaphore, #tpu.memory_space<semaphore_mem>> -> memref<1x!tpu.dma_semaphore, #tpu.memory_space<semaphore_mem>>
    %dma_start3A_101 = tpu.memref_squeeze %dma_start3A_100 : memref<1x!tpu.dma_semaphore, #tpu.memory_space<semaphore_mem>> -> memref<!tpu.dma_semaphore, #tpu.memory_space<semaphore_mem>>
    tpu.enqueue_indirect_dma source(%dma_start3A_99 : memref<8388608xf32, #tpu.memory_space<hbm>>) target(%dma_start3A_94 : memref<128xf32, #tpu.memory_space<vmem>>) offsets(%dma_start3A_97 : memref<128xi32, #tpu.memory_space<vmem>>) semaphore(%dma_start3A_101 : memref<!tpu.dma_semaphore, #tpu.memory_space<semaphore_mem>>)
    %dma_start3A_102 = arith.constant 1 : i32
    %dma_start3A_103 = arith.constant 5 : i32
    %dma_start3A_104 = arith.constant 0 : i32
    %dma_start3A_105 = arith.constant 0 : i32
    %dma_start3A_106 = tpu.memref_slice %arg13[%dma_start3A_103, %dma_start3A_105] : memref<6x512xf32, #tpu.memory_space<vmem>> -> memref<1x128xf32, #tpu.memory_space<vmem>>
    %dma_start3A_107 = tpu.memref_squeeze %dma_start3A_106 : memref<1x128xf32, #tpu.memory_space<vmem>> -> memref<128xf32, #tpu.memory_space<vmem>>
    %dma_start3A_108 = arith.constant 0 : i32
    %dma_start3A_109 = tpu.memref_slice %arg12[%dma_start3A_102, %dma_start3A_108] : memref<2x512xi32, #tpu.memory_space<vmem>> -> memref<1x128xi32, #tpu.memory_space<vmem>>
    %dma_start3A_110 = tpu.memref_squeeze %dma_start3A_109 : memref<1x128xi32, #tpu.memory_space<vmem>> -> memref<128xi32, #tpu.memory_space<vmem>>
    %dma_start3A_111 = arith.constant 0 : i32
    %dma_start3A_112 = tpu.memref_slice %arg9[%dma_start3A_111] : memref<8388608xf32, #tpu.memory_space<hbm>> -> memref<8388608xf32, #tpu.memory_space<hbm>>
    %dma_start3A_113 = tpu.memref_slice %arg17[%dma_start3A_104] : memref<4x!tpu.dma_semaphore, #tpu.memory_space<semaphore_mem>> -> memref<1x!tpu.dma_semaphore, #tpu.memory_space<semaphore_mem>>
    %dma_start3A_114 = tpu.memref_squeeze %dma_start3A_113 : memref<1x!tpu.dma_semaphore, #tpu.memory_space<semaphore_mem>> -> memref<!tpu.dma_semaphore, #tpu.memory_space<semaphore_mem>>
    tpu.enqueue_indirect_dma source(%dma_start3A_112 : memref<8388608xf32, #tpu.memory_space<hbm>>) target(%dma_start3A_107 : memref<128xf32, #tpu.memory_space<vmem>>) offsets(%dma_start3A_110 : memref<128xi32, #tpu.memory_space<vmem>>) semaphore(%dma_start3A_114 : memref<!tpu.dma_semaphore, #tpu.memory_space<semaphore_mem>>)
    %dma_start3A_115 = arith.constant 0 : i32
    %dma_start3A_116 = arith.constant 0 : i32
    %dma_start3A_117 = arith.constant 1 : i32
    %dma_start3A_118 = arith.constant 128 : i32
    %dma_start3A_119 = tpu.memref_slice %arg13[%dma_start3A_116, %dma_start3A_118] : memref<6x512xf32, #tpu.memory_space<vmem>> -> memref<1x128xf32, #tpu.memory_space<vmem>>
    %dma_start3A_120 = tpu.memref_squeeze %dma_start3A_119 : memref<1x128xf32, #tpu.memory_space<vmem>> -> memref<128xf32, #tpu.memory_space<vmem>>
    %dma_start3A_121 = arith.constant 128 : i32
    %dma_start3A_122 = tpu.memref_slice %arg12[%dma_start3A_115, %dma_start3A_121] : memref<2x512xi32, #tpu.memory_space<vmem>> -> memref<1x128xi32, #tpu.memory_space<vmem>>
    %dma_start3A_123 = tpu.memref_squeeze %dma_start3A_122 : memref<1x128xi32, #tpu.memory_space<vmem>> -> memref<128xi32, #tpu.memory_space<vmem>>
    %dma_start3A_124 = arith.constant 0 : i32
    %dma_start3A_125 = tpu.memref_slice %arg4[%dma_start3A_124] : memref<8388608xf32, #tpu.memory_space<hbm>> -> memref<8388608xf32, #tpu.memory_space<hbm>>
    %dma_start3A_126 = tpu.memref_slice %arg17[%dma_start3A_117] : memref<4x!tpu.dma_semaphore, #tpu.memory_space<semaphore_mem>> -> memref<1x!tpu.dma_semaphore, #tpu.memory_space<semaphore_mem>>
    %dma_start3A_127 = tpu.memref_squeeze %dma_start3A_126 : memref<1x!tpu.dma_semaphore, #tpu.memory_space<semaphore_mem>> -> memref<!tpu.dma_semaphore, #tpu.memory_space<semaphore_mem>>
    tpu.enqueue_indirect_dma source(%dma_start3A_125 : memref<8388608xf32, #tpu.memory_space<hbm>>) target(%dma_start3A_120 : memref<128xf32, #tpu.memory_space<vmem>>) offsets(%dma_start3A_123 : memref<128xi32, #tpu.memory_space<vmem>>) semaphore(%dma_start3A_127 : memref<!tpu.dma_semaphore, #tpu.memory_space<semaphore_mem>>)
    %dma_start3A_128 = arith.constant 0 : i32
    %dma_start3A_129 = arith.constant 1 : i32
    %dma_start3A_130 = arith.constant 1 : i32
    %dma_start3A_131 = arith.constant 128 : i32
    %dma_start3A_132 = tpu.memref_slice %arg13[%dma_start3A_129, %dma_start3A_131] : memref<6x512xf32, #tpu.memory_space<vmem>> -> memref<1x128xf32, #tpu.memory_space<vmem>>
    %dma_start3A_133 = tpu.memref_squeeze %dma_start3A_132 : memref<1x128xf32, #tpu.memory_space<vmem>> -> memref<128xf32, #tpu.memory_space<vmem>>
    %dma_start3A_134 = arith.constant 128 : i32
    %dma_start3A_135 = tpu.memref_slice %arg12[%dma_start3A_128, %dma_start3A_134] : memref<2x512xi32, #tpu.memory_space<vmem>> -> memref<1x128xi32, #tpu.memory_space<vmem>>
    %dma_start3A_136 = tpu.memref_squeeze %dma_start3A_135 : memref<1x128xi32, #tpu.memory_space<vmem>> -> memref<128xi32, #tpu.memory_space<vmem>>
    %dma_start3A_137 = arith.constant 0 : i32
    %dma_start3A_138 = tpu.memref_slice %arg5[%dma_start3A_137] : memref<8388608xf32, #tpu.memory_space<hbm>> -> memref<8388608xf32, #tpu.memory_space<hbm>>
    %dma_start3A_139 = tpu.memref_slice %arg17[%dma_start3A_130] : memref<4x!tpu.dma_semaphore, #tpu.memory_space<semaphore_mem>> -> memref<1x!tpu.dma_semaphore, #tpu.memory_space<semaphore_mem>>
    %dma_start3A_140 = tpu.memref_squeeze %dma_start3A_139 : memref<1x!tpu.dma_semaphore, #tpu.memory_space<semaphore_mem>> -> memref<!tpu.dma_semaphore, #tpu.memory_space<semaphore_mem>>
    tpu.enqueue_indirect_dma source(%dma_start3A_138 : memref<8388608xf32, #tpu.memory_space<hbm>>) target(%dma_start3A_133 : memref<128xf32, #tpu.memory_space<vmem>>) offsets(%dma_start3A_136 : memref<128xi32, #tpu.memory_space<vmem>>) semaphore(%dma_start3A_140 : memref<!tpu.dma_semaphore, #tpu.memory_space<semaphore_mem>>)
    %dma_start3A_141 = arith.constant 1 : i32
    %dma_start3A_142 = arith.constant 2 : i32
    %dma_start3A_143 = arith.constant 1 : i32
    %dma_start3A_144 = arith.constant 128 : i32
    %dma_start3A_145 = tpu.memref_slice %arg13[%dma_start3A_142, %dma_start3A_144] : memref<6x512xf32, #tpu.memory_space<vmem>> -> memref<1x128xf32, #tpu.memory_space<vmem>>
    %dma_start3A_146 = tpu.memref_squeeze %dma_start3A_145 : memref<1x128xf32, #tpu.memory_space<vmem>> -> memref<128xf32, #tpu.memory_space<vmem>>
    %dma_start3A_147 = arith.constant 128 : i32
    %dma_start3A_148 = tpu.memref_slice %arg12[%dma_start3A_141, %dma_start3A_147] : memref<2x512xi32, #tpu.memory_space<vmem>> -> memref<1x128xi32, #tpu.memory_space<vmem>>
    %dma_start3A_149 = tpu.memref_squeeze %dma_start3A_148 : memref<1x128xi32, #tpu.memory_space<vmem>> -> memref<128xi32, #tpu.memory_space<vmem>>
    %dma_start3A_150 = arith.constant 0 : i32
    %dma_start3A_151 = tpu.memref_slice %arg6[%dma_start3A_150] : memref<8388608xf32, #tpu.memory_space<hbm>> -> memref<8388608xf32, #tpu.memory_space<hbm>>
    %dma_start3A_152 = tpu.memref_slice %arg17[%dma_start3A_143] : memref<4x!tpu.dma_semaphore, #tpu.memory_space<semaphore_mem>> -> memref<1x!tpu.dma_semaphore, #tpu.memory_space<semaphore_mem>>
    %dma_start3A_153 = tpu.memref_squeeze %dma_start3A_152 : memref<1x!tpu.dma_semaphore, #tpu.memory_space<semaphore_mem>> -> memref<!tpu.dma_semaphore, #tpu.memory_space<semaphore_mem>>
    tpu.enqueue_indirect_dma source(%dma_start3A_151 : memref<8388608xf32, #tpu.memory_space<hbm>>) target(%dma_start3A_146 : memref<128xf32, #tpu.memory_space<vmem>>) offsets(%dma_start3A_149 : memref<128xi32, #tpu.memory_space<vmem>>) semaphore(%dma_start3A_153 : memref<!tpu.dma_semaphore, #tpu.memory_space<semaphore_mem>>)
    %dma_start3A_154 = arith.constant 1 : i32
    %dma_start3A_155 = arith.constant 3 : i32
    %dma_start3A_156 = arith.constant 1 : i32
    %dma_start3A_157 = arith.constant 128 : i32
    %dma_start3A_158 = tpu.memref_slice %arg13[%dma_start3A_155, %dma_start3A_157] : memref<6x512xf32, #tpu.memory_space<vmem>> -> memref<1x128xf32, #tpu.memory_space<vmem>>
    %dma_start3A_159 = tpu.memref_squeeze %dma_start3A_158 : memref<1x128xf32, #tpu.memory_space<vmem>> -> memref<128xf32, #tpu.memory_space<vmem>>
    %dma_start3A_160 = arith.constant 128 : i32
    %dma_start3A_161 = tpu.memref_slice %arg12[%dma_start3A_154, %dma_start3A_160] : memref<2x512xi32, #tpu.memory_space<vmem>> -> memref<1x128xi32, #tpu.memory_space<vmem>>
    %dma_start3A_162 = tpu.memref_squeeze %dma_start3A_161 : memref<1x128xi32, #tpu.memory_space<vmem>> -> memref<128xi32, #tpu.memory_space<vmem>>
    %dma_start3A_163 = arith.constant 0 : i32
    %dma_start3A_164 = tpu.memref_slice %arg7[%dma_start3A_163] : memref<8388608xf32, #tpu.memory_space<hbm>> -> memref<8388608xf32, #tpu.memory_space<hbm>>
    %dma_start3A_165 = tpu.memref_slice %arg17[%dma_start3A_156] : memref<4x!tpu.dma_semaphore, #tpu.memory_space<semaphore_mem>> -> memref<1x!tpu.dma_semaphore, #tpu.memory_space<semaphore_mem>>
    %dma_start3A_166 = tpu.memref_squeeze %dma_start3A_165 : memref<1x!tpu.dma_semaphore, #tpu.memory_space<semaphore_mem>> -> memref<!tpu.dma_semaphore, #tpu.memory_space<semaphore_mem>>
    tpu.enqueue_indirect_dma source(%dma_start3A_164 : memref<8388608xf32, #tpu.memory_space<hbm>>) target(%dma_start3A_159 : memref<128xf32, #tpu.memory_space<vmem>>) offsets(%dma_start3A_162 : memref<128xi32, #tpu.memory_space<vmem>>) semaphore(%dma_start3A_166 : memref<!tpu.dma_semaphore, #tpu.memory_space<semaphore_mem>>)
    %dma_start3A_167 = arith.constant 0 : i32
    %dma_start3A_168 = arith.constant 4 : i32
    %dma_start3A_169 = arith.constant 1 : i32
    %dma_start3A_170 = arith.constant 128 : i32
    %dma_start3A_171 = tpu.memref_slice %arg13[%dma_start3A_168, %dma_start3A_170] : memref<6x512xf32, #tpu.memory_space<vmem>> -> memref<1x128xf32, #tpu.memory_space<vmem>>
    %dma_start3A_172 = tpu.memref_squeeze %dma_start3A_171 : memref<1x128xf32, #tpu.memory_space<vmem>> -> memref<128xf32, #tpu.memory_space<vmem>>
    %dma_start3A_173 = arith.constant 128 : i32
    %dma_start3A_174 = tpu.memref_slice %arg12[%dma_start3A_167, %dma_start3A_173] : memref<2x512xi32, #tpu.memory_space<vmem>> -> memref<1x128xi32, #tpu.memory_space<vmem>>
    %dma_start3A_175 = tpu.memref_squeeze %dma_start3A_174 : memref<1x128xi32, #tpu.memory_space<vmem>> -> memref<128xi32, #tpu.memory_space<vmem>>
    %dma_start3A_176 = arith.constant 0 : i32
    %dma_start3A_177 = tpu.memref_slice %arg8[%dma_start3A_176] : memref<8388608xf32, #tpu.memory_space<hbm>> -> memref<8388608xf32, #tpu.memory_space<hbm>>
    %dma_start3A_178 = tpu.memref_slice %arg17[%dma_start3A_169] : memref<4x!tpu.dma_semaphore, #tpu.memory_space<semaphore_mem>> -> memref<1x!tpu.dma_semaphore, #tpu.memory_space<semaphore_mem>>
    %dma_start3A_179 = tpu.memref_squeeze %dma_start3A_178 : memref<1x!tpu.dma_semaphore, #tpu.memory_space<semaphore_mem>> -> memref<!tpu.dma_semaphore, #tpu.memory_space<semaphore_mem>>
    tpu.enqueue_indirect_dma source(%dma_start3A_177 : memref<8388608xf32, #tpu.memory_space<hbm>>) target(%dma_start3A_172 : memref<128xf32, #tpu.memory_space<vmem>>) offsets(%dma_start3A_175 : memref<128xi32, #tpu.memory_space<vmem>>) semaphore(%dma_start3A_179 : memref<!tpu.dma_semaphore, #tpu.memory_space<semaphore_mem>>)
    %dma_start3A_180 = arith.constant 1 : i32
    %dma_start3A_181 = arith.constant 5 : i32
    %dma_start3A_182 = arith.constant 1 : i32
    %dma_start3A_183 = arith.constant 128 : i32
    %dma_start3A_184 = tpu.memref_slice %arg13[%dma_start3A_181, %dma_start3A_183] : memref<6x512xf32, #tpu.memory_space<vmem>> -> memref<1x128xf32, #tpu.memory_space<vmem>>
    %dma_start3A_185 = tpu.memref_squeeze %dma_start3A_184 : memref<1x128xf32, #tpu.memory_space<vmem>> -> memref<128xf32, #tpu.memory_space<vmem>>
    %dma_start3A_186 = arith.constant 128 : i32
    %dma_start3A_187 = tpu.memref_slice %arg12[%dma_start3A_180, %dma_start3A_186] : memref<2x512xi32, #tpu.memory_space<vmem>> -> memref<1x128xi32, #tpu.memory_space<vmem>>
    %dma_start3A_188 = tpu.memref_squeeze %dma_start3A_187 : memref<1x128xi32, #tpu.memory_space<vmem>> -> memref<128xi32, #tpu.memory_space<vmem>>
    %dma_start3A_189 = arith.constant 0 : i32
    %dma_start3A_190 = tpu.memref_slice %arg9[%dma_start3A_189] : memref<8388608xf32, #tpu.memory_space<hbm>> -> memref<8388608xf32, #tpu.memory_space<hbm>>
    %dma_start3A_191 = tpu.memref_slice %arg17[%dma_start3A_182] : memref<4x!tpu.dma_semaphore, #tpu.memory_space<semaphore_mem>> -> memref<1x!tpu.dma_semaphore, #tpu.memory_space<semaphore_mem>>
    %dma_start3A_192 = tpu.memref_squeeze %dma_start3A_191 : memref<1x!tpu.dma_semaphore, #tpu.memory_space<semaphore_mem>> -> memref<!tpu.dma_semaphore, #tpu.memory_space<semaphore_mem>>
    tpu.enqueue_indirect_dma source(%dma_start3A_190 : memref<8388608xf32, #tpu.memory_space<hbm>>) target(%dma_start3A_185 : memref<128xf32, #tpu.memory_space<vmem>>) offsets(%dma_start3A_188 : memref<128xi32, #tpu.memory_space<vmem>>) semaphore(%dma_start3A_192 : memref<!tpu.dma_semaphore, #tpu.memory_space<semaphore_mem>>)
    %dma_start3A_193 = arith.constant 0 : i32
    %dma_start3A_194 = arith.constant 0 : i32
    %dma_start3A_195 = arith.constant 2 : i32
    %dma_start3A_196 = arith.constant 256 : i32
    %dma_start3A_197 = tpu.memref_slice %arg13[%dma_start3A_194, %dma_start3A_196] : memref<6x512xf32, #tpu.memory_space<vmem>> -> memref<1x128xf32, #tpu.memory_space<vmem>>
    %dma_start3A_198 = tpu.memref_squeeze %dma_start3A_197 : memref<1x128xf32, #tpu.memory_space<vmem>> -> memref<128xf32, #tpu.memory_space<vmem>>
    %dma_start3A_199 = arith.constant 256 : i32
    %dma_start3A_200 = tpu.memref_slice %arg12[%dma_start3A_193, %dma_start3A_199] : memref<2x512xi32, #tpu.memory_space<vmem>> -> memref<1x128xi32, #tpu.memory_space<vmem>>
    %dma_start3A_201 = tpu.memref_squeeze %dma_start3A_200 : memref<1x128xi32, #tpu.memory_space<vmem>> -> memref<128xi32, #tpu.memory_space<vmem>>
    %dma_start3A_202 = arith.constant 0 : i32
    %dma_start3A_203 = tpu.memref_slice %arg4[%dma_start3A_202] : memref<8388608xf32, #tpu.memory_space<hbm>> -> memref<8388608xf32, #tpu.memory_space<hbm>>
    %dma_start3A_204 = tpu.memref_slice %arg17[%dma_start3A_195] : memref<4x!tpu.dma_semaphore, #tpu.memory_space<semaphore_mem>> -> memref<1x!tpu.dma_semaphore, #tpu.memory_space<semaphore_mem>>
    %dma_start3A_205 = tpu.memref_squeeze %dma_start3A_204 : memref<1x!tpu.dma_semaphore, #tpu.memory_space<semaphore_mem>> -> memref<!tpu.dma_semaphore, #tpu.memory_space<semaphore_mem>>
    tpu.enqueue_indirect_dma source(%dma_start3A_203 : memref<8388608xf32, #tpu.memory_space<hbm>>) target(%dma_start3A_198 : memref<128xf32, #tpu.memory_space<vmem>>) offsets(%dma_start3A_201 : memref<128xi32, #tpu.memory_space<vmem>>) semaphore(%dma_start3A_205 : memref<!tpu.dma_semaphore, #tpu.memory_space<semaphore_mem>>)
    %dma_start3A_206 = arith.constant 0 : i32
    %dma_start3A_207 = arith.constant 1 : i32
    %dma_start3A_208 = arith.constant 2 : i32
    %dma_start3A_209 = arith.constant 256 : i32
    %dma_start3A_210 = tpu.memref_slice %arg13[%dma_start3A_207, %dma_start3A_209] : memref<6x512xf32, #tpu.memory_space<vmem>> -> memref<1x128xf32, #tpu.memory_space<vmem>>
    %dma_start3A_211 = tpu.memref_squeeze %dma_start3A_210 : memref<1x128xf32, #tpu.memory_space<vmem>> -> memref<128xf32, #tpu.memory_space<vmem>>
    %dma_start3A_212 = arith.constant 256 : i32
    %dma_start3A_213 = tpu.memref_slice %arg12[%dma_start3A_206, %dma_start3A_212] : memref<2x512xi32, #tpu.memory_space<vmem>> -> memref<1x128xi32, #tpu.memory_space<vmem>>
    %dma_start3A_214 = tpu.memref_squeeze %dma_start3A_213 : memref<1x128xi32, #tpu.memory_space<vmem>> -> memref<128xi32, #tpu.memory_space<vmem>>
    %dma_start3A_215 = arith.constant 0 : i32
    %dma_start3A_216 = tpu.memref_slice %arg5[%dma_start3A_215] : memref<8388608xf32, #tpu.memory_space<hbm>> -> memref<8388608xf32, #tpu.memory_space<hbm>>
    %dma_start3A_217 = tpu.memref_slice %arg17[%dma_start3A_208] : memref<4x!tpu.dma_semaphore, #tpu.memory_space<semaphore_mem>> -> memref<1x!tpu.dma_semaphore, #tpu.memory_space<semaphore_mem>>
    %dma_start3A_218 = tpu.memref_squeeze %dma_start3A_217 : memref<1x!tpu.dma_semaphore, #tpu.memory_space<semaphore_mem>> -> memref<!tpu.dma_semaphore, #tpu.memory_space<semaphore_mem>>
    tpu.enqueue_indirect_dma source(%dma_start3A_216 : memref<8388608xf32, #tpu.memory_space<hbm>>) target(%dma_start3A_211 : memref<128xf32, #tpu.memory_space<vmem>>) offsets(%dma_start3A_214 : memref<128xi32, #tpu.memory_space<vmem>>) semaphore(%dma_start3A_218 : memref<!tpu.dma_semaphore, #tpu.memory_space<semaphore_mem>>)
    %dma_start3A_219 = arith.constant 1 : i32
    %dma_start3A_220 = arith.constant 2 : i32
    %dma_start3A_221 = arith.constant 2 : i32
    %dma_start3A_222 = arith.constant 256 : i32
    %dma_start3A_223 = tpu.memref_slice %arg13[%dma_start3A_220, %dma_start3A_222] : memref<6x512xf32, #tpu.memory_space<vmem>> -> memref<1x128xf32, #tpu.memory_space<vmem>>
    %dma_start3A_224 = tpu.memref_squeeze %dma_start3A_223 : memref<1x128xf32, #tpu.memory_space<vmem>> -> memref<128xf32, #tpu.memory_space<vmem>>
    %dma_start3A_225 = arith.constant 256 : i32
    %dma_start3A_226 = tpu.memref_slice %arg12[%dma_start3A_219, %dma_start3A_225] : memref<2x512xi32, #tpu.memory_space<vmem>> -> memref<1x128xi32, #tpu.memory_space<vmem>>
    %dma_start3A_227 = tpu.memref_squeeze %dma_start3A_226 : memref<1x128xi32, #tpu.memory_space<vmem>> -> memref<128xi32, #tpu.memory_space<vmem>>
    %dma_start3A_228 = arith.constant 0 : i32
    %dma_start3A_229 = tpu.memref_slice %arg6[%dma_start3A_228] : memref<8388608xf32, #tpu.memory_space<hbm>> -> memref<8388608xf32, #tpu.memory_space<hbm>>
    %dma_start3A_230 = tpu.memref_slice %arg17[%dma_start3A_221] : memref<4x!tpu.dma_semaphore, #tpu.memory_space<semaphore_mem>> -> memref<1x!tpu.dma_semaphore, #tpu.memory_space<semaphore_mem>>
    %dma_start3A_231 = tpu.memref_squeeze %dma_start3A_230 : memref<1x!tpu.dma_semaphore, #tpu.memory_space<semaphore_mem>> -> memref<!tpu.dma_semaphore, #tpu.memory_space<semaphore_mem>>
    tpu.enqueue_indirect_dma source(%dma_start3A_229 : memref<8388608xf32, #tpu.memory_space<hbm>>) target(%dma_start3A_224 : memref<128xf32, #tpu.memory_space<vmem>>) offsets(%dma_start3A_227 : memref<128xi32, #tpu.memory_space<vmem>>) semaphore(%dma_start3A_231 : memref<!tpu.dma_semaphore, #tpu.memory_space<semaphore_mem>>)
    %dma_start3A_232 = arith.constant 1 : i32
    %dma_start3A_233 = arith.constant 3 : i32
    %dma_start3A_234 = arith.constant 2 : i32
    %dma_start3A_235 = arith.constant 256 : i32
    %dma_start3A_236 = tpu.memref_slice %arg13[%dma_start3A_233, %dma_start3A_235] : memref<6x512xf32, #tpu.memory_space<vmem>> -> memref<1x128xf32, #tpu.memory_space<vmem>>
    %dma_start3A_237 = tpu.memref_squeeze %dma_start3A_236 : memref<1x128xf32, #tpu.memory_space<vmem>> -> memref<128xf32, #tpu.memory_space<vmem>>
    %dma_start3A_238 = arith.constant 256 : i32
    %dma_start3A_239 = tpu.memref_slice %arg12[%dma_start3A_232, %dma_start3A_238] : memref<2x512xi32, #tpu.memory_space<vmem>> -> memref<1x128xi32, #tpu.memory_space<vmem>>
    %dma_start3A_240 = tpu.memref_squeeze %dma_start3A_239 : memref<1x128xi32, #tpu.memory_space<vmem>> -> memref<128xi32, #tpu.memory_space<vmem>>
    %dma_start3A_241 = arith.constant 0 : i32
    %dma_start3A_242 = tpu.memref_slice %arg7[%dma_start3A_241] : memref<8388608xf32, #tpu.memory_space<hbm>> -> memref<8388608xf32, #tpu.memory_space<hbm>>
    %dma_start3A_243 = tpu.memref_slice %arg17[%dma_start3A_234] : memref<4x!tpu.dma_semaphore, #tpu.memory_space<semaphore_mem>> -> memref<1x!tpu.dma_semaphore, #tpu.memory_space<semaphore_mem>>
    %dma_start3A_244 = tpu.memref_squeeze %dma_start3A_243 : memref<1x!tpu.dma_semaphore, #tpu.memory_space<semaphore_mem>> -> memref<!tpu.dma_semaphore, #tpu.memory_space<semaphore_mem>>
    tpu.enqueue_indirect_dma source(%dma_start3A_242 : memref<8388608xf32, #tpu.memory_space<hbm>>) target(%dma_start3A_237 : memref<128xf32, #tpu.memory_space<vmem>>) offsets(%dma_start3A_240 : memref<128xi32, #tpu.memory_space<vmem>>) semaphore(%dma_start3A_244 : memref<!tpu.dma_semaphore, #tpu.memory_space<semaphore_mem>>)
    %dma_start3A_245 = arith.constant 0 : i32
    %dma_start3A_246 = arith.constant 4 : i32
    %dma_start3A_247 = arith.constant 2 : i32
    %dma_start3A_248 = arith.constant 256 : i32
    %dma_start3A_249 = tpu.memref_slice %arg13[%dma_start3A_246, %dma_start3A_248] : memref<6x512xf32, #tpu.memory_space<vmem>> -> memref<1x128xf32, #tpu.memory_space<vmem>>
    %dma_start3A_250 = tpu.memref_squeeze %dma_start3A_249 : memref<1x128xf32, #tpu.memory_space<vmem>> -> memref<128xf32, #tpu.memory_space<vmem>>
    %dma_start3A_251 = arith.constant 256 : i32
    %dma_start3A_252 = tpu.memref_slice %arg12[%dma_start3A_245, %dma_start3A_251] : memref<2x512xi32, #tpu.memory_space<vmem>> -> memref<1x128xi32, #tpu.memory_space<vmem>>
    %dma_start3A_253 = tpu.memref_squeeze %dma_start3A_252 : memref<1x128xi32, #tpu.memory_space<vmem>> -> memref<128xi32, #tpu.memory_space<vmem>>
    %dma_start3A_254 = arith.constant 0 : i32
    %dma_start3A_255 = tpu.memref_slice %arg8[%dma_start3A_254] : memref<8388608xf32, #tpu.memory_space<hbm>> -> memref<8388608xf32, #tpu.memory_space<hbm>>
    %dma_start3A_256 = tpu.memref_slice %arg17[%dma_start3A_247] : memref<4x!tpu.dma_semaphore, #tpu.memory_space<semaphore_mem>> -> memref<1x!tpu.dma_semaphore, #tpu.memory_space<semaphore_mem>>
    %dma_start3A_257 = tpu.memref_squeeze %dma_start3A_256 : memref<1x!tpu.dma_semaphore, #tpu.memory_space<semaphore_mem>> -> memref<!tpu.dma_semaphore, #tpu.memory_space<semaphore_mem>>
    tpu.enqueue_indirect_dma source(%dma_start3A_255 : memref<8388608xf32, #tpu.memory_space<hbm>>) target(%dma_start3A_250 : memref<128xf32, #tpu.memory_space<vmem>>) offsets(%dma_start3A_253 : memref<128xi32, #tpu.memory_space<vmem>>) semaphore(%dma_start3A_257 : memref<!tpu.dma_semaphore, #tpu.memory_space<semaphore_mem>>)
    %dma_start3A_258 = arith.constant 1 : i32
    %dma_start3A_259 = arith.constant 5 : i32
    %dma_start3A_260 = arith.constant 2 : i32
    %dma_start3A_261 = arith.constant 256 : i32
    %dma_start3A_262 = tpu.memref_slice %arg13[%dma_start3A_259, %dma_start3A_261] : memref<6x512xf32, #tpu.memory_space<vmem>> -> memref<1x128xf32, #tpu.memory_space<vmem>>
    %dma_start3A_263 = tpu.memref_squeeze %dma_start3A_262 : memref<1x128xf32, #tpu.memory_space<vmem>> -> memref<128xf32, #tpu.memory_space<vmem>>
    %dma_start3A_264 = arith.constant 256 : i32
    %dma_start3A_265 = tpu.memref_slice %arg12[%dma_start3A_258, %dma_start3A_264] : memref<2x512xi32, #tpu.memory_space<vmem>> -> memref<1x128xi32, #tpu.memory_space<vmem>>
    %dma_start3A_266 = tpu.memref_squeeze %dma_start3A_265 : memref<1x128xi32, #tpu.memory_space<vmem>> -> memref<128xi32, #tpu.memory_space<vmem>>
    %dma_start3A_267 = arith.constant 0 : i32
    %dma_start3A_268 = tpu.memref_slice %arg9[%dma_start3A_267] : memref<8388608xf32, #tpu.memory_space<hbm>> -> memref<8388608xf32, #tpu.memory_space<hbm>>
    %dma_start3A_269 = tpu.memref_slice %arg17[%dma_start3A_260] : memref<4x!tpu.dma_semaphore, #tpu.memory_space<semaphore_mem>> -> memref<1x!tpu.dma_semaphore, #tpu.memory_space<semaphore_mem>>
    %dma_start3A_270 = tpu.memref_squeeze %dma_start3A_269 : memref<1x!tpu.dma_semaphore, #tpu.memory_space<semaphore_mem>> -> memref<!tpu.dma_semaphore, #tpu.memory_space<semaphore_mem>>
    tpu.enqueue_indirect_dma source(%dma_start3A_268 : memref<8388608xf32, #tpu.memory_space<hbm>>) target(%dma_start3A_263 : memref<128xf32, #tpu.memory_space<vmem>>) offsets(%dma_start3A_266 : memref<128xi32, #tpu.memory_space<vmem>>) semaphore(%dma_start3A_270 : memref<!tpu.dma_semaphore, #tpu.memory_space<semaphore_mem>>)
    %dma_start3A_271 = arith.constant 0 : i32
    %dma_start3A_272 = arith.constant 0 : i32
    %dma_start3A_273 = arith.constant 3 : i32
    %dma_start3A_274 = arith.constant 384 : i32
    %dma_start3A_275 = tpu.memref_slice %arg13[%dma_start3A_272, %dma_start3A_274] : memref<6x512xf32, #tpu.memory_space<vmem>> -> memref<1x128xf32, #tpu.memory_space<vmem>>
    %dma_start3A_276 = tpu.memref_squeeze %dma_start3A_275 : memref<1x128xf32, #tpu.memory_space<vmem>> -> memref<128xf32, #tpu.memory_space<vmem>>
    %dma_start3A_277 = arith.constant 384 : i32
    %dma_start3A_278 = tpu.memref_slice %arg12[%dma_start3A_271, %dma_start3A_277] : memref<2x512xi32, #tpu.memory_space<vmem>> -> memref<1x128xi32, #tpu.memory_space<vmem>>
    %dma_start3A_279 = tpu.memref_squeeze %dma_start3A_278 : memref<1x128xi32, #tpu.memory_space<vmem>> -> memref<128xi32, #tpu.memory_space<vmem>>
    %dma_start3A_280 = arith.constant 0 : i32
    %dma_start3A_281 = tpu.memref_slice %arg4[%dma_start3A_280] : memref<8388608xf32, #tpu.memory_space<hbm>> -> memref<8388608xf32, #tpu.memory_space<hbm>>
    %dma_start3A_282 = tpu.memref_slice %arg17[%dma_start3A_273] : memref<4x!tpu.dma_semaphore, #tpu.memory_space<semaphore_mem>> -> memref<1x!tpu.dma_semaphore, #tpu.memory_space<semaphore_mem>>
    %dma_start3A_283 = tpu.memref_squeeze %dma_start3A_282 : memref<1x!tpu.dma_semaphore, #tpu.memory_space<semaphore_mem>> -> memref<!tpu.dma_semaphore, #tpu.memory_space<semaphore_mem>>
    tpu.enqueue_indirect_dma source(%dma_start3A_281 : memref<8388608xf32, #tpu.memory_space<hbm>>) target(%dma_start3A_276 : memref<128xf32, #tpu.memory_space<vmem>>) offsets(%dma_start3A_279 : memref<128xi32, #tpu.memory_space<vmem>>) semaphore(%dma_start3A_283 : memref<!tpu.dma_semaphore, #tpu.memory_space<semaphore_mem>>)
    %dma_start3A_284 = arith.constant 0 : i32
    %dma_start3A_285 = arith.constant 1 : i32
    %dma_start3A_286 = arith.constant 3 : i32
    %dma_start3A_287 = arith.constant 384 : i32
    %dma_start3A_288 = tpu.memref_slice %arg13[%dma_start3A_285, %dma_start3A_287] : memref<6x512xf32, #tpu.memory_space<vmem>> -> memref<1x128xf32, #tpu.memory_space<vmem>>
    %dma_start3A_289 = tpu.memref_squeeze %dma_start3A_288 : memref<1x128xf32, #tpu.memory_space<vmem>> -> memref<128xf32, #tpu.memory_space<vmem>>
    %dma_start3A_290 = arith.constant 384 : i32
    %dma_start3A_291 = tpu.memref_slice %arg12[%dma_start3A_284, %dma_start3A_290] : memref<2x512xi32, #tpu.memory_space<vmem>> -> memref<1x128xi32, #tpu.memory_space<vmem>>
    %dma_start3A_292 = tpu.memref_squeeze %dma_start3A_291 : memref<1x128xi32, #tpu.memory_space<vmem>> -> memref<128xi32, #tpu.memory_space<vmem>>
    %dma_start3A_293 = arith.constant 0 : i32
    %dma_start3A_294 = tpu.memref_slice %arg5[%dma_start3A_293] : memref<8388608xf32, #tpu.memory_space<hbm>> -> memref<8388608xf32, #tpu.memory_space<hbm>>
    %dma_start3A_295 = tpu.memref_slice %arg17[%dma_start3A_286] : memref<4x!tpu.dma_semaphore, #tpu.memory_space<semaphore_mem>> -> memref<1x!tpu.dma_semaphore, #tpu.memory_space<semaphore_mem>>
    %dma_start3A_296 = tpu.memref_squeeze %dma_start3A_295 : memref<1x!tpu.dma_semaphore, #tpu.memory_space<semaphore_mem>> -> memref<!tpu.dma_semaphore, #tpu.memory_space<semaphore_mem>>
    tpu.enqueue_indirect_dma source(%dma_start3A_294 : memref<8388608xf32, #tpu.memory_space<hbm>>) target(%dma_start3A_289 : memref<128xf32, #tpu.memory_space<vmem>>) offsets(%dma_start3A_292 : memref<128xi32, #tpu.memory_space<vmem>>) semaphore(%dma_start3A_296 : memref<!tpu.dma_semaphore, #tpu.memory_space<semaphore_mem>>)
    %dma_start3A_297 = arith.constant 1 : i32
    %dma_start3A_298 = arith.constant 2 : i32
    %dma_start3A_299 = arith.constant 3 : i32
    %dma_start3A_300 = arith.constant 384 : i32
    %dma_start3A_301 = tpu.memref_slice %arg13[%dma_start3A_298, %dma_start3A_300] : memref<6x512xf32, #tpu.memory_space<vmem>> -> memref<1x128xf32, #tpu.memory_space<vmem>>
    %dma_start3A_302 = tpu.memref_squeeze %dma_start3A_301 : memref<1x128xf32, #tpu.memory_space<vmem>> -> memref<128xf32, #tpu.memory_space<vmem>>
    %dma_start3A_303 = arith.constant 384 : i32
    %dma_start3A_304 = tpu.memref_slice %arg12[%dma_start3A_297, %dma_start3A_303] : memref<2x512xi32, #tpu.memory_space<vmem>> -> memref<1x128xi32, #tpu.memory_space<vmem>>
    %dma_start3A_305 = tpu.memref_squeeze %dma_start3A_304 : memref<1x128xi32, #tpu.memory_space<vmem>> -> memref<128xi32, #tpu.memory_space<vmem>>
    %dma_start3A_306 = arith.constant 0 : i32
    %dma_start3A_307 = tpu.memref_slice %arg6[%dma_start3A_306] : memref<8388608xf32, #tpu.memory_space<hbm>> -> memref<8388608xf32, #tpu.memory_space<hbm>>
    %dma_start3A_308 = tpu.memref_slice %arg17[%dma_start3A_299] : memref<4x!tpu.dma_semaphore, #tpu.memory_space<semaphore_mem>> -> memref<1x!tpu.dma_semaphore, #tpu.memory_space<semaphore_mem>>
    %dma_start3A_309 = tpu.memref_squeeze %dma_start3A_308 : memref<1x!tpu.dma_semaphore, #tpu.memory_space<semaphore_mem>> -> memref<!tpu.dma_semaphore, #tpu.memory_space<semaphore_mem>>
    tpu.enqueue_indirect_dma source(%dma_start3A_307 : memref<8388608xf32, #tpu.memory_space<hbm>>) target(%dma_start3A_302 : memref<128xf32, #tpu.memory_space<vmem>>) offsets(%dma_start3A_305 : memref<128xi32, #tpu.memory_space<vmem>>) semaphore(%dma_start3A_309 : memref<!tpu.dma_semaphore, #tpu.memory_space<semaphore_mem>>)
    %dma_start3A_310 = arith.constant 1 : i32
    %dma_start3A_311 = arith.constant 3 : i32
    %dma_start3A_312 = arith.constant 3 : i32
    %dma_start3A_313 = arith.constant 384 : i32
    %dma_start3A_314 = tpu.memref_slice %arg13[%dma_start3A_311, %dma_start3A_313] : memref<6x512xf32, #tpu.memory_space<vmem>> -> memref<1x128xf32, #tpu.memory_space<vmem>>
    %dma_start3A_315 = tpu.memref_squeeze %dma_start3A_314 : memref<1x128xf32, #tpu.memory_space<vmem>> -> memref<128xf32, #tpu.memory_space<vmem>>
    %dma_start3A_316 = arith.constant 384 : i32
    %dma_start3A_317 = tpu.memref_slice %arg12[%dma_start3A_310, %dma_start3A_316] : memref<2x512xi32, #tpu.memory_space<vmem>> -> memref<1x128xi32, #tpu.memory_space<vmem>>
    %dma_start3A_318 = tpu.memref_squeeze %dma_start3A_317 : memref<1x128xi32, #tpu.memory_space<vmem>> -> memref<128xi32, #tpu.memory_space<vmem>>
    %dma_start3A_319 = arith.constant 0 : i32
    %dma_start3A_320 = tpu.memref_slice %arg7[%dma_start3A_319] : memref<8388608xf32, #tpu.memory_space<hbm>> -> memref<8388608xf32, #tpu.memory_space<hbm>>
    %dma_start3A_321 = tpu.memref_slice %arg17[%dma_start3A_312] : memref<4x!tpu.dma_semaphore, #tpu.memory_space<semaphore_mem>> -> memref<1x!tpu.dma_semaphore, #tpu.memory_space<semaphore_mem>>
    %dma_start3A_322 = tpu.memref_squeeze %dma_start3A_321 : memref<1x!tpu.dma_semaphore, #tpu.memory_space<semaphore_mem>> -> memref<!tpu.dma_semaphore, #tpu.memory_space<semaphore_mem>>
    tpu.enqueue_indirect_dma source(%dma_start3A_320 : memref<8388608xf32, #tpu.memory_space<hbm>>) target(%dma_start3A_315 : memref<128xf32, #tpu.memory_space<vmem>>) offsets(%dma_start3A_318 : memref<128xi32, #tpu.memory_space<vmem>>) semaphore(%dma_start3A_322 : memref<!tpu.dma_semaphore, #tpu.memory_space<semaphore_mem>>)
    %dma_start3A_323 = arith.constant 0 : i32
    %dma_start3A_324 = arith.constant 4 : i32
    %dma_start3A_325 = arith.constant 3 : i32
    %dma_start3A_326 = arith.constant 384 : i32
    %dma_start3A_327 = tpu.memref_slice %arg13[%dma_start3A_324, %dma_start3A_326] : memref<6x512xf32, #tpu.memory_space<vmem>> -> memref<1x128xf32, #tpu.memory_space<vmem>>
    %dma_start3A_328 = tpu.memref_squeeze %dma_start3A_327 : memref<1x128xf32, #tpu.memory_space<vmem>> -> memref<128xf32, #tpu.memory_space<vmem>>
    %dma_start3A_329 = arith.constant 384 : i32
    %dma_start3A_330 = tpu.memref_slice %arg12[%dma_start3A_323, %dma_start3A_329] : memref<2x512xi32, #tpu.memory_space<vmem>> -> memref<1x128xi32, #tpu.memory_space<vmem>>
    %dma_start3A_331 = tpu.memref_squeeze %dma_start3A_330 : memref<1x128xi32, #tpu.memory_space<vmem>> -> memref<128xi32, #tpu.memory_space<vmem>>
    %dma_start3A_332 = arith.constant 0 : i32
    %dma_start3A_333 = tpu.memref_slice %arg8[%dma_start3A_332] : memref<8388608xf32, #tpu.memory_space<hbm>> -> memref<8388608xf32, #tpu.memory_space<hbm>>
    %dma_start3A_334 = tpu.memref_slice %arg17[%dma_start3A_325] : memref<4x!tpu.dma_semaphore, #tpu.memory_space<semaphore_mem>> -> memref<1x!tpu.dma_semaphore, #tpu.memory_space<semaphore_mem>>
    %dma_start3A_335 = tpu.memref_squeeze %dma_start3A_334 : memref<1x!tpu.dma_semaphore, #tpu.memory_space<semaphore_mem>> -> memref<!tpu.dma_semaphore, #tpu.memory_space<semaphore_mem>>
    tpu.enqueue_indirect_dma source(%dma_start3A_333 : memref<8388608xf32, #tpu.memory_space<hbm>>) target(%dma_start3A_328 : memref<128xf32, #tpu.memory_space<vmem>>) offsets(%dma_start3A_331 : memref<128xi32, #tpu.memory_space<vmem>>) semaphore(%dma_start3A_335 : memref<!tpu.dma_semaphore, #tpu.memory_space<semaphore_mem>>)
    %dma_start3A_336 = arith.constant 1 : i32
    %dma_start3A_337 = arith.constant 5 : i32
    %dma_start3A_338 = arith.constant 3 : i32
    %dma_start3A_339 = arith.constant 384 : i32
    %dma_start3A_340 = tpu.memref_slice %arg13[%dma_start3A_337, %dma_start3A_339] : memref<6x512xf32, #tpu.memory_space<vmem>> -> memref<1x128xf32, #tpu.memory_space<vmem>>
    %dma_start3A_341 = tpu.memref_squeeze %dma_start3A_340 : memref<1x128xf32, #tpu.memory_space<vmem>> -> memref<128xf32, #tpu.memory_space<vmem>>
    %dma_start3A_342 = arith.constant 384 : i32
    %dma_start3A_343 = tpu.memref_slice %arg12[%dma_start3A_336, %dma_start3A_342] : memref<2x512xi32, #tpu.memory_space<vmem>> -> memref<1x128xi32, #tpu.memory_space<vmem>>
    %dma_start3A_344 = tpu.memref_squeeze %dma_start3A_343 : memref<1x128xi32, #tpu.memory_space<vmem>> -> memref<128xi32, #tpu.memory_space<vmem>>
    %dma_start3A_345 = arith.constant 0 : i32
    %dma_start3A_346 = tpu.memref_slice %arg9[%dma_start3A_345] : memref<8388608xf32, #tpu.memory_space<hbm>> -> memref<8388608xf32, #tpu.memory_space<hbm>>
    %dma_start3A_347 = tpu.memref_slice %arg17[%dma_start3A_338] : memref<4x!tpu.dma_semaphore, #tpu.memory_space<semaphore_mem>> -> memref<1x!tpu.dma_semaphore, #tpu.memory_space<semaphore_mem>>
    %dma_start3A_348 = tpu.memref_squeeze %dma_start3A_347 : memref<1x!tpu.dma_semaphore, #tpu.memory_space<semaphore_mem>> -> memref<!tpu.dma_semaphore, #tpu.memory_space<semaphore_mem>>
    tpu.enqueue_indirect_dma source(%dma_start3A_346 : memref<8388608xf32, #tpu.memory_space<hbm>>) target(%dma_start3A_341 : memref<128xf32, #tpu.memory_space<vmem>>) offsets(%dma_start3A_344 : memref<128xi32, #tpu.memory_space<vmem>>) semaphore(%dma_start3A_348 : memref<!tpu.dma_semaphore, #tpu.memory_space<semaphore_mem>>)
    %get3A = arith.constant 0 : i32
    %get3A_349 = arith.index_cast %get3A : i32 to index
    %get3A_350 = arith.constant 0 : index
    %get3A_351 = tpu.vector_load %arg14[%get3A_349, %get3A_350] {strides = array<i32>} : memref<29x16xf32, #tpu.memory_space<vmem>>, vector<1x16xf32>,
    %get3A_352 = vector.shape_cast %get3A_351 : vector<1x16xf32> to vector<16xf32>
    %get3A_353 = arith.constant 1 : i32
    %get3A_354 = arith.index_cast %get3A_353 : i32 to index
    %get3A_355 = arith.constant 0 : index
    %get3A_356 = tpu.vector_load %arg14[%get3A_354, %get3A_355] {strides = array<i32>} : memref<29x16xf32, #tpu.memory_space<vmem>>, vector<1x16xf32>,
    %get3A_357 = vector.shape_cast %get3A_356 : vector<1x16xf32> to vector<16xf32>
    %get3A_358 = arith.constant 2 : i32
    %get3A_359 = arith.index_cast %get3A_358 : i32 to index
    %get3A_360 = arith.constant 0 : index
    %get3A_361 = tpu.vector_load %arg14[%get3A_359, %get3A_360] {strides = array<i32>} : memref<29x16xf32, #tpu.memory_space<vmem>>, vector<1x16xf32>,
    %get3A_362 = vector.shape_cast %get3A_361 : vector<1x16xf32> to vector<16xf32>
    %get3A_363 = arith.constant 3 : i32
    %get3A_364 = arith.index_cast %get3A_363 : i32 to index
    %get3A_365 = arith.constant 0 : index
    %get3A_366 = tpu.vector_load %arg14[%get3A_364, %get3A_365] {strides = array<i32>} : memref<29x16xf32, #tpu.memory_space<vmem>>, vector<1x16xf32>,
    %get3A_367 = vector.shape_cast %get3A_366 : vector<1x16xf32> to vector<16xf32>
    %get3A_368 = arith.constant 4 : i32
    %get3A_369 = arith.index_cast %get3A_368 : i32 to index
    %get3A_370 = arith.constant 0 : index
    %get3A_371 = tpu.vector_load %arg14[%get3A_369, %get3A_370] {strides = array<i32>} : memref<29x16xf32, #tpu.memory_space<vmem>>, vector<1x16xf32>,
    %get3A_372 = vector.shape_cast %get3A_371 : vector<1x16xf32> to vector<16xf32>
    %get3A_373 = arith.constant 5 : i32
    %get3A_374 = arith.index_cast %get3A_373 : i32 to index
    %get3A_375 = arith.constant 0 : index
    %get3A_376 = tpu.vector_load %arg14[%get3A_374, %get3A_375] {strides = array<i32>} : memref<29x16xf32, #tpu.memory_space<vmem>>, vector<1x16xf32>,
    %get3A_377 = vector.shape_cast %get3A_376 : vector<1x16xf32> to vector<16xf32>
    %get3A_378 = arith.constant 6 : i32
    %get3A_379 = arith.index_cast %get3A_378 : i32 to index
    %get3A_380 = arith.constant 0 : index
    %get3A_381 = tpu.vector_load %arg14[%get3A_379, %get3A_380] {strides = array<i32>} : memref<29x16xf32, #tpu.memory_space<vmem>>, vector<1x16xf32>,
    %get3A_382 = vector.shape_cast %get3A_381 : vector<1x16xf32> to vector<16xf32>
    %get3A_383 = arith.constant 7 : i32
    %get3A_384 = arith.index_cast %get3A_383 : i32 to index
    %get3A_385 = arith.constant 0 : index
    %get3A_386 = tpu.vector_load %arg14[%get3A_384, %get3A_385] {strides = array<i32>} : memref<29x16xf32, #tpu.memory_space<vmem>>, vector<1x16xf32>,
    %get3A_387 = vector.shape_cast %get3A_386 : vector<1x16xf32> to vector<16xf32>
    %get3A_388 = arith.constant 8 : i32
    %get3A_389 = arith.index_cast %get3A_388 : i32 to index
    %get3A_390 = arith.constant 0 : index
    %get3A_391 = tpu.vector_load %arg14[%get3A_389, %get3A_390] {strides = array<i32>} : memref<29x16xf32, #tpu.memory_space<vmem>>, vector<1x16xf32>,
    %get3A_392 = vector.shape_cast %get3A_391 : vector<1x16xf32> to vector<16xf32>
    %get3A_393 = arith.constant 9 : i32
    %get3A_394 = arith.index_cast %get3A_393 : i32 to index
    %get3A_395 = arith.constant 0 : index
    %get3A_396 = tpu.vector_load %arg14[%get3A_394, %get3A_395] {strides = array<i32>} : memref<29x16xf32, #tpu.memory_space<vmem>>, vector<1x16xf32>,
    %get3A_397 = vector.shape_cast %get3A_396 : vector<1x16xf32> to vector<16xf32>
    %get3A_398 = arith.constant 10 : i32
    %get3A_399 = arith.index_cast %get3A_398 : i32 to index
    %get3A_400 = arith.constant 0 : index
    %get3A_401 = tpu.vector_load %arg14[%get3A_399, %get3A_400] {strides = array<i32>} : memref<29x16xf32, #tpu.memory_space<vmem>>, vector<1x16xf32>,
    %get3A_402 = vector.shape_cast %get3A_401 : vector<1x16xf32> to vector<16xf32>
    %get3A_403 = arith.constant 11 : i32
    %get3A_404 = arith.index_cast %get3A_403 : i32 to index
    %get3A_405 = arith.constant 0 : index
    %get3A_406 = tpu.vector_load %arg14[%get3A_404, %get3A_405] {strides = array<i32>} : memref<29x16xf32, #tpu.memory_space<vmem>>, vector<1x16xf32>,
    %get3A_407 = vector.shape_cast %get3A_406 : vector<1x16xf32> to vector<16xf32>
    %get3A_408 = arith.constant 12 : i32
    %get3A_409 = arith.index_cast %get3A_408 : i32 to index
    %get3A_410 = arith.constant 0 : index
    %get3A_411 = tpu.vector_load %arg14[%get3A_409, %get3A_410] {strides = array<i32>} : memref<29x16xf32, #tpu.memory_space<vmem>>, vector<1x16xf32>,
    %get3A_412 = vector.shape_cast %get3A_411 : vector<1x16xf32> to vector<16xf32>
    %get3A_413 = arith.constant 13 : i32
    %get3A_414 = arith.index_cast %get3A_413 : i32 to index
    %get3A_415 = arith.constant 0 : index
    %get3A_416 = tpu.vector_load %arg14[%get3A_414, %get3A_415] {strides = array<i32>} : memref<29x16xf32, #tpu.memory_space<vmem>>, vector<1x16xf32>,
    %get3A_417 = vector.shape_cast %get3A_416 : vector<1x16xf32> to vector<16xf32>
    %get3A_418 = arith.constant 14 : i32
    %get3A_419 = arith.index_cast %get3A_418 : i32 to index
    %get3A_420 = arith.constant 0 : index
    %get3A_421 = tpu.vector_load %arg14[%get3A_419, %get3A_420] {strides = array<i32>} : memref<29x16xf32, #tpu.memory_space<vmem>>, vector<1x16xf32>,
    %get3A_422 = vector.shape_cast %get3A_421 : vector<1x16xf32> to vector<16xf32>
    %get3A_423 = arith.constant 15 : i32
    %get3A_424 = arith.index_cast %get3A_423 : i32 to index
    %get3A_425 = arith.constant 0 : index
    %get3A_426 = tpu.vector_load %arg14[%get3A_424, %get3A_425] {strides = array<i32>} : memref<29x16xf32, #tpu.memory_space<vmem>>, vector<1x16xf32>,
    %get3A_427 = vector.shape_cast %get3A_426 : vector<1x16xf32> to vector<16xf32>
    %get3A_428 = arith.constant 16 : i32
    %get3A_429 = arith.index_cast %get3A_428 : i32 to index
    %get3A_430 = arith.constant 0 : index
    %get3A_431 = tpu.vector_load %arg14[%get3A_429, %get3A_430] {strides = array<i32>} : memref<29x16xf32, #tpu.memory_space<vmem>>, vector<1x16xf32>,
    %get3A_432 = vector.shape_cast %get3A_431 : vector<1x16xf32> to vector<16xf32>
    %get3A_433 = arith.constant 17 : i32
    %get3A_434 = arith.index_cast %get3A_433 : i32 to index
    %get3A_435 = arith.constant 0 : index
    %get3A_436 = tpu.vector_load %arg14[%get3A_434, %get3A_435] {strides = array<i32>} : memref<29x16xf32, #tpu.memory_space<vmem>>, vector<1x16xf32>,
    %get3A_437 = vector.shape_cast %get3A_436 : vector<1x16xf32> to vector<16xf32>
    %get3A_438 = arith.constant 18 : i32
    %get3A_439 = arith.index_cast %get3A_438 : i32 to index
    %get3A_440 = arith.constant 0 : index
    %get3A_441 = tpu.vector_load %arg14[%get3A_439, %get3A_440] {strides = array<i32>} : memref<29x16xf32, #tpu.memory_space<vmem>>, vector<1x16xf32>,
    %get3A_442 = vector.shape_cast %get3A_441 : vector<1x16xf32> to vector<16xf32>
    %get3A_443 = arith.constant 19 : i32
    %get3A_444 = arith.index_cast %get3A_443 : i32 to index
    %get3A_445 = arith.constant 0 : index
    %get3A_446 = tpu.vector_load %arg14[%get3A_444, %get3A_445] {strides = array<i32>} : memref<29x16xf32, #tpu.memory_space<vmem>>, vector<1x16xf32>,
    %get3A_447 = vector.shape_cast %get3A_446 : vector<1x16xf32> to vector<16xf32>
    %get3A_448 = arith.constant 20 : i32
    %get3A_449 = arith.index_cast %get3A_448 : i32 to index
    %get3A_450 = arith.constant 0 : index
    %get3A_451 = tpu.vector_load %arg14[%get3A_449, %get3A_450] {strides = array<i32>} : memref<29x16xf32, #tpu.memory_space<vmem>>, vector<1x16xf32>,
    %get3A_452 = vector.shape_cast %get3A_451 : vector<1x16xf32> to vector<16xf32>
    %get3A_453 = arith.constant 21 : i32
    %get3A_454 = arith.index_cast %get3A_453 : i32 to index
    %get3A_455 = arith.constant 0 : index
    %get3A_456 = tpu.vector_load %arg14[%get3A_454, %get3A_455] {strides = array<i32>} : memref<29x16xf32, #tpu.memory_space<vmem>>, vector<1x16xf32>,
    %get3A_457 = vector.shape_cast %get3A_456 : vector<1x16xf32> to vector<16xf32>
    %get3A_458 = arith.constant 22 : i32
    %get3A_459 = arith.index_cast %get3A_458 : i32 to index
    %get3A_460 = arith.constant 0 : index
    %get3A_461 = tpu.vector_load %arg14[%get3A_459, %get3A_460] {strides = array<i32>} : memref<29x16xf32, #tpu.memory_space<vmem>>, vector<1x16xf32>,
    %get3A_462 = vector.shape_cast %get3A_461 : vector<1x16xf32> to vector<16xf32>
    %get3A_463 = arith.constant 23 : i32
    %get3A_464 = arith.index_cast %get3A_463 : i32 to index
    %get3A_465 = arith.constant 0 : index
    %get3A_466 = tpu.vector_load %arg14[%get3A_464, %get3A_465] {strides = array<i32>} : memref<29x16xf32, #tpu.memory_space<vmem>>, vector<1x16xf32>,
    %get3A_467 = vector.shape_cast %get3A_466 : vector<1x16xf32> to vector<16xf32>
    %get3A_468 = arith.constant 24 : i32
    %get3A_469 = arith.index_cast %get3A_468 : i32 to index
    %get3A_470 = arith.constant 0 : index
    %get3A_471 = tpu.vector_load %arg14[%get3A_469, %get3A_470] {strides = array<i32>} : memref<29x16xf32, #tpu.memory_space<vmem>>, vector<1x16xf32>,
    %get3A_472 = vector.shape_cast %get3A_471 : vector<1x16xf32> to vector<16xf32>
    %get3A_473 = arith.constant 25 : i32
    %get3A_474 = arith.index_cast %get3A_473 : i32 to index
    %get3A_475 = arith.constant 0 : index
    %get3A_476 = tpu.vector_load %arg14[%get3A_474, %get3A_475] {strides = array<i32>} : memref<29x16xf32, #tpu.memory_space<vmem>>, vector<1x16xf32>,
    %get3A_477 = vector.shape_cast %get3A_476 : vector<1x16xf32> to vector<16xf32>
    %get3A_478 = arith.constant 26 : i32
    %get3A_479 = arith.index_cast %get3A_478 : i32 to index
    %get3A_480 = arith.constant 0 : index
    %get3A_481 = tpu.vector_load %arg14[%get3A_479, %get3A_480] {strides = array<i32>} : memref<29x16xf32, #tpu.memory_space<vmem>>, vector<1x16xf32>,
    %get3A_482 = vector.shape_cast %get3A_481 : vector<1x16xf32> to vector<16xf32>
    %get3A_483 = arith.constant 27 : i32
    %get3A_484 = arith.index_cast %get3A_483 : i32 to index
    %get3A_485 = arith.constant 0 : index
    %get3A_486 = tpu.vector_load %arg14[%get3A_484, %get3A_485] {strides = array<i32>} : memref<29x16xf32, #tpu.memory_space<vmem>>, vector<1x16xf32>,
    %get3A_487 = vector.shape_cast %get3A_486 : vector<1x16xf32> to vector<16xf32>
    %get3A_488 = arith.constant 28 : i32
    %get3A_489 = arith.index_cast %get3A_488 : i32 to index
    %get3A_490 = arith.constant 0 : index
    %get3A_491 = tpu.vector_load %arg14[%get3A_489, %get3A_490] {strides = array<i32>} : memref<29x16xf32, #tpu.memory_space<vmem>>, vector<1x16xf32>,
    %get3A_492 = vector.shape_cast %get3A_491 : vector<1x16xf32> to vector<16xf32>
    %dma_wait3A_493 = arith.constant 0 : i32
    %dma_wait3A_494 = arith.constant 0 : i32
    %dma_wait3A_495 = arith.constant 0 : i32
    %dma_wait3A_496 = arith.constant 0 : i32
    %dma_wait3A_497 = tpu.memref_slice %arg13[%dma_wait3A_494, %dma_wait3A_496] : memref<6x512xf32, #tpu.memory_space<vmem>> -> memref<1x128xf32, #tpu.memory_space<vmem>>
    %dma_wait3A_498 = tpu.memref_squeeze %dma_wait3A_497 : memref<1x128xf32, #tpu.memory_space<vmem>> -> memref<128xf32, #tpu.memory_space<vmem>>
    %dma_wait3A_499 = arith.constant 0 : i32
    %dma_wait3A_500 = tpu.memref_slice %arg12[%dma_wait3A_493, %dma_wait3A_499] : memref<2x512xi32, #tpu.memory_space<vmem>> -> memref<1x128xi32, #tpu.memory_space<vmem>>
    %dma_wait3A_501 = tpu.memref_squeeze %dma_wait3A_500 : memref<1x128xi32, #tpu.memory_space<vmem>> -> memref<128xi32, #tpu.memory_space<vmem>>
    %dma_wait3A_502 = arith.constant 0 : i32
    %dma_wait3A_503 = tpu.memref_slice %arg4[%dma_wait3A_502] : memref<8388608xf32, #tpu.memory_space<hbm>> -> memref<8388608xf32, #tpu.memory_space<hbm>>
    %dma_wait3A_504 = tpu.memref_slice %arg17[%dma_wait3A_495] : memref<4x!tpu.dma_semaphore, #tpu.memory_space<semaphore_mem>> -> memref<1x!tpu.dma_semaphore, #tpu.memory_space<semaphore_mem>>
    %dma_wait3A_505 = tpu.memref_squeeze %dma_wait3A_504 : memref<1x!tpu.dma_semaphore, #tpu.memory_space<semaphore_mem>> -> memref<!tpu.dma_semaphore, #tpu.memory_space<semaphore_mem>>
    tpu.wait_indirect_dma semaphore(%dma_wait3A_505 : memref<!tpu.dma_semaphore, #tpu.memory_space<semaphore_mem>>) src(%dma_wait3A_503 : memref<8388608xf32, #tpu.memory_space<hbm>>) dst(%dma_wait3A_498 : memref<128xf32, #tpu.memory_space<vmem>>)
    %dma_wait3A_506 = arith.constant 0 : i32
    %dma_wait3A_507 = arith.constant 1 : i32
    %dma_wait3A_508 = arith.constant 0 : i32
    %dma_wait3A_509 = arith.constant 0 : i32
    %dma_wait3A_510 = tpu.memref_slice %arg13[%dma_wait3A_507, %dma_wait3A_509] : memref<6x512xf32, #tpu.memory_space<vmem>> -> memref<1x128xf32, #tpu.memory_space<vmem>>
    %dma_wait3A_511 = tpu.memref_squeeze %dma_wait3A_510 : memref<1x128xf32, #tpu.memory_space<vmem>> -> memref<128xf32, #tpu.memory_space<vmem>>
    %dma_wait3A_512 = arith.constant 0 : i32
    %dma_wait3A_513 = tpu.memref_slice %arg12[%dma_wait3A_506, %dma_wait3A_512] : memref<2x512xi32, #tpu.memory_space<vmem>> -> memref<1x128xi32, #tpu.memory_space<vmem>>
    %dma_wait3A_514 = tpu.memref_squeeze %dma_wait3A_513 : memref<1x128xi32, #tpu.memory_space<vmem>> -> memref<128xi32, #tpu.memory_space<vmem>>
    %dma_wait3A_515 = arith.constant 0 : i32
    %dma_wait3A_516 = tpu.memref_slice %arg5[%dma_wait3A_515] : memref<8388608xf32, #tpu.memory_space<hbm>> -> memref<8388608xf32, #tpu.memory_space<hbm>>
    %dma_wait3A_517 = tpu.memref_slice %arg17[%dma_wait3A_508] : memref<4x!tpu.dma_semaphore, #tpu.memory_space<semaphore_mem>> -> memref<1x!tpu.dma_semaphore, #tpu.memory_space<semaphore_mem>>
    %dma_wait3A_518 = tpu.memref_squeeze %dma_wait3A_517 : memref<1x!tpu.dma_semaphore, #tpu.memory_space<semaphore_mem>> -> memref<!tpu.dma_semaphore, #tpu.memory_space<semaphore_mem>>
    tpu.wait_indirect_dma semaphore(%dma_wait3A_518 : memref<!tpu.dma_semaphore, #tpu.memory_space<semaphore_mem>>) src(%dma_wait3A_516 : memref<8388608xf32, #tpu.memory_space<hbm>>) dst(%dma_wait3A_511 : memref<128xf32, #tpu.memory_space<vmem>>)
    %dma_wait3A_519 = arith.constant 1 : i32
    %dma_wait3A_520 = arith.constant 2 : i32
    %dma_wait3A_521 = arith.constant 0 : i32
    %dma_wait3A_522 = arith.constant 0 : i32
    %dma_wait3A_523 = tpu.memref_slice %arg13[%dma_wait3A_520, %dma_wait3A_522] : memref<6x512xf32, #tpu.memory_space<vmem>> -> memref<1x128xf32, #tpu.memory_space<vmem>>
    %dma_wait3A_524 = tpu.memref_squeeze %dma_wait3A_523 : memref<1x128xf32, #tpu.memory_space<vmem>> -> memref<128xf32, #tpu.memory_space<vmem>>
    %dma_wait3A_525 = arith.constant 0 : i32
    %dma_wait3A_526 = tpu.memref_slice %arg12[%dma_wait3A_519, %dma_wait3A_525] : memref<2x512xi32, #tpu.memory_space<vmem>> -> memref<1x128xi32, #tpu.memory_space<vmem>>
    %dma_wait3A_527 = tpu.memref_squeeze %dma_wait3A_526 : memref<1x128xi32, #tpu.memory_space<vmem>> -> memref<128xi32, #tpu.memory_space<vmem>>
    %dma_wait3A_528 = arith.constant 0 : i32
    %dma_wait3A_529 = tpu.memref_slice %arg6[%dma_wait3A_528] : memref<8388608xf32, #tpu.memory_space<hbm>> -> memref<8388608xf32, #tpu.memory_space<hbm>>
    %dma_wait3A_530 = tpu.memref_slice %arg17[%dma_wait3A_521] : memref<4x!tpu.dma_semaphore, #tpu.memory_space<semaphore_mem>> -> memref<1x!tpu.dma_semaphore, #tpu.memory_space<semaphore_mem>>
    %dma_wait3A_531 = tpu.memref_squeeze %dma_wait3A_530 : memref<1x!tpu.dma_semaphore, #tpu.memory_space<semaphore_mem>> -> memref<!tpu.dma_semaphore, #tpu.memory_space<semaphore_mem>>
    tpu.wait_indirect_dma semaphore(%dma_wait3A_531 : memref<!tpu.dma_semaphore, #tpu.memory_space<semaphore_mem>>) src(%dma_wait3A_529 : memref<8388608xf32, #tpu.memory_space<hbm>>) dst(%dma_wait3A_524 : memref<128xf32, #tpu.memory_space<vmem>>)
    %dma_wait3A_532 = arith.constant 1 : i32
    %dma_wait3A_533 = arith.constant 3 : i32
    %dma_wait3A_534 = arith.constant 0 : i32
    %dma_wait3A_535 = arith.constant 0 : i32
    %dma_wait3A_536 = tpu.memref_slice %arg13[%dma_wait3A_533, %dma_wait3A_535] : memref<6x512xf32, #tpu.memory_space<vmem>> -> memref<1x128xf32, #tpu.memory_space<vmem>>
    %dma_wait3A_537 = tpu.memref_squeeze %dma_wait3A_536 : memref<1x128xf32, #tpu.memory_space<vmem>> -> memref<128xf32, #tpu.memory_space<vmem>>
    %dma_wait3A_538 = arith.constant 0 : i32
    %dma_wait3A_539 = tpu.memref_slice %arg12[%dma_wait3A_532, %dma_wait3A_538] : memref<2x512xi32, #tpu.memory_space<vmem>> -> memref<1x128xi32, #tpu.memory_space<vmem>>
    %dma_wait3A_540 = tpu.memref_squeeze %dma_wait3A_539 : memref<1x128xi32, #tpu.memory_space<vmem>> -> memref<128xi32, #tpu.memory_space<vmem>>
    %dma_wait3A_541 = arith.constant 0 : i32
    %dma_wait3A_542 = tpu.memref_slice %arg7[%dma_wait3A_541] : memref<8388608xf32, #tpu.memory_space<hbm>> -> memref<8388608xf32, #tpu.memory_space<hbm>>
    %dma_wait3A_543 = tpu.memref_slice %arg17[%dma_wait3A_534] : memref<4x!tpu.dma_semaphore, #tpu.memory_space<semaphore_mem>> -> memref<1x!tpu.dma_semaphore, #tpu.memory_space<semaphore_mem>>
    %dma_wait3A_544 = tpu.memref_squeeze %dma_wait3A_543 : memref<1x!tpu.dma_semaphore, #tpu.memory_space<semaphore_mem>> -> memref<!tpu.dma_semaphore, #tpu.memory_space<semaphore_mem>>
    tpu.wait_indirect_dma semaphore(%dma_wait3A_544 : memref<!tpu.dma_semaphore, #tpu.memory_space<semaphore_mem>>) src(%dma_wait3A_542 : memref<8388608xf32, #tpu.memory_space<hbm>>) dst(%dma_wait3A_537 : memref<128xf32, #tpu.memory_space<vmem>>)
    %dma_wait3A_545 = arith.constant 0 : i32
    %dma_wait3A_546 = arith.constant 4 : i32
    %dma_wait3A_547 = arith.constant 0 : i32
    %dma_wait3A_548 = arith.constant 0 : i32
    %dma_wait3A_549 = tpu.memref_slice %arg13[%dma_wait3A_546, %dma_wait3A_548] : memref<6x512xf32, #tpu.memory_space<vmem>> -> memref<1x128xf32, #tpu.memory_space<vmem>>
    %dma_wait3A_550 = tpu.memref_squeeze %dma_wait3A_549 : memref<1x128xf32, #tpu.memory_space<vmem>> -> memref<128xf32, #tpu.memory_space<vmem>>
    %dma_wait3A_551 = arith.constant 0 : i32
    %dma_wait3A_552 = tpu.memref_slice %arg12[%dma_wait3A_545, %dma_wait3A_551] : memref<2x512xi32, #tpu.memory_space<vmem>> -> memref<1x128xi32, #tpu.memory_space<vmem>>
    %dma_wait3A_553 = tpu.memref_squeeze %dma_wait3A_552 : memref<1x128xi32, #tpu.memory_space<vmem>> -> memref<128xi32, #tpu.memory_space<vmem>>
    %dma_wait3A_554 = arith.constant 0 : i32
    %dma_wait3A_555 = tpu.memref_slice %arg8[%dma_wait3A_554] : memref<8388608xf32, #tpu.memory_space<hbm>> -> memref<8388608xf32, #tpu.memory_space<hbm>>
    %dma_wait3A_556 = tpu.memref_slice %arg17[%dma_wait3A_547] : memref<4x!tpu.dma_semaphore, #tpu.memory_space<semaphore_mem>> -> memref<1x!tpu.dma_semaphore, #tpu.memory_space<semaphore_mem>>
    %dma_wait3A_557 = tpu.memref_squeeze %dma_wait3A_556 : memref<1x!tpu.dma_semaphore, #tpu.memory_space<semaphore_mem>> -> memref<!tpu.dma_semaphore, #tpu.memory_space<semaphore_mem>>
    tpu.wait_indirect_dma semaphore(%dma_wait3A_557 : memref<!tpu.dma_semaphore, #tpu.memory_space<semaphore_mem>>) src(%dma_wait3A_555 : memref<8388608xf32, #tpu.memory_space<hbm>>) dst(%dma_wait3A_550 : memref<128xf32, #tpu.memory_space<vmem>>)
    %dma_wait3A_558 = arith.constant 1 : i32
    %dma_wait3A_559 = arith.constant 5 : i32
    %dma_wait3A_560 = arith.constant 0 : i32
    %dma_wait3A_561 = arith.constant 0 : i32
    %dma_wait3A_562 = tpu.memref_slice %arg13[%dma_wait3A_559, %dma_wait3A_561] : memref<6x512xf32, #tpu.memory_space<vmem>> -> memref<1x128xf32, #tpu.memory_space<vmem>>
    %dma_wait3A_563 = tpu.memref_squeeze %dma_wait3A_562 : memref<1x128xf32, #tpu.memory_space<vmem>> -> memref<128xf32, #tpu.memory_space<vmem>>
    %dma_wait3A_564 = arith.constant 0 : i32
    %dma_wait3A_565 = tpu.memref_slice %arg12[%dma_wait3A_558, %dma_wait3A_564] : memref<2x512xi32, #tpu.memory_space<vmem>> -> memref<1x128xi32, #tpu.memory_space<vmem>>
    %dma_wait3A_566 = tpu.memref_squeeze %dma_wait3A_565 : memref<1x128xi32, #tpu.memory_space<vmem>> -> memref<128xi32, #tpu.memory_space<vmem>>
    %dma_wait3A_567 = arith.constant 0 : i32
    %dma_wait3A_568 = tpu.memref_slice %arg9[%dma_wait3A_567] : memref<8388608xf32, #tpu.memory_space<hbm>> -> memref<8388608xf32, #tpu.memory_space<hbm>>
    %dma_wait3A_569 = tpu.memref_slice %arg17[%dma_wait3A_560] : memref<4x!tpu.dma_semaphore, #tpu.memory_space<semaphore_mem>> -> memref<1x!tpu.dma_semaphore, #tpu.memory_space<semaphore_mem>>
    %dma_wait3A_570 = tpu.memref_squeeze %dma_wait3A_569 : memref<1x!tpu.dma_semaphore, #tpu.memory_space<semaphore_mem>> -> memref<!tpu.dma_semaphore, #tpu.memory_space<semaphore_mem>>
    tpu.wait_indirect_dma semaphore(%dma_wait3A_570 : memref<!tpu.dma_semaphore, #tpu.memory_space<semaphore_mem>>) src(%dma_wait3A_568 : memref<8388608xf32, #tpu.memory_space<hbm>>) dst(%dma_wait3A_563 : memref<128xf32, #tpu.memory_space<vmem>>)
    %get3A_571 = arith.constant 0 : i32
    %get3A_572 = arith.index_cast %get3A_571 : i32 to index
    %get3A_573 = arith.constant 0 : index
    %get3A_574 = tpu.vector_load %arg13[%get3A_572, %get3A_573] {strides = array<i32>} : memref<6x512xf32, #tpu.memory_space<vmem>>, vector<1x16xf32>,
    %get3A_575 = vector.shape_cast %get3A_574 : vector<1x16xf32> to vector<16xf32>
    %get3A_576 = arith.constant 1 : i32
    %get3A_577 = arith.index_cast %get3A_576 : i32 to index
    %get3A_578 = arith.constant 0 : index
    %get3A_579 = tpu.vector_load %arg13[%get3A_577, %get3A_578] {strides = array<i32>} : memref<6x512xf32, #tpu.memory_space<vmem>>, vector<1x16xf32>,
    %get3A_580 = vector.shape_cast %get3A_579 : vector<1x16xf32> to vector<16xf32>
    %get3A_581 = arith.constant 2 : i32
    %get3A_582 = arith.index_cast %get3A_581 : i32 to index
    %get3A_583 = arith.constant 0 : index
    %get3A_584 = tpu.vector_load %arg13[%get3A_582, %get3A_583] {strides = array<i32>} : memref<6x512xf32, #tpu.memory_space<vmem>>, vector<1x16xf32>,
    %get3A_585 = vector.shape_cast %get3A_584 : vector<1x16xf32> to vector<16xf32>
    %get3A_586 = arith.constant 3 : i32
    %get3A_587 = arith.index_cast %get3A_586 : i32 to index
    %get3A_588 = arith.constant 0 : index
    %get3A_589 = tpu.vector_load %arg13[%get3A_587, %get3A_588] {strides = array<i32>} : memref<6x512xf32, #tpu.memory_space<vmem>>, vector<1x16xf32>,
    %get3A_590 = vector.shape_cast %get3A_589 : vector<1x16xf32> to vector<16xf32>
    %get3A_591 = arith.constant 4 : i32
    %get3A_592 = arith.index_cast %get3A_591 : i32 to index
    %get3A_593 = arith.constant 0 : index
    %get3A_594 = tpu.vector_load %arg13[%get3A_592, %get3A_593] {strides = array<i32>} : memref<6x512xf32, #tpu.memory_space<vmem>>, vector<1x16xf32>,
    %get3A_595 = vector.shape_cast %get3A_594 : vector<1x16xf32> to vector<16xf32>
    %get3A_596 = arith.constant 5 : i32
    %get3A_597 = arith.index_cast %get3A_596 : i32 to index
    %get3A_598 = arith.constant 0 : index
    %get3A_599 = tpu.vector_load %arg13[%get3A_597, %get3A_598] {strides = array<i32>} : memref<6x512xf32, #tpu.memory_space<vmem>>, vector<1x16xf32>,
    %get3A_600 = vector.shape_cast %get3A_599 : vector<1x16xf32> to vector<16xf32>
    %mul3A_601 = arith.mulf %get3A_575, %get3A_585 : vector<16xf32>
    %mul3A_602 = arith.mulf %get3A_580, %get3A_590 : vector<16xf32>
    %mul3A_603 = arith.mulf %get3A_352, %get3A_595 : vector<16xf32>
    %mul3A_604 = arith.mulf %get3A_357, %get3A_600 : vector<16xf32>
    %add3A_605 = arith.addf %mul3A_603, %mul3A_604 : vector<16xf32>
    %add3A_606 = arith.addf %add3A_605, %get3A_432 : vector<16xf32>
    %max3A = arith.constant 0.000000e+00 : f32
    %max3A_607 = vector.broadcast %max3A : f32 to vector<16xf32>
    %max3A_608 = arith.maximumf %add3A_606, %max3A_607 : vector<16xf32>
    %mul3A_609 = arith.mulf %get3A_362, %get3A_595 : vector<16xf32>
    %mul3A_610 = arith.mulf %get3A_367, %get3A_600 : vector<16xf32>
    %add3A_611 = arith.addf %mul3A_609, %mul3A_610 : vector<16xf32>
    %add3A_612 = arith.addf %add3A_611, %get3A_437 : vector<16xf32>
    %max3A_613 = arith.constant 0.000000e+00 : f32
    %max3A_614 = vector.broadcast %max3A_613 : f32 to vector<16xf32>
    %max3A_615 = arith.maximumf %add3A_612, %max3A_614 : vector<16xf32>
    %mul3A_616 = arith.mulf %get3A_372, %max3A_608 : vector<16xf32>
    %mul3A_617 = arith.mulf %get3A_377, %max3A_615 : vector<16xf32>
    %add3A_618 = arith.addf %mul3A_616, %mul3A_617 : vector<16xf32>
    %add3A_619 = arith.addf %add3A_618, %get3A_442 : vector<16xf32>
    %max3A_620 = arith.constant 0.000000e+00 : f32
    %max3A_621 = vector.broadcast %max3A_620 : f32 to vector<16xf32>
    %max3A_622 = arith.maximumf %add3A_619, %max3A_621 : vector<16xf32>
    %mul3A_623 = arith.mulf %get3A_382, %max3A_608 : vector<16xf32>
    %mul3A_624 = arith.mulf %get3A_387, %max3A_615 : vector<16xf32>
    %add3A_625 = arith.addf %mul3A_623, %mul3A_624 : vector<16xf32>
    %add3A_626 = arith.addf %add3A_625, %get3A_447 : vector<16xf32>
    %max3A_627 = arith.constant 0.000000e+00 : f32
    %max3A_628 = vector.broadcast %max3A_627 : f32 to vector<16xf32>
    %max3A_629 = arith.maximumf %add3A_626, %max3A_628 : vector<16xf32>
    %mul3A_630 = arith.mulf %get3A_392, %max3A_622 : vector<16xf32>
    %mul3A_631 = arith.mulf %get3A_397, %max3A_629 : vector<16xf32>
    %add3A_632 = arith.addf %mul3A_630, %mul3A_631 : vector<16xf32>
    %add3A_633 = arith.addf %add3A_632, %get3A_452 : vector<16xf32>
    %max3A_634 = arith.constant 0.000000e+00 : f32
    %max3A_635 = vector.broadcast %max3A_634 : f32 to vector<16xf32>
    %max3A_636 = arith.maximumf %add3A_633, %max3A_635 : vector<16xf32>
    %mul3A_637 = arith.mulf %get3A_402, %max3A_622 : vector<16xf32>
    %mul3A_638 = arith.mulf %get3A_407, %max3A_629 : vector<16xf32>
    %add3A_639 = arith.addf %mul3A_637, %mul3A_638 : vector<16xf32>
    %add3A_640 = arith.addf %add3A_639, %get3A_457 : vector<16xf32>
    %max3A_641 = arith.constant 0.000000e+00 : f32
    %max3A_642 = vector.broadcast %max3A_641 : f32 to vector<16xf32>
    %max3A_643 = arith.maximumf %add3A_640, %max3A_642 : vector<16xf32>
    %mul3A_644 = arith.mulf %get3A_412, %max3A_636 : vector<16xf32>
    %mul3A_645 = arith.mulf %get3A_417, %max3A_643 : vector<16xf32>
    %add3A_646 = arith.addf %mul3A_644, %mul3A_645 : vector<16xf32>
    %add3A_647 = arith.addf %add3A_646, %get3A_462 : vector<16xf32>
    %max3A_648 = arith.constant 0.000000e+00 : f32
    %max3A_649 = vector.broadcast %max3A_648 : f32 to vector<16xf32>
    %max3A_650 = arith.maximumf %add3A_647, %max3A_649 : vector<16xf32>
    %mul3A_651 = arith.mulf %get3A_422, %max3A_636 : vector<16xf32>
    %mul3A_652 = arith.mulf %get3A_427, %max3A_643 : vector<16xf32>
    %add3A_653 = arith.addf %mul3A_651, %mul3A_652 : vector<16xf32>
    %add3A_654 = arith.addf %add3A_653, %get3A_467 : vector<16xf32>
    %max3A_655 = arith.constant 0.000000e+00 : f32
    %max3A_656 = vector.broadcast %max3A_655 : f32 to vector<16xf32>
    %max3A_657 = arith.maximumf %add3A_654, %max3A_656 : vector<16xf32>
    %mul3A_658 = arith.mulf %get3A_472, %mul3A_601 : vector<16xf32>
    %mul3A_659 = arith.mulf %get3A_477, %mul3A_602 : vector<16xf32>
    %add3A_660 = arith.addf %mul3A_658, %mul3A_659 : vector<16xf32>
    %mul3A_661 = arith.mulf %get3A_482, %max3A_650 : vector<16xf32>
    %add3A_662 = arith.addf %add3A_660, %mul3A_661 : vector<16xf32>
    %mul3A_663 = arith.mulf %get3A_487, %max3A_657 : vector<16xf32>
    %add3A_664 = arith.addf %add3A_662, %mul3A_663 : vector<16xf32>
    %add3A_665 = arith.addf %add3A_664, %get3A_492 : vector<16xf32>
    %neg3A = arith.constant 0.000000e+00 : f32
    %neg3A_666 = vector.broadcast %neg3A : f32 to vector<16xf32>
    %neg3A_667 = arith.subf %neg3A_666, %add3A_665 : vector<16xf32>
    %exp3A = math.exp %neg3A_667 : vector<16xf32>
    %add3A_668 = arith.constant 1.000000e+00 : f32
    %add3A_669 = vector.broadcast %add3A_668 : f32 to vector<16xf32>
    %add3A_670 = arith.addf %add3A_669, %exp3A : vector<16xf32>
    %div3A = arith.constant 1.000000e+00 : f32
    %div3A_671 = vector.broadcast %div3A : f32 to vector<16xf32>
    %div3A_672 = arith.divf %div3A_671, %add3A_670 : vector<16xf32>
    %swap3A = arith.constant 0 : index
    %swap3A_673 = tpu.vector_load %arg15[%swap3A] {strides = array<i32>} : memref<512xf32, #tpu.memory_space<vmem>>, vector<16xf32>,
    %swap3A_674 = vector.shape_cast %swap3A_673 : vector<16xf32> to vector<16xf32>
    %swap3A_675 = vector.shape_cast %div3A_672 : vector<16xf32> to vector<16xf32>
    tpu.vector_store %arg15[%swap3A], %swap3A_675 {strides = array<i32>} : memref<512xf32, #tpu.memory_space<vmem>>, vector<16xf32>,
    %get3A_676 = arith.constant 0 : i32
    %get3A_677 = arith.index_cast %get3A_676 : i32 to index
    %get3A_678 = arith.constant 16 : index
    %get3A_679 = tpu.vector_load %arg13[%get3A_677, %get3A_678] {strides = array<i32>} : memref<6x512xf32, #tpu.memory_space<vmem>>, vector<1x16xf32>,
    %get3A_680 = vector.shape_cast %get3A_679 : vector<1x16xf32> to vector<16xf32>
    %get3A_681 = arith.constant 1 : i32
    %get3A_682 = arith.index_cast %get3A_681 : i32 to index
    %get3A_683 = arith.constant 16 : index
    %get3A_684 = tpu.vector_load %arg13[%get3A_682, %get3A_683] {strides = array<i32>} : memref<6x512xf32, #tpu.memory_space<vmem>>, vector<1x16xf32>,
    %get3A_685 = vector.shape_cast %get3A_684 : vector<1x16xf32> to vector<16xf32>
    %get3A_686 = arith.constant 2 : i32
    %get3A_687 = arith.index_cast %get3A_686 : i32 to index
    %get3A_688 = arith.constant 16 : index
    %get3A_689 = tpu.vector_load %arg13[%get3A_687, %get3A_688] {strides = array<i32>} : memref<6x512xf32, #tpu.memory_space<vmem>>, vector<1x16xf32>,
    %get3A_690 = vector.shape_cast %get3A_689 : vector<1x16xf32> to vector<16xf32>
    %get3A_691 = arith.constant 3 : i32
    %get3A_692 = arith.index_cast %get3A_691 : i32 to index
    %get3A_693 = arith.constant 16 : index
    %get3A_694 = tpu.vector_load %arg13[%get3A_692, %get3A_693] {strides = array<i32>} : memref<6x512xf32, #tpu.memory_space<vmem>>, vector<1x16xf32>,
    %get3A_695 = vector.shape_cast %get3A_694 : vector<1x16xf32> to vector<16xf32>
    %get3A_696 = arith.constant 4 : i32
    %get3A_697 = arith.index_cast %get3A_696 : i32 to index
    %get3A_698 = arith.constant 16 : index
    %get3A_699 = tpu.vector_load %arg13[%get3A_697, %get3A_698] {strides = array<i32>} : memref<6x512xf32, #tpu.memory_space<vmem>>, vector<1x16xf32>,
    %get3A_700 = vector.shape_cast %get3A_699 : vector<1x16xf32> to vector<16xf32>
    %get3A_701 = arith.constant 5 : i32
    %get3A_702 = arith.index_cast %get3A_701 : i32 to index
    %get3A_703 = arith.constant 16 : index
    %get3A_704 = tpu.vector_load %arg13[%get3A_702, %get3A_703] {strides = array<i32>} : memref<6x512xf32, #tpu.memory_space<vmem>>, vector<1x16xf32>,
    %get3A_705 = vector.shape_cast %get3A_704 : vector<1x16xf32> to vector<16xf32>
    %mul3A_706 = arith.mulf %get3A_680, %get3A_690 : vector<16xf32>
    %mul3A_707 = arith.mulf %get3A_685, %get3A_695 : vector<16xf32>
    %mul3A_708 = arith.mulf %get3A_352, %get3A_700 : vector<16xf32>
    %mul3A_709 = arith.mulf %get3A_357, %get3A_705 : vector<16xf32>
    %add3A_710 = arith.addf %mul3A_708, %mul3A_709 : vector<16xf32>
    %add3A_711 = arith.addf %add3A_710, %get3A_432 : vector<16xf32>
    %max3A_712 = arith.constant 0.000000e+00 : f32
    %max3A_713 = vector.broadcast %max3A_712 : f32 to vector<16xf32>
    %max3A_714 = arith.maximumf %add3A_711, %max3A_713 : vector<16xf32>
    %mul3A_715 = arith.mulf %get3A_362, %get3A_700 : vector<16xf32>
    %mul3A_716 = arith.mulf %get3A_367, %get3A_705 : vector<16xf32>
    %add3A_717 = arith.addf %mul3A_715, %mul3A_716 : vector<16xf32>
    %add3A_718 = arith.addf %add3A_717, %get3A_437 : vector<16xf32>
    %max3A_719 = arith.constant 0.000000e+00 : f32
    %max3A_720 = vector.broadcast %max3A_719 : f32 to vector<16xf32>
    %max3A_721 = arith.maximumf %add3A_718, %max3A_720 : vector<16xf32>
    %mul3A_722 = arith.mulf %get3A_372, %max3A_714 : vector<16xf32>
    %mul3A_723 = arith.mulf %get3A_377, %max3A_721 : vector<16xf32>
    %add3A_724 = arith.addf %mul3A_722, %mul3A_723 : vector<16xf32>
    %add3A_725 = arith.addf %add3A_724, %get3A_442 : vector<16xf32>
    %max3A_726 = arith.constant 0.000000e+00 : f32
    %max3A_727 = vector.broadcast %max3A_726 : f32 to vector<16xf32>
    %max3A_728 = arith.maximumf %add3A_725, %max3A_727 : vector<16xf32>
    %mul3A_729 = arith.mulf %get3A_382, %max3A_714 : vector<16xf32>
    %mul3A_730 = arith.mulf %get3A_387, %max3A_721 : vector<16xf32>
    %add3A_731 = arith.addf %mul3A_729, %mul3A_730 : vector<16xf32>
    %add3A_732 = arith.addf %add3A_731, %get3A_447 : vector<16xf32>
    %max3A_733 = arith.constant 0.000000e+00 : f32
    %max3A_734 = vector.broadcast %max3A_733 : f32 to vector<16xf32>
    %max3A_735 = arith.maximumf %add3A_732, %max3A_734 : vector<16xf32>
    %mul3A_736 = arith.mulf %get3A_392, %max3A_728 : vector<16xf32>
    %mul3A_737 = arith.mulf %get3A_397, %max3A_735 : vector<16xf32>
    %add3A_738 = arith.addf %mul3A_736, %mul3A_737 : vector<16xf32>
    %add3A_739 = arith.addf %add3A_738, %get3A_452 : vector<16xf32>
    %max3A_740 = arith.constant 0.000000e+00 : f32
    %max3A_741 = vector.broadcast %max3A_740 : f32 to vector<16xf32>
    %max3A_742 = arith.maximumf %add3A_739, %max3A_741 : vector<16xf32>
    %mul3A_743 = arith.mulf %get3A_402, %max3A_728 : vector<16xf32>
    %mul3A_744 = arith.mulf %get3A_407, %max3A_735 : vector<16xf32>
    %add3A_745 = arith.addf %mul3A_743, %mul3A_744 : vector<16xf32>
    %add3A_746 = arith.addf %add3A_745, %get3A_457 : vector<16xf32>
    %max3A_747 = arith.constant 0.000000e+00 : f32
    %max3A_748 = vector.broadcast %max3A_747 : f32 to vector<16xf32>
    %max3A_749 = arith.maximumf %add3A_746, %max3A_748 : vector<16xf32>
    %mul3A_750 = arith.mulf %get3A_412, %max3A_742 : vector<16xf32>
    %mul3A_751 = arith.mulf %get3A_417, %max3A_749 : vector<16xf32>
    %add3A_752 = arith.addf %mul3A_750, %mul3A_751 : vector<16xf32>
    %add3A_753 = arith.addf %add3A_752, %get3A_462 : vector<16xf32>
    %max3A_754 = arith.constant 0.000000e+00 : f32
    %max3A_755 = vector.broadcast %max3A_754 : f32 to vector<16xf32>
    %max3A_756 = arith.maximumf %add3A_753, %max3A_755 : vector<16xf32>
    %mul3A_757 = arith.mulf %get3A_422, %max3A_742 : vector<16xf32>
    %mul3A_758 = arith.mulf %get3A_427, %max3A_749 : vector<16xf32>
    %add3A_759 = arith.addf %mul3A_757, %mul3A_758 : vector<16xf32>
    %add3A_760 = arith.addf %add3A_759, %get3A_467 : vector<16xf32>
    %max3A_761 = arith.constant 0.000000e+00 : f32
    %max3A_762 = vector.broadcast %max3A_761 : f32 to vector<16xf32>
    %max3A_763 = arith.maximumf %add3A_760, %max3A_762 : vector<16xf32>
    %mul3A_764 = arith.mulf %get3A_472, %mul3A_706 : vector<16xf32>
    %mul3A_765 = arith.mulf %get3A_477, %mul3A_707 : vector<16xf32>
    %add3A_766 = arith.addf %mul3A_764, %mul3A_765 : vector<16xf32>
    %mul3A_767 = arith.mulf %get3A_482, %max3A_756 : vector<16xf32>
    %add3A_768 = arith.addf %add3A_766, %mul3A_767 : vector<16xf32>
    %mul3A_769 = arith.mulf %get3A_487, %max3A_763 : vector<16xf32>
    %add3A_770 = arith.addf %add3A_768, %mul3A_769 : vector<16xf32>
    %add3A_771 = arith.addf %add3A_770, %get3A_492 : vector<16xf32>
    %neg3A_772 = arith.constant 0.000000e+00 : f32
    %neg3A_773 = vector.broadcast %neg3A_772 : f32 to vector<16xf32>
    %neg3A_774 = arith.subf %neg3A_773, %add3A_771 : vector<16xf32>
    %exp3A_775 = math.exp %neg3A_774 : vector<16xf32>
    %add3A_776 = arith.constant 1.000000e+00 : f32
    %add3A_777 = vector.broadcast %add3A_776 : f32 to vector<16xf32>
    %add3A_778 = arith.addf %add3A_777, %exp3A_775 : vector<16xf32>
    %div3A_779 = arith.constant 1.000000e+00 : f32
    %div3A_780 = vector.broadcast %div3A_779 : f32 to vector<16xf32>
    %div3A_781 = arith.divf %div3A_780, %add3A_778 : vector<16xf32>
    %swap3A_782 = arith.constant 16 : index
    %swap3A_783 = tpu.vector_load %arg15[%swap3A_782] {strides = array<i32>} : memref<512xf32, #tpu.memory_space<vmem>>, vector<16xf32>,
    %swap3A_784 = vector.shape_cast %swap3A_783 : vector<16xf32> to vector<16xf32>
    %swap3A_785 = vector.shape_cast %div3A_781 : vector<16xf32> to vector<16xf32>
    tpu.vector_store %arg15[%swap3A_782], %swap3A_785 {strides = array<i32>} : memref<512xf32, #tpu.memory_space<vmem>>, vector<16xf32>,
    %get3A_786 = arith.constant 0 : i32
    %get3A_787 = arith.index_cast %get3A_786 : i32 to index
    %get3A_788 = arith.constant 32 : index
    %get3A_789 = tpu.vector_load %arg13[%get3A_787, %get3A_788] {strides = array<i32>} : memref<6x512xf32, #tpu.memory_space<vmem>>, vector<1x16xf32>,
    %get3A_790 = vector.shape_cast %get3A_789 : vector<1x16xf32> to vector<16xf32>
    %get3A_791 = arith.constant 1 : i32
    %get3A_792 = arith.index_cast %get3A_791 : i32 to index
    %get3A_793 = arith.constant 32 : index
    %get3A_794 = tpu.vector_load %arg13[%get3A_792, %get3A_793] {strides = array<i32>} : memref<6x512xf32, #tpu.memory_space<vmem>>, vector<1x16xf32>,
    %get3A_795 = vector.shape_cast %get3A_794 : vector<1x16xf32> to vector<16xf32>
    %get3A_796 = arith.constant 2 : i32
    %get3A_797 = arith.index_cast %get3A_796 : i32 to index
    %get3A_798 = arith.constant 32 : index
    %get3A_799 = tpu.vector_load %arg13[%get3A_797, %get3A_798] {strides = array<i32>} : memref<6x512xf32, #tpu.memory_space<vmem>>, vector<1x16xf32>,
    %get3A_800 = vector.shape_cast %get3A_799 : vector<1x16xf32> to vector<16xf32>
    %get3A_801 = arith.constant 3 : i32
    %get3A_802 = arith.index_cast %get3A_801 : i32 to index
    %get3A_803 = arith.constant 32 : index
    %get3A_804 = tpu.vector_load %arg13[%get3A_802, %get3A_803] {strides = array<i32>} : memref<6x512xf32, #tpu.memory_space<vmem>>, vector<1x16xf32>,
    %get3A_805 = vector.shape_cast %get3A_804 : vector<1x16xf32> to vector<16xf32>
    %get3A_806 = arith.constant 4 : i32
    %get3A_807 = arith.index_cast %get3A_806 : i32 to index
    %get3A_808 = arith.constant 32 : index
    %get3A_809 = tpu.vector_load %arg13[%get3A_807, %get3A_808] {strides = array<i32>} : memref<6x512xf32, #tpu.memory_space<vmem>>, vector<1x16xf32>,
    %get3A_810 = vector.shape_cast %get3A_809 : vector<1x16xf32> to vector<16xf32>
    %get3A_811 = arith.constant 5 : i32
    %get3A_812 = arith.index_cast %get3A_811 : i32 to index
    %get3A_813 = arith.constant 32 : index
    %get3A_814 = tpu.vector_load %arg13[%get3A_812, %get3A_813] {strides = array<i32>} : memref<6x512xf32, #tpu.memory_space<vmem>>, vector<1x16xf32>,
    %get3A_815 = vector.shape_cast %get3A_814 : vector<1x16xf32> to vector<16xf32>
    %mul3A_816 = arith.mulf %get3A_790, %get3A_800 : vector<16xf32>
    %mul3A_817 = arith.mulf %get3A_795, %get3A_805 : vector<16xf32>
    %mul3A_818 = arith.mulf %get3A_352, %get3A_810 : vector<16xf32>
    %mul3A_819 = arith.mulf %get3A_357, %get3A_815 : vector<16xf32>
    %add3A_820 = arith.addf %mul3A_818, %mul3A_819 : vector<16xf32>
    %add3A_821 = arith.addf %add3A_820, %get3A_432 : vector<16xf32>
    %max3A_822 = arith.constant 0.000000e+00 : f32
    %max3A_823 = vector.broadcast %max3A_822 : f32 to vector<16xf32>
    %max3A_824 = arith.maximumf %add3A_821, %max3A_823 : vector<16xf32>
    %mul3A_825 = arith.mulf %get3A_362, %get3A_810 : vector<16xf32>
    %mul3A_826 = arith.mulf %get3A_367, %get3A_815 : vector<16xf32>
    %add3A_827 = arith.addf %mul3A_825, %mul3A_826 : vector<16xf32>
    %add3A_828 = arith.addf %add3A_827, %get3A_437 : vector<16xf32>
    %max3A_829 = arith.constant 0.000000e+00 : f32
    %max3A_830 = vector.broadcast %max3A_829 : f32 to vector<16xf32>
    %max3A_831 = arith.maximumf %add3A_828, %max3A_830 : vector<16xf32>
    %mul3A_832 = arith.mulf %get3A_372, %max3A_824 : vector<16xf32>
    %mul3A_833 = arith.mulf %get3A_377, %max3A_831 : vector<16xf32>
    %add3A_834 = arith.addf %mul3A_832, %mul3A_833 : vector<16xf32>
    %add3A_835 = arith.addf %add3A_834, %get3A_442 : vector<16xf32>
    %max3A_836 = arith.constant 0.000000e+00 : f32
    %max3A_837 = vector.broadcast %max3A_836 : f32 to vector<16xf32>
    %max3A_838 = arith.maximumf %add3A_835, %max3A_837 : vector<16xf32>
    %mul3A_839 = arith.mulf %get3A_382, %max3A_824 : vector<16xf32>
    %mul3A_840 = arith.mulf %get3A_387, %max3A_831 : vector<16xf32>
    %add3A_841 = arith.addf %mul3A_839, %mul3A_840 : vector<16xf32>
    %add3A_842 = arith.addf %add3A_841, %get3A_447 : vector<16xf32>
    %max3A_843 = arith.constant 0.000000e+00 : f32
    %max3A_844 = vector.broadcast %max3A_843 : f32 to vector<16xf32>
    %max3A_845 = arith.maximumf %add3A_842, %max3A_844 : vector<16xf32>
    %mul3A_846 = arith.mulf %get3A_392, %max3A_838 : vector<16xf32>
    %mul3A_847 = arith.mulf %get3A_397, %max3A_845 : vector<16xf32>
    %add3A_848 = arith.addf %mul3A_846, %mul3A_847 : vector<16xf32>
    %add3A_849 = arith.addf %add3A_848, %get3A_452 : vector<16xf32>
    %max3A_850 = arith.constant 0.000000e+00 : f32
    %max3A_851 = vector.broadcast %max3A_850 : f32 to vector<16xf32>
    %max3A_852 = arith.maximumf %add3A_849, %max3A_851 : vector<16xf32>
    %mul3A_853 = arith.mulf %get3A_402, %max3A_838 : vector<16xf32>
    %mul3A_854 = arith.mulf %get3A_407, %max3A_845 : vector<16xf32>
    %add3A_855 = arith.addf %mul3A_853, %mul3A_854 : vector<16xf32>
    %add3A_856 = arith.addf %add3A_855, %get3A_457 : vector<16xf32>
    %max3A_857 = arith.constant 0.000000e+00 : f32
    %max3A_858 = vector.broadcast %max3A_857 : f32 to vector<16xf32>
    %max3A_859 = arith.maximumf %add3A_856, %max3A_858 : vector<16xf32>
    %mul3A_860 = arith.mulf %get3A_412, %max3A_852 : vector<16xf32>
    %mul3A_861 = arith.mulf %get3A_417, %max3A_859 : vector<16xf32>
    %add3A_862 = arith.addf %mul3A_860, %mul3A_861 : vector<16xf32>
    %add3A_863 = arith.addf %add3A_862, %get3A_462 : vector<16xf32>
    %max3A_864 = arith.constant 0.000000e+00 : f32
    %max3A_865 = vector.broadcast %max3A_864 : f32 to vector<16xf32>
    %max3A_866 = arith.maximumf %add3A_863, %max3A_865 : vector<16xf32>
    %mul3A_867 = arith.mulf %get3A_422, %max3A_852 : vector<16xf32>
    %mul3A_868 = arith.mulf %get3A_427, %max3A_859 : vector<16xf32>
    %add3A_869 = arith.addf %mul3A_867, %mul3A_868 : vector<16xf32>
    %add3A_870 = arith.addf %add3A_869, %get3A_467 : vector<16xf32>
    %max3A_871 = arith.constant 0.000000e+00 : f32
    %max3A_872 = vector.broadcast %max3A_871 : f32 to vector<16xf32>
    %max3A_873 = arith.maximumf %add3A_870, %max3A_872 : vector<16xf32>
    %mul3A_874 = arith.mulf %get3A_472, %mul3A_816 : vector<16xf32>
    %mul3A_875 = arith.mulf %get3A_477, %mul3A_817 : vector<16xf32>
    %add3A_876 = arith.addf %mul3A_874, %mul3A_875 : vector<16xf32>
    %mul3A_877 = arith.mulf %get3A_482, %max3A_866 : vector<16xf32>
    %add3A_878 = arith.addf %add3A_876, %mul3A_877 : vector<16xf32>
    %mul3A_879 = arith.mulf %get3A_487, %max3A_873 : vector<16xf32>
    %add3A_880 = arith.addf %add3A_878, %mul3A_879 : vector<16xf32>
    %add3A_881 = arith.addf %add3A_880, %get3A_492 : vector<16xf32>
    %neg3A_882 = arith.constant 0.000000e+00 : f32
    %neg3A_883 = vector.broadcast %neg3A_882 : f32 to vector<16xf32>
    %neg3A_884 = arith.subf %neg3A_883, %add3A_881 : vector<16xf32>
    %exp3A_885 = math.exp %neg3A_884 : vector<16xf32>
    %add3A_886 = arith.constant 1.000000e+00 : f32
    %add3A_887 = vector.broadcast %add3A_886 : f32 to vector<16xf32>
    %add3A_888 = arith.addf %add3A_887, %exp3A_885 : vector<16xf32>
    %div3A_889 = arith.constant 1.000000e+00 : f32
    %div3A_890 = vector.broadcast %div3A_889 : f32 to vector<16xf32>
    %div3A_891 = arith.divf %div3A_890, %add3A_888 : vector<16xf32>
    %swap3A_892 = arith.constant 32 : index
    %swap3A_893 = tpu.vector_load %arg15[%swap3A_892] {strides = array<i32>} : memref<512xf32, #tpu.memory_space<vmem>>, vector<16xf32>,
    %swap3A_894 = vector.shape_cast %swap3A_893 : vector<16xf32> to vector<16xf32>
    %swap3A_895 = vector.shape_cast %div3A_891 : vector<16xf32> to vector<16xf32>
    tpu.vector_store %arg15[%swap3A_892], %swap3A_895 {strides = array<i32>} : memref<512xf32, #tpu.memory_space<vmem>>, vector<16xf32>,
    %get3A_896 = arith.constant 0 : i32
    %get3A_897 = arith.index_cast %get3A_896 : i32 to index
    %get3A_898 = arith.constant 48 : index
    %get3A_899 = tpu.vector_load %arg13[%get3A_897, %get3A_898] {strides = array<i32>} : memref<6x512xf32, #tpu.memory_space<vmem>>, vector<1x16xf32>,
    %get3A_900 = vector.shape_cast %get3A_899 : vector<1x16xf32> to vector<16xf32>
    %get3A_901 = arith.constant 1 : i32
    %get3A_902 = arith.index_cast %get3A_901 : i32 to index
    %get3A_903 = arith.constant 48 : index
    %get3A_904 = tpu.vector_load %arg13[%get3A_902, %get3A_903] {strides = array<i32>} : memref<6x512xf32, #tpu.memory_space<vmem>>, vector<1x16xf32>,
    %get3A_905 = vector.shape_cast %get3A_904 : vector<1x16xf32> to vector<16xf32>
    %get3A_906 = arith.constant 2 : i32
    %get3A_907 = arith.index_cast %get3A_906 : i32 to index
    %get3A_908 = arith.constant 48 : index
    %get3A_909 = tpu.vector_load %arg13[%get3A_907, %get3A_908] {strides = array<i32>} : memref<6x512xf32, #tpu.memory_space<vmem>>, vector<1x16xf32>,
    %get3A_910 = vector.shape_cast %get3A_909 : vector<1x16xf32> to vector<16xf32>
    %get3A_911 = arith.constant 3 : i32
    %get3A_912 = arith.index_cast %get3A_911 : i32 to index
    %get3A_913 = arith.constant 48 : index
    %get3A_914 = tpu.vector_load %arg13[%get3A_912, %get3A_913] {strides = array<i32>} : memref<6x512xf32, #tpu.memory_space<vmem>>, vector<1x16xf32>,
    %get3A_915 = vector.shape_cast %get3A_914 : vector<1x16xf32> to vector<16xf32>
    %get3A_916 = arith.constant 4 : i32
    %get3A_917 = arith.index_cast %get3A_916 : i32 to index
    %get3A_918 = arith.constant 48 : index
    %get3A_919 = tpu.vector_load %arg13[%get3A_917, %get3A_918] {strides = array<i32>} : memref<6x512xf32, #tpu.memory_space<vmem>>, vector<1x16xf32>,
    %get3A_920 = vector.shape_cast %get3A_919 : vector<1x16xf32> to vector<16xf32>
    %get3A_921 = arith.constant 5 : i32
    %get3A_922 = arith.index_cast %get3A_921 : i32 to index
    %get3A_923 = arith.constant 48 : index
    %get3A_924 = tpu.vector_load %arg13[%get3A_922, %get3A_923] {strides = array<i32>} : memref<6x512xf32, #tpu.memory_space<vmem>>, vector<1x16xf32>,
    %get3A_925 = vector.shape_cast %get3A_924 : vector<1x16xf32> to vector<16xf32>
    %mul3A_926 = arith.mulf %get3A_900, %get3A_910 : vector<16xf32>
    %mul3A_927 = arith.mulf %get3A_905, %get3A_915 : vector<16xf32>
    %mul3A_928 = arith.mulf %get3A_352, %get3A_920 : vector<16xf32>
    %mul3A_929 = arith.mulf %get3A_357, %get3A_925 : vector<16xf32>
    %add3A_930 = arith.addf %mul3A_928, %mul3A_929 : vector<16xf32>
    %add3A_931 = arith.addf %add3A_930, %get3A_432 : vector<16xf32>
    %max3A_932 = arith.constant 0.000000e+00 : f32
    %max3A_933 = vector.broadcast %max3A_932 : f32 to vector<16xf32>
    %max3A_934 = arith.maximumf %add3A_931, %max3A_933 : vector<16xf32>
    %mul3A_935 = arith.mulf %get3A_362, %get3A_920 : vector<16xf32>
    %mul3A_936 = arith.mulf %get3A_367, %get3A_925 : vector<16xf32>
    %add3A_937 = arith.addf %mul3A_935, %mul3A_936 : vector<16xf32>
    %add3A_938 = arith.addf %add3A_937, %get3A_437 : vector<16xf32>
    %max3A_939 = arith.constant 0.000000e+00 : f32
    %max3A_940 = vector.broadcast %max3A_939 : f32 to vector<16xf32>
    %max3A_941 = arith.maximumf %add3A_938, %max3A_940 : vector<16xf32>
    %mul3A_942 = arith.mulf %get3A_372, %max3A_934 : vector<16xf32>
    %mul3A_943 = arith.mulf %get3A_377, %max3A_941 : vector<16xf32>
    %add3A_944 = arith.addf %mul3A_942, %mul3A_943 : vector<16xf32>
    %add3A_945 = arith.addf %add3A_944, %get3A_442 : vector<16xf32>
    %max3A_946 = arith.constant 0.000000e+00 : f32
    %max3A_947 = vector.broadcast %max3A_946 : f32 to vector<16xf32>
    %max3A_948 = arith.maximumf %add3A_945, %max3A_947 : vector<16xf32>
    %mul3A_949 = arith.mulf %get3A_382, %max3A_934 : vector<16xf32>
    %mul3A_950 = arith.mulf %get3A_387, %max3A_941 : vector<16xf32>
    %add3A_951 = arith.addf %mul3A_949, %mul3A_950 : vector<16xf32>
    %add3A_952 = arith.addf %add3A_951, %get3A_447 : vector<16xf32>
    %max3A_953 = arith.constant 0.000000e+00 : f32
    %max3A_954 = vector.broadcast %max3A_953 : f32 to vector<16xf32>
    %max3A_955 = arith.maximumf %add3A_952, %max3A_954 : vector<16xf32>
    %mul3A_956 = arith.mulf %get3A_392, %max3A_948 : vector<16xf32>
    %mul3A_957 = arith.mulf %get3A_397, %max3A_955 : vector<16xf32>
    %add3A_958 = arith.addf %mul3A_956, %mul3A_957 : vector<16xf32>
    %add3A_959 = arith.addf %add3A_958, %get3A_452 : vector<16xf32>
    %max3A_960 = arith.constant 0.000000e+00 : f32
    %max3A_961 = vector.broadcast %max3A_960 : f32 to vector<16xf32>
    %max3A_962 = arith.maximumf %add3A_959, %max3A_961 : vector<16xf32>
    %mul3A_963 = arith.mulf %get3A_402, %max3A_948 : vector<16xf32>
    %mul3A_964 = arith.mulf %get3A_407, %max3A_955 : vector<16xf32>
    %add3A_965 = arith.addf %mul3A_963, %mul3A_964 : vector<16xf32>
    %add3A_966 = arith.addf %add3A_965, %get3A_457 : vector<16xf32>
    %max3A_967 = arith.constant 0.000000e+00 : f32
    %max3A_968 = vector.broadcast %max3A_967 : f32 to vector<16xf32>
    %max3A_969 = arith.maximumf %add3A_966, %max3A_968 : vector<16xf32>
    %mul3A_970 = arith.mulf %get3A_412, %max3A_962 : vector<16xf32>
    %mul3A_971 = arith.mulf %get3A_417, %max3A_969 : vector<16xf32>
    %add3A_972 = arith.addf %mul3A_970, %mul3A_971 : vector<16xf32>
    %add3A_973 = arith.addf %add3A_972, %get3A_462 : vector<16xf32>
    %max3A_974 = arith.constant 0.000000e+00 : f32
    %max3A_975 = vector.broadcast %max3A_974 : f32 to vector<16xf32>
    %max3A_976 = arith.maximumf %add3A_973, %max3A_975 : vector<16xf32>
    %mul3A_977 = arith.mulf %get3A_422, %max3A_962 : vector<16xf32>
    %mul3A_978 = arith.mulf %get3A_427, %max3A_969 : vector<16xf32>
    %add3A_979 = arith.addf %mul3A_977, %mul3A_978 : vector<16xf32>
    %add3A_980 = arith.addf %add3A_979, %get3A_467 : vector<16xf32>
    %max3A_981 = arith.constant 0.000000e+00 : f32
    %max3A_982 = vector.broadcast %max3A_981 : f32 to vector<16xf32>
    %max3A_983 = arith.maximumf %add3A_980, %max3A_982 : vector<16xf32>
    %mul3A_984 = arith.mulf %get3A_472, %mul3A_926 : vector<16xf32>
    %mul3A_985 = arith.mulf %get3A_477, %mul3A_927 : vector<16xf32>
    %add3A_986 = arith.addf %mul3A_984, %mul3A_985 : vector<16xf32>
    %mul3A_987 = arith.mulf %get3A_482, %max3A_976 : vector<16xf32>
    %add3A_988 = arith.addf %add3A_986, %mul3A_987 : vector<16xf32>
    %mul3A_989 = arith.mulf %get3A_487, %max3A_983 : vector<16xf32>
    %add3A_990 = arith.addf %add3A_988, %mul3A_989 : vector<16xf32>
    %add3A_991 = arith.addf %add3A_990, %get3A_492 : vector<16xf32>
    %neg3A_992 = arith.constant 0.000000e+00 : f32
    %neg3A_993 = vector.broadcast %neg3A_992 : f32 to vector<16xf32>
    %neg3A_994 = arith.subf %neg3A_993, %add3A_991 : vector<16xf32>
    %exp3A_995 = math.exp %neg3A_994 : vector<16xf32>
    %add3A_996 = arith.constant 1.000000e+00 : f32
    %add3A_997 = vector.broadcast %add3A_996 : f32 to vector<16xf32>
    %add3A_998 = arith.addf %add3A_997, %exp3A_995 : vector<16xf32>
    %div3A_999 = arith.constant 1.000000e+00 : f32
    %div3A_1000 = vector.broadcast %div3A_999 : f32 to vector<16xf32>
    %div3A_1001 = arith.divf %div3A_1000, %add3A_998 : vector<16xf32>
    %swap3A_1002 = arith.constant 48 : index
    %swap3A_1003 = tpu.vector_load %arg15[%swap3A_1002] {strides = array<i32>} : memref<512xf32, #tpu.memory_space<vmem>>, vector<16xf32>,
    %swap3A_1004 = vector.shape_cast %swap3A_1003 : vector<16xf32> to vector<16xf32>
    %swap3A_1005 = vector.shape_cast %div3A_1001 : vector<16xf32> to vector<16xf32>
    tpu.vector_store %arg15[%swap3A_1002], %swap3A_1005 {strides = array<i32>} : memref<512xf32, #tpu.memory_space<vmem>>, vector<16xf32>,
    %get3A_1006 = arith.constant 0 : i32
    %get3A_1007 = arith.index_cast %get3A_1006 : i32 to index
    %get3A_1008 = arith.constant 64 : index
    %get3A_1009 = tpu.vector_load %arg13[%get3A_1007, %get3A_1008] {strides = array<i32>} : memref<6x512xf32, #tpu.memory_space<vmem>>, vector<1x16xf32>,
    %get3A_1010 = vector.shape_cast %get3A_1009 : vector<1x16xf32> to vector<16xf32>
    %get3A_1011 = arith.constant 1 : i32
    %get3A_1012 = arith.index_cast %get3A_1011 : i32 to index
    %get3A_1013 = arith.constant 64 : index
    %get3A_1014 = tpu.vector_load %arg13[%get3A_1012, %get3A_1013] {strides = array<i32>} : memref<6x512xf32, #tpu.memory_space<vmem>>, vector<1x16xf32>,
    %get3A_1015 = vector.shape_cast %get3A_1014 : vector<1x16xf32> to vector<16xf32>
    %get3A_1016 = arith.constant 2 : i32
    %get3A_1017 = arith.index_cast %get3A_1016 : i32 to index
    %get3A_1018 = arith.constant 64 : index
    %get3A_1019 = tpu.vector_load %arg13[%get3A_1017, %get3A_1018] {strides = array<i32>} : memref<6x512xf32, #tpu.memory_space<vmem>>, vector<1x16xf32>,
    %get3A_1020 = vector.shape_cast %get3A_1019 : vector<1x16xf32> to vector<16xf32>
    %get3A_1021 = arith.constant 3 : i32
    %get3A_1022 = arith.index_cast %get3A_1021 : i32 to index
    %get3A_1023 = arith.constant 64 : index
    %get3A_1024 = tpu.vector_load %arg13[%get3A_1022, %get3A_1023] {strides = array<i32>} : memref<6x512xf32, #tpu.memory_space<vmem>>, vector<1x16xf32>,
    %get3A_1025 = vector.shape_cast %get3A_1024 : vector<1x16xf32> to vector<16xf32>
    %get3A_1026 = arith.constant 4 : i32
    %get3A_1027 = arith.index_cast %get3A_1026 : i32 to index
    %get3A_1028 = arith.constant 64 : index
    %get3A_1029 = tpu.vector_load %arg13[%get3A_1027, %get3A_1028] {strides = array<i32>} : memref<6x512xf32, #tpu.memory_space<vmem>>, vector<1x16xf32>,
    %get3A_1030 = vector.shape_cast %get3A_1029 : vector<1x16xf32> to vector<16xf32>
    %get3A_1031 = arith.constant 5 : i32
    %get3A_1032 = arith.index_cast %get3A_1031 : i32 to index
    %get3A_1033 = arith.constant 64 : index
    %get3A_1034 = tpu.vector_load %arg13[%get3A_1032, %get3A_1033] {strides = array<i32>} : memref<6x512xf32, #tpu.memory_space<vmem>>, vector<1x16xf32>,
    %get3A_1035 = vector.shape_cast %get3A_1034 : vector<1x16xf32> to vector<16xf32>
    %mul3A_1036 = arith.mulf %get3A_1010, %get3A_1020 : vector<16xf32>
    %mul3A_1037 = arith.mulf %get3A_1015, %get3A_1025 : vector<16xf32>
    %mul3A_1038 = arith.mulf %get3A_352, %get3A_1030 : vector<16xf32>
    %mul3A_1039 = arith.mulf %get3A_357, %get3A_1035 : vector<16xf32>
    %add3A_1040 = arith.addf %mul3A_1038, %mul3A_1039 : vector<16xf32>
    %add3A_1041 = arith.addf %add3A_1040, %get3A_432 : vector<16xf32>
    %max3A_1042 = arith.constant 0.000000e+00 : f32
    %max3A_1043 = vector.broadcast %max3A_1042 : f32 to vector<16xf32>
    %max3A_1044 = arith.maximumf %add3A_1041, %max3A_1043 : vector<16xf32>
    %mul3A_1045 = arith.mulf %get3A_362, %get3A_1030 : vector<16xf32>
    %mul3A_1046 = arith.mulf %get3A_367, %get3A_1035 : vector<16xf32>
    %add3A_1047 = arith.addf %mul3A_1045, %mul3A_1046 : vector<16xf32>
    %add3A_1048 = arith.addf %add3A_1047, %get3A_437 : vector<16xf32>
    %max3A_1049 = arith.constant 0.000000e+00 : f32
    %max3A_1050 = vector.broadcast %max3A_1049 : f32 to vector<16xf32>
    %max3A_1051 = arith.maximumf %add3A_1048, %max3A_1050 : vector<16xf32>
    %mul3A_1052 = arith.mulf %get3A_372, %max3A_1044 : vector<16xf32>
    %mul3A_1053 = arith.mulf %get3A_377, %max3A_1051 : vector<16xf32>
    %add3A_1054 = arith.addf %mul3A_1052, %mul3A_1053 : vector<16xf32>
    %add3A_1055 = arith.addf %add3A_1054, %get3A_442 : vector<16xf32>
    %max3A_1056 = arith.constant 0.000000e+00 : f32
    %max3A_1057 = vector.broadcast %max3A_1056 : f32 to vector<16xf32>
    %max3A_1058 = arith.maximumf %add3A_1055, %max3A_1057 : vector<16xf32>
    %mul3A_1059 = arith.mulf %get3A_382, %max3A_1044 : vector<16xf32>
    %mul3A_1060 = arith.mulf %get3A_387, %max3A_1051 : vector<16xf32>
    %add3A_1061 = arith.addf %mul3A_1059, %mul3A_1060 : vector<16xf32>
    %add3A_1062 = arith.addf %add3A_1061, %get3A_447 : vector<16xf32>
    %max3A_1063 = arith.constant 0.000000e+00 : f32
    %max3A_1064 = vector.broadcast %max3A_1063 : f32 to vector<16xf32>
    %max3A_1065 = arith.maximumf %add3A_1062, %max3A_1064 : vector<16xf32>
    %mul3A_1066 = arith.mulf %get3A_392, %max3A_1058 : vector<16xf32>
    %mul3A_1067 = arith.mulf %get3A_397, %max3A_1065 : vector<16xf32>
    %add3A_1068 = arith.addf %mul3A_1066, %mul3A_1067 : vector<16xf32>
    %add3A_1069 = arith.addf %add3A_1068, %get3A_452 : vector<16xf32>
    %max3A_1070 = arith.constant 0.000000e+00 : f32
    %max3A_1071 = vector.broadcast %max3A_1070 : f32 to vector<16xf32>
    %max3A_1072 = arith.maximumf %add3A_1069, %max3A_1071 : vector<16xf32>
    %mul3A_1073 = arith.mulf %get3A_402, %max3A_1058 : vector<16xf32>
    %mul3A_1074 = arith.mulf %get3A_407, %max3A_1065 : vector<16xf32>
    %add3A_1075 = arith.addf %mul3A_1073, %mul3A_1074 : vector<16xf32>
    %add3A_1076 = arith.addf %add3A_1075, %get3A_457 : vector<16xf32>
    %max3A_1077 = arith.constant 0.000000e+00 : f32
    %max3A_1078 = vector.broadcast %max3A_1077 : f32 to vector<16xf32>
    %max3A_1079 = arith.maximumf %add3A_1076, %max3A_1078 : vector<16xf32>
    %mul3A_1080 = arith.mulf %get3A_412, %max3A_1072 : vector<16xf32>
    %mul3A_1081 = arith.mulf %get3A_417, %max3A_1079 : vector<16xf32>
    %add3A_1082 = arith.addf %mul3A_1080, %mul3A_1081 : vector<16xf32>
    %add3A_1083 = arith.addf %add3A_1082, %get3A_462 : vector<16xf32>
    %max3A_1084 = arith.constant 0.000000e+00 : f32
    %max3A_1085 = vector.broadcast %max3A_1084 : f32 to vector<16xf32>
    %max3A_1086 = arith.maximumf %add3A_1083, %max3A_1085 : vector<16xf32>
    %mul3A_1087 = arith.mulf %get3A_422, %max3A_1072 : vector<16xf32>
    %mul3A_1088 = arith.mulf %get3A_427, %max3A_1079 : vector<16xf32>
    %add3A_1089 = arith.addf %mul3A_1087, %mul3A_1088 : vector<16xf32>
    %add3A_1090 = arith.addf %add3A_1089, %get3A_467 : vector<16xf32>
    %max3A_1091 = arith.constant 0.000000e+00 : f32
    %max3A_1092 = vector.broadcast %max3A_1091 : f32 to vector<16xf32>
    %max3A_1093 = arith.maximumf %add3A_1090, %max3A_1092 : vector<16xf32>
    %mul3A_1094 = arith.mulf %get3A_472, %mul3A_1036 : vector<16xf32>
    %mul3A_1095 = arith.mulf %get3A_477, %mul3A_1037 : vector<16xf32>
    %add3A_1096 = arith.addf %mul3A_1094, %mul3A_1095 : vector<16xf32>
    %mul3A_1097 = arith.mulf %get3A_482, %max3A_1086 : vector<16xf32>
    %add3A_1098 = arith.addf %add3A_1096, %mul3A_1097 : vector<16xf32>
    %mul3A_1099 = arith.mulf %get3A_487, %max3A_1093 : vector<16xf32>
    %add3A_1100 = arith.addf %add3A_1098, %mul3A_1099 : vector<16xf32>
    %add3A_1101 = arith.addf %add3A_1100, %get3A_492 : vector<16xf32>
    %neg3A_1102 = arith.constant 0.000000e+00 : f32
    %neg3A_1103 = vector.broadcast %neg3A_1102 : f32 to vector<16xf32>
    %neg3A_1104 = arith.subf %neg3A_1103, %add3A_1101 : vector<16xf32>
    %exp3A_1105 = math.exp %neg3A_1104 : vector<16xf32>
    %add3A_1106 = arith.constant 1.000000e+00 : f32
    %add3A_1107 = vector.broadcast %add3A_1106 : f32 to vector<16xf32>
    %add3A_1108 = arith.addf %add3A_1107, %exp3A_1105 : vector<16xf32>
    %div3A_1109 = arith.constant 1.000000e+00 : f32
    %div3A_1110 = vector.broadcast %div3A_1109 : f32 to vector<16xf32>
    %div3A_1111 = arith.divf %div3A_1110, %add3A_1108 : vector<16xf32>
    %swap3A_1112 = arith.constant 64 : index
    %swap3A_1113 = tpu.vector_load %arg15[%swap3A_1112] {strides = array<i32>} : memref<512xf32, #tpu.memory_space<vmem>>, vector<16xf32>,
    %swap3A_1114 = vector.shape_cast %swap3A_1113 : vector<16xf32> to vector<16xf32>
    %swap3A_1115 = vector.shape_cast %div3A_1111 : vector<16xf32> to vector<16xf32>
    tpu.vector_store %arg15[%swap3A_1112], %swap3A_1115 {strides = array<i32>} : memref<512xf32, #tpu.memory_space<vmem>>, vector<16xf32>,
    %get3A_1116 = arith.constant 0 : i32
    %get3A_1117 = arith.index_cast %get3A_1116 : i32 to index
    %get3A_1118 = arith.constant 80 : index
    %get3A_1119 = tpu.vector_load %arg13[%get3A_1117, %get3A_1118] {strides = array<i32>} : memref<6x512xf32, #tpu.memory_space<vmem>>, vector<1x16xf32>,
    %get3A_1120 = vector.shape_cast %get3A_1119 : vector<1x16xf32> to vector<16xf32>
    %get3A_1121 = arith.constant 1 : i32
    %get3A_1122 = arith.index_cast %get3A_1121 : i32 to index
    %get3A_1123 = arith.constant 80 : index
    %get3A_1124 = tpu.vector_load %arg13[%get3A_1122, %get3A_1123] {strides = array<i32>} : memref<6x512xf32, #tpu.memory_space<vmem>>, vector<1x16xf32>,
    %get3A_1125 = vector.shape_cast %get3A_1124 : vector<1x16xf32> to vector<16xf32>
    %get3A_1126 = arith.constant 2 : i32
    %get3A_1127 = arith.index_cast %get3A_1126 : i32 to index
    %get3A_1128 = arith.constant 80 : index
    %get3A_1129 = tpu.vector_load %arg13[%get3A_1127, %get3A_1128] {strides = array<i32>} : memref<6x512xf32, #tpu.memory_space<vmem>>, vector<1x16xf32>,
    %get3A_1130 = vector.shape_cast %get3A_1129 : vector<1x16xf32> to vector<16xf32>
    %get3A_1131 = arith.constant 3 : i32
    %get3A_1132 = arith.index_cast %get3A_1131 : i32 to index
    %get3A_1133 = arith.constant 80 : index
    %get3A_1134 = tpu.vector_load %arg13[%get3A_1132, %get3A_1133] {strides = array<i32>} : memref<6x512xf32, #tpu.memory_space<vmem>>, vector<1x16xf32>,
    %get3A_1135 = vector.shape_cast %get3A_1134 : vector<1x16xf32> to vector<16xf32>
    %get3A_1136 = arith.constant 4 : i32
    %get3A_1137 = arith.index_cast %get3A_1136 : i32 to index
    %get3A_1138 = arith.constant 80 : index
    %get3A_1139 = tpu.vector_load %arg13[%get3A_1137, %get3A_1138] {strides = array<i32>} : memref<6x512xf32, #tpu.memory_space<vmem>>, vector<1x16xf32>,
    %get3A_1140 = vector.shape_cast %get3A_1139 : vector<1x16xf32> to vector<16xf32>
    %get3A_1141 = arith.constant 5 : i32
    %get3A_1142 = arith.index_cast %get3A_1141 : i32 to index
    %get3A_1143 = arith.constant 80 : index
    %get3A_1144 = tpu.vector_load %arg13[%get3A_1142, %get3A_1143] {strides = array<i32>} : memref<6x512xf32, #tpu.memory_space<vmem>>, vector<1x16xf32>,
    %get3A_1145 = vector.shape_cast %get3A_1144 : vector<1x16xf32> to vector<16xf32>
    %mul3A_1146 = arith.mulf %get3A_1120, %get3A_1130 : vector<16xf32>
    %mul3A_1147 = arith.mulf %get3A_1125, %get3A_1135 : vector<16xf32>
    %mul3A_1148 = arith.mulf %get3A_352, %get3A_1140 : vector<16xf32>
    %mul3A_1149 = arith.mulf %get3A_357, %get3A_1145 : vector<16xf32>
    %add3A_1150 = arith.addf %mul3A_1148, %mul3A_1149 : vector<16xf32>
    %add3A_1151 = arith.addf %add3A_1150, %get3A_432 : vector<16xf32>
    %max3A_1152 = arith.constant 0.000000e+00 : f32
    %max3A_1153 = vector.broadcast %max3A_1152 : f32 to vector<16xf32>
    %max3A_1154 = arith.maximumf %add3A_1151, %max3A_1153 : vector<16xf32>
    %mul3A_1155 = arith.mulf %get3A_362, %get3A_1140 : vector<16xf32>
    %mul3A_1156 = arith.mulf %get3A_367, %get3A_1145 : vector<16xf32>
    %add3A_1157 = arith.addf %mul3A_1155, %mul3A_1156 : vector<16xf32>
    %add3A_1158 = arith.addf %add3A_1157, %get3A_437 : vector<16xf32>
    %max3A_1159 = arith.constant 0.000000e+00 : f32
    %max3A_1160 = vector.broadcast %max3A_1159 : f32 to vector<16xf32>
    %max3A_1161 = arith.maximumf %add3A_1158, %max3A_1160 : vector<16xf32>
    %mul3A_1162 = arith.mulf %get3A_372, %max3A_1154 : vector<16xf32>
    %mul3A_1163 = arith.mulf %get3A_377, %max3A_1161 : vector<16xf32>
    %add3A_1164 = arith.addf %mul3A_1162, %mul3A_1163 : vector<16xf32>
    %add3A_1165 = arith.addf %add3A_1164, %get3A_442 : vector<16xf32>
    %max3A_1166 = arith.constant 0.000000e+00 : f32
    %max3A_1167 = vector.broadcast %max3A_1166 : f32 to vector<16xf32>
    %max3A_1168 = arith.maximumf %add3A_1165, %max3A_1167 : vector<16xf32>
    %mul3A_1169 = arith.mulf %get3A_382, %max3A_1154 : vector<16xf32>
    %mul3A_1170 = arith.mulf %get3A_387, %max3A_1161 : vector<16xf32>
    %add3A_1171 = arith.addf %mul3A_1169, %mul3A_1170 : vector<16xf32>
    %add3A_1172 = arith.addf %add3A_1171, %get3A_447 : vector<16xf32>
    %max3A_1173 = arith.constant 0.000000e+00 : f32
    %max3A_1174 = vector.broadcast %max3A_1173 : f32 to vector<16xf32>
    %max3A_1175 = arith.maximumf %add3A_1172, %max3A_1174 : vector<16xf32>
    %mul3A_1176 = arith.mulf %get3A_392, %max3A_1168 : vector<16xf32>
    %mul3A_1177 = arith.mulf %get3A_397, %max3A_1175 : vector<16xf32>
    %add3A_1178 = arith.addf %mul3A_1176, %mul3A_1177 : vector<16xf32>
    %add3A_1179 = arith.addf %add3A_1178, %get3A_452 : vector<16xf32>
    %max3A_1180 = arith.constant 0.000000e+00 : f32
    %max3A_1181 = vector.broadcast %max3A_1180 : f32 to vector<16xf32>
    %max3A_1182 = arith.maximumf %add3A_1179, %max3A_1181 : vector<16xf32>
    %mul3A_1183 = arith.mulf %get3A_402, %max3A_1168 : vector<16xf32>
    %mul3A_1184 = arith.mulf %get3A_407, %max3A_1175 : vector<16xf32>
    %add3A_1185 = arith.addf %mul3A_1183, %mul3A_1184 : vector<16xf32>
    %add3A_1186 = arith.addf %add3A_1185, %get3A_457 : vector<16xf32>
    %max3A_1187 = arith.constant 0.000000e+00 : f32
    %max3A_1188 = vector.broadcast %max3A_1187 : f32 to vector<16xf32>
    %max3A_1189 = arith.maximumf %add3A_1186, %max3A_1188 : vector<16xf32>
    %mul3A_1190 = arith.mulf %get3A_412, %max3A_1182 : vector<16xf32>
    %mul3A_1191 = arith.mulf %get3A_417, %max3A_1189 : vector<16xf32>
    %add3A_1192 = arith.addf %mul3A_1190, %mul3A_1191 : vector<16xf32>
    %add3A_1193 = arith.addf %add3A_1192, %get3A_462 : vector<16xf32>
    %max3A_1194 = arith.constant 0.000000e+00 : f32
    %max3A_1195 = vector.broadcast %max3A_1194 : f32 to vector<16xf32>
    %max3A_1196 = arith.maximumf %add3A_1193, %max3A_1195 : vector<16xf32>
    %mul3A_1197 = arith.mulf %get3A_422, %max3A_1182 : vector<16xf32>
    %mul3A_1198 = arith.mulf %get3A_427, %max3A_1189 : vector<16xf32>
    %add3A_1199 = arith.addf %mul3A_1197, %mul3A_1198 : vector<16xf32>
    %add3A_1200 = arith.addf %add3A_1199, %get3A_467 : vector<16xf32>
    %max3A_1201 = arith.constant 0.000000e+00 : f32
    %max3A_1202 = vector.broadcast %max3A_1201 : f32 to vector<16xf32>
    %max3A_1203 = arith.maximumf %add3A_1200, %max3A_1202 : vector<16xf32>
    %mul3A_1204 = arith.mulf %get3A_472, %mul3A_1146 : vector<16xf32>
    %mul3A_1205 = arith.mulf %get3A_477, %mul3A_1147 : vector<16xf32>
    %add3A_1206 = arith.addf %mul3A_1204, %mul3A_1205 : vector<16xf32>
    %mul3A_1207 = arith.mulf %get3A_482, %max3A_1196 : vector<16xf32>
    %add3A_1208 = arith.addf %add3A_1206, %mul3A_1207 : vector<16xf32>
    %mul3A_1209 = arith.mulf %get3A_487, %max3A_1203 : vector<16xf32>
    %add3A_1210 = arith.addf %add3A_1208, %mul3A_1209 : vector<16xf32>
    %add3A_1211 = arith.addf %add3A_1210, %get3A_492 : vector<16xf32>
    %neg3A_1212 = arith.constant 0.000000e+00 : f32
    %neg3A_1213 = vector.broadcast %neg3A_1212 : f32 to vector<16xf32>
    %neg3A_1214 = arith.subf %neg3A_1213, %add3A_1211 : vector<16xf32>
    %exp3A_1215 = math.exp %neg3A_1214 : vector<16xf32>
    %add3A_1216 = arith.constant 1.000000e+00 : f32
    %add3A_1217 = vector.broadcast %add3A_1216 : f32 to vector<16xf32>
    %add3A_1218 = arith.addf %add3A_1217, %exp3A_1215 : vector<16xf32>
    %div3A_1219 = arith.constant 1.000000e+00 : f32
    %div3A_1220 = vector.broadcast %div3A_1219 : f32 to vector<16xf32>
    %div3A_1221 = arith.divf %div3A_1220, %add3A_1218 : vector<16xf32>
    %swap3A_1222 = arith.constant 80 : index
    %swap3A_1223 = tpu.vector_load %arg15[%swap3A_1222] {strides = array<i32>} : memref<512xf32, #tpu.memory_space<vmem>>, vector<16xf32>,
    %swap3A_1224 = vector.shape_cast %swap3A_1223 : vector<16xf32> to vector<16xf32>
    %swap3A_1225 = vector.shape_cast %div3A_1221 : vector<16xf32> to vector<16xf32>
    tpu.vector_store %arg15[%swap3A_1222], %swap3A_1225 {strides = array<i32>} : memref<512xf32, #tpu.memory_space<vmem>>, vector<16xf32>,
    %get3A_1226 = arith.constant 0 : i32
    %get3A_1227 = arith.index_cast %get3A_1226 : i32 to index
    %get3A_1228 = arith.constant 96 : index
    %get3A_1229 = tpu.vector_load %arg13[%get3A_1227, %get3A_1228] {strides = array<i32>} : memref<6x512xf32, #tpu.memory_space<vmem>>, vector<1x16xf32>,
    %get3A_1230 = vector.shape_cast %get3A_1229 : vector<1x16xf32> to vector<16xf32>
    %get3A_1231 = arith.constant 1 : i32
    %get3A_1232 = arith.index_cast %get3A_1231 : i32 to index
    %get3A_1233 = arith.constant 96 : index
    %get3A_1234 = tpu.vector_load %arg13[%get3A_1232, %get3A_1233] {strides = array<i32>} : memref<6x512xf32, #tpu.memory_space<vmem>>, vector<1x16xf32>,
    %get3A_1235 = vector.shape_cast %get3A_1234 : vector<1x16xf32> to vector<16xf32>
    %get3A_1236 = arith.constant 2 : i32
    %get3A_1237 = arith.index_cast %get3A_1236 : i32 to index
    %get3A_1238 = arith.constant 96 : index
    %get3A_1239 = tpu.vector_load %arg13[%get3A_1237, %get3A_1238] {strides = array<i32>} : memref<6x512xf32, #tpu.memory_space<vmem>>, vector<1x16xf32>,
    %get3A_1240 = vector.shape_cast %get3A_1239 : vector<1x16xf32> to vector<16xf32>
    %get3A_1241 = arith.constant 3 : i32
    %get3A_1242 = arith.index_cast %get3A_1241 : i32 to index
    %get3A_1243 = arith.constant 96 : index
    %get3A_1244 = tpu.vector_load %arg13[%get3A_1242, %get3A_1243] {strides = array<i32>} : memref<6x512xf32, #tpu.memory_space<vmem>>, vector<1x16xf32>,
    %get3A_1245 = vector.shape_cast %get3A_1244 : vector<1x16xf32> to vector<16xf32>
    %get3A_1246 = arith.constant 4 : i32
    %get3A_1247 = arith.index_cast %get3A_1246 : i32 to index
    %get3A_1248 = arith.constant 96 : index
    %get3A_1249 = tpu.vector_load %arg13[%get3A_1247, %get3A_1248] {strides = array<i32>} : memref<6x512xf32, #tpu.memory_space<vmem>>, vector<1x16xf32>,
    %get3A_1250 = vector.shape_cast %get3A_1249 : vector<1x16xf32> to vector<16xf32>
    %get3A_1251 = arith.constant 5 : i32
    %get3A_1252 = arith.index_cast %get3A_1251 : i32 to index
    %get3A_1253 = arith.constant 96 : index
    %get3A_1254 = tpu.vector_load %arg13[%get3A_1252, %get3A_1253] {strides = array<i32>} : memref<6x512xf32, #tpu.memory_space<vmem>>, vector<1x16xf32>,
    %get3A_1255 = vector.shape_cast %get3A_1254 : vector<1x16xf32> to vector<16xf32>
    %mul3A_1256 = arith.mulf %get3A_1230, %get3A_1240 : vector<16xf32>
    %mul3A_1257 = arith.mulf %get3A_1235, %get3A_1245 : vector<16xf32>
    %mul3A_1258 = arith.mulf %get3A_352, %get3A_1250 : vector<16xf32>
    %mul3A_1259 = arith.mulf %get3A_357, %get3A_1255 : vector<16xf32>
    %add3A_1260 = arith.addf %mul3A_1258, %mul3A_1259 : vector<16xf32>
    %add3A_1261 = arith.addf %add3A_1260, %get3A_432 : vector<16xf32>
    %max3A_1262 = arith.constant 0.000000e+00 : f32
    %max3A_1263 = vector.broadcast %max3A_1262 : f32 to vector<16xf32>
    %max3A_1264 = arith.maximumf %add3A_1261, %max3A_1263 : vector<16xf32>
    %mul3A_1265 = arith.mulf %get3A_362, %get3A_1250 : vector<16xf32>
    %mul3A_1266 = arith.mulf %get3A_367, %get3A_1255 : vector<16xf32>
    %add3A_1267 = arith.addf %mul3A_1265, %mul3A_1266 : vector<16xf32>
    %add3A_1268 = arith.addf %add3A_1267, %get3A_437 : vector<16xf32>
    %max3A_1269 = arith.constant 0.000000e+00 : f32
    %max3A_1270 = vector.broadcast %max3A_1269 : f32 to vector<16xf32>
    %max3A_1271 = arith.maximumf %add3A_1268, %max3A_1270 : vector<16xf32>
    %mul3A_1272 = arith.mulf %get3A_372, %max3A_1264 : vector<16xf32>
    %mul3A_1273 = arith.mulf %get3A_377, %max3A_1271 : vector<16xf32>
    %add3A_1274 = arith.addf %mul3A_1272, %mul3A_1273 : vector<16xf32>
    %add3A_1275 = arith.addf %add3A_1274, %get3A_442 : vector<16xf32>
    %max3A_1276 = arith.constant 0.000000e+00 : f32
    %max3A_1277 = vector.broadcast %max3A_1276 : f32 to vector<16xf32>
    %max3A_1278 = arith.maximumf %add3A_1275, %max3A_1277 : vector<16xf32>
    %mul3A_1279 = arith.mulf %get3A_382, %max3A_1264 : vector<16xf32>
    %mul3A_1280 = arith.mulf %get3A_387, %max3A_1271 : vector<16xf32>
    %add3A_1281 = arith.addf %mul3A_1279, %mul3A_1280 : vector<16xf32>
    %add3A_1282 = arith.addf %add3A_1281, %get3A_447 : vector<16xf32>
    %max3A_1283 = arith.constant 0.000000e+00 : f32
    %max3A_1284 = vector.broadcast %max3A_1283 : f32 to vector<16xf32>
    %max3A_1285 = arith.maximumf %add3A_1282, %max3A_1284 : vector<16xf32>
    %mul3A_1286 = arith.mulf %get3A_392, %max3A_1278 : vector<16xf32>
    %mul3A_1287 = arith.mulf %get3A_397, %max3A_1285 : vector<16xf32>
    %add3A_1288 = arith.addf %mul3A_1286, %mul3A_1287 : vector<16xf32>
    %add3A_1289 = arith.addf %add3A_1288, %get3A_452 : vector<16xf32>
    %max3A_1290 = arith.constant 0.000000e+00 : f32
    %max3A_1291 = vector.broadcast %max3A_1290 : f32 to vector<16xf32>
    %max3A_1292 = arith.maximumf %add3A_1289, %max3A_1291 : vector<16xf32>
    %mul3A_1293 = arith.mulf %get3A_402, %max3A_1278 : vector<16xf32>
    %mul3A_1294 = arith.mulf %get3A_407, %max3A_1285 : vector<16xf32>
    %add3A_1295 = arith.addf %mul3A_1293, %mul3A_1294 : vector<16xf32>
    %add3A_1296 = arith.addf %add3A_1295, %get3A_457 : vector<16xf32>
    %max3A_1297 = arith.constant 0.000000e+00 : f32
    %max3A_1298 = vector.broadcast %max3A_1297 : f32 to vector<16xf32>
    %max3A_1299 = arith.maximumf %add3A_1296, %max3A_1298 : vector<16xf32>
    %mul3A_1300 = arith.mulf %get3A_412, %max3A_1292 : vector<16xf32>
    %mul3A_1301 = arith.mulf %get3A_417, %max3A_1299 : vector<16xf32>
    %add3A_1302 = arith.addf %mul3A_1300, %mul3A_1301 : vector<16xf32>
    %add3A_1303 = arith.addf %add3A_1302, %get3A_462 : vector<16xf32>
    %max3A_1304 = arith.constant 0.000000e+00 : f32
    %max3A_1305 = vector.broadcast %max3A_1304 : f32 to vector<16xf32>
    %max3A_1306 = arith.maximumf %add3A_1303, %max3A_1305 : vector<16xf32>
    %mul3A_1307 = arith.mulf %get3A_422, %max3A_1292 : vector<16xf32>
    %mul3A_1308 = arith.mulf %get3A_427, %max3A_1299 : vector<16xf32>
    %add3A_1309 = arith.addf %mul3A_1307, %mul3A_1308 : vector<16xf32>
    %add3A_1310 = arith.addf %add3A_1309, %get3A_467 : vector<16xf32>
    %max3A_1311 = arith.constant 0.000000e+00 : f32
    %max3A_1312 = vector.broadcast %max3A_1311 : f32 to vector<16xf32>
    %max3A_1313 = arith.maximumf %add3A_1310, %max3A_1312 : vector<16xf32>
    %mul3A_1314 = arith.mulf %get3A_472, %mul3A_1256 : vector<16xf32>
    %mul3A_1315 = arith.mulf %get3A_477, %mul3A_1257 : vector<16xf32>
    %add3A_1316 = arith.addf %mul3A_1314, %mul3A_1315 : vector<16xf32>
    %mul3A_1317 = arith.mulf %get3A_482, %max3A_1306 : vector<16xf32>
    %add3A_1318 = arith.addf %add3A_1316, %mul3A_1317 : vector<16xf32>
    %mul3A_1319 = arith.mulf %get3A_487, %max3A_1313 : vector<16xf32>
    %add3A_1320 = arith.addf %add3A_1318, %mul3A_1319 : vector<16xf32>
    %add3A_1321 = arith.addf %add3A_1320, %get3A_492 : vector<16xf32>
    %neg3A_1322 = arith.constant 0.000000e+00 : f32
    %neg3A_1323 = vector.broadcast %neg3A_1322 : f32 to vector<16xf32>
    %neg3A_1324 = arith.subf %neg3A_1323, %add3A_1321 : vector<16xf32>
    %exp3A_1325 = math.exp %neg3A_1324 : vector<16xf32>
    %add3A_1326 = arith.constant 1.000000e+00 : f32
    %add3A_1327 = vector.broadcast %add3A_1326 : f32 to vector<16xf32>
    %add3A_1328 = arith.addf %add3A_1327, %exp3A_1325 : vector<16xf32>
    %div3A_1329 = arith.constant 1.000000e+00 : f32
    %div3A_1330 = vector.broadcast %div3A_1329 : f32 to vector<16xf32>
    %div3A_1331 = arith.divf %div3A_1330, %add3A_1328 : vector<16xf32>
    %swap3A_1332 = arith.constant 96 : index
    %swap3A_1333 = tpu.vector_load %arg15[%swap3A_1332] {strides = array<i32>} : memref<512xf32, #tpu.memory_space<vmem>>, vector<16xf32>,
    %swap3A_1334 = vector.shape_cast %swap3A_1333 : vector<16xf32> to vector<16xf32>
    %swap3A_1335 = vector.shape_cast %div3A_1331 : vector<16xf32> to vector<16xf32>
    tpu.vector_store %arg15[%swap3A_1332], %swap3A_1335 {strides = array<i32>} : memref<512xf32, #tpu.memory_space<vmem>>, vector<16xf32>,
    %get3A_1336 = arith.constant 0 : i32
    %get3A_1337 = arith.index_cast %get3A_1336 : i32 to index
    %get3A_1338 = arith.constant 112 : index
    %get3A_1339 = tpu.vector_load %arg13[%get3A_1337, %get3A_1338] {strides = array<i32>} : memref<6x512xf32, #tpu.memory_space<vmem>>, vector<1x16xf32>,
    %get3A_1340 = vector.shape_cast %get3A_1339 : vector<1x16xf32> to vector<16xf32>
    %get3A_1341 = arith.constant 1 : i32
    %get3A_1342 = arith.index_cast %get3A_1341 : i32 to index
    %get3A_1343 = arith.constant 112 : index
    %get3A_1344 = tpu.vector_load %arg13[%get3A_1342, %get3A_1343] {strides = array<i32>} : memref<6x512xf32, #tpu.memory_space<vmem>>, vector<1x16xf32>,
    %get3A_1345 = vector.shape_cast %get3A_1344 : vector<1x16xf32> to vector<16xf32>
    %get3A_1346 = arith.constant 2 : i32
    %get3A_1347 = arith.index_cast %get3A_1346 : i32 to index
    %get3A_1348 = arith.constant 112 : index
    %get3A_1349 = tpu.vector_load %arg13[%get3A_1347, %get3A_1348] {strides = array<i32>} : memref<6x512xf32, #tpu.memory_space<vmem>>, vector<1x16xf32>,
    %get3A_1350 = vector.shape_cast %get3A_1349 : vector<1x16xf32> to vector<16xf32>
    %get3A_1351 = arith.constant 3 : i32
    %get3A_1352 = arith.index_cast %get3A_1351 : i32 to index
    %get3A_1353 = arith.constant 112 : index
    %get3A_1354 = tpu.vector_load %arg13[%get3A_1352, %get3A_1353] {strides = array<i32>} : memref<6x512xf32, #tpu.memory_space<vmem>>, vector<1x16xf32>,
    %get3A_1355 = vector.shape_cast %get3A_1354 : vector<1x16xf32> to vector<16xf32>
    %get3A_1356 = arith.constant 4 : i32
    %get3A_1357 = arith.index_cast %get3A_1356 : i32 to index
    %get3A_1358 = arith.constant 112 : index
    %get3A_1359 = tpu.vector_load %arg13[%get3A_1357, %get3A_1358] {strides = array<i32>} : memref<6x512xf32, #tpu.memory_space<vmem>>, vector<1x16xf32>,
    %get3A_1360 = vector.shape_cast %get3A_1359 : vector<1x16xf32> to vector<16xf32>
    %get3A_1361 = arith.constant 5 : i32
    %get3A_1362 = arith.index_cast %get3A_1361 : i32 to index
    %get3A_1363 = arith.constant 112 : index
    %get3A_1364 = tpu.vector_load %arg13[%get3A_1362, %get3A_1363] {strides = array<i32>} : memref<6x512xf32, #tpu.memory_space<vmem>>, vector<1x16xf32>,
    %get3A_1365 = vector.shape_cast %get3A_1364 : vector<1x16xf32> to vector<16xf32>
    %mul3A_1366 = arith.mulf %get3A_1340, %get3A_1350 : vector<16xf32>
    %mul3A_1367 = arith.mulf %get3A_1345, %get3A_1355 : vector<16xf32>
    %mul3A_1368 = arith.mulf %get3A_352, %get3A_1360 : vector<16xf32>
    %mul3A_1369 = arith.mulf %get3A_357, %get3A_1365 : vector<16xf32>
    %add3A_1370 = arith.addf %mul3A_1368, %mul3A_1369 : vector<16xf32>
    %add3A_1371 = arith.addf %add3A_1370, %get3A_432 : vector<16xf32>
    %max3A_1372 = arith.constant 0.000000e+00 : f32
    %max3A_1373 = vector.broadcast %max3A_1372 : f32 to vector<16xf32>
    %max3A_1374 = arith.maximumf %add3A_1371, %max3A_1373 : vector<16xf32>
    %mul3A_1375 = arith.mulf %get3A_362, %get3A_1360 : vector<16xf32>
    %mul3A_1376 = arith.mulf %get3A_367, %get3A_1365 : vector<16xf32>
    %add3A_1377 = arith.addf %mul3A_1375, %mul3A_1376 : vector<16xf32>
    %add3A_1378 = arith.addf %add3A_1377, %get3A_437 : vector<16xf32>
    %max3A_1379 = arith.constant 0.000000e+00 : f32
    %max3A_1380 = vector.broadcast %max3A_1379 : f32 to vector<16xf32>
    %max3A_1381 = arith.maximumf %add3A_1378, %max3A_1380 : vector<16xf32>
    %mul3A_1382 = arith.mulf %get3A_372, %max3A_1374 : vector<16xf32>
    %mul3A_1383 = arith.mulf %get3A_377, %max3A_1381 : vector<16xf32>
    %add3A_1384 = arith.addf %mul3A_1382, %mul3A_1383 : vector<16xf32>
    %add3A_1385 = arith.addf %add3A_1384, %get3A_442 : vector<16xf32>
    %max3A_1386 = arith.constant 0.000000e+00 : f32
    %max3A_1387 = vector.broadcast %max3A_1386 : f32 to vector<16xf32>
    %max3A_1388 = arith.maximumf %add3A_1385, %max3A_1387 : vector<16xf32>
    %mul3A_1389 = arith.mulf %get3A_382, %max3A_1374 : vector<16xf32>
    %mul3A_1390 = arith.mulf %get3A_387, %max3A_1381 : vector<16xf32>
    %add3A_1391 = arith.addf %mul3A_1389, %mul3A_1390 : vector<16xf32>
    %add3A_1392 = arith.addf %add3A_1391, %get3A_447 : vector<16xf32>
    %max3A_1393 = arith.constant 0.000000e+00 : f32
    %max3A_1394 = vector.broadcast %max3A_1393 : f32 to vector<16xf32>
    %max3A_1395 = arith.maximumf %add3A_1392, %max3A_1394 : vector<16xf32>
    %mul3A_1396 = arith.mulf %get3A_392, %max3A_1388 : vector<16xf32>
    %mul3A_1397 = arith.mulf %get3A_397, %max3A_1395 : vector<16xf32>
    %add3A_1398 = arith.addf %mul3A_1396, %mul3A_1397 : vector<16xf32>
    %add3A_1399 = arith.addf %add3A_1398, %get3A_452 : vector<16xf32>
    %max3A_1400 = arith.constant 0.000000e+00 : f32
    %max3A_1401 = vector.broadcast %max3A_1400 : f32 to vector<16xf32>
    %max3A_1402 = arith.maximumf %add3A_1399, %max3A_1401 : vector<16xf32>
    %mul3A_1403 = arith.mulf %get3A_402, %max3A_1388 : vector<16xf32>
    %mul3A_1404 = arith.mulf %get3A_407, %max3A_1395 : vector<16xf32>
    %add3A_1405 = arith.addf %mul3A_1403, %mul3A_1404 : vector<16xf32>
    %add3A_1406 = arith.addf %add3A_1405, %get3A_457 : vector<16xf32>
    %max3A_1407 = arith.constant 0.000000e+00 : f32
    %max3A_1408 = vector.broadcast %max3A_1407 : f32 to vector<16xf32>
    %max3A_1409 = arith.maximumf %add3A_1406, %max3A_1408 : vector<16xf32>
    %mul3A_1410 = arith.mulf %get3A_412, %max3A_1402 : vector<16xf32>
    %mul3A_1411 = arith.mulf %get3A_417, %max3A_1409 : vector<16xf32>
    %add3A_1412 = arith.addf %mul3A_1410, %mul3A_1411 : vector<16xf32>
    %add3A_1413 = arith.addf %add3A_1412, %get3A_462 : vector<16xf32>
    %max3A_1414 = arith.constant 0.000000e+00 : f32
    %max3A_1415 = vector.broadcast %max3A_1414 : f32 to vector<16xf32>
    %max3A_1416 = arith.maximumf %add3A_1413, %max3A_1415 : vector<16xf32>
    %mul3A_1417 = arith.mulf %get3A_422, %max3A_1402 : vector<16xf32>
    %mul3A_1418 = arith.mulf %get3A_427, %max3A_1409 : vector<16xf32>
    %add3A_1419 = arith.addf %mul3A_1417, %mul3A_1418 : vector<16xf32>
    %add3A_1420 = arith.addf %add3A_1419, %get3A_467 : vector<16xf32>
    %max3A_1421 = arith.constant 0.000000e+00 : f32
    %max3A_1422 = vector.broadcast %max3A_1421 : f32 to vector<16xf32>
    %max3A_1423 = arith.maximumf %add3A_1420, %max3A_1422 : vector<16xf32>
    %mul3A_1424 = arith.mulf %get3A_472, %mul3A_1366 : vector<16xf32>
    %mul3A_1425 = arith.mulf %get3A_477, %mul3A_1367 : vector<16xf32>
    %add3A_1426 = arith.addf %mul3A_1424, %mul3A_1425 : vector<16xf32>
    %mul3A_1427 = arith.mulf %get3A_482, %max3A_1416 : vector<16xf32>
    %add3A_1428 = arith.addf %add3A_1426, %mul3A_1427 : vector<16xf32>
    %mul3A_1429 = arith.mulf %get3A_487, %max3A_1423 : vector<16xf32>
    %add3A_1430 = arith.addf %add3A_1428, %mul3A_1429 : vector<16xf32>
    %add3A_1431 = arith.addf %add3A_1430, %get3A_492 : vector<16xf32>
    %neg3A_1432 = arith.constant 0.000000e+00 : f32
    %neg3A_1433 = vector.broadcast %neg3A_1432 : f32 to vector<16xf32>
    %neg3A_1434 = arith.subf %neg3A_1433, %add3A_1431 : vector<16xf32>
    %exp3A_1435 = math.exp %neg3A_1434 : vector<16xf32>
    %add3A_1436 = arith.constant 1.000000e+00 : f32
    %add3A_1437 = vector.broadcast %add3A_1436 : f32 to vector<16xf32>
    %add3A_1438 = arith.addf %add3A_1437, %exp3A_1435 : vector<16xf32>
    %div3A_1439 = arith.constant 1.000000e+00 : f32
    %div3A_1440 = vector.broadcast %div3A_1439 : f32 to vector<16xf32>
    %div3A_1441 = arith.divf %div3A_1440, %add3A_1438 : vector<16xf32>
    %swap3A_1442 = arith.constant 112 : index
    %swap3A_1443 = tpu.vector_load %arg15[%swap3A_1442] {strides = array<i32>} : memref<512xf32, #tpu.memory_space<vmem>>, vector<16xf32>,
    %swap3A_1444 = vector.shape_cast %swap3A_1443 : vector<16xf32> to vector<16xf32>
    %swap3A_1445 = vector.shape_cast %div3A_1441 : vector<16xf32> to vector<16xf32>
    tpu.vector_store %arg15[%swap3A_1442], %swap3A_1445 {strides = array<i32>} : memref<512xf32, #tpu.memory_space<vmem>>, vector<16xf32>,
    %dma_wait3A_1446 = arith.constant 0 : i32
    %dma_wait3A_1447 = arith.constant 0 : i32
    %dma_wait3A_1448 = arith.constant 1 : i32
    %dma_wait3A_1449 = arith.constant 128 : i32
    %dma_wait3A_1450 = tpu.memref_slice %arg13[%dma_wait3A_1447, %dma_wait3A_1449] : memref<6x512xf32, #tpu.memory_space<vmem>> -> memref<1x128xf32, #tpu.memory_space<vmem>>
    %dma_wait3A_1451 = tpu.memref_squeeze %dma_wait3A_1450 : memref<1x128xf32, #tpu.memory_space<vmem>> -> memref<128xf32, #tpu.memory_space<vmem>>
    %dma_wait3A_1452 = arith.constant 128 : i32
    %dma_wait3A_1453 = tpu.memref_slice %arg12[%dma_wait3A_1446, %dma_wait3A_1452] : memref<2x512xi32, #tpu.memory_space<vmem>> -> memref<1x128xi32, #tpu.memory_space<vmem>>
    %dma_wait3A_1454 = tpu.memref_squeeze %dma_wait3A_1453 : memref<1x128xi32, #tpu.memory_space<vmem>> -> memref<128xi32, #tpu.memory_space<vmem>>
    %dma_wait3A_1455 = arith.constant 0 : i32
    %dma_wait3A_1456 = tpu.memref_slice %arg4[%dma_wait3A_1455] : memref<8388608xf32, #tpu.memory_space<hbm>> -> memref<8388608xf32, #tpu.memory_space<hbm>>
    %dma_wait3A_1457 = tpu.memref_slice %arg17[%dma_wait3A_1448] : memref<4x!tpu.dma_semaphore, #tpu.memory_space<semaphore_mem>> -> memref<1x!tpu.dma_semaphore, #tpu.memory_space<semaphore_mem>>
    %dma_wait3A_1458 = tpu.memref_squeeze %dma_wait3A_1457 : memref<1x!tpu.dma_semaphore, #tpu.memory_space<semaphore_mem>> -> memref<!tpu.dma_semaphore, #tpu.memory_space<semaphore_mem>>
    tpu.wait_indirect_dma semaphore(%dma_wait3A_1458 : memref<!tpu.dma_semaphore, #tpu.memory_space<semaphore_mem>>) src(%dma_wait3A_1456 : memref<8388608xf32, #tpu.memory_space<hbm>>) dst(%dma_wait3A_1451 : memref<128xf32, #tpu.memory_space<vmem>>)
    %dma_wait3A_1459 = arith.constant 0 : i32
    %dma_wait3A_1460 = arith.constant 1 : i32
    %dma_wait3A_1461 = arith.constant 1 : i32
    %dma_wait3A_1462 = arith.constant 128 : i32
    %dma_wait3A_1463 = tpu.memref_slice %arg13[%dma_wait3A_1460, %dma_wait3A_1462] : memref<6x512xf32, #tpu.memory_space<vmem>> -> memref<1x128xf32, #tpu.memory_space<vmem>>
    %dma_wait3A_1464 = tpu.memref_squeeze %dma_wait3A_1463 : memref<1x128xf32, #tpu.memory_space<vmem>> -> memref<128xf32, #tpu.memory_space<vmem>>
    %dma_wait3A_1465 = arith.constant 128 : i32
    %dma_wait3A_1466 = tpu.memref_slice %arg12[%dma_wait3A_1459, %dma_wait3A_1465] : memref<2x512xi32, #tpu.memory_space<vmem>> -> memref<1x128xi32, #tpu.memory_space<vmem>>
    %dma_wait3A_1467 = tpu.memref_squeeze %dma_wait3A_1466 : memref<1x128xi32, #tpu.memory_space<vmem>> -> memref<128xi32, #tpu.memory_space<vmem>>
    %dma_wait3A_1468 = arith.constant 0 : i32
    %dma_wait3A_1469 = tpu.memref_slice %arg5[%dma_wait3A_1468] : memref<8388608xf32, #tpu.memory_space<hbm>> -> memref<8388608xf32, #tpu.memory_space<hbm>>
    %dma_wait3A_1470 = tpu.memref_slice %arg17[%dma_wait3A_1461] : memref<4x!tpu.dma_semaphore, #tpu.memory_space<semaphore_mem>> -> memref<1x!tpu.dma_semaphore, #tpu.memory_space<semaphore_mem>>
    %dma_wait3A_1471 = tpu.memref_squeeze %dma_wait3A_1470 : memref<1x!tpu.dma_semaphore, #tpu.memory_space<semaphore_mem>> -> memref<!tpu.dma_semaphore, #tpu.memory_space<semaphore_mem>>
    tpu.wait_indirect_dma semaphore(%dma_wait3A_1471 : memref<!tpu.dma_semaphore, #tpu.memory_space<semaphore_mem>>) src(%dma_wait3A_1469 : memref<8388608xf32, #tpu.memory_space<hbm>>) dst(%dma_wait3A_1464 : memref<128xf32, #tpu.memory_space<vmem>>)
    %dma_wait3A_1472 = arith.constant 1 : i32
    %dma_wait3A_1473 = arith.constant 2 : i32
    %dma_wait3A_1474 = arith.constant 1 : i32
    %dma_wait3A_1475 = arith.constant 128 : i32
    %dma_wait3A_1476 = tpu.memref_slice %arg13[%dma_wait3A_1473, %dma_wait3A_1475] : memref<6x512xf32, #tpu.memory_space<vmem>> -> memref<1x128xf32, #tpu.memory_space<vmem>>
    %dma_wait3A_1477 = tpu.memref_squeeze %dma_wait3A_1476 : memref<1x128xf32, #tpu.memory_space<vmem>> -> memref<128xf32, #tpu.memory_space<vmem>>
    %dma_wait3A_1478 = arith.constant 128 : i32
    %dma_wait3A_1479 = tpu.memref_slice %arg12[%dma_wait3A_1472, %dma_wait3A_1478] : memref<2x512xi32, #tpu.memory_space<vmem>> -> memref<1x128xi32, #tpu.memory_space<vmem>>
    %dma_wait3A_1480 = tpu.memref_squeeze %dma_wait3A_1479 : memref<1x128xi32, #tpu.memory_space<vmem>> -> memref<128xi32, #tpu.memory_space<vmem>>
    %dma_wait3A_1481 = arith.constant 0 : i32
    %dma_wait3A_1482 = tpu.memref_slice %arg6[%dma_wait3A_1481] : memref<8388608xf32, #tpu.memory_space<hbm>> -> memref<8388608xf32, #tpu.memory_space<hbm>>
    %dma_wait3A_1483 = tpu.memref_slice %arg17[%dma_wait3A_1474] : memref<4x!tpu.dma_semaphore, #tpu.memory_space<semaphore_mem>> -> memref<1x!tpu.dma_semaphore, #tpu.memory_space<semaphore_mem>>
    %dma_wait3A_1484 = tpu.memref_squeeze %dma_wait3A_1483 : memref<1x!tpu.dma_semaphore, #tpu.memory_space<semaphore_mem>> -> memref<!tpu.dma_semaphore, #tpu.memory_space<semaphore_mem>>
    tpu.wait_indirect_dma semaphore(%dma_wait3A_1484 : memref<!tpu.dma_semaphore, #tpu.memory_space<semaphore_mem>>) src(%dma_wait3A_1482 : memref<8388608xf32, #tpu.memory_space<hbm>>) dst(%dma_wait3A_1477 : memref<128xf32, #tpu.memory_space<vmem>>)
    %dma_wait3A_1485 = arith.constant 1 : i32
    %dma_wait3A_1486 = arith.constant 3 : i32
    %dma_wait3A_1487 = arith.constant 1 : i32
    %dma_wait3A_1488 = arith.constant 128 : i32
    %dma_wait3A_1489 = tpu.memref_slice %arg13[%dma_wait3A_1486, %dma_wait3A_1488] : memref<6x512xf32, #tpu.memory_space<vmem>> -> memref<1x128xf32, #tpu.memory_space<vmem>>
    %dma_wait3A_1490 = tpu.memref_squeeze %dma_wait3A_1489 : memref<1x128xf32, #tpu.memory_space<vmem>> -> memref<128xf32, #tpu.memory_space<vmem>>
    %dma_wait3A_1491 = arith.constant 128 : i32
    %dma_wait3A_1492 = tpu.memref_slice %arg12[%dma_wait3A_1485, %dma_wait3A_1491] : memref<2x512xi32, #tpu.memory_space<vmem>> -> memref<1x128xi32, #tpu.memory_space<vmem>>
    %dma_wait3A_1493 = tpu.memref_squeeze %dma_wait3A_1492 : memref<1x128xi32, #tpu.memory_space<vmem>> -> memref<128xi32, #tpu.memory_space<vmem>>
    %dma_wait3A_1494 = arith.constant 0 : i32
    %dma_wait3A_1495 = tpu.memref_slice %arg7[%dma_wait3A_1494] : memref<8388608xf32, #tpu.memory_space<hbm>> -> memref<8388608xf32, #tpu.memory_space<hbm>>
    %dma_wait3A_1496 = tpu.memref_slice %arg17[%dma_wait3A_1487] : memref<4x!tpu.dma_semaphore, #tpu.memory_space<semaphore_mem>> -> memref<1x!tpu.dma_semaphore, #tpu.memory_space<semaphore_mem>>
    %dma_wait3A_1497 = tpu.memref_squeeze %dma_wait3A_1496 : memref<1x!tpu.dma_semaphore, #tpu.memory_space<semaphore_mem>> -> memref<!tpu.dma_semaphore, #tpu.memory_space<semaphore_mem>>
    tpu.wait_indirect_dma semaphore(%dma_wait3A_1497 : memref<!tpu.dma_semaphore, #tpu.memory_space<semaphore_mem>>) src(%dma_wait3A_1495 : memref<8388608xf32, #tpu.memory_space<hbm>>) dst(%dma_wait3A_1490 : memref<128xf32, #tpu.memory_space<vmem>>)
    %dma_wait3A_1498 = arith.constant 0 : i32
    %dma_wait3A_1499 = arith.constant 4 : i32
    %dma_wait3A_1500 = arith.constant 1 : i32
    %dma_wait3A_1501 = arith.constant 128 : i32
    %dma_wait3A_1502 = tpu.memref_slice %arg13[%dma_wait3A_1499, %dma_wait3A_1501] : memref<6x512xf32, #tpu.memory_space<vmem>> -> memref<1x128xf32, #tpu.memory_space<vmem>>
    %dma_wait3A_1503 = tpu.memref_squeeze %dma_wait3A_1502 : memref<1x128xf32, #tpu.memory_space<vmem>> -> memref<128xf32, #tpu.memory_space<vmem>>
    %dma_wait3A_1504 = arith.constant 128 : i32
    %dma_wait3A_1505 = tpu.memref_slice %arg12[%dma_wait3A_1498, %dma_wait3A_1504] : memref<2x512xi32, #tpu.memory_space<vmem>> -> memref<1x128xi32, #tpu.memory_space<vmem>>
    %dma_wait3A_1506 = tpu.memref_squeeze %dma_wait3A_1505 : memref<1x128xi32, #tpu.memory_space<vmem>> -> memref<128xi32, #tpu.memory_space<vmem>>
    %dma_wait3A_1507 = arith.constant 0 : i32
    %dma_wait3A_1508 = tpu.memref_slice %arg8[%dma_wait3A_1507] : memref<8388608xf32, #tpu.memory_space<hbm>> -> memref<8388608xf32, #tpu.memory_space<hbm>>
    %dma_wait3A_1509 = tpu.memref_slice %arg17[%dma_wait3A_1500] : memref<4x!tpu.dma_semaphore, #tpu.memory_space<semaphore_mem>> -> memref<1x!tpu.dma_semaphore, #tpu.memory_space<semaphore_mem>>
    %dma_wait3A_1510 = tpu.memref_squeeze %dma_wait3A_1509 : memref<1x!tpu.dma_semaphore, #tpu.memory_space<semaphore_mem>> -> memref<!tpu.dma_semaphore, #tpu.memory_space<semaphore_mem>>
    tpu.wait_indirect_dma semaphore(%dma_wait3A_1510 : memref<!tpu.dma_semaphore, #tpu.memory_space<semaphore_mem>>) src(%dma_wait3A_1508 : memref<8388608xf32, #tpu.memory_space<hbm>>) dst(%dma_wait3A_1503 : memref<128xf32, #tpu.memory_space<vmem>>)
    %dma_wait3A_1511 = arith.constant 1 : i32
    %dma_wait3A_1512 = arith.constant 5 : i32
    %dma_wait3A_1513 = arith.constant 1 : i32
    %dma_wait3A_1514 = arith.constant 128 : i32
    %dma_wait3A_1515 = tpu.memref_slice %arg13[%dma_wait3A_1512, %dma_wait3A_1514] : memref<6x512xf32, #tpu.memory_space<vmem>> -> memref<1x128xf32, #tpu.memory_space<vmem>>
    %dma_wait3A_1516 = tpu.memref_squeeze %dma_wait3A_1515 : memref<1x128xf32, #tpu.memory_space<vmem>> -> memref<128xf32, #tpu.memory_space<vmem>>
    %dma_wait3A_1517 = arith.constant 128 : i32
    %dma_wait3A_1518 = tpu.memref_slice %arg12[%dma_wait3A_1511, %dma_wait3A_1517] : memref<2x512xi32, #tpu.memory_space<vmem>> -> memref<1x128xi32, #tpu.memory_space<vmem>>
    %dma_wait3A_1519 = tpu.memref_squeeze %dma_wait3A_1518 : memref<1x128xi32, #tpu.memory_space<vmem>> -> memref<128xi32, #tpu.memory_space<vmem>>
    %dma_wait3A_1520 = arith.constant 0 : i32
    %dma_wait3A_1521 = tpu.memref_slice %arg9[%dma_wait3A_1520] : memref<8388608xf32, #tpu.memory_space<hbm>> -> memref<8388608xf32, #tpu.memory_space<hbm>>
    %dma_wait3A_1522 = tpu.memref_slice %arg17[%dma_wait3A_1513] : memref<4x!tpu.dma_semaphore, #tpu.memory_space<semaphore_mem>> -> memref<1x!tpu.dma_semaphore, #tpu.memory_space<semaphore_mem>>
    %dma_wait3A_1523 = tpu.memref_squeeze %dma_wait3A_1522 : memref<1x!tpu.dma_semaphore, #tpu.memory_space<semaphore_mem>> -> memref<!tpu.dma_semaphore, #tpu.memory_space<semaphore_mem>>
    tpu.wait_indirect_dma semaphore(%dma_wait3A_1523 : memref<!tpu.dma_semaphore, #tpu.memory_space<semaphore_mem>>) src(%dma_wait3A_1521 : memref<8388608xf32, #tpu.memory_space<hbm>>) dst(%dma_wait3A_1516 : memref<128xf32, #tpu.memory_space<vmem>>)
    %get3A_1524 = arith.constant 0 : i32
    %get3A_1525 = arith.index_cast %get3A_1524 : i32 to index
    %get3A_1526 = arith.constant 128 : index
    %get3A_1527 = tpu.vector_load %arg13[%get3A_1525, %get3A_1526] {strides = array<i32>} : memref<6x512xf32, #tpu.memory_space<vmem>>, vector<1x16xf32>,
    %get3A_1528 = vector.shape_cast %get3A_1527 : vector<1x16xf32> to vector<16xf32>
    %get3A_1529 = arith.constant 1 : i32
    %get3A_1530 = arith.index_cast %get3A_1529 : i32 to index
    %get3A_1531 = arith.constant 128 : index
    %get3A_1532 = tpu.vector_load %arg13[%get3A_1530, %get3A_1531] {strides = array<i32>} : memref<6x512xf32, #tpu.memory_space<vmem>>, vector<1x16xf32>,
    %get3A_1533 = vector.shape_cast %get3A_1532 : vector<1x16xf32> to vector<16xf32>
    %get3A_1534 = arith.constant 2 : i32
    %get3A_1535 = arith.index_cast %get3A_1534 : i32 to index
    %get3A_1536 = arith.constant 128 : index
    %get3A_1537 = tpu.vector_load %arg13[%get3A_1535, %get3A_1536] {strides = array<i32>} : memref<6x512xf32, #tpu.memory_space<vmem>>, vector<1x16xf32>,
    %get3A_1538 = vector.shape_cast %get3A_1537 : vector<1x16xf32> to vector<16xf32>
    %get3A_1539 = arith.constant 3 : i32
    %get3A_1540 = arith.index_cast %get3A_1539 : i32 to index
    %get3A_1541 = arith.constant 128 : index
    %get3A_1542 = tpu.vector_load %arg13[%get3A_1540, %get3A_1541] {strides = array<i32>} : memref<6x512xf32, #tpu.memory_space<vmem>>, vector<1x16xf32>,
    %get3A_1543 = vector.shape_cast %get3A_1542 : vector<1x16xf32> to vector<16xf32>
    %get3A_1544 = arith.constant 4 : i32
    %get3A_1545 = arith.index_cast %get3A_1544 : i32 to index
    %get3A_1546 = arith.constant 128 : index
    %get3A_1547 = tpu.vector_load %arg13[%get3A_1545, %get3A_1546] {strides = array<i32>} : memref<6x512xf32, #tpu.memory_space<vmem>>, vector<1x16xf32>,
    %get3A_1548 = vector.shape_cast %get3A_1547 : vector<1x16xf32> to vector<16xf32>
    %get3A_1549 = arith.constant 5 : i32
    %get3A_1550 = arith.index_cast %get3A_1549 : i32 to index
    %get3A_1551 = arith.constant 128 : index
    %get3A_1552 = tpu.vector_load %arg13[%get3A_1550, %get3A_1551] {strides = array<i32>} : memref<6x512xf32, #tpu.memory_space<vmem>>, vector<1x16xf32>,
    %get3A_1553 = vector.shape_cast %get3A_1552 : vector<1x16xf32> to vector<16xf32>
    %mul3A_1554 = arith.mulf %get3A_1528, %get3A_1538 : vector<16xf32>
    %mul3A_1555 = arith.mulf %get3A_1533, %get3A_1543 : vector<16xf32>
    %mul3A_1556 = arith.mulf %get3A_352, %get3A_1548 : vector<16xf32>
    %mul3A_1557 = arith.mulf %get3A_357, %get3A_1553 : vector<16xf32>
    %add3A_1558 = arith.addf %mul3A_1556, %mul3A_1557 : vector<16xf32>
    %add3A_1559 = arith.addf %add3A_1558, %get3A_432 : vector<16xf32>
    %max3A_1560 = arith.constant 0.000000e+00 : f32
    %max3A_1561 = vector.broadcast %max3A_1560 : f32 to vector<16xf32>
    %max3A_1562 = arith.maximumf %add3A_1559, %max3A_1561 : vector<16xf32>
    %mul3A_1563 = arith.mulf %get3A_362, %get3A_1548 : vector<16xf32>
    %mul3A_1564 = arith.mulf %get3A_367, %get3A_1553 : vector<16xf32>
    %add3A_1565 = arith.addf %mul3A_1563, %mul3A_1564 : vector<16xf32>
    %add3A_1566 = arith.addf %add3A_1565, %get3A_437 : vector<16xf32>
    %max3A_1567 = arith.constant 0.000000e+00 : f32
    %max3A_1568 = vector.broadcast %max3A_1567 : f32 to vector<16xf32>
    %max3A_1569 = arith.maximumf %add3A_1566, %max3A_1568 : vector<16xf32>
    %mul3A_1570 = arith.mulf %get3A_372, %max3A_1562 : vector<16xf32>
    %mul3A_1571 = arith.mulf %get3A_377, %max3A_1569 : vector<16xf32>
    %add3A_1572 = arith.addf %mul3A_1570, %mul3A_1571 : vector<16xf32>
    %add3A_1573 = arith.addf %add3A_1572, %get3A_442 : vector<16xf32>
    %max3A_1574 = arith.constant 0.000000e+00 : f32
    %max3A_1575 = vector.broadcast %max3A_1574 : f32 to vector<16xf32>
    %max3A_1576 = arith.maximumf %add3A_1573, %max3A_1575 : vector<16xf32>
    %mul3A_1577 = arith.mulf %get3A_382, %max3A_1562 : vector<16xf32>
    %mul3A_1578 = arith.mulf %get3A_387, %max3A_1569 : vector<16xf32>
    %add3A_1579 = arith.addf %mul3A_1577, %mul3A_1578 : vector<16xf32>
    %add3A_1580 = arith.addf %add3A_1579, %get3A_447 : vector<16xf32>
    %max3A_1581 = arith.constant 0.000000e+00 : f32
    %max3A_1582 = vector.broadcast %max3A_1581 : f32 to vector<16xf32>
    %max3A_1583 = arith.maximumf %add3A_1580, %max3A_1582 : vector<16xf32>
    %mul3A_1584 = arith.mulf %get3A_392, %max3A_1576 : vector<16xf32>
    %mul3A_1585 = arith.mulf %get3A_397, %max3A_1583 : vector<16xf32>
    %add3A_1586 = arith.addf %mul3A_1584, %mul3A_1585 : vector<16xf32>
    %add3A_1587 = arith.addf %add3A_1586, %get3A_452 : vector<16xf32>
    %max3A_1588 = arith.constant 0.000000e+00 : f32
    %max3A_1589 = vector.broadcast %max3A_1588 : f32 to vector<16xf32>
    %max3A_1590 = arith.maximumf %add3A_1587, %max3A_1589 : vector<16xf32>
    %mul3A_1591 = arith.mulf %get3A_402, %max3A_1576 : vector<16xf32>
    %mul3A_1592 = arith.mulf %get3A_407, %max3A_1583 : vector<16xf32>
    %add3A_1593 = arith.addf %mul3A_1591, %mul3A_1592 : vector<16xf32>
    %add3A_1594 = arith.addf %add3A_1593, %get3A_457 : vector<16xf32>
    %max3A_1595 = arith.constant 0.000000e+00 : f32
    %max3A_1596 = vector.broadcast %max3A_1595 : f32 to vector<16xf32>
    %max3A_1597 = arith.maximumf %add3A_1594, %max3A_1596 : vector<16xf32>
    %mul3A_1598 = arith.mulf %get3A_412, %max3A_1590 : vector<16xf32>
    %mul3A_1599 = arith.mulf %get3A_417, %max3A_1597 : vector<16xf32>
    %add3A_1600 = arith.addf %mul3A_1598, %mul3A_1599 : vector<16xf32>
    %add3A_1601 = arith.addf %add3A_1600, %get3A_462 : vector<16xf32>
    %max3A_1602 = arith.constant 0.000000e+00 : f32
    %max3A_1603 = vector.broadcast %max3A_1602 : f32 to vector<16xf32>
    %max3A_1604 = arith.maximumf %add3A_1601, %max3A_1603 : vector<16xf32>
    %mul3A_1605 = arith.mulf %get3A_422, %max3A_1590 : vector<16xf32>
    %mul3A_1606 = arith.mulf %get3A_427, %max3A_1597 : vector<16xf32>
    %add3A_1607 = arith.addf %mul3A_1605, %mul3A_1606 : vector<16xf32>
    %add3A_1608 = arith.addf %add3A_1607, %get3A_467 : vector<16xf32>
    %max3A_1609 = arith.constant 0.000000e+00 : f32
    %max3A_1610 = vector.broadcast %max3A_1609 : f32 to vector<16xf32>
    %max3A_1611 = arith.maximumf %add3A_1608, %max3A_1610 : vector<16xf32>
    %mul3A_1612 = arith.mulf %get3A_472, %mul3A_1554 : vector<16xf32>
    %mul3A_1613 = arith.mulf %get3A_477, %mul3A_1555 : vector<16xf32>
    %add3A_1614 = arith.addf %mul3A_1612, %mul3A_1613 : vector<16xf32>
    %mul3A_1615 = arith.mulf %get3A_482, %max3A_1604 : vector<16xf32>
    %add3A_1616 = arith.addf %add3A_1614, %mul3A_1615 : vector<16xf32>
    %mul3A_1617 = arith.mulf %get3A_487, %max3A_1611 : vector<16xf32>
    %add3A_1618 = arith.addf %add3A_1616, %mul3A_1617 : vector<16xf32>
    %add3A_1619 = arith.addf %add3A_1618, %get3A_492 : vector<16xf32>
    %neg3A_1620 = arith.constant 0.000000e+00 : f32
    %neg3A_1621 = vector.broadcast %neg3A_1620 : f32 to vector<16xf32>
    %neg3A_1622 = arith.subf %neg3A_1621, %add3A_1619 : vector<16xf32>
    %exp3A_1623 = math.exp %neg3A_1622 : vector<16xf32>
    %add3A_1624 = arith.constant 1.000000e+00 : f32
    %add3A_1625 = vector.broadcast %add3A_1624 : f32 to vector<16xf32>
    %add3A_1626 = arith.addf %add3A_1625, %exp3A_1623 : vector<16xf32>
    %div3A_1627 = arith.constant 1.000000e+00 : f32
    %div3A_1628 = vector.broadcast %div3A_1627 : f32 to vector<16xf32>
    %div3A_1629 = arith.divf %div3A_1628, %add3A_1626 : vector<16xf32>
    %swap3A_1630 = arith.constant 128 : index
    %swap3A_1631 = tpu.vector_load %arg15[%swap3A_1630] {strides = array<i32>} : memref<512xf32, #tpu.memory_space<vmem>>, vector<16xf32>,
    %swap3A_1632 = vector.shape_cast %swap3A_1631 : vector<16xf32> to vector<16xf32>
    %swap3A_1633 = vector.shape_cast %div3A_1629 : vector<16xf32> to vector<16xf32>
    tpu.vector_store %arg15[%swap3A_1630], %swap3A_1633 {strides = array<i32>} : memref<512xf32, #tpu.memory_space<vmem>>, vector<16xf32>,
    %get3A_1634 = arith.constant 0 : i32
    %get3A_1635 = arith.index_cast %get3A_1634 : i32 to index
    %get3A_1636 = arith.constant 144 : index
    %get3A_1637 = tpu.vector_load %arg13[%get3A_1635, %get3A_1636] {strides = array<i32>} : memref<6x512xf32, #tpu.memory_space<vmem>>, vector<1x16xf32>,
    %get3A_1638 = vector.shape_cast %get3A_1637 : vector<1x16xf32> to vector<16xf32>
    %get3A_1639 = arith.constant 1 : i32
    %get3A_1640 = arith.index_cast %get3A_1639 : i32 to index
    %get3A_1641 = arith.constant 144 : index
    %get3A_1642 = tpu.vector_load %arg13[%get3A_1640, %get3A_1641] {strides = array<i32>} : memref<6x512xf32, #tpu.memory_space<vmem>>, vector<1x16xf32>,
    %get3A_1643 = vector.shape_cast %get3A_1642 : vector<1x16xf32> to vector<16xf32>
    %get3A_1644 = arith.constant 2 : i32
    %get3A_1645 = arith.index_cast %get3A_1644 : i32 to index
    %get3A_1646 = arith.constant 144 : index
    %get3A_1647 = tpu.vector_load %arg13[%get3A_1645, %get3A_1646] {strides = array<i32>} : memref<6x512xf32, #tpu.memory_space<vmem>>, vector<1x16xf32>,
    %get3A_1648 = vector.shape_cast %get3A_1647 : vector<1x16xf32> to vector<16xf32>
    %get3A_1649 = arith.constant 3 : i32
    %get3A_1650 = arith.index_cast %get3A_1649 : i32 to index
    %get3A_1651 = arith.constant 144 : index
    %get3A_1652 = tpu.vector_load %arg13[%get3A_1650, %get3A_1651] {strides = array<i32>} : memref<6x512xf32, #tpu.memory_space<vmem>>, vector<1x16xf32>,
    %get3A_1653 = vector.shape_cast %get3A_1652 : vector<1x16xf32> to vector<16xf32>
    %get3A_1654 = arith.constant 4 : i32
    %get3A_1655 = arith.index_cast %get3A_1654 : i32 to index
    %get3A_1656 = arith.constant 144 : index
    %get3A_1657 = tpu.vector_load %arg13[%get3A_1655, %get3A_1656] {strides = array<i32>} : memref<6x512xf32, #tpu.memory_space<vmem>>, vector<1x16xf32>,
    %get3A_1658 = vector.shape_cast %get3A_1657 : vector<1x16xf32> to vector<16xf32>
    %get3A_1659 = arith.constant 5 : i32
    %get3A_1660 = arith.index_cast %get3A_1659 : i32 to index
    %get3A_1661 = arith.constant 144 : index
    %get3A_1662 = tpu.vector_load %arg13[%get3A_1660, %get3A_1661] {strides = array<i32>} : memref<6x512xf32, #tpu.memory_space<vmem>>, vector<1x16xf32>,
    %get3A_1663 = vector.shape_cast %get3A_1662 : vector<1x16xf32> to vector<16xf32>
    %mul3A_1664 = arith.mulf %get3A_1638, %get3A_1648 : vector<16xf32>
    %mul3A_1665 = arith.mulf %get3A_1643, %get3A_1653 : vector<16xf32>
    %mul3A_1666 = arith.mulf %get3A_352, %get3A_1658 : vector<16xf32>
    %mul3A_1667 = arith.mulf %get3A_357, %get3A_1663 : vector<16xf32>
    %add3A_1668 = arith.addf %mul3A_1666, %mul3A_1667 : vector<16xf32>
    %add3A_1669 = arith.addf %add3A_1668, %get3A_432 : vector<16xf32>
    %max3A_1670 = arith.constant 0.000000e+00 : f32
    %max3A_1671 = vector.broadcast %max3A_1670 : f32 to vector<16xf32>
    %max3A_1672 = arith.maximumf %add3A_1669, %max3A_1671 : vector<16xf32>
    %mul3A_1673 = arith.mulf %get3A_362, %get3A_1658 : vector<16xf32>
    %mul3A_1674 = arith.mulf %get3A_367, %get3A_1663 : vector<16xf32>
    %add3A_1675 = arith.addf %mul3A_1673, %mul3A_1674 : vector<16xf32>
    %add3A_1676 = arith.addf %add3A_1675, %get3A_437 : vector<16xf32>
    %max3A_1677 = arith.constant 0.000000e+00 : f32
    %max3A_1678 = vector.broadcast %max3A_1677 : f32 to vector<16xf32>
    %max3A_1679 = arith.maximumf %add3A_1676, %max3A_1678 : vector<16xf32>
    %mul3A_1680 = arith.mulf %get3A_372, %max3A_1672 : vector<16xf32>
    %mul3A_1681 = arith.mulf %get3A_377, %max3A_1679 : vector<16xf32>
    %add3A_1682 = arith.addf %mul3A_1680, %mul3A_1681 : vector<16xf32>
    %add3A_1683 = arith.addf %add3A_1682, %get3A_442 : vector<16xf32>
    %max3A_1684 = arith.constant 0.000000e+00 : f32
    %max3A_1685 = vector.broadcast %max3A_1684 : f32 to vector<16xf32>
    %max3A_1686 = arith.maximumf %add3A_1683, %max3A_1685 : vector<16xf32>
    %mul3A_1687 = arith.mulf %get3A_382, %max3A_1672 : vector<16xf32>
    %mul3A_1688 = arith.mulf %get3A_387, %max3A_1679 : vector<16xf32>
    %add3A_1689 = arith.addf %mul3A_1687, %mul3A_1688 : vector<16xf32>
    %add3A_1690 = arith.addf %add3A_1689, %get3A_447 : vector<16xf32>
    %max3A_1691 = arith.constant 0.000000e+00 : f32
    %max3A_1692 = vector.broadcast %max3A_1691 : f32 to vector<16xf32>
    %max3A_1693 = arith.maximumf %add3A_1690, %max3A_1692 : vector<16xf32>
    %mul3A_1694 = arith.mulf %get3A_392, %max3A_1686 : vector<16xf32>
    %mul3A_1695 = arith.mulf %get3A_397, %max3A_1693 : vector<16xf32>
    %add3A_1696 = arith.addf %mul3A_1694, %mul3A_1695 : vector<16xf32>
    %add3A_1697 = arith.addf %add3A_1696, %get3A_452 : vector<16xf32>
    %max3A_1698 = arith.constant 0.000000e+00 : f32
    %max3A_1699 = vector.broadcast %max3A_1698 : f32 to vector<16xf32>
    %max3A_1700 = arith.maximumf %add3A_1697, %max3A_1699 : vector<16xf32>
    %mul3A_1701 = arith.mulf %get3A_402, %max3A_1686 : vector<16xf32>
    %mul3A_1702 = arith.mulf %get3A_407, %max3A_1693 : vector<16xf32>
    %add3A_1703 = arith.addf %mul3A_1701, %mul3A_1702 : vector<16xf32>
    %add3A_1704 = arith.addf %add3A_1703, %get3A_457 : vector<16xf32>
    %max3A_1705 = arith.constant 0.000000e+00 : f32
    %max3A_1706 = vector.broadcast %max3A_1705 : f32 to vector<16xf32>
    %max3A_1707 = arith.maximumf %add3A_1704, %max3A_1706 : vector<16xf32>
    %mul3A_1708 = arith.mulf %get3A_412, %max3A_1700 : vector<16xf32>
    %mul3A_1709 = arith.mulf %get3A_417, %max3A_1707 : vector<16xf32>
    %add3A_1710 = arith.addf %mul3A_1708, %mul3A_1709 : vector<16xf32>
    %add3A_1711 = arith.addf %add3A_1710, %get3A_462 : vector<16xf32>
    %max3A_1712 = arith.constant 0.000000e+00 : f32
    %max3A_1713 = vector.broadcast %max3A_1712 : f32 to vector<16xf32>
    %max3A_1714 = arith.maximumf %add3A_1711, %max3A_1713 : vector<16xf32>
    %mul3A_1715 = arith.mulf %get3A_422, %max3A_1700 : vector<16xf32>
    %mul3A_1716 = arith.mulf %get3A_427, %max3A_1707 : vector<16xf32>
    %add3A_1717 = arith.addf %mul3A_1715, %mul3A_1716 : vector<16xf32>
    %add3A_1718 = arith.addf %add3A_1717, %get3A_467 : vector<16xf32>
    %max3A_1719 = arith.constant 0.000000e+00 : f32
    %max3A_1720 = vector.broadcast %max3A_1719 : f32 to vector<16xf32>
    %max3A_1721 = arith.maximumf %add3A_1718, %max3A_1720 : vector<16xf32>
    %mul3A_1722 = arith.mulf %get3A_472, %mul3A_1664 : vector<16xf32>
    %mul3A_1723 = arith.mulf %get3A_477, %mul3A_1665 : vector<16xf32>
    %add3A_1724 = arith.addf %mul3A_1722, %mul3A_1723 : vector<16xf32>
    %mul3A_1725 = arith.mulf %get3A_482, %max3A_1714 : vector<16xf32>
    %add3A_1726 = arith.addf %add3A_1724, %mul3A_1725 : vector<16xf32>
    %mul3A_1727 = arith.mulf %get3A_487, %max3A_1721 : vector<16xf32>
    %add3A_1728 = arith.addf %add3A_1726, %mul3A_1727 : vector<16xf32>
    %add3A_1729 = arith.addf %add3A_1728, %get3A_492 : vector<16xf32>
    %neg3A_1730 = arith.constant 0.000000e+00 : f32
    %neg3A_1731 = vector.broadcast %neg3A_1730 : f32 to vector<16xf32>
    %neg3A_1732 = arith.subf %neg3A_1731, %add3A_1729 : vector<16xf32>
    %exp3A_1733 = math.exp %neg3A_1732 : vector<16xf32>
    %add3A_1734 = arith.constant 1.000000e+00 : f32
    %add3A_1735 = vector.broadcast %add3A_1734 : f32 to vector<16xf32>
    %add3A_1736 = arith.addf %add3A_1735, %exp3A_1733 : vector<16xf32>
    %div3A_1737 = arith.constant 1.000000e+00 : f32
    %div3A_1738 = vector.broadcast %div3A_1737 : f32 to vector<16xf32>
    %div3A_1739 = arith.divf %div3A_1738, %add3A_1736 : vector<16xf32>
    %swap3A_1740 = arith.constant 144 : index
    %swap3A_1741 = tpu.vector_load %arg15[%swap3A_1740] {strides = array<i32>} : memref<512xf32, #tpu.memory_space<vmem>>, vector<16xf32>,
    %swap3A_1742 = vector.shape_cast %swap3A_1741 : vector<16xf32> to vector<16xf32>
    %swap3A_1743 = vector.shape_cast %div3A_1739 : vector<16xf32> to vector<16xf32>
    tpu.vector_store %arg15[%swap3A_1740], %swap3A_1743 {strides = array<i32>} : memref<512xf32, #tpu.memory_space<vmem>>, vector<16xf32>,
    %get3A_1744 = arith.constant 0 : i32
    %get3A_1745 = arith.index_cast %get3A_1744 : i32 to index
    %get3A_1746 = arith.constant 160 : index
    %get3A_1747 = tpu.vector_load %arg13[%get3A_1745, %get3A_1746] {strides = array<i32>} : memref<6x512xf32, #tpu.memory_space<vmem>>, vector<1x16xf32>,
    %get3A_1748 = vector.shape_cast %get3A_1747 : vector<1x16xf32> to vector<16xf32>
    %get3A_1749 = arith.constant 1 : i32
    %get3A_1750 = arith.index_cast %get3A_1749 : i32 to index
    %get3A_1751 = arith.constant 160 : index
    %get3A_1752 = tpu.vector_load %arg13[%get3A_1750, %get3A_1751] {strides = array<i32>} : memref<6x512xf32, #tpu.memory_space<vmem>>, vector<1x16xf32>,
    %get3A_1753 = vector.shape_cast %get3A_1752 : vector<1x16xf32> to vector<16xf32>
    %get3A_1754 = arith.constant 2 : i32
    %get3A_1755 = arith.index_cast %get3A_1754 : i32 to index
    %get3A_1756 = arith.constant 160 : index
    %get3A_1757 = tpu.vector_load %arg13[%get3A_1755, %get3A_1756] {strides = array<i32>} : memref<6x512xf32, #tpu.memory_space<vmem>>, vector<1x16xf32>,
    %get3A_1758 = vector.shape_cast %get3A_1757 : vector<1x16xf32> to vector<16xf32>
    %get3A_1759 = arith.constant 3 : i32
    %get3A_1760 = arith.index_cast %get3A_1759 : i32 to index
    %get3A_1761 = arith.constant 160 : index
    %get3A_1762 = tpu.vector_load %arg13[%get3A_1760, %get3A_1761] {strides = array<i32>} : memref<6x512xf32, #tpu.memory_space<vmem>>, vector<1x16xf32>,
    %get3A_1763 = vector.shape_cast %get3A_1762 : vector<1x16xf32> to vector<16xf32>
    %get3A_1764 = arith.constant 4 : i32
    %get3A_1765 = arith.index_cast %get3A_1764 : i32 to index
    %get3A_1766 = arith.constant 160 : index
    %get3A_1767 = tpu.vector_load %arg13[%get3A_1765, %get3A_1766] {strides = array<i32>} : memref<6x512xf32, #tpu.memory_space<vmem>>, vector<1x16xf32>,
    %get3A_1768 = vector.shape_cast %get3A_1767 : vector<1x16xf32> to vector<16xf32>
    %get3A_1769 = arith.constant 5 : i32
    %get3A_1770 = arith.index_cast %get3A_1769 : i32 to index
    %get3A_1771 = arith.constant 160 : index
    %get3A_1772 = tpu.vector_load %arg13[%get3A_1770, %get3A_1771] {strides = array<i32>} : memref<6x512xf32, #tpu.memory_space<vmem>>, vector<1x16xf32>,
    %get3A_1773 = vector.shape_cast %get3A_1772 : vector<1x16xf32> to vector<16xf32>
    %mul3A_1774 = arith.mulf %get3A_1748, %get3A_1758 : vector<16xf32>
    %mul3A_1775 = arith.mulf %get3A_1753, %get3A_1763 : vector<16xf32>
    %mul3A_1776 = arith.mulf %get3A_352, %get3A_1768 : vector<16xf32>
    %mul3A_1777 = arith.mulf %get3A_357, %get3A_1773 : vector<16xf32>
    %add3A_1778 = arith.addf %mul3A_1776, %mul3A_1777 : vector<16xf32>
    %add3A_1779 = arith.addf %add3A_1778, %get3A_432 : vector<16xf32>
    %max3A_1780 = arith.constant 0.000000e+00 : f32
    %max3A_1781 = vector.broadcast %max3A_1780 : f32 to vector<16xf32>
    %max3A_1782 = arith.maximumf %add3A_1779, %max3A_1781 : vector<16xf32>
    %mul3A_1783 = arith.mulf %get3A_362, %get3A_1768 : vector<16xf32>
    %mul3A_1784 = arith.mulf %get3A_367, %get3A_1773 : vector<16xf32>
    %add3A_1785 = arith.addf %mul3A_1783, %mul3A_1784 : vector<16xf32>
    %add3A_1786 = arith.addf %add3A_1785, %get3A_437 : vector<16xf32>
    %max3A_1787 = arith.constant 0.000000e+00 : f32
    %max3A_1788 = vector.broadcast %max3A_1787 : f32 to vector<16xf32>
    %max3A_1789 = arith.maximumf %add3A_1786, %max3A_1788 : vector<16xf32>
    %mul3A_1790 = arith.mulf %get3A_372, %max3A_1782 : vector<16xf32>
    %mul3A_1791 = arith.mulf %get3A_377, %max3A_1789 : vector<16xf32>
    %add3A_1792 = arith.addf %mul3A_1790, %mul3A_1791 : vector<16xf32>
    %add3A_1793 = arith.addf %add3A_1792, %get3A_442 : vector<16xf32>
    %max3A_1794 = arith.constant 0.000000e+00 : f32
    %max3A_1795 = vector.broadcast %max3A_1794 : f32 to vector<16xf32>
    %max3A_1796 = arith.maximumf %add3A_1793, %max3A_1795 : vector<16xf32>
    %mul3A_1797 = arith.mulf %get3A_382, %max3A_1782 : vector<16xf32>
    %mul3A_1798 = arith.mulf %get3A_387, %max3A_1789 : vector<16xf32>
    %add3A_1799 = arith.addf %mul3A_1797, %mul3A_1798 : vector<16xf32>
    %add3A_1800 = arith.addf %add3A_1799, %get3A_447 : vector<16xf32>
    %max3A_1801 = arith.constant 0.000000e+00 : f32
    %max3A_1802 = vector.broadcast %max3A_1801 : f32 to vector<16xf32>
    %max3A_1803 = arith.maximumf %add3A_1800, %max3A_1802 : vector<16xf32>
    %mul3A_1804 = arith.mulf %get3A_392, %max3A_1796 : vector<16xf32>
    %mul3A_1805 = arith.mulf %get3A_397, %max3A_1803 : vector<16xf32>
    %add3A_1806 = arith.addf %mul3A_1804, %mul3A_1805 : vector<16xf32>
    %add3A_1807 = arith.addf %add3A_1806, %get3A_452 : vector<16xf32>
    %max3A_1808 = arith.constant 0.000000e+00 : f32
    %max3A_1809 = vector.broadcast %max3A_1808 : f32 to vector<16xf32>
    %max3A_1810 = arith.maximumf %add3A_1807, %max3A_1809 : vector<16xf32>
    %mul3A_1811 = arith.mulf %get3A_402, %max3A_1796 : vector<16xf32>
    %mul3A_1812 = arith.mulf %get3A_407, %max3A_1803 : vector<16xf32>
    %add3A_1813 = arith.addf %mul3A_1811, %mul3A_1812 : vector<16xf32>
    %add3A_1814 = arith.addf %add3A_1813, %get3A_457 : vector<16xf32>
    %max3A_1815 = arith.constant 0.000000e+00 : f32
    %max3A_1816 = vector.broadcast %max3A_1815 : f32 to vector<16xf32>
    %max3A_1817 = arith.maximumf %add3A_1814, %max3A_1816 : vector<16xf32>
    %mul3A_1818 = arith.mulf %get3A_412, %max3A_1810 : vector<16xf32>
    %mul3A_1819 = arith.mulf %get3A_417, %max3A_1817 : vector<16xf32>
    %add3A_1820 = arith.addf %mul3A_1818, %mul3A_1819 : vector<16xf32>
    %add3A_1821 = arith.addf %add3A_1820, %get3A_462 : vector<16xf32>
    %max3A_1822 = arith.constant 0.000000e+00 : f32
    %max3A_1823 = vector.broadcast %max3A_1822 : f32 to vector<16xf32>
    %max3A_1824 = arith.maximumf %add3A_1821, %max3A_1823 : vector<16xf32>
    %mul3A_1825 = arith.mulf %get3A_422, %max3A_1810 : vector<16xf32>
    %mul3A_1826 = arith.mulf %get3A_427, %max3A_1817 : vector<16xf32>
    %add3A_1827 = arith.addf %mul3A_1825, %mul3A_1826 : vector<16xf32>
    %add3A_1828 = arith.addf %add3A_1827, %get3A_467 : vector<16xf32>
    %max3A_1829 = arith.constant 0.000000e+00 : f32
    %max3A_1830 = vector.broadcast %max3A_1829 : f32 to vector<16xf32>
    %max3A_1831 = arith.maximumf %add3A_1828, %max3A_1830 : vector<16xf32>
    %mul3A_1832 = arith.mulf %get3A_472, %mul3A_1774 : vector<16xf32>
    %mul3A_1833 = arith.mulf %get3A_477, %mul3A_1775 : vector<16xf32>
    %add3A_1834 = arith.addf %mul3A_1832, %mul3A_1833 : vector<16xf32>
    %mul3A_1835 = arith.mulf %get3A_482, %max3A_1824 : vector<16xf32>
    %add3A_1836 = arith.addf %add3A_1834, %mul3A_1835 : vector<16xf32>
    %mul3A_1837 = arith.mulf %get3A_487, %max3A_1831 : vector<16xf32>
    %add3A_1838 = arith.addf %add3A_1836, %mul3A_1837 : vector<16xf32>
    %add3A_1839 = arith.addf %add3A_1838, %get3A_492 : vector<16xf32>
    %neg3A_1840 = arith.constant 0.000000e+00 : f32
    %neg3A_1841 = vector.broadcast %neg3A_1840 : f32 to vector<16xf32>
    %neg3A_1842 = arith.subf %neg3A_1841, %add3A_1839 : vector<16xf32>
    %exp3A_1843 = math.exp %neg3A_1842 : vector<16xf32>
    %add3A_1844 = arith.constant 1.000000e+00 : f32
    %add3A_1845 = vector.broadcast %add3A_1844 : f32 to vector<16xf32>
    %add3A_1846 = arith.addf %add3A_1845, %exp3A_1843 : vector<16xf32>
    %div3A_1847 = arith.constant 1.000000e+00 : f32
    %div3A_1848 = vector.broadcast %div3A_1847 : f32 to vector<16xf32>
    %div3A_1849 = arith.divf %div3A_1848, %add3A_1846 : vector<16xf32>
    %swap3A_1850 = arith.constant 160 : index
    %swap3A_1851 = tpu.vector_load %arg15[%swap3A_1850] {strides = array<i32>} : memref<512xf32, #tpu.memory_space<vmem>>, vector<16xf32>,
    %swap3A_1852 = vector.shape_cast %swap3A_1851 : vector<16xf32> to vector<16xf32>
    %swap3A_1853 = vector.shape_cast %div3A_1849 : vector<16xf32> to vector<16xf32>
    tpu.vector_store %arg15[%swap3A_1850], %swap3A_1853 {strides = array<i32>} : memref<512xf32, #tpu.memory_space<vmem>>, vector<16xf32>,
    %get3A_1854 = arith.constant 0 : i32
    %get3A_1855 = arith.index_cast %get3A_1854 : i32 to index
    %get3A_1856 = arith.constant 176 : index
    %get3A_1857 = tpu.vector_load %arg13[%get3A_1855, %get3A_1856] {strides = array<i32>} : memref<6x512xf32, #tpu.memory_space<vmem>>, vector<1x16xf32>,
    %get3A_1858 = vector.shape_cast %get3A_1857 : vector<1x16xf32> to vector<16xf32>
    %get3A_1859 = arith.constant 1 : i32
    %get3A_1860 = arith.index_cast %get3A_1859 : i32 to index
    %get3A_1861 = arith.constant 176 : index
    %get3A_1862 = tpu.vector_load %arg13[%get3A_1860, %get3A_1861] {strides = array<i32>} : memref<6x512xf32, #tpu.memory_space<vmem>>, vector<1x16xf32>,
    %get3A_1863 = vector.shape_cast %get3A_1862 : vector<1x16xf32> to vector<16xf32>
    %get3A_1864 = arith.constant 2 : i32
    %get3A_1865 = arith.index_cast %get3A_1864 : i32 to index
    %get3A_1866 = arith.constant 176 : index
    %get3A_1867 = tpu.vector_load %arg13[%get3A_1865, %get3A_1866] {strides = array<i32>} : memref<6x512xf32, #tpu.memory_space<vmem>>, vector<1x16xf32>,
    %get3A_1868 = vector.shape_cast %get3A_1867 : vector<1x16xf32> to vector<16xf32>
    %get3A_1869 = arith.constant 3 : i32
    %get3A_1870 = arith.index_cast %get3A_1869 : i32 to index
    %get3A_1871 = arith.constant 176 : index
    %get3A_1872 = tpu.vector_load %arg13[%get3A_1870, %get3A_1871] {strides = array<i32>} : memref<6x512xf32, #tpu.memory_space<vmem>>, vector<1x16xf32>,
    %get3A_1873 = vector.shape_cast %get3A_1872 : vector<1x16xf32> to vector<16xf32>
    %get3A_1874 = arith.constant 4 : i32
    %get3A_1875 = arith.index_cast %get3A_1874 : i32 to index
    %get3A_1876 = arith.constant 176 : index
    %get3A_1877 = tpu.vector_load %arg13[%get3A_1875, %get3A_1876] {strides = array<i32>} : memref<6x512xf32, #tpu.memory_space<vmem>>, vector<1x16xf32>,
    %get3A_1878 = vector.shape_cast %get3A_1877 : vector<1x16xf32> to vector<16xf32>
    %get3A_1879 = arith.constant 5 : i32
    %get3A_1880 = arith.index_cast %get3A_1879 : i32 to index
    %get3A_1881 = arith.constant 176 : index
    %get3A_1882 = tpu.vector_load %arg13[%get3A_1880, %get3A_1881] {strides = array<i32>} : memref<6x512xf32, #tpu.memory_space<vmem>>, vector<1x16xf32>,
    %get3A_1883 = vector.shape_cast %get3A_1882 : vector<1x16xf32> to vector<16xf32>
    %mul3A_1884 = arith.mulf %get3A_1858, %get3A_1868 : vector<16xf32>
    %mul3A_1885 = arith.mulf %get3A_1863, %get3A_1873 : vector<16xf32>
    %mul3A_1886 = arith.mulf %get3A_352, %get3A_1878 : vector<16xf32>
    %mul3A_1887 = arith.mulf %get3A_357, %get3A_1883 : vector<16xf32>
    %add3A_1888 = arith.addf %mul3A_1886, %mul3A_1887 : vector<16xf32>
    %add3A_1889 = arith.addf %add3A_1888, %get3A_432 : vector<16xf32>
    %max3A_1890 = arith.constant 0.000000e+00 : f32
    %max3A_1891 = vector.broadcast %max3A_1890 : f32 to vector<16xf32>
    %max3A_1892 = arith.maximumf %add3A_1889, %max3A_1891 : vector<16xf32>
    %mul3A_1893 = arith.mulf %get3A_362, %get3A_1878 : vector<16xf32>
    %mul3A_1894 = arith.mulf %get3A_367, %get3A_1883 : vector<16xf32>
    %add3A_1895 = arith.addf %mul3A_1893, %mul3A_1894 : vector<16xf32>
    %add3A_1896 = arith.addf %add3A_1895, %get3A_437 : vector<16xf32>
    %max3A_1897 = arith.constant 0.000000e+00 : f32
    %max3A_1898 = vector.broadcast %max3A_1897 : f32 to vector<16xf32>
    %max3A_1899 = arith.maximumf %add3A_1896, %max3A_1898 : vector<16xf32>
    %mul3A_1900 = arith.mulf %get3A_372, %max3A_1892 : vector<16xf32>
    %mul3A_1901 = arith.mulf %get3A_377, %max3A_1899 : vector<16xf32>
    %add3A_1902 = arith.addf %mul3A_1900, %mul3A_1901 : vector<16xf32>
    %add3A_1903 = arith.addf %add3A_1902, %get3A_442 : vector<16xf32>
    %max3A_1904 = arith.constant 0.000000e+00 : f32
    %max3A_1905 = vector.broadcast %max3A_1904 : f32 to vector<16xf32>
    %max3A_1906 = arith.maximumf %add3A_1903, %max3A_1905 : vector<16xf32>
    %mul3A_1907 = arith.mulf %get3A_382, %max3A_1892 : vector<16xf32>
    %mul3A_1908 = arith.mulf %get3A_387, %max3A_1899 : vector<16xf32>
    %add3A_1909 = arith.addf %mul3A_1907, %mul3A_1908 : vector<16xf32>
    %add3A_1910 = arith.addf %add3A_1909, %get3A_447 : vector<16xf32>
    %max3A_1911 = arith.constant 0.000000e+00 : f32
    %max3A_1912 = vector.broadcast %max3A_1911 : f32 to vector<16xf32>
    %max3A_1913 = arith.maximumf %add3A_1910, %max3A_1912 : vector<16xf32>
    %mul3A_1914 = arith.mulf %get3A_392, %max3A_1906 : vector<16xf32>
    %mul3A_1915 = arith.mulf %get3A_397, %max3A_1913 : vector<16xf32>
    %add3A_1916 = arith.addf %mul3A_1914, %mul3A_1915 : vector<16xf32>
    %add3A_1917 = arith.addf %add3A_1916, %get3A_452 : vector<16xf32>
    %max3A_1918 = arith.constant 0.000000e+00 : f32
    %max3A_1919 = vector.broadcast %max3A_1918 : f32 to vector<16xf32>
    %max3A_1920 = arith.maximumf %add3A_1917, %max3A_1919 : vector<16xf32>
    %mul3A_1921 = arith.mulf %get3A_402, %max3A_1906 : vector<16xf32>
    %mul3A_1922 = arith.mulf %get3A_407, %max3A_1913 : vector<16xf32>
    %add3A_1923 = arith.addf %mul3A_1921, %mul3A_1922 : vector<16xf32>
    %add3A_1924 = arith.addf %add3A_1923, %get3A_457 : vector<16xf32>
    %max3A_1925 = arith.constant 0.000000e+00 : f32
    %max3A_1926 = vector.broadcast %max3A_1925 : f32 to vector<16xf32>
    %max3A_1927 = arith.maximumf %add3A_1924, %max3A_1926 : vector<16xf32>
    %mul3A_1928 = arith.mulf %get3A_412, %max3A_1920 : vector<16xf32>
    %mul3A_1929 = arith.mulf %get3A_417, %max3A_1927 : vector<16xf32>
    %add3A_1930 = arith.addf %mul3A_1928, %mul3A_1929 : vector<16xf32>
    %add3A_1931 = arith.addf %add3A_1930, %get3A_462 : vector<16xf32>
    %max3A_1932 = arith.constant 0.000000e+00 : f32
    %max3A_1933 = vector.broadcast %max3A_1932 : f32 to vector<16xf32>
    %max3A_1934 = arith.maximumf %add3A_1931, %max3A_1933 : vector<16xf32>
    %mul3A_1935 = arith.mulf %get3A_422, %max3A_1920 : vector<16xf32>
    %mul3A_1936 = arith.mulf %get3A_427, %max3A_1927 : vector<16xf32>
    %add3A_1937 = arith.addf %mul3A_1935, %mul3A_1936 : vector<16xf32>
    %add3A_1938 = arith.addf %add3A_1937, %get3A_467 : vector<16xf32>
    %max3A_1939 = arith.constant 0.000000e+00 : f32
    %max3A_1940 = vector.broadcast %max3A_1939 : f32 to vector<16xf32>
    %max3A_1941 = arith.maximumf %add3A_1938, %max3A_1940 : vector<16xf32>
    %mul3A_1942 = arith.mulf %get3A_472, %mul3A_1884 : vector<16xf32>
    %mul3A_1943 = arith.mulf %get3A_477, %mul3A_1885 : vector<16xf32>
    %add3A_1944 = arith.addf %mul3A_1942, %mul3A_1943 : vector<16xf32>
    %mul3A_1945 = arith.mulf %get3A_482, %max3A_1934 : vector<16xf32>
    %add3A_1946 = arith.addf %add3A_1944, %mul3A_1945 : vector<16xf32>
    %mul3A_1947 = arith.mulf %get3A_487, %max3A_1941 : vector<16xf32>
    %add3A_1948 = arith.addf %add3A_1946, %mul3A_1947 : vector<16xf32>
    %add3A_1949 = arith.addf %add3A_1948, %get3A_492 : vector<16xf32>
    %neg3A_1950 = arith.constant 0.000000e+00 : f32
    %neg3A_1951 = vector.broadcast %neg3A_1950 : f32 to vector<16xf32>
    %neg3A_1952 = arith.subf %neg3A_1951, %add3A_1949 : vector<16xf32>
    %exp3A_1953 = math.exp %neg3A_1952 : vector<16xf32>
    %add3A_1954 = arith.constant 1.000000e+00 : f32
    %add3A_1955 = vector.broadcast %add3A_1954 : f32 to vector<16xf32>
    %add3A_1956 = arith.addf %add3A_1955, %exp3A_1953 : vector<16xf32>
    %div3A_1957 = arith.constant 1.000000e+00 : f32
    %div3A_1958 = vector.broadcast %div3A_1957 : f32 to vector<16xf32>
    %div3A_1959 = arith.divf %div3A_1958, %add3A_1956 : vector<16xf32>
    %swap3A_1960 = arith.constant 176 : index
    %swap3A_1961 = tpu.vector_load %arg15[%swap3A_1960] {strides = array<i32>} : memref<512xf32, #tpu.memory_space<vmem>>, vector<16xf32>,
    %swap3A_1962 = vector.shape_cast %swap3A_1961 : vector<16xf32> to vector<16xf32>
    %swap3A_1963 = vector.shape_cast %div3A_1959 : vector<16xf32> to vector<16xf32>
    tpu.vector_store %arg15[%swap3A_1960], %swap3A_1963 {strides = array<i32>} : memref<512xf32, #tpu.memory_space<vmem>>, vector<16xf32>,
    %get3A_1964 = arith.constant 0 : i32
    %get3A_1965 = arith.index_cast %get3A_1964 : i32 to index
    %get3A_1966 = arith.constant 192 : index
    %get3A_1967 = tpu.vector_load %arg13[%get3A_1965, %get3A_1966] {strides = array<i32>} : memref<6x512xf32, #tpu.memory_space<vmem>>, vector<1x16xf32>,
    %get3A_1968 = vector.shape_cast %get3A_1967 : vector<1x16xf32> to vector<16xf32>
    %get3A_1969 = arith.constant 1 : i32
    %get3A_1970 = arith.index_cast %get3A_1969 : i32 to index
    %get3A_1971 = arith.constant 192 : index
    %get3A_1972 = tpu.vector_load %arg13[%get3A_1970, %get3A_1971] {strides = array<i32>} : memref<6x512xf32, #tpu.memory_space<vmem>>, vector<1x16xf32>,
    %get3A_1973 = vector.shape_cast %get3A_1972 : vector<1x16xf32> to vector<16xf32>
    %get3A_1974 = arith.constant 2 : i32
    %get3A_1975 = arith.index_cast %get3A_1974 : i32 to index
    %get3A_1976 = arith.constant 192 : index
    %get3A_1977 = tpu.vector_load %arg13[%get3A_1975, %get3A_1976] {strides = array<i32>} : memref<6x512xf32, #tpu.memory_space<vmem>>, vector<1x16xf32>,
    %get3A_1978 = vector.shape_cast %get3A_1977 : vector<1x16xf32> to vector<16xf32>
    %get3A_1979 = arith.constant 3 : i32
    %get3A_1980 = arith.index_cast %get3A_1979 : i32 to index
    %get3A_1981 = arith.constant 192 : index
    %get3A_1982 = tpu.vector_load %arg13[%get3A_1980, %get3A_1981] {strides = array<i32>} : memref<6x512xf32, #tpu.memory_space<vmem>>, vector<1x16xf32>,
    %get3A_1983 = vector.shape_cast %get3A_1982 : vector<1x16xf32> to vector<16xf32>
    %get3A_1984 = arith.constant 4 : i32
    %get3A_1985 = arith.index_cast %get3A_1984 : i32 to index
    %get3A_1986 = arith.constant 192 : index
    %get3A_1987 = tpu.vector_load %arg13[%get3A_1985, %get3A_1986] {strides = array<i32>} : memref<6x512xf32, #tpu.memory_space<vmem>>, vector<1x16xf32>,
    %get3A_1988 = vector.shape_cast %get3A_1987 : vector<1x16xf32> to vector<16xf32>
    %get3A_1989 = arith.constant 5 : i32
    %get3A_1990 = arith.index_cast %get3A_1989 : i32 to index
    %get3A_1991 = arith.constant 192 : index
    %get3A_1992 = tpu.vector_load %arg13[%get3A_1990, %get3A_1991] {strides = array<i32>} : memref<6x512xf32, #tpu.memory_space<vmem>>, vector<1x16xf32>,
    %get3A_1993 = vector.shape_cast %get3A_1992 : vector<1x16xf32> to vector<16xf32>
    %mul3A_1994 = arith.mulf %get3A_1968, %get3A_1978 : vector<16xf32>
    %mul3A_1995 = arith.mulf %get3A_1973, %get3A_1983 : vector<16xf32>
    %mul3A_1996 = arith.mulf %get3A_352, %get3A_1988 : vector<16xf32>
    %mul3A_1997 = arith.mulf %get3A_357, %get3A_1993 : vector<16xf32>
    %add3A_1998 = arith.addf %mul3A_1996, %mul3A_1997 : vector<16xf32>
    %add3A_1999 = arith.addf %add3A_1998, %get3A_432 : vector<16xf32>
    %max3A_2000 = arith.constant 0.000000e+00 : f32
    %max3A_2001 = vector.broadcast %max3A_2000 : f32 to vector<16xf32>
    %max3A_2002 = arith.maximumf %add3A_1999, %max3A_2001 : vector<16xf32>
    %mul3A_2003 = arith.mulf %get3A_362, %get3A_1988 : vector<16xf32>
    %mul3A_2004 = arith.mulf %get3A_367, %get3A_1993 : vector<16xf32>
    %add3A_2005 = arith.addf %mul3A_2003, %mul3A_2004 : vector<16xf32>
    %add3A_2006 = arith.addf %add3A_2005, %get3A_437 : vector<16xf32>
    %max3A_2007 = arith.constant 0.000000e+00 : f32
    %max3A_2008 = vector.broadcast %max3A_2007 : f32 to vector<16xf32>
    %max3A_2009 = arith.maximumf %add3A_2006, %max3A_2008 : vector<16xf32>
    %mul3A_2010 = arith.mulf %get3A_372, %max3A_2002 : vector<16xf32>
    %mul3A_2011 = arith.mulf %get3A_377, %max3A_2009 : vector<16xf32>
    %add3A_2012 = arith.addf %mul3A_2010, %mul3A_2011 : vector<16xf32>
    %add3A_2013 = arith.addf %add3A_2012, %get3A_442 : vector<16xf32>
    %max3A_2014 = arith.constant 0.000000e+00 : f32
    %max3A_2015 = vector.broadcast %max3A_2014 : f32 to vector<16xf32>
    %max3A_2016 = arith.maximumf %add3A_2013, %max3A_2015 : vector<16xf32>
    %mul3A_2017 = arith.mulf %get3A_382, %max3A_2002 : vector<16xf32>
    %mul3A_2018 = arith.mulf %get3A_387, %max3A_2009 : vector<16xf32>
    %add3A_2019 = arith.addf %mul3A_2017, %mul3A_2018 : vector<16xf32>
    %add3A_2020 = arith.addf %add3A_2019, %get3A_447 : vector<16xf32>
    %max3A_2021 = arith.constant 0.000000e+00 : f32
    %max3A_2022 = vector.broadcast %max3A_2021 : f32 to vector<16xf32>
    %max3A_2023 = arith.maximumf %add3A_2020, %max3A_2022 : vector<16xf32>
    %mul3A_2024 = arith.mulf %get3A_392, %max3A_2016 : vector<16xf32>
    %mul3A_2025 = arith.mulf %get3A_397, %max3A_2023 : vector<16xf32>
    %add3A_2026 = arith.addf %mul3A_2024, %mul3A_2025 : vector<16xf32>
    %add3A_2027 = arith.addf %add3A_2026, %get3A_452 : vector<16xf32>
    %max3A_2028 = arith.constant 0.000000e+00 : f32
    %max3A_2029 = vector.broadcast %max3A_2028 : f32 to vector<16xf32>
    %max3A_2030 = arith.maximumf %add3A_2027, %max3A_2029 : vector<16xf32>
    %mul3A_2031 = arith.mulf %get3A_402, %max3A_2016 : vector<16xf32>
    %mul3A_2032 = arith.mulf %get3A_407, %max3A_2023 : vector<16xf32>
    %add3A_2033 = arith.addf %mul3A_2031, %mul3A_2032 : vector<16xf32>
    %add3A_2034 = arith.addf %add3A_2033, %get3A_457 : vector<16xf32>
    %max3A_2035 = arith.constant 0.000000e+00 : f32
    %max3A_2036 = vector.broadcast %max3A_2035 : f32 to vector<16xf32>
    %max3A_2037 = arith.maximumf %add3A_2034, %max3A_2036 : vector<16xf32>
    %mul3A_2038 = arith.mulf %get3A_412, %max3A_2030 : vector<16xf32>
    %mul3A_2039 = arith.mulf %get3A_417, %max3A_2037 : vector<16xf32>
    %add3A_2040 = arith.addf %mul3A_2038, %mul3A_2039 : vector<16xf32>
    %add3A_2041 = arith.addf %add3A_2040, %get3A_462 : vector<16xf32>
    %max3A_2042 = arith.constant 0.000000e+00 : f32
    %max3A_2043 = vector.broadcast %max3A_2042 : f32 to vector<16xf32>
    %max3A_2044 = arith.maximumf %add3A_2041, %max3A_2043 : vector<16xf32>
    %mul3A_2045 = arith.mulf %get3A_422, %max3A_2030 : vector<16xf32>
    %mul3A_2046 = arith.mulf %get3A_427, %max3A_2037 : vector<16xf32>
    %add3A_2047 = arith.addf %mul3A_2045, %mul3A_2046 : vector<16xf32>
    %add3A_2048 = arith.addf %add3A_2047, %get3A_467 : vector<16xf32>
    %max3A_2049 = arith.constant 0.000000e+00 : f32
    %max3A_2050 = vector.broadcast %max3A_2049 : f32 to vector<16xf32>
    %max3A_2051 = arith.maximumf %add3A_2048, %max3A_2050 : vector<16xf32>
    %mul3A_2052 = arith.mulf %get3A_472, %mul3A_1994 : vector<16xf32>
    %mul3A_2053 = arith.mulf %get3A_477, %mul3A_1995 : vector<16xf32>
    %add3A_2054 = arith.addf %mul3A_2052, %mul3A_2053 : vector<16xf32>
    %mul3A_2055 = arith.mulf %get3A_482, %max3A_2044 : vector<16xf32>
    %add3A_2056 = arith.addf %add3A_2054, %mul3A_2055 : vector<16xf32>
    %mul3A_2057 = arith.mulf %get3A_487, %max3A_2051 : vector<16xf32>
    %add3A_2058 = arith.addf %add3A_2056, %mul3A_2057 : vector<16xf32>
    %add3A_2059 = arith.addf %add3A_2058, %get3A_492 : vector<16xf32>
    %neg3A_2060 = arith.constant 0.000000e+00 : f32
    %neg3A_2061 = vector.broadcast %neg3A_2060 : f32 to vector<16xf32>
    %neg3A_2062 = arith.subf %neg3A_2061, %add3A_2059 : vector<16xf32>
    %exp3A_2063 = math.exp %neg3A_2062 : vector<16xf32>
    %add3A_2064 = arith.constant 1.000000e+00 : f32
    %add3A_2065 = vector.broadcast %add3A_2064 : f32 to vector<16xf32>
    %add3A_2066 = arith.addf %add3A_2065, %exp3A_2063 : vector<16xf32>
    %div3A_2067 = arith.constant 1.000000e+00 : f32
    %div3A_2068 = vector.broadcast %div3A_2067 : f32 to vector<16xf32>
    %div3A_2069 = arith.divf %div3A_2068, %add3A_2066 : vector<16xf32>
    %swap3A_2070 = arith.constant 192 : index
    %swap3A_2071 = tpu.vector_load %arg15[%swap3A_2070] {strides = array<i32>} : memref<512xf32, #tpu.memory_space<vmem>>, vector<16xf32>,
    %swap3A_2072 = vector.shape_cast %swap3A_2071 : vector<16xf32> to vector<16xf32>
    %swap3A_2073 = vector.shape_cast %div3A_2069 : vector<16xf32> to vector<16xf32>
    tpu.vector_store %arg15[%swap3A_2070], %swap3A_2073 {strides = array<i32>} : memref<512xf32, #tpu.memory_space<vmem>>, vector<16xf32>,
    %get3A_2074 = arith.constant 0 : i32
    %get3A_2075 = arith.index_cast %get3A_2074 : i32 to index
    %get3A_2076 = arith.constant 208 : index
    %get3A_2077 = tpu.vector_load %arg13[%get3A_2075, %get3A_2076] {strides = array<i32>} : memref<6x512xf32, #tpu.memory_space<vmem>>, vector<1x16xf32>,
    %get3A_2078 = vector.shape_cast %get3A_2077 : vector<1x16xf32> to vector<16xf32>
    %get3A_2079 = arith.constant 1 : i32
    %get3A_2080 = arith.index_cast %get3A_2079 : i32 to index
    %get3A_2081 = arith.constant 208 : index
    %get3A_2082 = tpu.vector_load %arg13[%get3A_2080, %get3A_2081] {strides = array<i32>} : memref<6x512xf32, #tpu.memory_space<vmem>>, vector<1x16xf32>,
    %get3A_2083 = vector.shape_cast %get3A_2082 : vector<1x16xf32> to vector<16xf32>
    %get3A_2084 = arith.constant 2 : i32
    %get3A_2085 = arith.index_cast %get3A_2084 : i32 to index
    %get3A_2086 = arith.constant 208 : index
    %get3A_2087 = tpu.vector_load %arg13[%get3A_2085, %get3A_2086] {strides = array<i32>} : memref<6x512xf32, #tpu.memory_space<vmem>>, vector<1x16xf32>,
    %get3A_2088 = vector.shape_cast %get3A_2087 : vector<1x16xf32> to vector<16xf32>
    %get3A_2089 = arith.constant 3 : i32
    %get3A_2090 = arith.index_cast %get3A_2089 : i32 to index
    %get3A_2091 = arith.constant 208 : index
    %get3A_2092 = tpu.vector_load %arg13[%get3A_2090, %get3A_2091] {strides = array<i32>} : memref<6x512xf32, #tpu.memory_space<vmem>>, vector<1x16xf32>,
    %get3A_2093 = vector.shape_cast %get3A_2092 : vector<1x16xf32> to vector<16xf32>
    %get3A_2094 = arith.constant 4 : i32
    %get3A_2095 = arith.index_cast %get3A_2094 : i32 to index
    %get3A_2096 = arith.constant 208 : index
    %get3A_2097 = tpu.vector_load %arg13[%get3A_2095, %get3A_2096] {strides = array<i32>} : memref<6x512xf32, #tpu.memory_space<vmem>>, vector<1x16xf32>,
    %get3A_2098 = vector.shape_cast %get3A_2097 : vector<1x16xf32> to vector<16xf32>
    %get3A_2099 = arith.constant 5 : i32
    %get3A_2100 = arith.index_cast %get3A_2099 : i32 to index
    %get3A_2101 = arith.constant 208 : index
    %get3A_2102 = tpu.vector_load %arg13[%get3A_2100, %get3A_2101] {strides = array<i32>} : memref<6x512xf32, #tpu.memory_space<vmem>>, vector<1x16xf32>,
    %get3A_2103 = vector.shape_cast %get3A_2102 : vector<1x16xf32> to vector<16xf32>
    %mul3A_2104 = arith.mulf %get3A_2078, %get3A_2088 : vector<16xf32>
    %mul3A_2105 = arith.mulf %get3A_2083, %get3A_2093 : vector<16xf32>
    %mul3A_2106 = arith.mulf %get3A_352, %get3A_2098 : vector<16xf32>
    %mul3A_2107 = arith.mulf %get3A_357, %get3A_2103 : vector<16xf32>
    %add3A_2108 = arith.addf %mul3A_2106, %mul3A_2107 : vector<16xf32>
    %add3A_2109 = arith.addf %add3A_2108, %get3A_432 : vector<16xf32>
    %max3A_2110 = arith.constant 0.000000e+00 : f32
    %max3A_2111 = vector.broadcast %max3A_2110 : f32 to vector<16xf32>
    %max3A_2112 = arith.maximumf %add3A_2109, %max3A_2111 : vector<16xf32>
    %mul3A_2113 = arith.mulf %get3A_362, %get3A_2098 : vector<16xf32>
    %mul3A_2114 = arith.mulf %get3A_367, %get3A_2103 : vector<16xf32>
    %add3A_2115 = arith.addf %mul3A_2113, %mul3A_2114 : vector<16xf32>
    %add3A_2116 = arith.addf %add3A_2115, %get3A_437 : vector<16xf32>
    %max3A_2117 = arith.constant 0.000000e+00 : f32
    %max3A_2118 = vector.broadcast %max3A_2117 : f32 to vector<16xf32>
    %max3A_2119 = arith.maximumf %add3A_2116, %max3A_2118 : vector<16xf32>
    %mul3A_2120 = arith.mulf %get3A_372, %max3A_2112 : vector<16xf32>
    %mul3A_2121 = arith.mulf %get3A_377, %max3A_2119 : vector<16xf32>
    %add3A_2122 = arith.addf %mul3A_2120, %mul3A_2121 : vector<16xf32>
    %add3A_2123 = arith.addf %add3A_2122, %get3A_442 : vector<16xf32>
    %max3A_2124 = arith.constant 0.000000e+00 : f32
    %max3A_2125 = vector.broadcast %max3A_2124 : f32 to vector<16xf32>
    %max3A_2126 = arith.maximumf %add3A_2123, %max3A_2125 : vector<16xf32>
    %mul3A_2127 = arith.mulf %get3A_382, %max3A_2112 : vector<16xf32>
    %mul3A_2128 = arith.mulf %get3A_387, %max3A_2119 : vector<16xf32>
    %add3A_2129 = arith.addf %mul3A_2127, %mul3A_2128 : vector<16xf32>
    %add3A_2130 = arith.addf %add3A_2129, %get3A_447 : vector<16xf32>
    %max3A_2131 = arith.constant 0.000000e+00 : f32
    %max3A_2132 = vector.broadcast %max3A_2131 : f32 to vector<16xf32>
    %max3A_2133 = arith.maximumf %add3A_2130, %max3A_2132 : vector<16xf32>
    %mul3A_2134 = arith.mulf %get3A_392, %max3A_2126 : vector<16xf32>
    %mul3A_2135 = arith.mulf %get3A_397, %max3A_2133 : vector<16xf32>
    %add3A_2136 = arith.addf %mul3A_2134, %mul3A_2135 : vector<16xf32>
    %add3A_2137 = arith.addf %add3A_2136, %get3A_452 : vector<16xf32>
    %max3A_2138 = arith.constant 0.000000e+00 : f32
    %max3A_2139 = vector.broadcast %max3A_2138 : f32 to vector<16xf32>
    %max3A_2140 = arith.maximumf %add3A_2137, %max3A_2139 : vector<16xf32>
    %mul3A_2141 = arith.mulf %get3A_402, %max3A_2126 : vector<16xf32>
    %mul3A_2142 = arith.mulf %get3A_407, %max3A_2133 : vector<16xf32>
    %add3A_2143 = arith.addf %mul3A_2141, %mul3A_2142 : vector<16xf32>
    %add3A_2144 = arith.addf %add3A_2143, %get3A_457 : vector<16xf32>
    %max3A_2145 = arith.constant 0.000000e+00 : f32
    %max3A_2146 = vector.broadcast %max3A_2145 : f32 to vector<16xf32>
    %max3A_2147 = arith.maximumf %add3A_2144, %max3A_2146 : vector<16xf32>
    %mul3A_2148 = arith.mulf %get3A_412, %max3A_2140 : vector<16xf32>
    %mul3A_2149 = arith.mulf %get3A_417, %max3A_2147 : vector<16xf32>
    %add3A_2150 = arith.addf %mul3A_2148, %mul3A_2149 : vector<16xf32>
    %add3A_2151 = arith.addf %add3A_2150, %get3A_462 : vector<16xf32>
    %max3A_2152 = arith.constant 0.000000e+00 : f32
    %max3A_2153 = vector.broadcast %max3A_2152 : f32 to vector<16xf32>
    %max3A_2154 = arith.maximumf %add3A_2151, %max3A_2153 : vector<16xf32>
    %mul3A_2155 = arith.mulf %get3A_422, %max3A_2140 : vector<16xf32>
    %mul3A_2156 = arith.mulf %get3A_427, %max3A_2147 : vector<16xf32>
    %add3A_2157 = arith.addf %mul3A_2155, %mul3A_2156 : vector<16xf32>
    %add3A_2158 = arith.addf %add3A_2157, %get3A_467 : vector<16xf32>
    %max3A_2159 = arith.constant 0.000000e+00 : f32
    %max3A_2160 = vector.broadcast %max3A_2159 : f32 to vector<16xf32>
    %max3A_2161 = arith.maximumf %add3A_2158, %max3A_2160 : vector<16xf32>
    %mul3A_2162 = arith.mulf %get3A_472, %mul3A_2104 : vector<16xf32>
    %mul3A_2163 = arith.mulf %get3A_477, %mul3A_2105 : vector<16xf32>
    %add3A_2164 = arith.addf %mul3A_2162, %mul3A_2163 : vector<16xf32>
    %mul3A_2165 = arith.mulf %get3A_482, %max3A_2154 : vector<16xf32>
    %add3A_2166 = arith.addf %add3A_2164, %mul3A_2165 : vector<16xf32>
    %mul3A_2167 = arith.mulf %get3A_487, %max3A_2161 : vector<16xf32>
    %add3A_2168 = arith.addf %add3A_2166, %mul3A_2167 : vector<16xf32>
    %add3A_2169 = arith.addf %add3A_2168, %get3A_492 : vector<16xf32>
    %neg3A_2170 = arith.constant 0.000000e+00 : f32
    %neg3A_2171 = vector.broadcast %neg3A_2170 : f32 to vector<16xf32>
    %neg3A_2172 = arith.subf %neg3A_2171, %add3A_2169 : vector<16xf32>
    %exp3A_2173 = math.exp %neg3A_2172 : vector<16xf32>
    %add3A_2174 = arith.constant 1.000000e+00 : f32
    %add3A_2175 = vector.broadcast %add3A_2174 : f32 to vector<16xf32>
    %add3A_2176 = arith.addf %add3A_2175, %exp3A_2173 : vector<16xf32>
    %div3A_2177 = arith.constant 1.000000e+00 : f32
    %div3A_2178 = vector.broadcast %div3A_2177 : f32 to vector<16xf32>
    %div3A_2179 = arith.divf %div3A_2178, %add3A_2176 : vector<16xf32>
    %swap3A_2180 = arith.constant 208 : index
    %swap3A_2181 = tpu.vector_load %arg15[%swap3A_2180] {strides = array<i32>} : memref<512xf32, #tpu.memory_space<vmem>>, vector<16xf32>,
    %swap3A_2182 = vector.shape_cast %swap3A_2181 : vector<16xf32> to vector<16xf32>
    %swap3A_2183 = vector.shape_cast %div3A_2179 : vector<16xf32> to vector<16xf32>
    tpu.vector_store %arg15[%swap3A_2180], %swap3A_2183 {strides = array<i32>} : memref<512xf32, #tpu.memory_space<vmem>>, vector<16xf32>,
    %get3A_2184 = arith.constant 0 : i32
    %get3A_2185 = arith.index_cast %get3A_2184 : i32 to index
    %get3A_2186 = arith.constant 224 : index
    %get3A_2187 = tpu.vector_load %arg13[%get3A_2185, %get3A_2186] {strides = array<i32>} : memref<6x512xf32, #tpu.memory_space<vmem>>, vector<1x16xf32>,
    %get3A_2188 = vector.shape_cast %get3A_2187 : vector<1x16xf32> to vector<16xf32>
    %get3A_2189 = arith.constant 1 : i32
    %get3A_2190 = arith.index_cast %get3A_2189 : i32 to index
    %get3A_2191 = arith.constant 224 : index
    %get3A_2192 = tpu.vector_load %arg13[%get3A_2190, %get3A_2191] {strides = array<i32>} : memref<6x512xf32, #tpu.memory_space<vmem>>, vector<1x16xf32>,
    %get3A_2193 = vector.shape_cast %get3A_2192 : vector<1x16xf32> to vector<16xf32>
    %get3A_2194 = arith.constant 2 : i32
    %get3A_2195 = arith.index_cast %get3A_2194 : i32 to index
    %get3A_2196 = arith.constant 224 : index
    %get3A_2197 = tpu.vector_load %arg13[%get3A_2195, %get3A_2196] {strides = array<i32>} : memref<6x512xf32, #tpu.memory_space<vmem>>, vector<1x16xf32>,
    %get3A_2198 = vector.shape_cast %get3A_2197 : vector<1x16xf32> to vector<16xf32>
    %get3A_2199 = arith.constant 3 : i32
    %get3A_2200 = arith.index_cast %get3A_2199 : i32 to index
    %get3A_2201 = arith.constant 224 : index
    %get3A_2202 = tpu.vector_load %arg13[%get3A_2200, %get3A_2201] {strides = array<i32>} : memref<6x512xf32, #tpu.memory_space<vmem>>, vector<1x16xf32>,
    %get3A_2203 = vector.shape_cast %get3A_2202 : vector<1x16xf32> to vector<16xf32>
    %get3A_2204 = arith.constant 4 : i32
    %get3A_2205 = arith.index_cast %get3A_2204 : i32 to index
    %get3A_2206 = arith.constant 224 : index
    %get3A_2207 = tpu.vector_load %arg13[%get3A_2205, %get3A_2206] {strides = array<i32>} : memref<6x512xf32, #tpu.memory_space<vmem>>, vector<1x16xf32>,
    %get3A_2208 = vector.shape_cast %get3A_2207 : vector<1x16xf32> to vector<16xf32>
    %get3A_2209 = arith.constant 5 : i32
    %get3A_2210 = arith.index_cast %get3A_2209 : i32 to index
    %get3A_2211 = arith.constant 224 : index
    %get3A_2212 = tpu.vector_load %arg13[%get3A_2210, %get3A_2211] {strides = array<i32>} : memref<6x512xf32, #tpu.memory_space<vmem>>, vector<1x16xf32>,
    %get3A_2213 = vector.shape_cast %get3A_2212 : vector<1x16xf32> to vector<16xf32>
    %mul3A_2214 = arith.mulf %get3A_2188, %get3A_2198 : vector<16xf32>
    %mul3A_2215 = arith.mulf %get3A_2193, %get3A_2203 : vector<16xf32>
    %mul3A_2216 = arith.mulf %get3A_352, %get3A_2208 : vector<16xf32>
    %mul3A_2217 = arith.mulf %get3A_357, %get3A_2213 : vector<16xf32>
    %add3A_2218 = arith.addf %mul3A_2216, %mul3A_2217 : vector<16xf32>
    %add3A_2219 = arith.addf %add3A_2218, %get3A_432 : vector<16xf32>
    %max3A_2220 = arith.constant 0.000000e+00 : f32
    %max3A_2221 = vector.broadcast %max3A_2220 : f32 to vector<16xf32>
    %max3A_2222 = arith.maximumf %add3A_2219, %max3A_2221 : vector<16xf32>
    %mul3A_2223 = arith.mulf %get3A_362, %get3A_2208 : vector<16xf32>
    %mul3A_2224 = arith.mulf %get3A_367, %get3A_2213 : vector<16xf32>
    %add3A_2225 = arith.addf %mul3A_2223, %mul3A_2224 : vector<16xf32>
    %add3A_2226 = arith.addf %add3A_2225, %get3A_437 : vector<16xf32>
    %max3A_2227 = arith.constant 0.000000e+00 : f32
    %max3A_2228 = vector.broadcast %max3A_2227 : f32 to vector<16xf32>
    %max3A_2229 = arith.maximumf %add3A_2226, %max3A_2228 : vector<16xf32>
    %mul3A_2230 = arith.mulf %get3A_372, %max3A_2222 : vector<16xf32>
    %mul3A_2231 = arith.mulf %get3A_377, %max3A_2229 : vector<16xf32>
    %add3A_2232 = arith.addf %mul3A_2230, %mul3A_2231 : vector<16xf32>
    %add3A_2233 = arith.addf %add3A_2232, %get3A_442 : vector<16xf32>
    %max3A_2234 = arith.constant 0.000000e+00 : f32
    %max3A_2235 = vector.broadcast %max3A_2234 : f32 to vector<16xf32>
    %max3A_2236 = arith.maximumf %add3A_2233, %max3A_2235 : vector<16xf32>
    %mul3A_2237 = arith.mulf %get3A_382, %max3A_2222 : vector<16xf32>
    %mul3A_2238 = arith.mulf %get3A_387, %max3A_2229 : vector<16xf32>
    %add3A_2239 = arith.addf %mul3A_2237, %mul3A_2238 : vector<16xf32>
    %add3A_2240 = arith.addf %add3A_2239, %get3A_447 : vector<16xf32>
    %max3A_2241 = arith.constant 0.000000e+00 : f32
    %max3A_2242 = vector.broadcast %max3A_2241 : f32 to vector<16xf32>
    %max3A_2243 = arith.maximumf %add3A_2240, %max3A_2242 : vector<16xf32>
    %mul3A_2244 = arith.mulf %get3A_392, %max3A_2236 : vector<16xf32>
    %mul3A_2245 = arith.mulf %get3A_397, %max3A_2243 : vector<16xf32>
    %add3A_2246 = arith.addf %mul3A_2244, %mul3A_2245 : vector<16xf32>
    %add3A_2247 = arith.addf %add3A_2246, %get3A_452 : vector<16xf32>
    %max3A_2248 = arith.constant 0.000000e+00 : f32
    %max3A_2249 = vector.broadcast %max3A_2248 : f32 to vector<16xf32>
    %max3A_2250 = arith.maximumf %add3A_2247, %max3A_2249 : vector<16xf32>
    %mul3A_2251 = arith.mulf %get3A_402, %max3A_2236 : vector<16xf32>
    %mul3A_2252 = arith.mulf %get3A_407, %max3A_2243 : vector<16xf32>
    %add3A_2253 = arith.addf %mul3A_2251, %mul3A_2252 : vector<16xf32>
    %add3A_2254 = arith.addf %add3A_2253, %get3A_457 : vector<16xf32>
    %max3A_2255 = arith.constant 0.000000e+00 : f32
    %max3A_2256 = vector.broadcast %max3A_2255 : f32 to vector<16xf32>
    %max3A_2257 = arith.maximumf %add3A_2254, %max3A_2256 : vector<16xf32>
    %mul3A_2258 = arith.mulf %get3A_412, %max3A_2250 : vector<16xf32>
    %mul3A_2259 = arith.mulf %get3A_417, %max3A_2257 : vector<16xf32>
    %add3A_2260 = arith.addf %mul3A_2258, %mul3A_2259 : vector<16xf32>
    %add3A_2261 = arith.addf %add3A_2260, %get3A_462 : vector<16xf32>
    %max3A_2262 = arith.constant 0.000000e+00 : f32
    %max3A_2263 = vector.broadcast %max3A_2262 : f32 to vector<16xf32>
    %max3A_2264 = arith.maximumf %add3A_2261, %max3A_2263 : vector<16xf32>
    %mul3A_2265 = arith.mulf %get3A_422, %max3A_2250 : vector<16xf32>
    %mul3A_2266 = arith.mulf %get3A_427, %max3A_2257 : vector<16xf32>
    %add3A_2267 = arith.addf %mul3A_2265, %mul3A_2266 : vector<16xf32>
    %add3A_2268 = arith.addf %add3A_2267, %get3A_467 : vector<16xf32>
    %max3A_2269 = arith.constant 0.000000e+00 : f32
    %max3A_2270 = vector.broadcast %max3A_2269 : f32 to vector<16xf32>
    %max3A_2271 = arith.maximumf %add3A_2268, %max3A_2270 : vector<16xf32>
    %mul3A_2272 = arith.mulf %get3A_472, %mul3A_2214 : vector<16xf32>
    %mul3A_2273 = arith.mulf %get3A_477, %mul3A_2215 : vector<16xf32>
    %add3A_2274 = arith.addf %mul3A_2272, %mul3A_2273 : vector<16xf32>
    %mul3A_2275 = arith.mulf %get3A_482, %max3A_2264 : vector<16xf32>
    %add3A_2276 = arith.addf %add3A_2274, %mul3A_2275 : vector<16xf32>
    %mul3A_2277 = arith.mulf %get3A_487, %max3A_2271 : vector<16xf32>
    %add3A_2278 = arith.addf %add3A_2276, %mul3A_2277 : vector<16xf32>
    %add3A_2279 = arith.addf %add3A_2278, %get3A_492 : vector<16xf32>
    %neg3A_2280 = arith.constant 0.000000e+00 : f32
    %neg3A_2281 = vector.broadcast %neg3A_2280 : f32 to vector<16xf32>
    %neg3A_2282 = arith.subf %neg3A_2281, %add3A_2279 : vector<16xf32>
    %exp3A_2283 = math.exp %neg3A_2282 : vector<16xf32>
    %add3A_2284 = arith.constant 1.000000e+00 : f32
    %add3A_2285 = vector.broadcast %add3A_2284 : f32 to vector<16xf32>
    %add3A_2286 = arith.addf %add3A_2285, %exp3A_2283 : vector<16xf32>
    %div3A_2287 = arith.constant 1.000000e+00 : f32
    %div3A_2288 = vector.broadcast %div3A_2287 : f32 to vector<16xf32>
    %div3A_2289 = arith.divf %div3A_2288, %add3A_2286 : vector<16xf32>
    %swap3A_2290 = arith.constant 224 : index
    %swap3A_2291 = tpu.vector_load %arg15[%swap3A_2290] {strides = array<i32>} : memref<512xf32, #tpu.memory_space<vmem>>, vector<16xf32>,
    %swap3A_2292 = vector.shape_cast %swap3A_2291 : vector<16xf32> to vector<16xf32>
    %swap3A_2293 = vector.shape_cast %div3A_2289 : vector<16xf32> to vector<16xf32>
    tpu.vector_store %arg15[%swap3A_2290], %swap3A_2293 {strides = array<i32>} : memref<512xf32, #tpu.memory_space<vmem>>, vector<16xf32>,
    %get3A_2294 = arith.constant 0 : i32
    %get3A_2295 = arith.index_cast %get3A_2294 : i32 to index
    %get3A_2296 = arith.constant 240 : index
    %get3A_2297 = tpu.vector_load %arg13[%get3A_2295, %get3A_2296] {strides = array<i32>} : memref<6x512xf32, #tpu.memory_space<vmem>>, vector<1x16xf32>,
    %get3A_2298 = vector.shape_cast %get3A_2297 : vector<1x16xf32> to vector<16xf32>
    %get3A_2299 = arith.constant 1 : i32
    %get3A_2300 = arith.index_cast %get3A_2299 : i32 to index
    %get3A_2301 = arith.constant 240 : index
    %get3A_2302 = tpu.vector_load %arg13[%get3A_2300, %get3A_2301] {strides = array<i32>} : memref<6x512xf32, #tpu.memory_space<vmem>>, vector<1x16xf32>,
    %get3A_2303 = vector.shape_cast %get3A_2302 : vector<1x16xf32> to vector<16xf32>
    %get3A_2304 = arith.constant 2 : i32
    %get3A_2305 = arith.index_cast %get3A_2304 : i32 to index
    %get3A_2306 = arith.constant 240 : index
    %get3A_2307 = tpu.vector_load %arg13[%get3A_2305, %get3A_2306] {strides = array<i32>} : memref<6x512xf32, #tpu.memory_space<vmem>>, vector<1x16xf32>,
    %get3A_2308 = vector.shape_cast %get3A_2307 : vector<1x16xf32> to vector<16xf32>
    %get3A_2309 = arith.constant 3 : i32
    %get3A_2310 = arith.index_cast %get3A_2309 : i32 to index
    %get3A_2311 = arith.constant 240 : index
    %get3A_2312 = tpu.vector_load %arg13[%get3A_2310, %get3A_2311] {strides = array<i32>} : memref<6x512xf32, #tpu.memory_space<vmem>>, vector<1x16xf32>,
    %get3A_2313 = vector.shape_cast %get3A_2312 : vector<1x16xf32> to vector<16xf32>
    %get3A_2314 = arith.constant 4 : i32
    %get3A_2315 = arith.index_cast %get3A_2314 : i32 to index
    %get3A_2316 = arith.constant 240 : index
    %get3A_2317 = tpu.vector_load %arg13[%get3A_2315, %get3A_2316] {strides = array<i32>} : memref<6x512xf32, #tpu.memory_space<vmem>>, vector<1x16xf32>,
    %get3A_2318 = vector.shape_cast %get3A_2317 : vector<1x16xf32> to vector<16xf32>
    %get3A_2319 = arith.constant 5 : i32
    %get3A_2320 = arith.index_cast %get3A_2319 : i32 to index
    %get3A_2321 = arith.constant 240 : index
    %get3A_2322 = tpu.vector_load %arg13[%get3A_2320, %get3A_2321] {strides = array<i32>} : memref<6x512xf32, #tpu.memory_space<vmem>>, vector<1x16xf32>,
    %get3A_2323 = vector.shape_cast %get3A_2322 : vector<1x16xf32> to vector<16xf32>
    %mul3A_2324 = arith.mulf %get3A_2298, %get3A_2308 : vector<16xf32>
    %mul3A_2325 = arith.mulf %get3A_2303, %get3A_2313 : vector<16xf32>
    %mul3A_2326 = arith.mulf %get3A_352, %get3A_2318 : vector<16xf32>
    %mul3A_2327 = arith.mulf %get3A_357, %get3A_2323 : vector<16xf32>
    %add3A_2328 = arith.addf %mul3A_2326, %mul3A_2327 : vector<16xf32>
    %add3A_2329 = arith.addf %add3A_2328, %get3A_432 : vector<16xf32>
    %max3A_2330 = arith.constant 0.000000e+00 : f32
    %max3A_2331 = vector.broadcast %max3A_2330 : f32 to vector<16xf32>
    %max3A_2332 = arith.maximumf %add3A_2329, %max3A_2331 : vector<16xf32>
    %mul3A_2333 = arith.mulf %get3A_362, %get3A_2318 : vector<16xf32>
    %mul3A_2334 = arith.mulf %get3A_367, %get3A_2323 : vector<16xf32>
    %add3A_2335 = arith.addf %mul3A_2333, %mul3A_2334 : vector<16xf32>
    %add3A_2336 = arith.addf %add3A_2335, %get3A_437 : vector<16xf32>
    %max3A_2337 = arith.constant 0.000000e+00 : f32
    %max3A_2338 = vector.broadcast %max3A_2337 : f32 to vector<16xf32>
    %max3A_2339 = arith.maximumf %add3A_2336, %max3A_2338 : vector<16xf32>
    %mul3A_2340 = arith.mulf %get3A_372, %max3A_2332 : vector<16xf32>
    %mul3A_2341 = arith.mulf %get3A_377, %max3A_2339 : vector<16xf32>
    %add3A_2342 = arith.addf %mul3A_2340, %mul3A_2341 : vector<16xf32>
    %add3A_2343 = arith.addf %add3A_2342, %get3A_442 : vector<16xf32>
    %max3A_2344 = arith.constant 0.000000e+00 : f32
    %max3A_2345 = vector.broadcast %max3A_2344 : f32 to vector<16xf32>
    %max3A_2346 = arith.maximumf %add3A_2343, %max3A_2345 : vector<16xf32>
    %mul3A_2347 = arith.mulf %get3A_382, %max3A_2332 : vector<16xf32>
    %mul3A_2348 = arith.mulf %get3A_387, %max3A_2339 : vector<16xf32>
    %add3A_2349 = arith.addf %mul3A_2347, %mul3A_2348 : vector<16xf32>
    %add3A_2350 = arith.addf %add3A_2349, %get3A_447 : vector<16xf32>
    %max3A_2351 = arith.constant 0.000000e+00 : f32
    %max3A_2352 = vector.broadcast %max3A_2351 : f32 to vector<16xf32>
    %max3A_2353 = arith.maximumf %add3A_2350, %max3A_2352 : vector<16xf32>
    %mul3A_2354 = arith.mulf %get3A_392, %max3A_2346 : vector<16xf32>
    %mul3A_2355 = arith.mulf %get3A_397, %max3A_2353 : vector<16xf32>
    %add3A_2356 = arith.addf %mul3A_2354, %mul3A_2355 : vector<16xf32>
    %add3A_2357 = arith.addf %add3A_2356, %get3A_452 : vector<16xf32>
    %max3A_2358 = arith.constant 0.000000e+00 : f32
    %max3A_2359 = vector.broadcast %max3A_2358 : f32 to vector<16xf32>
    %max3A_2360 = arith.maximumf %add3A_2357, %max3A_2359 : vector<16xf32>
    %mul3A_2361 = arith.mulf %get3A_402, %max3A_2346 : vector<16xf32>
    %mul3A_2362 = arith.mulf %get3A_407, %max3A_2353 : vector<16xf32>
    %add3A_2363 = arith.addf %mul3A_2361, %mul3A_2362 : vector<16xf32>
    %add3A_2364 = arith.addf %add3A_2363, %get3A_457 : vector<16xf32>
    %max3A_2365 = arith.constant 0.000000e+00 : f32
    %max3A_2366 = vector.broadcast %max3A_2365 : f32 to vector<16xf32>
    %max3A_2367 = arith.maximumf %add3A_2364, %max3A_2366 : vector<16xf32>
    %mul3A_2368 = arith.mulf %get3A_412, %max3A_2360 : vector<16xf32>
    %mul3A_2369 = arith.mulf %get3A_417, %max3A_2367 : vector<16xf32>
    %add3A_2370 = arith.addf %mul3A_2368, %mul3A_2369 : vector<16xf32>
    %add3A_2371 = arith.addf %add3A_2370, %get3A_462 : vector<16xf32>
    %max3A_2372 = arith.constant 0.000000e+00 : f32
    %max3A_2373 = vector.broadcast %max3A_2372 : f32 to vector<16xf32>
    %max3A_2374 = arith.maximumf %add3A_2371, %max3A_2373 : vector<16xf32>
    %mul3A_2375 = arith.mulf %get3A_422, %max3A_2360 : vector<16xf32>
    %mul3A_2376 = arith.mulf %get3A_427, %max3A_2367 : vector<16xf32>
    %add3A_2377 = arith.addf %mul3A_2375, %mul3A_2376 : vector<16xf32>
    %add3A_2378 = arith.addf %add3A_2377, %get3A_467 : vector<16xf32>
    %max3A_2379 = arith.constant 0.000000e+00 : f32
    %max3A_2380 = vector.broadcast %max3A_2379 : f32 to vector<16xf32>
    %max3A_2381 = arith.maximumf %add3A_2378, %max3A_2380 : vector<16xf32>
    %mul3A_2382 = arith.mulf %get3A_472, %mul3A_2324 : vector<16xf32>
    %mul3A_2383 = arith.mulf %get3A_477, %mul3A_2325 : vector<16xf32>
    %add3A_2384 = arith.addf %mul3A_2382, %mul3A_2383 : vector<16xf32>
    %mul3A_2385 = arith.mulf %get3A_482, %max3A_2374 : vector<16xf32>
    %add3A_2386 = arith.addf %add3A_2384, %mul3A_2385 : vector<16xf32>
    %mul3A_2387 = arith.mulf %get3A_487, %max3A_2381 : vector<16xf32>
    %add3A_2388 = arith.addf %add3A_2386, %mul3A_2387 : vector<16xf32>
    %add3A_2389 = arith.addf %add3A_2388, %get3A_492 : vector<16xf32>
    %neg3A_2390 = arith.constant 0.000000e+00 : f32
    %neg3A_2391 = vector.broadcast %neg3A_2390 : f32 to vector<16xf32>
    %neg3A_2392 = arith.subf %neg3A_2391, %add3A_2389 : vector<16xf32>
    %exp3A_2393 = math.exp %neg3A_2392 : vector<16xf32>
    %add3A_2394 = arith.constant 1.000000e+00 : f32
    %add3A_2395 = vector.broadcast %add3A_2394 : f32 to vector<16xf32>
    %add3A_2396 = arith.addf %add3A_2395, %exp3A_2393 : vector<16xf32>
    %div3A_2397 = arith.constant 1.000000e+00 : f32
    %div3A_2398 = vector.broadcast %div3A_2397 : f32 to vector<16xf32>
    %div3A_2399 = arith.divf %div3A_2398, %add3A_2396 : vector<16xf32>
    %swap3A_2400 = arith.constant 240 : index
    %swap3A_2401 = tpu.vector_load %arg15[%swap3A_2400] {strides = array<i32>} : memref<512xf32, #tpu.memory_space<vmem>>, vector<16xf32>,
    %swap3A_2402 = vector.shape_cast %swap3A_2401 : vector<16xf32> to vector<16xf32>
    %swap3A_2403 = vector.shape_cast %div3A_2399 : vector<16xf32> to vector<16xf32>
    tpu.vector_store %arg15[%swap3A_2400], %swap3A_2403 {strides = array<i32>} : memref<512xf32, #tpu.memory_space<vmem>>, vector<16xf32>,
    %dma_wait3A_2404 = arith.constant 0 : i32
    %dma_wait3A_2405 = arith.constant 0 : i32
    %dma_wait3A_2406 = arith.constant 2 : i32
    %dma_wait3A_2407 = arith.constant 256 : i32
    %dma_wait3A_2408 = tpu.memref_slice %arg13[%dma_wait3A_2405, %dma_wait3A_2407] : memref<6x512xf32, #tpu.memory_space<vmem>> -> memref<1x128xf32, #tpu.memory_space<vmem>>
    %dma_wait3A_2409 = tpu.memref_squeeze %dma_wait3A_2408 : memref<1x128xf32, #tpu.memory_space<vmem>> -> memref<128xf32, #tpu.memory_space<vmem>>
    %dma_wait3A_2410 = arith.constant 256 : i32
    %dma_wait3A_2411 = tpu.memref_slice %arg12[%dma_wait3A_2404, %dma_wait3A_2410] : memref<2x512xi32, #tpu.memory_space<vmem>> -> memref<1x128xi32, #tpu.memory_space<vmem>>
    %dma_wait3A_2412 = tpu.memref_squeeze %dma_wait3A_2411 : memref<1x128xi32, #tpu.memory_space<vmem>> -> memref<128xi32, #tpu.memory_space<vmem>>
    %dma_wait3A_2413 = arith.constant 0 : i32
    %dma_wait3A_2414 = tpu.memref_slice %arg4[%dma_wait3A_2413] : memref<8388608xf32, #tpu.memory_space<hbm>> -> memref<8388608xf32, #tpu.memory_space<hbm>>
    %dma_wait3A_2415 = tpu.memref_slice %arg17[%dma_wait3A_2406] : memref<4x!tpu.dma_semaphore, #tpu.memory_space<semaphore_mem>> -> memref<1x!tpu.dma_semaphore, #tpu.memory_space<semaphore_mem>>
    %dma_wait3A_2416 = tpu.memref_squeeze %dma_wait3A_2415 : memref<1x!tpu.dma_semaphore, #tpu.memory_space<semaphore_mem>> -> memref<!tpu.dma_semaphore, #tpu.memory_space<semaphore_mem>>
    tpu.wait_indirect_dma semaphore(%dma_wait3A_2416 : memref<!tpu.dma_semaphore, #tpu.memory_space<semaphore_mem>>) src(%dma_wait3A_2414 : memref<8388608xf32, #tpu.memory_space<hbm>>) dst(%dma_wait3A_2409 : memref<128xf32, #tpu.memory_space<vmem>>)
    %dma_wait3A_2417 = arith.constant 0 : i32
    %dma_wait3A_2418 = arith.constant 1 : i32
    %dma_wait3A_2419 = arith.constant 2 : i32
    %dma_wait3A_2420 = arith.constant 256 : i32
    %dma_wait3A_2421 = tpu.memref_slice %arg13[%dma_wait3A_2418, %dma_wait3A_2420] : memref<6x512xf32, #tpu.memory_space<vmem>> -> memref<1x128xf32, #tpu.memory_space<vmem>>
    %dma_wait3A_2422 = tpu.memref_squeeze %dma_wait3A_2421 : memref<1x128xf32, #tpu.memory_space<vmem>> -> memref<128xf32, #tpu.memory_space<vmem>>
    %dma_wait3A_2423 = arith.constant 256 : i32
    %dma_wait3A_2424 = tpu.memref_slice %arg12[%dma_wait3A_2417, %dma_wait3A_2423] : memref<2x512xi32, #tpu.memory_space<vmem>> -> memref<1x128xi32, #tpu.memory_space<vmem>>
    %dma_wait3A_2425 = tpu.memref_squeeze %dma_wait3A_2424 : memref<1x128xi32, #tpu.memory_space<vmem>> -> memref<128xi32, #tpu.memory_space<vmem>>
    %dma_wait3A_2426 = arith.constant 0 : i32
    %dma_wait3A_2427 = tpu.memref_slice %arg5[%dma_wait3A_2426] : memref<8388608xf32, #tpu.memory_space<hbm>> -> memref<8388608xf32, #tpu.memory_space<hbm>>
    %dma_wait3A_2428 = tpu.memref_slice %arg17[%dma_wait3A_2419] : memref<4x!tpu.dma_semaphore, #tpu.memory_space<semaphore_mem>> -> memref<1x!tpu.dma_semaphore, #tpu.memory_space<semaphore_mem>>
    %dma_wait3A_2429 = tpu.memref_squeeze %dma_wait3A_2428 : memref<1x!tpu.dma_semaphore, #tpu.memory_space<semaphore_mem>> -> memref<!tpu.dma_semaphore, #tpu.memory_space<semaphore_mem>>
    tpu.wait_indirect_dma semaphore(%dma_wait3A_2429 : memref<!tpu.dma_semaphore, #tpu.memory_space<semaphore_mem>>) src(%dma_wait3A_2427 : memref<8388608xf32, #tpu.memory_space<hbm>>) dst(%dma_wait3A_2422 : memref<128xf32, #tpu.memory_space<vmem>>)
    %dma_wait3A_2430 = arith.constant 1 : i32
    %dma_wait3A_2431 = arith.constant 2 : i32
    %dma_wait3A_2432 = arith.constant 2 : i32
    %dma_wait3A_2433 = arith.constant 256 : i32
    %dma_wait3A_2434 = tpu.memref_slice %arg13[%dma_wait3A_2431, %dma_wait3A_2433] : memref<6x512xf32, #tpu.memory_space<vmem>> -> memref<1x128xf32, #tpu.memory_space<vmem>>
    %dma_wait3A_2435 = tpu.memref_squeeze %dma_wait3A_2434 : memref<1x128xf32, #tpu.memory_space<vmem>> -> memref<128xf32, #tpu.memory_space<vmem>>
    %dma_wait3A_2436 = arith.constant 256 : i32
    %dma_wait3A_2437 = tpu.memref_slice %arg12[%dma_wait3A_2430, %dma_wait3A_2436] : memref<2x512xi32, #tpu.memory_space<vmem>> -> memref<1x128xi32, #tpu.memory_space<vmem>>
    %dma_wait3A_2438 = tpu.memref_squeeze %dma_wait3A_2437 : memref<1x128xi32, #tpu.memory_space<vmem>> -> memref<128xi32, #tpu.memory_space<vmem>>
    %dma_wait3A_2439 = arith.constant 0 : i32
    %dma_wait3A_2440 = tpu.memref_slice %arg6[%dma_wait3A_2439] : memref<8388608xf32, #tpu.memory_space<hbm>> -> memref<8388608xf32, #tpu.memory_space<hbm>>
    %dma_wait3A_2441 = tpu.memref_slice %arg17[%dma_wait3A_2432] : memref<4x!tpu.dma_semaphore, #tpu.memory_space<semaphore_mem>> -> memref<1x!tpu.dma_semaphore, #tpu.memory_space<semaphore_mem>>
    %dma_wait3A_2442 = tpu.memref_squeeze %dma_wait3A_2441 : memref<1x!tpu.dma_semaphore, #tpu.memory_space<semaphore_mem>> -> memref<!tpu.dma_semaphore, #tpu.memory_space<semaphore_mem>>
    tpu.wait_indirect_dma semaphore(%dma_wait3A_2442 : memref<!tpu.dma_semaphore, #tpu.memory_space<semaphore_mem>>) src(%dma_wait3A_2440 : memref<8388608xf32, #tpu.memory_space<hbm>>) dst(%dma_wait3A_2435 : memref<128xf32, #tpu.memory_space<vmem>>)
    %dma_wait3A_2443 = arith.constant 1 : i32
    %dma_wait3A_2444 = arith.constant 3 : i32
    %dma_wait3A_2445 = arith.constant 2 : i32
    %dma_wait3A_2446 = arith.constant 256 : i32
    %dma_wait3A_2447 = tpu.memref_slice %arg13[%dma_wait3A_2444, %dma_wait3A_2446] : memref<6x512xf32, #tpu.memory_space<vmem>> -> memref<1x128xf32, #tpu.memory_space<vmem>>
    %dma_wait3A_2448 = tpu.memref_squeeze %dma_wait3A_2447 : memref<1x128xf32, #tpu.memory_space<vmem>> -> memref<128xf32, #tpu.memory_space<vmem>>
    %dma_wait3A_2449 = arith.constant 256 : i32
    %dma_wait3A_2450 = tpu.memref_slice %arg12[%dma_wait3A_2443, %dma_wait3A_2449] : memref<2x512xi32, #tpu.memory_space<vmem>> -> memref<1x128xi32, #tpu.memory_space<vmem>>
    %dma_wait3A_2451 = tpu.memref_squeeze %dma_wait3A_2450 : memref<1x128xi32, #tpu.memory_space<vmem>> -> memref<128xi32, #tpu.memory_space<vmem>>
    %dma_wait3A_2452 = arith.constant 0 : i32
    %dma_wait3A_2453 = tpu.memref_slice %arg7[%dma_wait3A_2452] : memref<8388608xf32, #tpu.memory_space<hbm>> -> memref<8388608xf32, #tpu.memory_space<hbm>>
    %dma_wait3A_2454 = tpu.memref_slice %arg17[%dma_wait3A_2445] : memref<4x!tpu.dma_semaphore, #tpu.memory_space<semaphore_mem>> -> memref<1x!tpu.dma_semaphore, #tpu.memory_space<semaphore_mem>>
    %dma_wait3A_2455 = tpu.memref_squeeze %dma_wait3A_2454 : memref<1x!tpu.dma_semaphore, #tpu.memory_space<semaphore_mem>> -> memref<!tpu.dma_semaphore, #tpu.memory_space<semaphore_mem>>
    tpu.wait_indirect_dma semaphore(%dma_wait3A_2455 : memref<!tpu.dma_semaphore, #tpu.memory_space<semaphore_mem>>) src(%dma_wait3A_2453 : memref<8388608xf32, #tpu.memory_space<hbm>>) dst(%dma_wait3A_2448 : memref<128xf32, #tpu.memory_space<vmem>>)
    %dma_wait3A_2456 = arith.constant 0 : i32
    %dma_wait3A_2457 = arith.constant 4 : i32
    %dma_wait3A_2458 = arith.constant 2 : i32
    %dma_wait3A_2459 = arith.constant 256 : i32
    %dma_wait3A_2460 = tpu.memref_slice %arg13[%dma_wait3A_2457, %dma_wait3A_2459] : memref<6x512xf32, #tpu.memory_space<vmem>> -> memref<1x128xf32, #tpu.memory_space<vmem>>
    %dma_wait3A_2461 = tpu.memref_squeeze %dma_wait3A_2460 : memref<1x128xf32, #tpu.memory_space<vmem>> -> memref<128xf32, #tpu.memory_space<vmem>>
    %dma_wait3A_2462 = arith.constant 256 : i32
    %dma_wait3A_2463 = tpu.memref_slice %arg12[%dma_wait3A_2456, %dma_wait3A_2462] : memref<2x512xi32, #tpu.memory_space<vmem>> -> memref<1x128xi32, #tpu.memory_space<vmem>>
    %dma_wait3A_2464 = tpu.memref_squeeze %dma_wait3A_2463 : memref<1x128xi32, #tpu.memory_space<vmem>> -> memref<128xi32, #tpu.memory_space<vmem>>
    %dma_wait3A_2465 = arith.constant 0 : i32
    %dma_wait3A_2466 = tpu.memref_slice %arg8[%dma_wait3A_2465] : memref<8388608xf32, #tpu.memory_space<hbm>> -> memref<8388608xf32, #tpu.memory_space<hbm>>
    %dma_wait3A_2467 = tpu.memref_slice %arg17[%dma_wait3A_2458] : memref<4x!tpu.dma_semaphore, #tpu.memory_space<semaphore_mem>> -> memref<1x!tpu.dma_semaphore, #tpu.memory_space<semaphore_mem>>
    %dma_wait3A_2468 = tpu.memref_squeeze %dma_wait3A_2467 : memref<1x!tpu.dma_semaphore, #tpu.memory_space<semaphore_mem>> -> memref<!tpu.dma_semaphore, #tpu.memory_space<semaphore_mem>>
    tpu.wait_indirect_dma semaphore(%dma_wait3A_2468 : memref<!tpu.dma_semaphore, #tpu.memory_space<semaphore_mem>>) src(%dma_wait3A_2466 : memref<8388608xf32, #tpu.memory_space<hbm>>) dst(%dma_wait3A_2461 : memref<128xf32, #tpu.memory_space<vmem>>)
    %dma_wait3A_2469 = arith.constant 1 : i32
    %dma_wait3A_2470 = arith.constant 5 : i32
    %dma_wait3A_2471 = arith.constant 2 : i32
    %dma_wait3A_2472 = arith.constant 256 : i32
    %dma_wait3A_2473 = tpu.memref_slice %arg13[%dma_wait3A_2470, %dma_wait3A_2472] : memref<6x512xf32, #tpu.memory_space<vmem>> -> memref<1x128xf32, #tpu.memory_space<vmem>>
    %dma_wait3A_2474 = tpu.memref_squeeze %dma_wait3A_2473 : memref<1x128xf32, #tpu.memory_space<vmem>> -> memref<128xf32, #tpu.memory_space<vmem>>
    %dma_wait3A_2475 = arith.constant 256 : i32
    %dma_wait3A_2476 = tpu.memref_slice %arg12[%dma_wait3A_2469, %dma_wait3A_2475] : memref<2x512xi32, #tpu.memory_space<vmem>> -> memref<1x128xi32, #tpu.memory_space<vmem>>
    %dma_wait3A_2477 = tpu.memref_squeeze %dma_wait3A_2476 : memref<1x128xi32, #tpu.memory_space<vmem>> -> memref<128xi32, #tpu.memory_space<vmem>>
    %dma_wait3A_2478 = arith.constant 0 : i32
    %dma_wait3A_2479 = tpu.memref_slice %arg9[%dma_wait3A_2478] : memref<8388608xf32, #tpu.memory_space<hbm>> -> memref<8388608xf32, #tpu.memory_space<hbm>>
    %dma_wait3A_2480 = tpu.memref_slice %arg17[%dma_wait3A_2471] : memref<4x!tpu.dma_semaphore, #tpu.memory_space<semaphore_mem>> -> memref<1x!tpu.dma_semaphore, #tpu.memory_space<semaphore_mem>>
    %dma_wait3A_2481 = tpu.memref_squeeze %dma_wait3A_2480 : memref<1x!tpu.dma_semaphore, #tpu.memory_space<semaphore_mem>> -> memref<!tpu.dma_semaphore, #tpu.memory_space<semaphore_mem>>
    tpu.wait_indirect_dma semaphore(%dma_wait3A_2481 : memref<!tpu.dma_semaphore, #tpu.memory_space<semaphore_mem>>) src(%dma_wait3A_2479 : memref<8388608xf32, #tpu.memory_space<hbm>>) dst(%dma_wait3A_2474 : memref<128xf32, #tpu.memory_space<vmem>>)
    %get3A_2482 = arith.constant 0 : i32
    %get3A_2483 = arith.index_cast %get3A_2482 : i32 to index
    %get3A_2484 = arith.constant 256 : index
    %get3A_2485 = tpu.vector_load %arg13[%get3A_2483, %get3A_2484] {strides = array<i32>} : memref<6x512xf32, #tpu.memory_space<vmem>>, vector<1x16xf32>,
    %get3A_2486 = vector.shape_cast %get3A_2485 : vector<1x16xf32> to vector<16xf32>
    %get3A_2487 = arith.constant 1 : i32
    %get3A_2488 = arith.index_cast %get3A_2487 : i32 to index
    %get3A_2489 = arith.constant 256 : index
    %get3A_2490 = tpu.vector_load %arg13[%get3A_2488, %get3A_2489] {strides = array<i32>} : memref<6x512xf32, #tpu.memory_space<vmem>>, vector<1x16xf32>,
    %get3A_2491 = vector.shape_cast %get3A_2490 : vector<1x16xf32> to vector<16xf32>
    %get3A_2492 = arith.constant 2 : i32
    %get3A_2493 = arith.index_cast %get3A_2492 : i32 to index
    %get3A_2494 = arith.constant 256 : index
    %get3A_2495 = tpu.vector_load %arg13[%get3A_2493, %get3A_2494] {strides = array<i32>} : memref<6x512xf32, #tpu.memory_space<vmem>>, vector<1x16xf32>,
    %get3A_2496 = vector.shape_cast %get3A_2495 : vector<1x16xf32> to vector<16xf32>
    %get3A_2497 = arith.constant 3 : i32
    %get3A_2498 = arith.index_cast %get3A_2497 : i32 to index
    %get3A_2499 = arith.constant 256 : index
    %get3A_2500 = tpu.vector_load %arg13[%get3A_2498, %get3A_2499] {strides = array<i32>} : memref<6x512xf32, #tpu.memory_space<vmem>>, vector<1x16xf32>,
    %get3A_2501 = vector.shape_cast %get3A_2500 : vector<1x16xf32> to vector<16xf32>
    %get3A_2502 = arith.constant 4 : i32
    %get3A_2503 = arith.index_cast %get3A_2502 : i32 to index
    %get3A_2504 = arith.constant 256 : index
    %get3A_2505 = tpu.vector_load %arg13[%get3A_2503, %get3A_2504] {strides = array<i32>} : memref<6x512xf32, #tpu.memory_space<vmem>>, vector<1x16xf32>,
    %get3A_2506 = vector.shape_cast %get3A_2505 : vector<1x16xf32> to vector<16xf32>
    %get3A_2507 = arith.constant 5 : i32
    %get3A_2508 = arith.index_cast %get3A_2507 : i32 to index
    %get3A_2509 = arith.constant 256 : index
    %get3A_2510 = tpu.vector_load %arg13[%get3A_2508, %get3A_2509] {strides = array<i32>} : memref<6x512xf32, #tpu.memory_space<vmem>>, vector<1x16xf32>,
    %get3A_2511 = vector.shape_cast %get3A_2510 : vector<1x16xf32> to vector<16xf32>
    %mul3A_2512 = arith.mulf %get3A_2486, %get3A_2496 : vector<16xf32>
    %mul3A_2513 = arith.mulf %get3A_2491, %get3A_2501 : vector<16xf32>
    %mul3A_2514 = arith.mulf %get3A_352, %get3A_2506 : vector<16xf32>
    %mul3A_2515 = arith.mulf %get3A_357, %get3A_2511 : vector<16xf32>
    %add3A_2516 = arith.addf %mul3A_2514, %mul3A_2515 : vector<16xf32>
    %add3A_2517 = arith.addf %add3A_2516, %get3A_432 : vector<16xf32>
    %max3A_2518 = arith.constant 0.000000e+00 : f32
    %max3A_2519 = vector.broadcast %max3A_2518 : f32 to vector<16xf32>
    %max3A_2520 = arith.maximumf %add3A_2517, %max3A_2519 : vector<16xf32>
    %mul3A_2521 = arith.mulf %get3A_362, %get3A_2506 : vector<16xf32>
    %mul3A_2522 = arith.mulf %get3A_367, %get3A_2511 : vector<16xf32>
    %add3A_2523 = arith.addf %mul3A_2521, %mul3A_2522 : vector<16xf32>
    %add3A_2524 = arith.addf %add3A_2523, %get3A_437 : vector<16xf32>
    %max3A_2525 = arith.constant 0.000000e+00 : f32
    %max3A_2526 = vector.broadcast %max3A_2525 : f32 to vector<16xf32>
    %max3A_2527 = arith.maximumf %add3A_2524, %max3A_2526 : vector<16xf32>
    %mul3A_2528 = arith.mulf %get3A_372, %max3A_2520 : vector<16xf32>
    %mul3A_2529 = arith.mulf %get3A_377, %max3A_2527 : vector<16xf32>
    %add3A_2530 = arith.addf %mul3A_2528, %mul3A_2529 : vector<16xf32>
    %add3A_2531 = arith.addf %add3A_2530, %get3A_442 : vector<16xf32>
    %max3A_2532 = arith.constant 0.000000e+00 : f32
    %max3A_2533 = vector.broadcast %max3A_2532 : f32 to vector<16xf32>
    %max3A_2534 = arith.maximumf %add3A_2531, %max3A_2533 : vector<16xf32>
    %mul3A_2535 = arith.mulf %get3A_382, %max3A_2520 : vector<16xf32>
    %mul3A_2536 = arith.mulf %get3A_387, %max3A_2527 : vector<16xf32>
    %add3A_2537 = arith.addf %mul3A_2535, %mul3A_2536 : vector<16xf32>
    %add3A_2538 = arith.addf %add3A_2537, %get3A_447 : vector<16xf32>
    %max3A_2539 = arith.constant 0.000000e+00 : f32
    %max3A_2540 = vector.broadcast %max3A_2539 : f32 to vector<16xf32>
    %max3A_2541 = arith.maximumf %add3A_2538, %max3A_2540 : vector<16xf32>
    %mul3A_2542 = arith.mulf %get3A_392, %max3A_2534 : vector<16xf32>
    %mul3A_2543 = arith.mulf %get3A_397, %max3A_2541 : vector<16xf32>
    %add3A_2544 = arith.addf %mul3A_2542, %mul3A_2543 : vector<16xf32>
    %add3A_2545 = arith.addf %add3A_2544, %get3A_452 : vector<16xf32>
    %max3A_2546 = arith.constant 0.000000e+00 : f32
    %max3A_2547 = vector.broadcast %max3A_2546 : f32 to vector<16xf32>
    %max3A_2548 = arith.maximumf %add3A_2545, %max3A_2547 : vector<16xf32>
    %mul3A_2549 = arith.mulf %get3A_402, %max3A_2534 : vector<16xf32>
    %mul3A_2550 = arith.mulf %get3A_407, %max3A_2541 : vector<16xf32>
    %add3A_2551 = arith.addf %mul3A_2549, %mul3A_2550 : vector<16xf32>
    %add3A_2552 = arith.addf %add3A_2551, %get3A_457 : vector<16xf32>
    %max3A_2553 = arith.constant 0.000000e+00 : f32
    %max3A_2554 = vector.broadcast %max3A_2553 : f32 to vector<16xf32>
    %max3A_2555 = arith.maximumf %add3A_2552, %max3A_2554 : vector<16xf32>
    %mul3A_2556 = arith.mulf %get3A_412, %max3A_2548 : vector<16xf32>
    %mul3A_2557 = arith.mulf %get3A_417, %max3A_2555 : vector<16xf32>
    %add3A_2558 = arith.addf %mul3A_2556, %mul3A_2557 : vector<16xf32>
    %add3A_2559 = arith.addf %add3A_2558, %get3A_462 : vector<16xf32>
    %max3A_2560 = arith.constant 0.000000e+00 : f32
    %max3A_2561 = vector.broadcast %max3A_2560 : f32 to vector<16xf32>
    %max3A_2562 = arith.maximumf %add3A_2559, %max3A_2561 : vector<16xf32>
    %mul3A_2563 = arith.mulf %get3A_422, %max3A_2548 : vector<16xf32>
    %mul3A_2564 = arith.mulf %get3A_427, %max3A_2555 : vector<16xf32>
    %add3A_2565 = arith.addf %mul3A_2563, %mul3A_2564 : vector<16xf32>
    %add3A_2566 = arith.addf %add3A_2565, %get3A_467 : vector<16xf32>
    %max3A_2567 = arith.constant 0.000000e+00 : f32
    %max3A_2568 = vector.broadcast %max3A_2567 : f32 to vector<16xf32>
    %max3A_2569 = arith.maximumf %add3A_2566, %max3A_2568 : vector<16xf32>
    %mul3A_2570 = arith.mulf %get3A_472, %mul3A_2512 : vector<16xf32>
    %mul3A_2571 = arith.mulf %get3A_477, %mul3A_2513 : vector<16xf32>
    %add3A_2572 = arith.addf %mul3A_2570, %mul3A_2571 : vector<16xf32>
    %mul3A_2573 = arith.mulf %get3A_482, %max3A_2562 : vector<16xf32>
    %add3A_2574 = arith.addf %add3A_2572, %mul3A_2573 : vector<16xf32>
    %mul3A_2575 = arith.mulf %get3A_487, %max3A_2569 : vector<16xf32>
    %add3A_2576 = arith.addf %add3A_2574, %mul3A_2575 : vector<16xf32>
    %add3A_2577 = arith.addf %add3A_2576, %get3A_492 : vector<16xf32>
    %neg3A_2578 = arith.constant 0.000000e+00 : f32
    %neg3A_2579 = vector.broadcast %neg3A_2578 : f32 to vector<16xf32>
    %neg3A_2580 = arith.subf %neg3A_2579, %add3A_2577 : vector<16xf32>
    %exp3A_2581 = math.exp %neg3A_2580 : vector<16xf32>
    %add3A_2582 = arith.constant 1.000000e+00 : f32
    %add3A_2583 = vector.broadcast %add3A_2582 : f32 to vector<16xf32>
    %add3A_2584 = arith.addf %add3A_2583, %exp3A_2581 : vector<16xf32>
    %div3A_2585 = arith.constant 1.000000e+00 : f32
    %div3A_2586 = vector.broadcast %div3A_2585 : f32 to vector<16xf32>
    %div3A_2587 = arith.divf %div3A_2586, %add3A_2584 : vector<16xf32>
    %swap3A_2588 = arith.constant 256 : index
    %swap3A_2589 = tpu.vector_load %arg15[%swap3A_2588] {strides = array<i32>} : memref<512xf32, #tpu.memory_space<vmem>>, vector<16xf32>,
    %swap3A_2590 = vector.shape_cast %swap3A_2589 : vector<16xf32> to vector<16xf32>
    %swap3A_2591 = vector.shape_cast %div3A_2587 : vector<16xf32> to vector<16xf32>
    tpu.vector_store %arg15[%swap3A_2588], %swap3A_2591 {strides = array<i32>} : memref<512xf32, #tpu.memory_space<vmem>>, vector<16xf32>,
    %get3A_2592 = arith.constant 0 : i32
    %get3A_2593 = arith.index_cast %get3A_2592 : i32 to index
    %get3A_2594 = arith.constant 272 : index
    %get3A_2595 = tpu.vector_load %arg13[%get3A_2593, %get3A_2594] {strides = array<i32>} : memref<6x512xf32, #tpu.memory_space<vmem>>, vector<1x16xf32>,
    %get3A_2596 = vector.shape_cast %get3A_2595 : vector<1x16xf32> to vector<16xf32>
    %get3A_2597 = arith.constant 1 : i32
    %get3A_2598 = arith.index_cast %get3A_2597 : i32 to index
    %get3A_2599 = arith.constant 272 : index
    %get3A_2600 = tpu.vector_load %arg13[%get3A_2598, %get3A_2599] {strides = array<i32>} : memref<6x512xf32, #tpu.memory_space<vmem>>, vector<1x16xf32>,
    %get3A_2601 = vector.shape_cast %get3A_2600 : vector<1x16xf32> to vector<16xf32>
    %get3A_2602 = arith.constant 2 : i32
    %get3A_2603 = arith.index_cast %get3A_2602 : i32 to index
    %get3A_2604 = arith.constant 272 : index
    %get3A_2605 = tpu.vector_load %arg13[%get3A_2603, %get3A_2604] {strides = array<i32>} : memref<6x512xf32, #tpu.memory_space<vmem>>, vector<1x16xf32>,
    %get3A_2606 = vector.shape_cast %get3A_2605 : vector<1x16xf32> to vector<16xf32>
    %get3A_2607 = arith.constant 3 : i32
    %get3A_2608 = arith.index_cast %get3A_2607 : i32 to index
    %get3A_2609 = arith.constant 272 : index
    %get3A_2610 = tpu.vector_load %arg13[%get3A_2608, %get3A_2609] {strides = array<i32>} : memref<6x512xf32, #tpu.memory_space<vmem>>, vector<1x16xf32>,
    %get3A_2611 = vector.shape_cast %get3A_2610 : vector<1x16xf32> to vector<16xf32>
    %get3A_2612 = arith.constant 4 : i32
    %get3A_2613 = arith.index_cast %get3A_2612 : i32 to index
    %get3A_2614 = arith.constant 272 : index
    %get3A_2615 = tpu.vector_load %arg13[%get3A_2613, %get3A_2614] {strides = array<i32>} : memref<6x512xf32, #tpu.memory_space<vmem>>, vector<1x16xf32>,
    %get3A_2616 = vector.shape_cast %get3A_2615 : vector<1x16xf32> to vector<16xf32>
    %get3A_2617 = arith.constant 5 : i32
    %get3A_2618 = arith.index_cast %get3A_2617 : i32 to index
    %get3A_2619 = arith.constant 272 : index
    %get3A_2620 = tpu.vector_load %arg13[%get3A_2618, %get3A_2619] {strides = array<i32>} : memref<6x512xf32, #tpu.memory_space<vmem>>, vector<1x16xf32>,
    %get3A_2621 = vector.shape_cast %get3A_2620 : vector<1x16xf32> to vector<16xf32>
    %mul3A_2622 = arith.mulf %get3A_2596, %get3A_2606 : vector<16xf32>
    %mul3A_2623 = arith.mulf %get3A_2601, %get3A_2611 : vector<16xf32>
    %mul3A_2624 = arith.mulf %get3A_352, %get3A_2616 : vector<16xf32>
    %mul3A_2625 = arith.mulf %get3A_357, %get3A_2621 : vector<16xf32>
    %add3A_2626 = arith.addf %mul3A_2624, %mul3A_2625 : vector<16xf32>
    %add3A_2627 = arith.addf %add3A_2626, %get3A_432 : vector<16xf32>
    %max3A_2628 = arith.constant 0.000000e+00 : f32
    %max3A_2629 = vector.broadcast %max3A_2628 : f32 to vector<16xf32>
    %max3A_2630 = arith.maximumf %add3A_2627, %max3A_2629 : vector<16xf32>
    %mul3A_2631 = arith.mulf %get3A_362, %get3A_2616 : vector<16xf32>
    %mul3A_2632 = arith.mulf %get3A_367, %get3A_2621 : vector<16xf32>
    %add3A_2633 = arith.addf %mul3A_2631, %mul3A_2632 : vector<16xf32>
    %add3A_2634 = arith.addf %add3A_2633, %get3A_437 : vector<16xf32>
    %max3A_2635 = arith.constant 0.000000e+00 : f32
    %max3A_2636 = vector.broadcast %max3A_2635 : f32 to vector<16xf32>
    %max3A_2637 = arith.maximumf %add3A_2634, %max3A_2636 : vector<16xf32>
    %mul3A_2638 = arith.mulf %get3A_372, %max3A_2630 : vector<16xf32>
    %mul3A_2639 = arith.mulf %get3A_377, %max3A_2637 : vector<16xf32>
    %add3A_2640 = arith.addf %mul3A_2638, %mul3A_2639 : vector<16xf32>
    %add3A_2641 = arith.addf %add3A_2640, %get3A_442 : vector<16xf32>
    %max3A_2642 = arith.constant 0.000000e+00 : f32
    %max3A_2643 = vector.broadcast %max3A_2642 : f32 to vector<16xf32>
    %max3A_2644 = arith.maximumf %add3A_2641, %max3A_2643 : vector<16xf32>
    %mul3A_2645 = arith.mulf %get3A_382, %max3A_2630 : vector<16xf32>
    %mul3A_2646 = arith.mulf %get3A_387, %max3A_2637 : vector<16xf32>
    %add3A_2647 = arith.addf %mul3A_2645, %mul3A_2646 : vector<16xf32>
    %add3A_2648 = arith.addf %add3A_2647, %get3A_447 : vector<16xf32>
    %max3A_2649 = arith.constant 0.000000e+00 : f32
    %max3A_2650 = vector.broadcast %max3A_2649 : f32 to vector<16xf32>
    %max3A_2651 = arith.maximumf %add3A_2648, %max3A_2650 : vector<16xf32>
    %mul3A_2652 = arith.mulf %get3A_392, %max3A_2644 : vector<16xf32>
    %mul3A_2653 = arith.mulf %get3A_397, %max3A_2651 : vector<16xf32>
    %add3A_2654 = arith.addf %mul3A_2652, %mul3A_2653 : vector<16xf32>
    %add3A_2655 = arith.addf %add3A_2654, %get3A_452 : vector<16xf32>
    %max3A_2656 = arith.constant 0.000000e+00 : f32
    %max3A_2657 = vector.broadcast %max3A_2656 : f32 to vector<16xf32>
    %max3A_2658 = arith.maximumf %add3A_2655, %max3A_2657 : vector<16xf32>
    %mul3A_2659 = arith.mulf %get3A_402, %max3A_2644 : vector<16xf32>
    %mul3A_2660 = arith.mulf %get3A_407, %max3A_2651 : vector<16xf32>
    %add3A_2661 = arith.addf %mul3A_2659, %mul3A_2660 : vector<16xf32>
    %add3A_2662 = arith.addf %add3A_2661, %get3A_457 : vector<16xf32>
    %max3A_2663 = arith.constant 0.000000e+00 : f32
    %max3A_2664 = vector.broadcast %max3A_2663 : f32 to vector<16xf32>
    %max3A_2665 = arith.maximumf %add3A_2662, %max3A_2664 : vector<16xf32>
    %mul3A_2666 = arith.mulf %get3A_412, %max3A_2658 : vector<16xf32>
    %mul3A_2667 = arith.mulf %get3A_417, %max3A_2665 : vector<16xf32>
    %add3A_2668 = arith.addf %mul3A_2666, %mul3A_2667 : vector<16xf32>
    %add3A_2669 = arith.addf %add3A_2668, %get3A_462 : vector<16xf32>
    %max3A_2670 = arith.constant 0.000000e+00 : f32
    %max3A_2671 = vector.broadcast %max3A_2670 : f32 to vector<16xf32>
    %max3A_2672 = arith.maximumf %add3A_2669, %max3A_2671 : vector<16xf32>
    %mul3A_2673 = arith.mulf %get3A_422, %max3A_2658 : vector<16xf32>
    %mul3A_2674 = arith.mulf %get3A_427, %max3A_2665 : vector<16xf32>
    %add3A_2675 = arith.addf %mul3A_2673, %mul3A_2674 : vector<16xf32>
    %add3A_2676 = arith.addf %add3A_2675, %get3A_467 : vector<16xf32>
    %max3A_2677 = arith.constant 0.000000e+00 : f32
    %max3A_2678 = vector.broadcast %max3A_2677 : f32 to vector<16xf32>
    %max3A_2679 = arith.maximumf %add3A_2676, %max3A_2678 : vector<16xf32>
    %mul3A_2680 = arith.mulf %get3A_472, %mul3A_2622 : vector<16xf32>
    %mul3A_2681 = arith.mulf %get3A_477, %mul3A_2623 : vector<16xf32>
    %add3A_2682 = arith.addf %mul3A_2680, %mul3A_2681 : vector<16xf32>
    %mul3A_2683 = arith.mulf %get3A_482, %max3A_2672 : vector<16xf32>
    %add3A_2684 = arith.addf %add3A_2682, %mul3A_2683 : vector<16xf32>
    %mul3A_2685 = arith.mulf %get3A_487, %max3A_2679 : vector<16xf32>
    %add3A_2686 = arith.addf %add3A_2684, %mul3A_2685 : vector<16xf32>
    %add3A_2687 = arith.addf %add3A_2686, %get3A_492 : vector<16xf32>
    %neg3A_2688 = arith.constant 0.000000e+00 : f32
    %neg3A_2689 = vector.broadcast %neg3A_2688 : f32 to vector<16xf32>
    %neg3A_2690 = arith.subf %neg3A_2689, %add3A_2687 : vector<16xf32>
    %exp3A_2691 = math.exp %neg3A_2690 : vector<16xf32>
    %add3A_2692 = arith.constant 1.000000e+00 : f32
    %add3A_2693 = vector.broadcast %add3A_2692 : f32 to vector<16xf32>
    %add3A_2694 = arith.addf %add3A_2693, %exp3A_2691 : vector<16xf32>
    %div3A_2695 = arith.constant 1.000000e+00 : f32
    %div3A_2696 = vector.broadcast %div3A_2695 : f32 to vector<16xf32>
    %div3A_2697 = arith.divf %div3A_2696, %add3A_2694 : vector<16xf32>
    %swap3A_2698 = arith.constant 272 : index
    %swap3A_2699 = tpu.vector_load %arg15[%swap3A_2698] {strides = array<i32>} : memref<512xf32, #tpu.memory_space<vmem>>, vector<16xf32>,
    %swap3A_2700 = vector.shape_cast %swap3A_2699 : vector<16xf32> to vector<16xf32>
    %swap3A_2701 = vector.shape_cast %div3A_2697 : vector<16xf32> to vector<16xf32>
    tpu.vector_store %arg15[%swap3A_2698], %swap3A_2701 {strides = array<i32>} : memref<512xf32, #tpu.memory_space<vmem>>, vector<16xf32>,
    %get3A_2702 = arith.constant 0 : i32
    %get3A_2703 = arith.index_cast %get3A_2702 : i32 to index
    %get3A_2704 = arith.constant 288 : index
    %get3A_2705 = tpu.vector_load %arg13[%get3A_2703, %get3A_2704] {strides = array<i32>} : memref<6x512xf32, #tpu.memory_space<vmem>>, vector<1x16xf32>,
    %get3A_2706 = vector.shape_cast %get3A_2705 : vector<1x16xf32> to vector<16xf32>
    %get3A_2707 = arith.constant 1 : i32
    %get3A_2708 = arith.index_cast %get3A_2707 : i32 to index
    %get3A_2709 = arith.constant 288 : index
    %get3A_2710 = tpu.vector_load %arg13[%get3A_2708, %get3A_2709] {strides = array<i32>} : memref<6x512xf32, #tpu.memory_space<vmem>>, vector<1x16xf32>,
    %get3A_2711 = vector.shape_cast %get3A_2710 : vector<1x16xf32> to vector<16xf32>
    %get3A_2712 = arith.constant 2 : i32
    %get3A_2713 = arith.index_cast %get3A_2712 : i32 to index
    %get3A_2714 = arith.constant 288 : index
    %get3A_2715 = tpu.vector_load %arg13[%get3A_2713, %get3A_2714] {strides = array<i32>} : memref<6x512xf32, #tpu.memory_space<vmem>>, vector<1x16xf32>,
    %get3A_2716 = vector.shape_cast %get3A_2715 : vector<1x16xf32> to vector<16xf32>
    %get3A_2717 = arith.constant 3 : i32
    %get3A_2718 = arith.index_cast %get3A_2717 : i32 to index
    %get3A_2719 = arith.constant 288 : index
    %get3A_2720 = tpu.vector_load %arg13[%get3A_2718, %get3A_2719] {strides = array<i32>} : memref<6x512xf32, #tpu.memory_space<vmem>>, vector<1x16xf32>,
    %get3A_2721 = vector.shape_cast %get3A_2720 : vector<1x16xf32> to vector<16xf32>
    %get3A_2722 = arith.constant 4 : i32
    %get3A_2723 = arith.index_cast %get3A_2722 : i32 to index
    %get3A_2724 = arith.constant 288 : index
    %get3A_2725 = tpu.vector_load %arg13[%get3A_2723, %get3A_2724] {strides = array<i32>} : memref<6x512xf32, #tpu.memory_space<vmem>>, vector<1x16xf32>,
    %get3A_2726 = vector.shape_cast %get3A_2725 : vector<1x16xf32> to vector<16xf32>
    %get3A_2727 = arith.constant 5 : i32
    %get3A_2728 = arith.index_cast %get3A_2727 : i32 to index
    %get3A_2729 = arith.constant 288 : index
    %get3A_2730 = tpu.vector_load %arg13[%get3A_2728, %get3A_2729] {strides = array<i32>} : memref<6x512xf32, #tpu.memory_space<vmem>>, vector<1x16xf32>,
    %get3A_2731 = vector.shape_cast %get3A_2730 : vector<1x16xf32> to vector<16xf32>
    %mul3A_2732 = arith.mulf %get3A_2706, %get3A_2716 : vector<16xf32>
    %mul3A_2733 = arith.mulf %get3A_2711, %get3A_2721 : vector<16xf32>
    %mul3A_2734 = arith.mulf %get3A_352, %get3A_2726 : vector<16xf32>
    %mul3A_2735 = arith.mulf %get3A_357, %get3A_2731 : vector<16xf32>
    %add3A_2736 = arith.addf %mul3A_2734, %mul3A_2735 : vector<16xf32>
    %add3A_2737 = arith.addf %add3A_2736, %get3A_432 : vector<16xf32>
    %max3A_2738 = arith.constant 0.000000e+00 : f32
    %max3A_2739 = vector.broadcast %max3A_2738 : f32 to vector<16xf32>
    %max3A_2740 = arith.maximumf %add3A_2737, %max3A_2739 : vector<16xf32>
    %mul3A_2741 = arith.mulf %get3A_362, %get3A_2726 : vector<16xf32>
    %mul3A_2742 = arith.mulf %get3A_367, %get3A_2731 : vector<16xf32>
    %add3A_2743 = arith.addf %mul3A_2741, %mul3A_2742 : vector<16xf32>
    %add3A_2744 = arith.addf %add3A_2743, %get3A_437 : vector<16xf32>
    %max3A_2745 = arith.constant 0.000000e+00 : f32
    %max3A_2746 = vector.broadcast %max3A_2745 : f32 to vector<16xf32>
    %max3A_2747 = arith.maximumf %add3A_2744, %max3A_2746 : vector<16xf32>
    %mul3A_2748 = arith.mulf %get3A_372, %max3A_2740 : vector<16xf32>
    %mul3A_2749 = arith.mulf %get3A_377, %max3A_2747 : vector<16xf32>
    %add3A_2750 = arith.addf %mul3A_2748, %mul3A_2749 : vector<16xf32>
    %add3A_2751 = arith.addf %add3A_2750, %get3A_442 : vector<16xf32>
    %max3A_2752 = arith.constant 0.000000e+00 : f32
    %max3A_2753 = vector.broadcast %max3A_2752 : f32 to vector<16xf32>
    %max3A_2754 = arith.maximumf %add3A_2751, %max3A_2753 : vector<16xf32>
    %mul3A_2755 = arith.mulf %get3A_382, %max3A_2740 : vector<16xf32>
    %mul3A_2756 = arith.mulf %get3A_387, %max3A_2747 : vector<16xf32>
    %add3A_2757 = arith.addf %mul3A_2755, %mul3A_2756 : vector<16xf32>
    %add3A_2758 = arith.addf %add3A_2757, %get3A_447 : vector<16xf32>
    %max3A_2759 = arith.constant 0.000000e+00 : f32
    %max3A_2760 = vector.broadcast %max3A_2759 : f32 to vector<16xf32>
    %max3A_2761 = arith.maximumf %add3A_2758, %max3A_2760 : vector<16xf32>
    %mul3A_2762 = arith.mulf %get3A_392, %max3A_2754 : vector<16xf32>
    %mul3A_2763 = arith.mulf %get3A_397, %max3A_2761 : vector<16xf32>
    %add3A_2764 = arith.addf %mul3A_2762, %mul3A_2763 : vector<16xf32>
    %add3A_2765 = arith.addf %add3A_2764, %get3A_452 : vector<16xf32>
    %max3A_2766 = arith.constant 0.000000e+00 : f32
    %max3A_2767 = vector.broadcast %max3A_2766 : f32 to vector<16xf32>
    %max3A_2768 = arith.maximumf %add3A_2765, %max3A_2767 : vector<16xf32>
    %mul3A_2769 = arith.mulf %get3A_402, %max3A_2754 : vector<16xf32>
    %mul3A_2770 = arith.mulf %get3A_407, %max3A_2761 : vector<16xf32>
    %add3A_2771 = arith.addf %mul3A_2769, %mul3A_2770 : vector<16xf32>
    %add3A_2772 = arith.addf %add3A_2771, %get3A_457 : vector<16xf32>
    %max3A_2773 = arith.constant 0.000000e+00 : f32
    %max3A_2774 = vector.broadcast %max3A_2773 : f32 to vector<16xf32>
    %max3A_2775 = arith.maximumf %add3A_2772, %max3A_2774 : vector<16xf32>
    %mul3A_2776 = arith.mulf %get3A_412, %max3A_2768 : vector<16xf32>
    %mul3A_2777 = arith.mulf %get3A_417, %max3A_2775 : vector<16xf32>
    %add3A_2778 = arith.addf %mul3A_2776, %mul3A_2777 : vector<16xf32>
    %add3A_2779 = arith.addf %add3A_2778, %get3A_462 : vector<16xf32>
    %max3A_2780 = arith.constant 0.000000e+00 : f32
    %max3A_2781 = vector.broadcast %max3A_2780 : f32 to vector<16xf32>
    %max3A_2782 = arith.maximumf %add3A_2779, %max3A_2781 : vector<16xf32>
    %mul3A_2783 = arith.mulf %get3A_422, %max3A_2768 : vector<16xf32>
    %mul3A_2784 = arith.mulf %get3A_427, %max3A_2775 : vector<16xf32>
    %add3A_2785 = arith.addf %mul3A_2783, %mul3A_2784 : vector<16xf32>
    %add3A_2786 = arith.addf %add3A_2785, %get3A_467 : vector<16xf32>
    %max3A_2787 = arith.constant 0.000000e+00 : f32
    %max3A_2788 = vector.broadcast %max3A_2787 : f32 to vector<16xf32>
    %max3A_2789 = arith.maximumf %add3A_2786, %max3A_2788 : vector<16xf32>
    %mul3A_2790 = arith.mulf %get3A_472, %mul3A_2732 : vector<16xf32>
    %mul3A_2791 = arith.mulf %get3A_477, %mul3A_2733 : vector<16xf32>
    %add3A_2792 = arith.addf %mul3A_2790, %mul3A_2791 : vector<16xf32>
    %mul3A_2793 = arith.mulf %get3A_482, %max3A_2782 : vector<16xf32>
    %add3A_2794 = arith.addf %add3A_2792, %mul3A_2793 : vector<16xf32>
    %mul3A_2795 = arith.mulf %get3A_487, %max3A_2789 : vector<16xf32>
    %add3A_2796 = arith.addf %add3A_2794, %mul3A_2795 : vector<16xf32>
    %add3A_2797 = arith.addf %add3A_2796, %get3A_492 : vector<16xf32>
    %neg3A_2798 = arith.constant 0.000000e+00 : f32
    %neg3A_2799 = vector.broadcast %neg3A_2798 : f32 to vector<16xf32>
    %neg3A_2800 = arith.subf %neg3A_2799, %add3A_2797 : vector<16xf32>
    %exp3A_2801 = math.exp %neg3A_2800 : vector<16xf32>
    %add3A_2802 = arith.constant 1.000000e+00 : f32
    %add3A_2803 = vector.broadcast %add3A_2802 : f32 to vector<16xf32>
    %add3A_2804 = arith.addf %add3A_2803, %exp3A_2801 : vector<16xf32>
    %div3A_2805 = arith.constant 1.000000e+00 : f32
    %div3A_2806 = vector.broadcast %div3A_2805 : f32 to vector<16xf32>
    %div3A_2807 = arith.divf %div3A_2806, %add3A_2804 : vector<16xf32>
    %swap3A_2808 = arith.constant 288 : index
    %swap3A_2809 = tpu.vector_load %arg15[%swap3A_2808] {strides = array<i32>} : memref<512xf32, #tpu.memory_space<vmem>>, vector<16xf32>,
    %swap3A_2810 = vector.shape_cast %swap3A_2809 : vector<16xf32> to vector<16xf32>
    %swap3A_2811 = vector.shape_cast %div3A_2807 : vector<16xf32> to vector<16xf32>
    tpu.vector_store %arg15[%swap3A_2808], %swap3A_2811 {strides = array<i32>} : memref<512xf32, #tpu.memory_space<vmem>>, vector<16xf32>,
    %get3A_2812 = arith.constant 0 : i32
    %get3A_2813 = arith.index_cast %get3A_2812 : i32 to index
    %get3A_2814 = arith.constant 304 : index
    %get3A_2815 = tpu.vector_load %arg13[%get3A_2813, %get3A_2814] {strides = array<i32>} : memref<6x512xf32, #tpu.memory_space<vmem>>, vector<1x16xf32>,
    %get3A_2816 = vector.shape_cast %get3A_2815 : vector<1x16xf32> to vector<16xf32>
    %get3A_2817 = arith.constant 1 : i32
    %get3A_2818 = arith.index_cast %get3A_2817 : i32 to index
    %get3A_2819 = arith.constant 304 : index
    %get3A_2820 = tpu.vector_load %arg13[%get3A_2818, %get3A_2819] {strides = array<i32>} : memref<6x512xf32, #tpu.memory_space<vmem>>, vector<1x16xf32>,
    %get3A_2821 = vector.shape_cast %get3A_2820 : vector<1x16xf32> to vector<16xf32>
    %get3A_2822 = arith.constant 2 : i32
    %get3A_2823 = arith.index_cast %get3A_2822 : i32 to index
    %get3A_2824 = arith.constant 304 : index
    %get3A_2825 = tpu.vector_load %arg13[%get3A_2823, %get3A_2824] {strides = array<i32>} : memref<6x512xf32, #tpu.memory_space<vmem>>, vector<1x16xf32>,
    %get3A_2826 = vector.shape_cast %get3A_2825 : vector<1x16xf32> to vector<16xf32>
    %get3A_2827 = arith.constant 3 : i32
    %get3A_2828 = arith.index_cast %get3A_2827 : i32 to index
    %get3A_2829 = arith.constant 304 : index
    %get3A_2830 = tpu.vector_load %arg13[%get3A_2828, %get3A_2829] {strides = array<i32>} : memref<6x512xf32, #tpu.memory_space<vmem>>, vector<1x16xf32>,
    %get3A_2831 = vector.shape_cast %get3A_2830 : vector<1x16xf32> to vector<16xf32>
    %get3A_2832 = arith.constant 4 : i32
    %get3A_2833 = arith.index_cast %get3A_2832 : i32 to index
    %get3A_2834 = arith.constant 304 : index
    %get3A_2835 = tpu.vector_load %arg13[%get3A_2833, %get3A_2834] {strides = array<i32>} : memref<6x512xf32, #tpu.memory_space<vmem>>, vector<1x16xf32>,
    %get3A_2836 = vector.shape_cast %get3A_2835 : vector<1x16xf32> to vector<16xf32>
    %get3A_2837 = arith.constant 5 : i32
    %get3A_2838 = arith.index_cast %get3A_2837 : i32 to index
    %get3A_2839 = arith.constant 304 : index
    %get3A_2840 = tpu.vector_load %arg13[%get3A_2838, %get3A_2839] {strides = array<i32>} : memref<6x512xf32, #tpu.memory_space<vmem>>, vector<1x16xf32>,
    %get3A_2841 = vector.shape_cast %get3A_2840 : vector<1x16xf32> to vector<16xf32>
    %mul3A_2842 = arith.mulf %get3A_2816, %get3A_2826 : vector<16xf32>
    %mul3A_2843 = arith.mulf %get3A_2821, %get3A_2831 : vector<16xf32>
    %mul3A_2844 = arith.mulf %get3A_352, %get3A_2836 : vector<16xf32>
    %mul3A_2845 = arith.mulf %get3A_357, %get3A_2841 : vector<16xf32>
    %add3A_2846 = arith.addf %mul3A_2844, %mul3A_2845 : vector<16xf32>
    %add3A_2847 = arith.addf %add3A_2846, %get3A_432 : vector<16xf32>
    %max3A_2848 = arith.constant 0.000000e+00 : f32
    %max3A_2849 = vector.broadcast %max3A_2848 : f32 to vector<16xf32>
    %max3A_2850 = arith.maximumf %add3A_2847, %max3A_2849 : vector<16xf32>
    %mul3A_2851 = arith.mulf %get3A_362, %get3A_2836 : vector<16xf32>
    %mul3A_2852 = arith.mulf %get3A_367, %get3A_2841 : vector<16xf32>
    %add3A_2853 = arith.addf %mul3A_2851, %mul3A_2852 : vector<16xf32>
    %add3A_2854 = arith.addf %add3A_2853, %get3A_437 : vector<16xf32>
    %max3A_2855 = arith.constant 0.000000e+00 : f32
    %max3A_2856 = vector.broadcast %max3A_2855 : f32 to vector<16xf32>
    %max3A_2857 = arith.maximumf %add3A_2854, %max3A_2856 : vector<16xf32>
    %mul3A_2858 = arith.mulf %get3A_372, %max3A_2850 : vector<16xf32>
    %mul3A_2859 = arith.mulf %get3A_377, %max3A_2857 : vector<16xf32>
    %add3A_2860 = arith.addf %mul3A_2858, %mul3A_2859 : vector<16xf32>
    %add3A_2861 = arith.addf %add3A_2860, %get3A_442 : vector<16xf32>
    %max3A_2862 = arith.constant 0.000000e+00 : f32
    %max3A_2863 = vector.broadcast %max3A_2862 : f32 to vector<16xf32>
    %max3A_2864 = arith.maximumf %add3A_2861, %max3A_2863 : vector<16xf32>
    %mul3A_2865 = arith.mulf %get3A_382, %max3A_2850 : vector<16xf32>
    %mul3A_2866 = arith.mulf %get3A_387, %max3A_2857 : vector<16xf32>
    %add3A_2867 = arith.addf %mul3A_2865, %mul3A_2866 : vector<16xf32>
    %add3A_2868 = arith.addf %add3A_2867, %get3A_447 : vector<16xf32>
    %max3A_2869 = arith.constant 0.000000e+00 : f32
    %max3A_2870 = vector.broadcast %max3A_2869 : f32 to vector<16xf32>
    %max3A_2871 = arith.maximumf %add3A_2868, %max3A_2870 : vector<16xf32>
    %mul3A_2872 = arith.mulf %get3A_392, %max3A_2864 : vector<16xf32>
    %mul3A_2873 = arith.mulf %get3A_397, %max3A_2871 : vector<16xf32>
    %add3A_2874 = arith.addf %mul3A_2872, %mul3A_2873 : vector<16xf32>
    %add3A_2875 = arith.addf %add3A_2874, %get3A_452 : vector<16xf32>
    %max3A_2876 = arith.constant 0.000000e+00 : f32
    %max3A_2877 = vector.broadcast %max3A_2876 : f32 to vector<16xf32>
    %max3A_2878 = arith.maximumf %add3A_2875, %max3A_2877 : vector<16xf32>
    %mul3A_2879 = arith.mulf %get3A_402, %max3A_2864 : vector<16xf32>
    %mul3A_2880 = arith.mulf %get3A_407, %max3A_2871 : vector<16xf32>
    %add3A_2881 = arith.addf %mul3A_2879, %mul3A_2880 : vector<16xf32>
    %add3A_2882 = arith.addf %add3A_2881, %get3A_457 : vector<16xf32>
    %max3A_2883 = arith.constant 0.000000e+00 : f32
    %max3A_2884 = vector.broadcast %max3A_2883 : f32 to vector<16xf32>
    %max3A_2885 = arith.maximumf %add3A_2882, %max3A_2884 : vector<16xf32>
    %mul3A_2886 = arith.mulf %get3A_412, %max3A_2878 : vector<16xf32>
    %mul3A_2887 = arith.mulf %get3A_417, %max3A_2885 : vector<16xf32>
    %add3A_2888 = arith.addf %mul3A_2886, %mul3A_2887 : vector<16xf32>
    %add3A_2889 = arith.addf %add3A_2888, %get3A_462 : vector<16xf32>
    %max3A_2890 = arith.constant 0.000000e+00 : f32
    %max3A_2891 = vector.broadcast %max3A_2890 : f32 to vector<16xf32>
    %max3A_2892 = arith.maximumf %add3A_2889, %max3A_2891 : vector<16xf32>
    %mul3A_2893 = arith.mulf %get3A_422, %max3A_2878 : vector<16xf32>
    %mul3A_2894 = arith.mulf %get3A_427, %max3A_2885 : vector<16xf32>
    %add3A_2895 = arith.addf %mul3A_2893, %mul3A_2894 : vector<16xf32>
    %add3A_2896 = arith.addf %add3A_2895, %get3A_467 : vector<16xf32>
    %max3A_2897 = arith.constant 0.000000e+00 : f32
    %max3A_2898 = vector.broadcast %max3A_2897 : f32 to vector<16xf32>
    %max3A_2899 = arith.maximumf %add3A_2896, %max3A_2898 : vector<16xf32>
    %mul3A_2900 = arith.mulf %get3A_472, %mul3A_2842 : vector<16xf32>
    %mul3A_2901 = arith.mulf %get3A_477, %mul3A_2843 : vector<16xf32>
    %add3A_2902 = arith.addf %mul3A_2900, %mul3A_2901 : vector<16xf32>
    %mul3A_2903 = arith.mulf %get3A_482, %max3A_2892 : vector<16xf32>
    %add3A_2904 = arith.addf %add3A_2902, %mul3A_2903 : vector<16xf32>
    %mul3A_2905 = arith.mulf %get3A_487, %max3A_2899 : vector<16xf32>
    %add3A_2906 = arith.addf %add3A_2904, %mul3A_2905 : vector<16xf32>
    %add3A_2907 = arith.addf %add3A_2906, %get3A_492 : vector<16xf32>
    %neg3A_2908 = arith.constant 0.000000e+00 : f32
    %neg3A_2909 = vector.broadcast %neg3A_2908 : f32 to vector<16xf32>
    %neg3A_2910 = arith.subf %neg3A_2909, %add3A_2907 : vector<16xf32>
    %exp3A_2911 = math.exp %neg3A_2910 : vector<16xf32>
    %add3A_2912 = arith.constant 1.000000e+00 : f32
    %add3A_2913 = vector.broadcast %add3A_2912 : f32 to vector<16xf32>
    %add3A_2914 = arith.addf %add3A_2913, %exp3A_2911 : vector<16xf32>
    %div3A_2915 = arith.constant 1.000000e+00 : f32
    %div3A_2916 = vector.broadcast %div3A_2915 : f32 to vector<16xf32>
    %div3A_2917 = arith.divf %div3A_2916, %add3A_2914 : vector<16xf32>
    %swap3A_2918 = arith.constant 304 : index
    %swap3A_2919 = tpu.vector_load %arg15[%swap3A_2918] {strides = array<i32>} : memref<512xf32, #tpu.memory_space<vmem>>, vector<16xf32>,
    %swap3A_2920 = vector.shape_cast %swap3A_2919 : vector<16xf32> to vector<16xf32>
    %swap3A_2921 = vector.shape_cast %div3A_2917 : vector<16xf32> to vector<16xf32>
    tpu.vector_store %arg15[%swap3A_2918], %swap3A_2921 {strides = array<i32>} : memref<512xf32, #tpu.memory_space<vmem>>, vector<16xf32>,
    %get3A_2922 = arith.constant 0 : i32
    %get3A_2923 = arith.index_cast %get3A_2922 : i32 to index
    %get3A_2924 = arith.constant 320 : index
    %get3A_2925 = tpu.vector_load %arg13[%get3A_2923, %get3A_2924] {strides = array<i32>} : memref<6x512xf32, #tpu.memory_space<vmem>>, vector<1x16xf32>,
    %get3A_2926 = vector.shape_cast %get3A_2925 : vector<1x16xf32> to vector<16xf32>
    %get3A_2927 = arith.constant 1 : i32
    %get3A_2928 = arith.index_cast %get3A_2927 : i32 to index
    %get3A_2929 = arith.constant 320 : index
    %get3A_2930 = tpu.vector_load %arg13[%get3A_2928, %get3A_2929] {strides = array<i32>} : memref<6x512xf32, #tpu.memory_space<vmem>>, vector<1x16xf32>,
    %get3A_2931 = vector.shape_cast %get3A_2930 : vector<1x16xf32> to vector<16xf32>
    %get3A_2932 = arith.constant 2 : i32
    %get3A_2933 = arith.index_cast %get3A_2932 : i32 to index
    %get3A_2934 = arith.constant 320 : index
    %get3A_2935 = tpu.vector_load %arg13[%get3A_2933, %get3A_2934] {strides = array<i32>} : memref<6x512xf32, #tpu.memory_space<vmem>>, vector<1x16xf32>,
    %get3A_2936 = vector.shape_cast %get3A_2935 : vector<1x16xf32> to vector<16xf32>
    %get3A_2937 = arith.constant 3 : i32
    %get3A_2938 = arith.index_cast %get3A_2937 : i32 to index
    %get3A_2939 = arith.constant 320 : index
    %get3A_2940 = tpu.vector_load %arg13[%get3A_2938, %get3A_2939] {strides = array<i32>} : memref<6x512xf32, #tpu.memory_space<vmem>>, vector<1x16xf32>,
    %get3A_2941 = vector.shape_cast %get3A_2940 : vector<1x16xf32> to vector<16xf32>
    %get3A_2942 = arith.constant 4 : i32
    %get3A_2943 = arith.index_cast %get3A_2942 : i32 to index
    %get3A_2944 = arith.constant 320 : index
    %get3A_2945 = tpu.vector_load %arg13[%get3A_2943, %get3A_2944] {strides = array<i32>} : memref<6x512xf32, #tpu.memory_space<vmem>>, vector<1x16xf32>,
    %get3A_2946 = vector.shape_cast %get3A_2945 : vector<1x16xf32> to vector<16xf32>
    %get3A_2947 = arith.constant 5 : i32
    %get3A_2948 = arith.index_cast %get3A_2947 : i32 to index
    %get3A_2949 = arith.constant 320 : index
    %get3A_2950 = tpu.vector_load %arg13[%get3A_2948, %get3A_2949] {strides = array<i32>} : memref<6x512xf32, #tpu.memory_space<vmem>>, vector<1x16xf32>,
    %get3A_2951 = vector.shape_cast %get3A_2950 : vector<1x16xf32> to vector<16xf32>
    %mul3A_2952 = arith.mulf %get3A_2926, %get3A_2936 : vector<16xf32>
    %mul3A_2953 = arith.mulf %get3A_2931, %get3A_2941 : vector<16xf32>
    %mul3A_2954 = arith.mulf %get3A_352, %get3A_2946 : vector<16xf32>
    %mul3A_2955 = arith.mulf %get3A_357, %get3A_2951 : vector<16xf32>
    %add3A_2956 = arith.addf %mul3A_2954, %mul3A_2955 : vector<16xf32>
    %add3A_2957 = arith.addf %add3A_2956, %get3A_432 : vector<16xf32>
    %max3A_2958 = arith.constant 0.000000e+00 : f32
    %max3A_2959 = vector.broadcast %max3A_2958 : f32 to vector<16xf32>
    %max3A_2960 = arith.maximumf %add3A_2957, %max3A_2959 : vector<16xf32>
    %mul3A_2961 = arith.mulf %get3A_362, %get3A_2946 : vector<16xf32>
    %mul3A_2962 = arith.mulf %get3A_367, %get3A_2951 : vector<16xf32>
    %add3A_2963 = arith.addf %mul3A_2961, %mul3A_2962 : vector<16xf32>
    %add3A_2964 = arith.addf %add3A_2963, %get3A_437 : vector<16xf32>
    %max3A_2965 = arith.constant 0.000000e+00 : f32
    %max3A_2966 = vector.broadcast %max3A_2965 : f32 to vector<16xf32>
    %max3A_2967 = arith.maximumf %add3A_2964, %max3A_2966 : vector<16xf32>
    %mul3A_2968 = arith.mulf %get3A_372, %max3A_2960 : vector<16xf32>
    %mul3A_2969 = arith.mulf %get3A_377, %max3A_2967 : vector<16xf32>
    %add3A_2970 = arith.addf %mul3A_2968, %mul3A_2969 : vector<16xf32>
    %add3A_2971 = arith.addf %add3A_2970, %get3A_442 : vector<16xf32>
    %max3A_2972 = arith.constant 0.000000e+00 : f32
    %max3A_2973 = vector.broadcast %max3A_2972 : f32 to vector<16xf32>
    %max3A_2974 = arith.maximumf %add3A_2971, %max3A_2973 : vector<16xf32>
    %mul3A_2975 = arith.mulf %get3A_382, %max3A_2960 : vector<16xf32>
    %mul3A_2976 = arith.mulf %get3A_387, %max3A_2967 : vector<16xf32>
    %add3A_2977 = arith.addf %mul3A_2975, %mul3A_2976 : vector<16xf32>
    %add3A_2978 = arith.addf %add3A_2977, %get3A_447 : vector<16xf32>
    %max3A_2979 = arith.constant 0.000000e+00 : f32
    %max3A_2980 = vector.broadcast %max3A_2979 : f32 to vector<16xf32>
    %max3A_2981 = arith.maximumf %add3A_2978, %max3A_2980 : vector<16xf32>
    %mul3A_2982 = arith.mulf %get3A_392, %max3A_2974 : vector<16xf32>
    %mul3A_2983 = arith.mulf %get3A_397, %max3A_2981 : vector<16xf32>
    %add3A_2984 = arith.addf %mul3A_2982, %mul3A_2983 : vector<16xf32>
    %add3A_2985 = arith.addf %add3A_2984, %get3A_452 : vector<16xf32>
    %max3A_2986 = arith.constant 0.000000e+00 : f32
    %max3A_2987 = vector.broadcast %max3A_2986 : f32 to vector<16xf32>
    %max3A_2988 = arith.maximumf %add3A_2985, %max3A_2987 : vector<16xf32>
    %mul3A_2989 = arith.mulf %get3A_402, %max3A_2974 : vector<16xf32>
    %mul3A_2990 = arith.mulf %get3A_407, %max3A_2981 : vector<16xf32>
    %add3A_2991 = arith.addf %mul3A_2989, %mul3A_2990 : vector<16xf32>
    %add3A_2992 = arith.addf %add3A_2991, %get3A_457 : vector<16xf32>
    %max3A_2993 = arith.constant 0.000000e+00 : f32
    %max3A_2994 = vector.broadcast %max3A_2993 : f32 to vector<16xf32>
    %max3A_2995 = arith.maximumf %add3A_2992, %max3A_2994 : vector<16xf32>
    %mul3A_2996 = arith.mulf %get3A_412, %max3A_2988 : vector<16xf32>
    %mul3A_2997 = arith.mulf %get3A_417, %max3A_2995 : vector<16xf32>
    %add3A_2998 = arith.addf %mul3A_2996, %mul3A_2997 : vector<16xf32>
    %add3A_2999 = arith.addf %add3A_2998, %get3A_462 : vector<16xf32>
    %max3A_3000 = arith.constant 0.000000e+00 : f32
    %max3A_3001 = vector.broadcast %max3A_3000 : f32 to vector<16xf32>
    %max3A_3002 = arith.maximumf %add3A_2999, %max3A_3001 : vector<16xf32>
    %mul3A_3003 = arith.mulf %get3A_422, %max3A_2988 : vector<16xf32>
    %mul3A_3004 = arith.mulf %get3A_427, %max3A_2995 : vector<16xf32>
    %add3A_3005 = arith.addf %mul3A_3003, %mul3A_3004 : vector<16xf32>
    %add3A_3006 = arith.addf %add3A_3005, %get3A_467 : vector<16xf32>
    %max3A_3007 = arith.constant 0.000000e+00 : f32
    %max3A_3008 = vector.broadcast %max3A_3007 : f32 to vector<16xf32>
    %max3A_3009 = arith.maximumf %add3A_3006, %max3A_3008 : vector<16xf32>
    %mul3A_3010 = arith.mulf %get3A_472, %mul3A_2952 : vector<16xf32>
    %mul3A_3011 = arith.mulf %get3A_477, %mul3A_2953 : vector<16xf32>
    %add3A_3012 = arith.addf %mul3A_3010, %mul3A_3011 : vector<16xf32>
    %mul3A_3013 = arith.mulf %get3A_482, %max3A_3002 : vector<16xf32>
    %add3A_3014 = arith.addf %add3A_3012, %mul3A_3013 : vector<16xf32>
    %mul3A_3015 = arith.mulf %get3A_487, %max3A_3009 : vector<16xf32>
    %add3A_3016 = arith.addf %add3A_3014, %mul3A_3015 : vector<16xf32>
    %add3A_3017 = arith.addf %add3A_3016, %get3A_492 : vector<16xf32>
    %neg3A_3018 = arith.constant 0.000000e+00 : f32
    %neg3A_3019 = vector.broadcast %neg3A_3018 : f32 to vector<16xf32>
    %neg3A_3020 = arith.subf %neg3A_3019, %add3A_3017 : vector<16xf32>
    %exp3A_3021 = math.exp %neg3A_3020 : vector<16xf32>
    %add3A_3022 = arith.constant 1.000000e+00 : f32
    %add3A_3023 = vector.broadcast %add3A_3022 : f32 to vector<16xf32>
    %add3A_3024 = arith.addf %add3A_3023, %exp3A_3021 : vector<16xf32>
    %div3A_3025 = arith.constant 1.000000e+00 : f32
    %div3A_3026 = vector.broadcast %div3A_3025 : f32 to vector<16xf32>
    %div3A_3027 = arith.divf %div3A_3026, %add3A_3024 : vector<16xf32>
    %swap3A_3028 = arith.constant 320 : index
    %swap3A_3029 = tpu.vector_load %arg15[%swap3A_3028] {strides = array<i32>} : memref<512xf32, #tpu.memory_space<vmem>>, vector<16xf32>,
    %swap3A_3030 = vector.shape_cast %swap3A_3029 : vector<16xf32> to vector<16xf32>
    %swap3A_3031 = vector.shape_cast %div3A_3027 : vector<16xf32> to vector<16xf32>
    tpu.vector_store %arg15[%swap3A_3028], %swap3A_3031 {strides = array<i32>} : memref<512xf32, #tpu.memory_space<vmem>>, vector<16xf32>,
    %get3A_3032 = arith.constant 0 : i32
    %get3A_3033 = arith.index_cast %get3A_3032 : i32 to index
    %get3A_3034 = arith.constant 336 : index
    %get3A_3035 = tpu.vector_load %arg13[%get3A_3033, %get3A_3034] {strides = array<i32>} : memref<6x512xf32, #tpu.memory_space<vmem>>, vector<1x16xf32>,
    %get3A_3036 = vector.shape_cast %get3A_3035 : vector<1x16xf32> to vector<16xf32>
    %get3A_3037 = arith.constant 1 : i32
    %get3A_3038 = arith.index_cast %get3A_3037 : i32 to index
    %get3A_3039 = arith.constant 336 : index
    %get3A_3040 = tpu.vector_load %arg13[%get3A_3038, %get3A_3039] {strides = array<i32>} : memref<6x512xf32, #tpu.memory_space<vmem>>, vector<1x16xf32>,
    %get3A_3041 = vector.shape_cast %get3A_3040 : vector<1x16xf32> to vector<16xf32>
    %get3A_3042 = arith.constant 2 : i32
    %get3A_3043 = arith.index_cast %get3A_3042 : i32 to index
    %get3A_3044 = arith.constant 336 : index
    %get3A_3045 = tpu.vector_load %arg13[%get3A_3043, %get3A_3044] {strides = array<i32>} : memref<6x512xf32, #tpu.memory_space<vmem>>, vector<1x16xf32>,
    %get3A_3046 = vector.shape_cast %get3A_3045 : vector<1x16xf32> to vector<16xf32>
    %get3A_3047 = arith.constant 3 : i32
    %get3A_3048 = arith.index_cast %get3A_3047 : i32 to index
    %get3A_3049 = arith.constant 336 : index
    %get3A_3050 = tpu.vector_load %arg13[%get3A_3048, %get3A_3049] {strides = array<i32>} : memref<6x512xf32, #tpu.memory_space<vmem>>, vector<1x16xf32>,
    %get3A_3051 = vector.shape_cast %get3A_3050 : vector<1x16xf32> to vector<16xf32>
    %get3A_3052 = arith.constant 4 : i32
    %get3A_3053 = arith.index_cast %get3A_3052 : i32 to index
    %get3A_3054 = arith.constant 336 : index
    %get3A_3055 = tpu.vector_load %arg13[%get3A_3053, %get3A_3054] {strides = array<i32>} : memref<6x512xf32, #tpu.memory_space<vmem>>, vector<1x16xf32>,
    %get3A_3056 = vector.shape_cast %get3A_3055 : vector<1x16xf32> to vector<16xf32>
    %get3A_3057 = arith.constant 5 : i32
    %get3A_3058 = arith.index_cast %get3A_3057 : i32 to index
    %get3A_3059 = arith.constant 336 : index
    %get3A_3060 = tpu.vector_load %arg13[%get3A_3058, %get3A_3059] {strides = array<i32>} : memref<6x512xf32, #tpu.memory_space<vmem>>, vector<1x16xf32>,
    %get3A_3061 = vector.shape_cast %get3A_3060 : vector<1x16xf32> to vector<16xf32>
    %mul3A_3062 = arith.mulf %get3A_3036, %get3A_3046 : vector<16xf32>
    %mul3A_3063 = arith.mulf %get3A_3041, %get3A_3051 : vector<16xf32>
    %mul3A_3064 = arith.mulf %get3A_352, %get3A_3056 : vector<16xf32>
    %mul3A_3065 = arith.mulf %get3A_357, %get3A_3061 : vector<16xf32>
    %add3A_3066 = arith.addf %mul3A_3064, %mul3A_3065 : vector<16xf32>
    %add3A_3067 = arith.addf %add3A_3066, %get3A_432 : vector<16xf32>
    %max3A_3068 = arith.constant 0.000000e+00 : f32
    %max3A_3069 = vector.broadcast %max3A_3068 : f32 to vector<16xf32>
    %max3A_3070 = arith.maximumf %add3A_3067, %max3A_3069 : vector<16xf32>
    %mul3A_3071 = arith.mulf %get3A_362, %get3A_3056 : vector<16xf32>
    %mul3A_3072 = arith.mulf %get3A_367, %get3A_3061 : vector<16xf32>
    %add3A_3073 = arith.addf %mul3A_3071, %mul3A_3072 : vector<16xf32>
    %add3A_3074 = arith.addf %add3A_3073, %get3A_437 : vector<16xf32>
    %max3A_3075 = arith.constant 0.000000e+00 : f32
    %max3A_3076 = vector.broadcast %max3A_3075 : f32 to vector<16xf32>
    %max3A_3077 = arith.maximumf %add3A_3074, %max3A_3076 : vector<16xf32>
    %mul3A_3078 = arith.mulf %get3A_372, %max3A_3070 : vector<16xf32>
    %mul3A_3079 = arith.mulf %get3A_377, %max3A_3077 : vector<16xf32>
    %add3A_3080 = arith.addf %mul3A_3078, %mul3A_3079 : vector<16xf32>
    %add3A_3081 = arith.addf %add3A_3080, %get3A_442 : vector<16xf32>
    %max3A_3082 = arith.constant 0.000000e+00 : f32
    %max3A_3083 = vector.broadcast %max3A_3082 : f32 to vector<16xf32>
    %max3A_3084 = arith.maximumf %add3A_3081, %max3A_3083 : vector<16xf32>
    %mul3A_3085 = arith.mulf %get3A_382, %max3A_3070 : vector<16xf32>
    %mul3A_3086 = arith.mulf %get3A_387, %max3A_3077 : vector<16xf32>
    %add3A_3087 = arith.addf %mul3A_3085, %mul3A_3086 : vector<16xf32>
    %add3A_3088 = arith.addf %add3A_3087, %get3A_447 : vector<16xf32>
    %max3A_3089 = arith.constant 0.000000e+00 : f32
    %max3A_3090 = vector.broadcast %max3A_3089 : f32 to vector<16xf32>
    %max3A_3091 = arith.maximumf %add3A_3088, %max3A_3090 : vector<16xf32>
    %mul3A_3092 = arith.mulf %get3A_392, %max3A_3084 : vector<16xf32>
    %mul3A_3093 = arith.mulf %get3A_397, %max3A_3091 : vector<16xf32>
    %add3A_3094 = arith.addf %mul3A_3092, %mul3A_3093 : vector<16xf32>
    %add3A_3095 = arith.addf %add3A_3094, %get3A_452 : vector<16xf32>
    %max3A_3096 = arith.constant 0.000000e+00 : f32
    %max3A_3097 = vector.broadcast %max3A_3096 : f32 to vector<16xf32>
    %max3A_3098 = arith.maximumf %add3A_3095, %max3A_3097 : vector<16xf32>
    %mul3A_3099 = arith.mulf %get3A_402, %max3A_3084 : vector<16xf32>
    %mul3A_3100 = arith.mulf %get3A_407, %max3A_3091 : vector<16xf32>
    %add3A_3101 = arith.addf %mul3A_3099, %mul3A_3100 : vector<16xf32>
    %add3A_3102 = arith.addf %add3A_3101, %get3A_457 : vector<16xf32>
    %max3A_3103 = arith.constant 0.000000e+00 : f32
    %max3A_3104 = vector.broadcast %max3A_3103 : f32 to vector<16xf32>
    %max3A_3105 = arith.maximumf %add3A_3102, %max3A_3104 : vector<16xf32>
    %mul3A_3106 = arith.mulf %get3A_412, %max3A_3098 : vector<16xf32>
    %mul3A_3107 = arith.mulf %get3A_417, %max3A_3105 : vector<16xf32>
    %add3A_3108 = arith.addf %mul3A_3106, %mul3A_3107 : vector<16xf32>
    %add3A_3109 = arith.addf %add3A_3108, %get3A_462 : vector<16xf32>
    %max3A_3110 = arith.constant 0.000000e+00 : f32
    %max3A_3111 = vector.broadcast %max3A_3110 : f32 to vector<16xf32>
    %max3A_3112 = arith.maximumf %add3A_3109, %max3A_3111 : vector<16xf32>
    %mul3A_3113 = arith.mulf %get3A_422, %max3A_3098 : vector<16xf32>
    %mul3A_3114 = arith.mulf %get3A_427, %max3A_3105 : vector<16xf32>
    %add3A_3115 = arith.addf %mul3A_3113, %mul3A_3114 : vector<16xf32>
    %add3A_3116 = arith.addf %add3A_3115, %get3A_467 : vector<16xf32>
    %max3A_3117 = arith.constant 0.000000e+00 : f32
    %max3A_3118 = vector.broadcast %max3A_3117 : f32 to vector<16xf32>
    %max3A_3119 = arith.maximumf %add3A_3116, %max3A_3118 : vector<16xf32>
    %mul3A_3120 = arith.mulf %get3A_472, %mul3A_3062 : vector<16xf32>
    %mul3A_3121 = arith.mulf %get3A_477, %mul3A_3063 : vector<16xf32>
    %add3A_3122 = arith.addf %mul3A_3120, %mul3A_3121 : vector<16xf32>
    %mul3A_3123 = arith.mulf %get3A_482, %max3A_3112 : vector<16xf32>
    %add3A_3124 = arith.addf %add3A_3122, %mul3A_3123 : vector<16xf32>
    %mul3A_3125 = arith.mulf %get3A_487, %max3A_3119 : vector<16xf32>
    %add3A_3126 = arith.addf %add3A_3124, %mul3A_3125 : vector<16xf32>
    %add3A_3127 = arith.addf %add3A_3126, %get3A_492 : vector<16xf32>
    %neg3A_3128 = arith.constant 0.000000e+00 : f32
    %neg3A_3129 = vector.broadcast %neg3A_3128 : f32 to vector<16xf32>
    %neg3A_3130 = arith.subf %neg3A_3129, %add3A_3127 : vector<16xf32>
    %exp3A_3131 = math.exp %neg3A_3130 : vector<16xf32>
    %add3A_3132 = arith.constant 1.000000e+00 : f32
    %add3A_3133 = vector.broadcast %add3A_3132 : f32 to vector<16xf32>
    %add3A_3134 = arith.addf %add3A_3133, %exp3A_3131 : vector<16xf32>
    %div3A_3135 = arith.constant 1.000000e+00 : f32
    %div3A_3136 = vector.broadcast %div3A_3135 : f32 to vector<16xf32>
    %div3A_3137 = arith.divf %div3A_3136, %add3A_3134 : vector<16xf32>
    %swap3A_3138 = arith.constant 336 : index
    %swap3A_3139 = tpu.vector_load %arg15[%swap3A_3138] {strides = array<i32>} : memref<512xf32, #tpu.memory_space<vmem>>, vector<16xf32>,
    %swap3A_3140 = vector.shape_cast %swap3A_3139 : vector<16xf32> to vector<16xf32>
    %swap3A_3141 = vector.shape_cast %div3A_3137 : vector<16xf32> to vector<16xf32>
    tpu.vector_store %arg15[%swap3A_3138], %swap3A_3141 {strides = array<i32>} : memref<512xf32, #tpu.memory_space<vmem>>, vector<16xf32>,
    %get3A_3142 = arith.constant 0 : i32
    %get3A_3143 = arith.index_cast %get3A_3142 : i32 to index
    %get3A_3144 = arith.constant 352 : index
    %get3A_3145 = tpu.vector_load %arg13[%get3A_3143, %get3A_3144] {strides = array<i32>} : memref<6x512xf32, #tpu.memory_space<vmem>>, vector<1x16xf32>,
    %get3A_3146 = vector.shape_cast %get3A_3145 : vector<1x16xf32> to vector<16xf32>
    %get3A_3147 = arith.constant 1 : i32
    %get3A_3148 = arith.index_cast %get3A_3147 : i32 to index
    %get3A_3149 = arith.constant 352 : index
    %get3A_3150 = tpu.vector_load %arg13[%get3A_3148, %get3A_3149] {strides = array<i32>} : memref<6x512xf32, #tpu.memory_space<vmem>>, vector<1x16xf32>,
    %get3A_3151 = vector.shape_cast %get3A_3150 : vector<1x16xf32> to vector<16xf32>
    %get3A_3152 = arith.constant 2 : i32
    %get3A_3153 = arith.index_cast %get3A_3152 : i32 to index
    %get3A_3154 = arith.constant 352 : index
    %get3A_3155 = tpu.vector_load %arg13[%get3A_3153, %get3A_3154] {strides = array<i32>} : memref<6x512xf32, #tpu.memory_space<vmem>>, vector<1x16xf32>,
    %get3A_3156 = vector.shape_cast %get3A_3155 : vector<1x16xf32> to vector<16xf32>
    %get3A_3157 = arith.constant 3 : i32
    %get3A_3158 = arith.index_cast %get3A_3157 : i32 to index
    %get3A_3159 = arith.constant 352 : index
    %get3A_3160 = tpu.vector_load %arg13[%get3A_3158, %get3A_3159] {strides = array<i32>} : memref<6x512xf32, #tpu.memory_space<vmem>>, vector<1x16xf32>,
    %get3A_3161 = vector.shape_cast %get3A_3160 : vector<1x16xf32> to vector<16xf32>
    %get3A_3162 = arith.constant 4 : i32
    %get3A_3163 = arith.index_cast %get3A_3162 : i32 to index
    %get3A_3164 = arith.constant 352 : index
    %get3A_3165 = tpu.vector_load %arg13[%get3A_3163, %get3A_3164] {strides = array<i32>} : memref<6x512xf32, #tpu.memory_space<vmem>>, vector<1x16xf32>,
    %get3A_3166 = vector.shape_cast %get3A_3165 : vector<1x16xf32> to vector<16xf32>
    %get3A_3167 = arith.constant 5 : i32
    %get3A_3168 = arith.index_cast %get3A_3167 : i32 to index
    %get3A_3169 = arith.constant 352 : index
    %get3A_3170 = tpu.vector_load %arg13[%get3A_3168, %get3A_3169] {strides = array<i32>} : memref<6x512xf32, #tpu.memory_space<vmem>>, vector<1x16xf32>,
    %get3A_3171 = vector.shape_cast %get3A_3170 : vector<1x16xf32> to vector<16xf32>
    %mul3A_3172 = arith.mulf %get3A_3146, %get3A_3156 : vector<16xf32>
    %mul3A_3173 = arith.mulf %get3A_3151, %get3A_3161 : vector<16xf32>
    %mul3A_3174 = arith.mulf %get3A_352, %get3A_3166 : vector<16xf32>
    %mul3A_3175 = arith.mulf %get3A_357, %get3A_3171 : vector<16xf32>
    %add3A_3176 = arith.addf %mul3A_3174, %mul3A_3175 : vector<16xf32>
    %add3A_3177 = arith.addf %add3A_3176, %get3A_432 : vector<16xf32>
    %max3A_3178 = arith.constant 0.000000e+00 : f32
    %max3A_3179 = vector.broadcast %max3A_3178 : f32 to vector<16xf32>
    %max3A_3180 = arith.maximumf %add3A_3177, %max3A_3179 : vector<16xf32>
    %mul3A_3181 = arith.mulf %get3A_362, %get3A_3166 : vector<16xf32>
    %mul3A_3182 = arith.mulf %get3A_367, %get3A_3171 : vector<16xf32>
    %add3A_3183 = arith.addf %mul3A_3181, %mul3A_3182 : vector<16xf32>
    %add3A_3184 = arith.addf %add3A_3183, %get3A_437 : vector<16xf32>
    %max3A_3185 = arith.constant 0.000000e+00 : f32
    %max3A_3186 = vector.broadcast %max3A_3185 : f32 to vector<16xf32>
    %max3A_3187 = arith.maximumf %add3A_3184, %max3A_3186 : vector<16xf32>
    %mul3A_3188 = arith.mulf %get3A_372, %max3A_3180 : vector<16xf32>
    %mul3A_3189 = arith.mulf %get3A_377, %max3A_3187 : vector<16xf32>
    %add3A_3190 = arith.addf %mul3A_3188, %mul3A_3189 : vector<16xf32>
    %add3A_3191 = arith.addf %add3A_3190, %get3A_442 : vector<16xf32>
    %max3A_3192 = arith.constant 0.000000e+00 : f32
    %max3A_3193 = vector.broadcast %max3A_3192 : f32 to vector<16xf32>
    %max3A_3194 = arith.maximumf %add3A_3191, %max3A_3193 : vector<16xf32>
    %mul3A_3195 = arith.mulf %get3A_382, %max3A_3180 : vector<16xf32>
    %mul3A_3196 = arith.mulf %get3A_387, %max3A_3187 : vector<16xf32>
    %add3A_3197 = arith.addf %mul3A_3195, %mul3A_3196 : vector<16xf32>
    %add3A_3198 = arith.addf %add3A_3197, %get3A_447 : vector<16xf32>
    %max3A_3199 = arith.constant 0.000000e+00 : f32
    %max3A_3200 = vector.broadcast %max3A_3199 : f32 to vector<16xf32>
    %max3A_3201 = arith.maximumf %add3A_3198, %max3A_3200 : vector<16xf32>
    %mul3A_3202 = arith.mulf %get3A_392, %max3A_3194 : vector<16xf32>
    %mul3A_3203 = arith.mulf %get3A_397, %max3A_3201 : vector<16xf32>
    %add3A_3204 = arith.addf %mul3A_3202, %mul3A_3203 : vector<16xf32>
    %add3A_3205 = arith.addf %add3A_3204, %get3A_452 : vector<16xf32>
    %max3A_3206 = arith.constant 0.000000e+00 : f32
    %max3A_3207 = vector.broadcast %max3A_3206 : f32 to vector<16xf32>
    %max3A_3208 = arith.maximumf %add3A_3205, %max3A_3207 : vector<16xf32>
    %mul3A_3209 = arith.mulf %get3A_402, %max3A_3194 : vector<16xf32>
    %mul3A_3210 = arith.mulf %get3A_407, %max3A_3201 : vector<16xf32>
    %add3A_3211 = arith.addf %mul3A_3209, %mul3A_3210 : vector<16xf32>
    %add3A_3212 = arith.addf %add3A_3211, %get3A_457 : vector<16xf32>
    %max3A_3213 = arith.constant 0.000000e+00 : f32
    %max3A_3214 = vector.broadcast %max3A_3213 : f32 to vector<16xf32>
    %max3A_3215 = arith.maximumf %add3A_3212, %max3A_3214 : vector<16xf32>
    %mul3A_3216 = arith.mulf %get3A_412, %max3A_3208 : vector<16xf32>
    %mul3A_3217 = arith.mulf %get3A_417, %max3A_3215 : vector<16xf32>
    %add3A_3218 = arith.addf %mul3A_3216, %mul3A_3217 : vector<16xf32>
    %add3A_3219 = arith.addf %add3A_3218, %get3A_462 : vector<16xf32>
    %max3A_3220 = arith.constant 0.000000e+00 : f32
    %max3A_3221 = vector.broadcast %max3A_3220 : f32 to vector<16xf32>
    %max3A_3222 = arith.maximumf %add3A_3219, %max3A_3221 : vector<16xf32>
    %mul3A_3223 = arith.mulf %get3A_422, %max3A_3208 : vector<16xf32>
    %mul3A_3224 = arith.mulf %get3A_427, %max3A_3215 : vector<16xf32>
    %add3A_3225 = arith.addf %mul3A_3223, %mul3A_3224 : vector<16xf32>
    %add3A_3226 = arith.addf %add3A_3225, %get3A_467 : vector<16xf32>
    %max3A_3227 = arith.constant 0.000000e+00 : f32
    %max3A_3228 = vector.broadcast %max3A_3227 : f32 to vector<16xf32>
    %max3A_3229 = arith.maximumf %add3A_3226, %max3A_3228 : vector<16xf32>
    %mul3A_3230 = arith.mulf %get3A_472, %mul3A_3172 : vector<16xf32>
    %mul3A_3231 = arith.mulf %get3A_477, %mul3A_3173 : vector<16xf32>
    %add3A_3232 = arith.addf %mul3A_3230, %mul3A_3231 : vector<16xf32>
    %mul3A_3233 = arith.mulf %get3A_482, %max3A_3222 : vector<16xf32>
    %add3A_3234 = arith.addf %add3A_3232, %mul3A_3233 : vector<16xf32>
    %mul3A_3235 = arith.mulf %get3A_487, %max3A_3229 : vector<16xf32>
    %add3A_3236 = arith.addf %add3A_3234, %mul3A_3235 : vector<16xf32>
    %add3A_3237 = arith.addf %add3A_3236, %get3A_492 : vector<16xf32>
    %neg3A_3238 = arith.constant 0.000000e+00 : f32
    %neg3A_3239 = vector.broadcast %neg3A_3238 : f32 to vector<16xf32>
    %neg3A_3240 = arith.subf %neg3A_3239, %add3A_3237 : vector<16xf32>
    %exp3A_3241 = math.exp %neg3A_3240 : vector<16xf32>
    %add3A_3242 = arith.constant 1.000000e+00 : f32
    %add3A_3243 = vector.broadcast %add3A_3242 : f32 to vector<16xf32>
    %add3A_3244 = arith.addf %add3A_3243, %exp3A_3241 : vector<16xf32>
    %div3A_3245 = arith.constant 1.000000e+00 : f32
    %div3A_3246 = vector.broadcast %div3A_3245 : f32 to vector<16xf32>
    %div3A_3247 = arith.divf %div3A_3246, %add3A_3244 : vector<16xf32>
    %swap3A_3248 = arith.constant 352 : index
    %swap3A_3249 = tpu.vector_load %arg15[%swap3A_3248] {strides = array<i32>} : memref<512xf32, #tpu.memory_space<vmem>>, vector<16xf32>,
    %swap3A_3250 = vector.shape_cast %swap3A_3249 : vector<16xf32> to vector<16xf32>
    %swap3A_3251 = vector.shape_cast %div3A_3247 : vector<16xf32> to vector<16xf32>
    tpu.vector_store %arg15[%swap3A_3248], %swap3A_3251 {strides = array<i32>} : memref<512xf32, #tpu.memory_space<vmem>>, vector<16xf32>,
    %get3A_3252 = arith.constant 0 : i32
    %get3A_3253 = arith.index_cast %get3A_3252 : i32 to index
    %get3A_3254 = arith.constant 368 : index
    %get3A_3255 = tpu.vector_load %arg13[%get3A_3253, %get3A_3254] {strides = array<i32>} : memref<6x512xf32, #tpu.memory_space<vmem>>, vector<1x16xf32>,
    %get3A_3256 = vector.shape_cast %get3A_3255 : vector<1x16xf32> to vector<16xf32>
    %get3A_3257 = arith.constant 1 : i32
    %get3A_3258 = arith.index_cast %get3A_3257 : i32 to index
    %get3A_3259 = arith.constant 368 : index
    %get3A_3260 = tpu.vector_load %arg13[%get3A_3258, %get3A_3259] {strides = array<i32>} : memref<6x512xf32, #tpu.memory_space<vmem>>, vector<1x16xf32>,
    %get3A_3261 = vector.shape_cast %get3A_3260 : vector<1x16xf32> to vector<16xf32>
    %get3A_3262 = arith.constant 2 : i32
    %get3A_3263 = arith.index_cast %get3A_3262 : i32 to index
    %get3A_3264 = arith.constant 368 : index
    %get3A_3265 = tpu.vector_load %arg13[%get3A_3263, %get3A_3264] {strides = array<i32>} : memref<6x512xf32, #tpu.memory_space<vmem>>, vector<1x16xf32>,
    %get3A_3266 = vector.shape_cast %get3A_3265 : vector<1x16xf32> to vector<16xf32>
    %get3A_3267 = arith.constant 3 : i32
    %get3A_3268 = arith.index_cast %get3A_3267 : i32 to index
    %get3A_3269 = arith.constant 368 : index
    %get3A_3270 = tpu.vector_load %arg13[%get3A_3268, %get3A_3269] {strides = array<i32>} : memref<6x512xf32, #tpu.memory_space<vmem>>, vector<1x16xf32>,
    %get3A_3271 = vector.shape_cast %get3A_3270 : vector<1x16xf32> to vector<16xf32>
    %get3A_3272 = arith.constant 4 : i32
    %get3A_3273 = arith.index_cast %get3A_3272 : i32 to index
    %get3A_3274 = arith.constant 368 : index
    %get3A_3275 = tpu.vector_load %arg13[%get3A_3273, %get3A_3274] {strides = array<i32>} : memref<6x512xf32, #tpu.memory_space<vmem>>, vector<1x16xf32>,
    %get3A_3276 = vector.shape_cast %get3A_3275 : vector<1x16xf32> to vector<16xf32>
    %get3A_3277 = arith.constant 5 : i32
    %get3A_3278 = arith.index_cast %get3A_3277 : i32 to index
    %get3A_3279 = arith.constant 368 : index
    %get3A_3280 = tpu.vector_load %arg13[%get3A_3278, %get3A_3279] {strides = array<i32>} : memref<6x512xf32, #tpu.memory_space<vmem>>, vector<1x16xf32>,
    %get3A_3281 = vector.shape_cast %get3A_3280 : vector<1x16xf32> to vector<16xf32>
    %mul3A_3282 = arith.mulf %get3A_3256, %get3A_3266 : vector<16xf32>
    %mul3A_3283 = arith.mulf %get3A_3261, %get3A_3271 : vector<16xf32>
    %mul3A_3284 = arith.mulf %get3A_352, %get3A_3276 : vector<16xf32>
    %mul3A_3285 = arith.mulf %get3A_357, %get3A_3281 : vector<16xf32>
    %add3A_3286 = arith.addf %mul3A_3284, %mul3A_3285 : vector<16xf32>
    %add3A_3287 = arith.addf %add3A_3286, %get3A_432 : vector<16xf32>
    %max3A_3288 = arith.constant 0.000000e+00 : f32
    %max3A_3289 = vector.broadcast %max3A_3288 : f32 to vector<16xf32>
    %max3A_3290 = arith.maximumf %add3A_3287, %max3A_3289 : vector<16xf32>
    %mul3A_3291 = arith.mulf %get3A_362, %get3A_3276 : vector<16xf32>
    %mul3A_3292 = arith.mulf %get3A_367, %get3A_3281 : vector<16xf32>
    %add3A_3293 = arith.addf %mul3A_3291, %mul3A_3292 : vector<16xf32>
    %add3A_3294 = arith.addf %add3A_3293, %get3A_437 : vector<16xf32>
    %max3A_3295 = arith.constant 0.000000e+00 : f32
    %max3A_3296 = vector.broadcast %max3A_3295 : f32 to vector<16xf32>
    %max3A_3297 = arith.maximumf %add3A_3294, %max3A_3296 : vector<16xf32>
    %mul3A_3298 = arith.mulf %get3A_372, %max3A_3290 : vector<16xf32>
    %mul3A_3299 = arith.mulf %get3A_377, %max3A_3297 : vector<16xf32>
    %add3A_3300 = arith.addf %mul3A_3298, %mul3A_3299 : vector<16xf32>
    %add3A_3301 = arith.addf %add3A_3300, %get3A_442 : vector<16xf32>
    %max3A_3302 = arith.constant 0.000000e+00 : f32
    %max3A_3303 = vector.broadcast %max3A_3302 : f32 to vector<16xf32>
    %max3A_3304 = arith.maximumf %add3A_3301, %max3A_3303 : vector<16xf32>
    %mul3A_3305 = arith.mulf %get3A_382, %max3A_3290 : vector<16xf32>
    %mul3A_3306 = arith.mulf %get3A_387, %max3A_3297 : vector<16xf32>
    %add3A_3307 = arith.addf %mul3A_3305, %mul3A_3306 : vector<16xf32>
    %add3A_3308 = arith.addf %add3A_3307, %get3A_447 : vector<16xf32>
    %max3A_3309 = arith.constant 0.000000e+00 : f32
    %max3A_3310 = vector.broadcast %max3A_3309 : f32 to vector<16xf32>
    %max3A_3311 = arith.maximumf %add3A_3308, %max3A_3310 : vector<16xf32>
    %mul3A_3312 = arith.mulf %get3A_392, %max3A_3304 : vector<16xf32>
    %mul3A_3313 = arith.mulf %get3A_397, %max3A_3311 : vector<16xf32>
    %add3A_3314 = arith.addf %mul3A_3312, %mul3A_3313 : vector<16xf32>
    %add3A_3315 = arith.addf %add3A_3314, %get3A_452 : vector<16xf32>
    %max3A_3316 = arith.constant 0.000000e+00 : f32
    %max3A_3317 = vector.broadcast %max3A_3316 : f32 to vector<16xf32>
    %max3A_3318 = arith.maximumf %add3A_3315, %max3A_3317 : vector<16xf32>
    %mul3A_3319 = arith.mulf %get3A_402, %max3A_3304 : vector<16xf32>
    %mul3A_3320 = arith.mulf %get3A_407, %max3A_3311 : vector<16xf32>
    %add3A_3321 = arith.addf %mul3A_3319, %mul3A_3320 : vector<16xf32>
    %add3A_3322 = arith.addf %add3A_3321, %get3A_457 : vector<16xf32>
    %max3A_3323 = arith.constant 0.000000e+00 : f32
    %max3A_3324 = vector.broadcast %max3A_3323 : f32 to vector<16xf32>
    %max3A_3325 = arith.maximumf %add3A_3322, %max3A_3324 : vector<16xf32>
    %mul3A_3326 = arith.mulf %get3A_412, %max3A_3318 : vector<16xf32>
    %mul3A_3327 = arith.mulf %get3A_417, %max3A_3325 : vector<16xf32>
    %add3A_3328 = arith.addf %mul3A_3326, %mul3A_3327 : vector<16xf32>
    %add3A_3329 = arith.addf %add3A_3328, %get3A_462 : vector<16xf32>
    %max3A_3330 = arith.constant 0.000000e+00 : f32
    %max3A_3331 = vector.broadcast %max3A_3330 : f32 to vector<16xf32>
    %max3A_3332 = arith.maximumf %add3A_3329, %max3A_3331 : vector<16xf32>
    %mul3A_3333 = arith.mulf %get3A_422, %max3A_3318 : vector<16xf32>
    %mul3A_3334 = arith.mulf %get3A_427, %max3A_3325 : vector<16xf32>
    %add3A_3335 = arith.addf %mul3A_3333, %mul3A_3334 : vector<16xf32>
    %add3A_3336 = arith.addf %add3A_3335, %get3A_467 : vector<16xf32>
    %max3A_3337 = arith.constant 0.000000e+00 : f32
    %max3A_3338 = vector.broadcast %max3A_3337 : f32 to vector<16xf32>
    %max3A_3339 = arith.maximumf %add3A_3336, %max3A_3338 : vector<16xf32>
    %mul3A_3340 = arith.mulf %get3A_472, %mul3A_3282 : vector<16xf32>
    %mul3A_3341 = arith.mulf %get3A_477, %mul3A_3283 : vector<16xf32>
    %add3A_3342 = arith.addf %mul3A_3340, %mul3A_3341 : vector<16xf32>
    %mul3A_3343 = arith.mulf %get3A_482, %max3A_3332 : vector<16xf32>
    %add3A_3344 = arith.addf %add3A_3342, %mul3A_3343 : vector<16xf32>
    %mul3A_3345 = arith.mulf %get3A_487, %max3A_3339 : vector<16xf32>
    %add3A_3346 = arith.addf %add3A_3344, %mul3A_3345 : vector<16xf32>
    %add3A_3347 = arith.addf %add3A_3346, %get3A_492 : vector<16xf32>
    %neg3A_3348 = arith.constant 0.000000e+00 : f32
    %neg3A_3349 = vector.broadcast %neg3A_3348 : f32 to vector<16xf32>
    %neg3A_3350 = arith.subf %neg3A_3349, %add3A_3347 : vector<16xf32>
    %exp3A_3351 = math.exp %neg3A_3350 : vector<16xf32>
    %add3A_3352 = arith.constant 1.000000e+00 : f32
    %add3A_3353 = vector.broadcast %add3A_3352 : f32 to vector<16xf32>
    %add3A_3354 = arith.addf %add3A_3353, %exp3A_3351 : vector<16xf32>
    %div3A_3355 = arith.constant 1.000000e+00 : f32
    %div3A_3356 = vector.broadcast %div3A_3355 : f32 to vector<16xf32>
    %div3A_3357 = arith.divf %div3A_3356, %add3A_3354 : vector<16xf32>
    %swap3A_3358 = arith.constant 368 : index
    %swap3A_3359 = tpu.vector_load %arg15[%swap3A_3358] {strides = array<i32>} : memref<512xf32, #tpu.memory_space<vmem>>, vector<16xf32>,
    %swap3A_3360 = vector.shape_cast %swap3A_3359 : vector<16xf32> to vector<16xf32>
    %swap3A_3361 = vector.shape_cast %div3A_3357 : vector<16xf32> to vector<16xf32>
    tpu.vector_store %arg15[%swap3A_3358], %swap3A_3361 {strides = array<i32>} : memref<512xf32, #tpu.memory_space<vmem>>, vector<16xf32>,
    %dma_wait3A_3362 = arith.constant 0 : i32
    %dma_wait3A_3363 = arith.constant 0 : i32
    %dma_wait3A_3364 = arith.constant 3 : i32
    %dma_wait3A_3365 = arith.constant 384 : i32
    %dma_wait3A_3366 = tpu.memref_slice %arg13[%dma_wait3A_3363, %dma_wait3A_3365] : memref<6x512xf32, #tpu.memory_space<vmem>> -> memref<1x128xf32, #tpu.memory_space<vmem>>
    %dma_wait3A_3367 = tpu.memref_squeeze %dma_wait3A_3366 : memref<1x128xf32, #tpu.memory_space<vmem>> -> memref<128xf32, #tpu.memory_space<vmem>>
    %dma_wait3A_3368 = arith.constant 384 : i32
    %dma_wait3A_3369 = tpu.memref_slice %arg12[%dma_wait3A_3362, %dma_wait3A_3368] : memref<2x512xi32, #tpu.memory_space<vmem>> -> memref<1x128xi32, #tpu.memory_space<vmem>>
    %dma_wait3A_3370 = tpu.memref_squeeze %dma_wait3A_3369 : memref<1x128xi32, #tpu.memory_space<vmem>> -> memref<128xi32, #tpu.memory_space<vmem>>
    %dma_wait3A_3371 = arith.constant 0 : i32
    %dma_wait3A_3372 = tpu.memref_slice %arg4[%dma_wait3A_3371] : memref<8388608xf32, #tpu.memory_space<hbm>> -> memref<8388608xf32, #tpu.memory_space<hbm>>
    %dma_wait3A_3373 = tpu.memref_slice %arg17[%dma_wait3A_3364] : memref<4x!tpu.dma_semaphore, #tpu.memory_space<semaphore_mem>> -> memref<1x!tpu.dma_semaphore, #tpu.memory_space<semaphore_mem>>
    %dma_wait3A_3374 = tpu.memref_squeeze %dma_wait3A_3373 : memref<1x!tpu.dma_semaphore, #tpu.memory_space<semaphore_mem>> -> memref<!tpu.dma_semaphore, #tpu.memory_space<semaphore_mem>>
    tpu.wait_indirect_dma semaphore(%dma_wait3A_3374 : memref<!tpu.dma_semaphore, #tpu.memory_space<semaphore_mem>>) src(%dma_wait3A_3372 : memref<8388608xf32, #tpu.memory_space<hbm>>) dst(%dma_wait3A_3367 : memref<128xf32, #tpu.memory_space<vmem>>)
    %dma_wait3A_3375 = arith.constant 0 : i32
    %dma_wait3A_3376 = arith.constant 1 : i32
    %dma_wait3A_3377 = arith.constant 3 : i32
    %dma_wait3A_3378 = arith.constant 384 : i32
    %dma_wait3A_3379 = tpu.memref_slice %arg13[%dma_wait3A_3376, %dma_wait3A_3378] : memref<6x512xf32, #tpu.memory_space<vmem>> -> memref<1x128xf32, #tpu.memory_space<vmem>>
    %dma_wait3A_3380 = tpu.memref_squeeze %dma_wait3A_3379 : memref<1x128xf32, #tpu.memory_space<vmem>> -> memref<128xf32, #tpu.memory_space<vmem>>
    %dma_wait3A_3381 = arith.constant 384 : i32
    %dma_wait3A_3382 = tpu.memref_slice %arg12[%dma_wait3A_3375, %dma_wait3A_3381] : memref<2x512xi32, #tpu.memory_space<vmem>> -> memref<1x128xi32, #tpu.memory_space<vmem>>
    %dma_wait3A_3383 = tpu.memref_squeeze %dma_wait3A_3382 : memref<1x128xi32, #tpu.memory_space<vmem>> -> memref<128xi32, #tpu.memory_space<vmem>>
    %dma_wait3A_3384 = arith.constant 0 : i32
    %dma_wait3A_3385 = tpu.memref_slice %arg5[%dma_wait3A_3384] : memref<8388608xf32, #tpu.memory_space<hbm>> -> memref<8388608xf32, #tpu.memory_space<hbm>>
    %dma_wait3A_3386 = tpu.memref_slice %arg17[%dma_wait3A_3377] : memref<4x!tpu.dma_semaphore, #tpu.memory_space<semaphore_mem>> -> memref<1x!tpu.dma_semaphore, #tpu.memory_space<semaphore_mem>>
    %dma_wait3A_3387 = tpu.memref_squeeze %dma_wait3A_3386 : memref<1x!tpu.dma_semaphore, #tpu.memory_space<semaphore_mem>> -> memref<!tpu.dma_semaphore, #tpu.memory_space<semaphore_mem>>
    tpu.wait_indirect_dma semaphore(%dma_wait3A_3387 : memref<!tpu.dma_semaphore, #tpu.memory_space<semaphore_mem>>) src(%dma_wait3A_3385 : memref<8388608xf32, #tpu.memory_space<hbm>>) dst(%dma_wait3A_3380 : memref<128xf32, #tpu.memory_space<vmem>>)
    %dma_wait3A_3388 = arith.constant 1 : i32
    %dma_wait3A_3389 = arith.constant 2 : i32
    %dma_wait3A_3390 = arith.constant 3 : i32
    %dma_wait3A_3391 = arith.constant 384 : i32
    %dma_wait3A_3392 = tpu.memref_slice %arg13[%dma_wait3A_3389, %dma_wait3A_3391] : memref<6x512xf32, #tpu.memory_space<vmem>> -> memref<1x128xf32, #tpu.memory_space<vmem>>
    %dma_wait3A_3393 = tpu.memref_squeeze %dma_wait3A_3392 : memref<1x128xf32, #tpu.memory_space<vmem>> -> memref<128xf32, #tpu.memory_space<vmem>>
    %dma_wait3A_3394 = arith.constant 384 : i32
    %dma_wait3A_3395 = tpu.memref_slice %arg12[%dma_wait3A_3388, %dma_wait3A_3394] : memref<2x512xi32, #tpu.memory_space<vmem>> -> memref<1x128xi32, #tpu.memory_space<vmem>>
    %dma_wait3A_3396 = tpu.memref_squeeze %dma_wait3A_3395 : memref<1x128xi32, #tpu.memory_space<vmem>> -> memref<128xi32, #tpu.memory_space<vmem>>
    %dma_wait3A_3397 = arith.constant 0 : i32
    %dma_wait3A_3398 = tpu.memref_slice %arg6[%dma_wait3A_3397] : memref<8388608xf32, #tpu.memory_space<hbm>> -> memref<8388608xf32, #tpu.memory_space<hbm>>
    %dma_wait3A_3399 = tpu.memref_slice %arg17[%dma_wait3A_3390] : memref<4x!tpu.dma_semaphore, #tpu.memory_space<semaphore_mem>> -> memref<1x!tpu.dma_semaphore, #tpu.memory_space<semaphore_mem>>
    %dma_wait3A_3400 = tpu.memref_squeeze %dma_wait3A_3399 : memref<1x!tpu.dma_semaphore, #tpu.memory_space<semaphore_mem>> -> memref<!tpu.dma_semaphore, #tpu.memory_space<semaphore_mem>>
    tpu.wait_indirect_dma semaphore(%dma_wait3A_3400 : memref<!tpu.dma_semaphore, #tpu.memory_space<semaphore_mem>>) src(%dma_wait3A_3398 : memref<8388608xf32, #tpu.memory_space<hbm>>) dst(%dma_wait3A_3393 : memref<128xf32, #tpu.memory_space<vmem>>)
    %dma_wait3A_3401 = arith.constant 1 : i32
    %dma_wait3A_3402 = arith.constant 3 : i32
    %dma_wait3A_3403 = arith.constant 3 : i32
    %dma_wait3A_3404 = arith.constant 384 : i32
    %dma_wait3A_3405 = tpu.memref_slice %arg13[%dma_wait3A_3402, %dma_wait3A_3404] : memref<6x512xf32, #tpu.memory_space<vmem>> -> memref<1x128xf32, #tpu.memory_space<vmem>>
    %dma_wait3A_3406 = tpu.memref_squeeze %dma_wait3A_3405 : memref<1x128xf32, #tpu.memory_space<vmem>> -> memref<128xf32, #tpu.memory_space<vmem>>
    %dma_wait3A_3407 = arith.constant 384 : i32
    %dma_wait3A_3408 = tpu.memref_slice %arg12[%dma_wait3A_3401, %dma_wait3A_3407] : memref<2x512xi32, #tpu.memory_space<vmem>> -> memref<1x128xi32, #tpu.memory_space<vmem>>
    %dma_wait3A_3409 = tpu.memref_squeeze %dma_wait3A_3408 : memref<1x128xi32, #tpu.memory_space<vmem>> -> memref<128xi32, #tpu.memory_space<vmem>>
    %dma_wait3A_3410 = arith.constant 0 : i32
    %dma_wait3A_3411 = tpu.memref_slice %arg7[%dma_wait3A_3410] : memref<8388608xf32, #tpu.memory_space<hbm>> -> memref<8388608xf32, #tpu.memory_space<hbm>>
    %dma_wait3A_3412 = tpu.memref_slice %arg17[%dma_wait3A_3403] : memref<4x!tpu.dma_semaphore, #tpu.memory_space<semaphore_mem>> -> memref<1x!tpu.dma_semaphore, #tpu.memory_space<semaphore_mem>>
    %dma_wait3A_3413 = tpu.memref_squeeze %dma_wait3A_3412 : memref<1x!tpu.dma_semaphore, #tpu.memory_space<semaphore_mem>> -> memref<!tpu.dma_semaphore, #tpu.memory_space<semaphore_mem>>
    tpu.wait_indirect_dma semaphore(%dma_wait3A_3413 : memref<!tpu.dma_semaphore, #tpu.memory_space<semaphore_mem>>) src(%dma_wait3A_3411 : memref<8388608xf32, #tpu.memory_space<hbm>>) dst(%dma_wait3A_3406 : memref<128xf32, #tpu.memory_space<vmem>>)
    %dma_wait3A_3414 = arith.constant 0 : i32
    %dma_wait3A_3415 = arith.constant 4 : i32
    %dma_wait3A_3416 = arith.constant 3 : i32
    %dma_wait3A_3417 = arith.constant 384 : i32
    %dma_wait3A_3418 = tpu.memref_slice %arg13[%dma_wait3A_3415, %dma_wait3A_3417] : memref<6x512xf32, #tpu.memory_space<vmem>> -> memref<1x128xf32, #tpu.memory_space<vmem>>
    %dma_wait3A_3419 = tpu.memref_squeeze %dma_wait3A_3418 : memref<1x128xf32, #tpu.memory_space<vmem>> -> memref<128xf32, #tpu.memory_space<vmem>>
    %dma_wait3A_3420 = arith.constant 384 : i32
    %dma_wait3A_3421 = tpu.memref_slice %arg12[%dma_wait3A_3414, %dma_wait3A_3420] : memref<2x512xi32, #tpu.memory_space<vmem>> -> memref<1x128xi32, #tpu.memory_space<vmem>>
    %dma_wait3A_3422 = tpu.memref_squeeze %dma_wait3A_3421 : memref<1x128xi32, #tpu.memory_space<vmem>> -> memref<128xi32, #tpu.memory_space<vmem>>
    %dma_wait3A_3423 = arith.constant 0 : i32
    %dma_wait3A_3424 = tpu.memref_slice %arg8[%dma_wait3A_3423] : memref<8388608xf32, #tpu.memory_space<hbm>> -> memref<8388608xf32, #tpu.memory_space<hbm>>
    %dma_wait3A_3425 = tpu.memref_slice %arg17[%dma_wait3A_3416] : memref<4x!tpu.dma_semaphore, #tpu.memory_space<semaphore_mem>> -> memref<1x!tpu.dma_semaphore, #tpu.memory_space<semaphore_mem>>
    %dma_wait3A_3426 = tpu.memref_squeeze %dma_wait3A_3425 : memref<1x!tpu.dma_semaphore, #tpu.memory_space<semaphore_mem>> -> memref<!tpu.dma_semaphore, #tpu.memory_space<semaphore_mem>>
    tpu.wait_indirect_dma semaphore(%dma_wait3A_3426 : memref<!tpu.dma_semaphore, #tpu.memory_space<semaphore_mem>>) src(%dma_wait3A_3424 : memref<8388608xf32, #tpu.memory_space<hbm>>) dst(%dma_wait3A_3419 : memref<128xf32, #tpu.memory_space<vmem>>)
    %dma_wait3A_3427 = arith.constant 1 : i32
    %dma_wait3A_3428 = arith.constant 5 : i32
    %dma_wait3A_3429 = arith.constant 3 : i32
    %dma_wait3A_3430 = arith.constant 384 : i32
    %dma_wait3A_3431 = tpu.memref_slice %arg13[%dma_wait3A_3428, %dma_wait3A_3430] : memref<6x512xf32, #tpu.memory_space<vmem>> -> memref<1x128xf32, #tpu.memory_space<vmem>>
    %dma_wait3A_3432 = tpu.memref_squeeze %dma_wait3A_3431 : memref<1x128xf32, #tpu.memory_space<vmem>> -> memref<128xf32, #tpu.memory_space<vmem>>
    %dma_wait3A_3433 = arith.constant 384 : i32
    %dma_wait3A_3434 = tpu.memref_slice %arg12[%dma_wait3A_3427, %dma_wait3A_3433] : memref<2x512xi32, #tpu.memory_space<vmem>> -> memref<1x128xi32, #tpu.memory_space<vmem>>
    %dma_wait3A_3435 = tpu.memref_squeeze %dma_wait3A_3434 : memref<1x128xi32, #tpu.memory_space<vmem>> -> memref<128xi32, #tpu.memory_space<vmem>>
    %dma_wait3A_3436 = arith.constant 0 : i32
    %dma_wait3A_3437 = tpu.memref_slice %arg9[%dma_wait3A_3436] : memref<8388608xf32, #tpu.memory_space<hbm>> -> memref<8388608xf32, #tpu.memory_space<hbm>>
    %dma_wait3A_3438 = tpu.memref_slice %arg17[%dma_wait3A_3429] : memref<4x!tpu.dma_semaphore, #tpu.memory_space<semaphore_mem>> -> memref<1x!tpu.dma_semaphore, #tpu.memory_space<semaphore_mem>>
    %dma_wait3A_3439 = tpu.memref_squeeze %dma_wait3A_3438 : memref<1x!tpu.dma_semaphore, #tpu.memory_space<semaphore_mem>> -> memref<!tpu.dma_semaphore, #tpu.memory_space<semaphore_mem>>
    tpu.wait_indirect_dma semaphore(%dma_wait3A_3439 : memref<!tpu.dma_semaphore, #tpu.memory_space<semaphore_mem>>) src(%dma_wait3A_3437 : memref<8388608xf32, #tpu.memory_space<hbm>>) dst(%dma_wait3A_3432 : memref<128xf32, #tpu.memory_space<vmem>>)
    %get3A_3440 = arith.constant 0 : i32
    %get3A_3441 = arith.index_cast %get3A_3440 : i32 to index
    %get3A_3442 = arith.constant 384 : index
    %get3A_3443 = tpu.vector_load %arg13[%get3A_3441, %get3A_3442] {strides = array<i32>} : memref<6x512xf32, #tpu.memory_space<vmem>>, vector<1x16xf32>,
    %get3A_3444 = vector.shape_cast %get3A_3443 : vector<1x16xf32> to vector<16xf32>
    %get3A_3445 = arith.constant 1 : i32
    %get3A_3446 = arith.index_cast %get3A_3445 : i32 to index
    %get3A_3447 = arith.constant 384 : index
    %get3A_3448 = tpu.vector_load %arg13[%get3A_3446, %get3A_3447] {strides = array<i32>} : memref<6x512xf32, #tpu.memory_space<vmem>>, vector<1x16xf32>,
    %get3A_3449 = vector.shape_cast %get3A_3448 : vector<1x16xf32> to vector<16xf32>
    %get3A_3450 = arith.constant 2 : i32
    %get3A_3451 = arith.index_cast %get3A_3450 : i32 to index
    %get3A_3452 = arith.constant 384 : index
    %get3A_3453 = tpu.vector_load %arg13[%get3A_3451, %get3A_3452] {strides = array<i32>} : memref<6x512xf32, #tpu.memory_space<vmem>>, vector<1x16xf32>,
    %get3A_3454 = vector.shape_cast %get3A_3453 : vector<1x16xf32> to vector<16xf32>
    %get3A_3455 = arith.constant 3 : i32
    %get3A_3456 = arith.index_cast %get3A_3455 : i32 to index
    %get3A_3457 = arith.constant 384 : index
    %get3A_3458 = tpu.vector_load %arg13[%get3A_3456, %get3A_3457] {strides = array<i32>} : memref<6x512xf32, #tpu.memory_space<vmem>>, vector<1x16xf32>,
    %get3A_3459 = vector.shape_cast %get3A_3458 : vector<1x16xf32> to vector<16xf32>
    %get3A_3460 = arith.constant 4 : i32
    %get3A_3461 = arith.index_cast %get3A_3460 : i32 to index
    %get3A_3462 = arith.constant 384 : index
    %get3A_3463 = tpu.vector_load %arg13[%get3A_3461, %get3A_3462] {strides = array<i32>} : memref<6x512xf32, #tpu.memory_space<vmem>>, vector<1x16xf32>,
    %get3A_3464 = vector.shape_cast %get3A_3463 : vector<1x16xf32> to vector<16xf32>
    %get3A_3465 = arith.constant 5 : i32
    %get3A_3466 = arith.index_cast %get3A_3465 : i32 to index
    %get3A_3467 = arith.constant 384 : index
    %get3A_3468 = tpu.vector_load %arg13[%get3A_3466, %get3A_3467] {strides = array<i32>} : memref<6x512xf32, #tpu.memory_space<vmem>>, vector<1x16xf32>,
    %get3A_3469 = vector.shape_cast %get3A_3468 : vector<1x16xf32> to vector<16xf32>
    %mul3A_3470 = arith.mulf %get3A_3444, %get3A_3454 : vector<16xf32>
    %mul3A_3471 = arith.mulf %get3A_3449, %get3A_3459 : vector<16xf32>
    %mul3A_3472 = arith.mulf %get3A_352, %get3A_3464 : vector<16xf32>
    %mul3A_3473 = arith.mulf %get3A_357, %get3A_3469 : vector<16xf32>
    %add3A_3474 = arith.addf %mul3A_3472, %mul3A_3473 : vector<16xf32>
    %add3A_3475 = arith.addf %add3A_3474, %get3A_432 : vector<16xf32>
    %max3A_3476 = arith.constant 0.000000e+00 : f32
    %max3A_3477 = vector.broadcast %max3A_3476 : f32 to vector<16xf32>
    %max3A_3478 = arith.maximumf %add3A_3475, %max3A_3477 : vector<16xf32>
    %mul3A_3479 = arith.mulf %get3A_362, %get3A_3464 : vector<16xf32>
    %mul3A_3480 = arith.mulf %get3A_367, %get3A_3469 : vector<16xf32>
    %add3A_3481 = arith.addf %mul3A_3479, %mul3A_3480 : vector<16xf32>
    %add3A_3482 = arith.addf %add3A_3481, %get3A_437 : vector<16xf32>
    %max3A_3483 = arith.constant 0.000000e+00 : f32
    %max3A_3484 = vector.broadcast %max3A_3483 : f32 to vector<16xf32>
    %max3A_3485 = arith.maximumf %add3A_3482, %max3A_3484 : vector<16xf32>
    %mul3A_3486 = arith.mulf %get3A_372, %max3A_3478 : vector<16xf32>
    %mul3A_3487 = arith.mulf %get3A_377, %max3A_3485 : vector<16xf32>
    %add3A_3488 = arith.addf %mul3A_3486, %mul3A_3487 : vector<16xf32>
    %add3A_3489 = arith.addf %add3A_3488, %get3A_442 : vector<16xf32>
    %max3A_3490 = arith.constant 0.000000e+00 : f32
    %max3A_3491 = vector.broadcast %max3A_3490 : f32 to vector<16xf32>
    %max3A_3492 = arith.maximumf %add3A_3489, %max3A_3491 : vector<16xf32>
    %mul3A_3493 = arith.mulf %get3A_382, %max3A_3478 : vector<16xf32>
    %mul3A_3494 = arith.mulf %get3A_387, %max3A_3485 : vector<16xf32>
    %add3A_3495 = arith.addf %mul3A_3493, %mul3A_3494 : vector<16xf32>
    %add3A_3496 = arith.addf %add3A_3495, %get3A_447 : vector<16xf32>
    %max3A_3497 = arith.constant 0.000000e+00 : f32
    %max3A_3498 = vector.broadcast %max3A_3497 : f32 to vector<16xf32>
    %max3A_3499 = arith.maximumf %add3A_3496, %max3A_3498 : vector<16xf32>
    %mul3A_3500 = arith.mulf %get3A_392, %max3A_3492 : vector<16xf32>
    %mul3A_3501 = arith.mulf %get3A_397, %max3A_3499 : vector<16xf32>
    %add3A_3502 = arith.addf %mul3A_3500, %mul3A_3501 : vector<16xf32>
    %add3A_3503 = arith.addf %add3A_3502, %get3A_452 : vector<16xf32>
    %max3A_3504 = arith.constant 0.000000e+00 : f32
    %max3A_3505 = vector.broadcast %max3A_3504 : f32 to vector<16xf32>
    %max3A_3506 = arith.maximumf %add3A_3503, %max3A_3505 : vector<16xf32>
    %mul3A_3507 = arith.mulf %get3A_402, %max3A_3492 : vector<16xf32>
    %mul3A_3508 = arith.mulf %get3A_407, %max3A_3499 : vector<16xf32>
    %add3A_3509 = arith.addf %mul3A_3507, %mul3A_3508 : vector<16xf32>
    %add3A_3510 = arith.addf %add3A_3509, %get3A_457 : vector<16xf32>
    %max3A_3511 = arith.constant 0.000000e+00 : f32
    %max3A_3512 = vector.broadcast %max3A_3511 : f32 to vector<16xf32>
    %max3A_3513 = arith.maximumf %add3A_3510, %max3A_3512 : vector<16xf32>
    %mul3A_3514 = arith.mulf %get3A_412, %max3A_3506 : vector<16xf32>
    %mul3A_3515 = arith.mulf %get3A_417, %max3A_3513 : vector<16xf32>
    %add3A_3516 = arith.addf %mul3A_3514, %mul3A_3515 : vector<16xf32>
    %add3A_3517 = arith.addf %add3A_3516, %get3A_462 : vector<16xf32>
    %max3A_3518 = arith.constant 0.000000e+00 : f32
    %max3A_3519 = vector.broadcast %max3A_3518 : f32 to vector<16xf32>
    %max3A_3520 = arith.maximumf %add3A_3517, %max3A_3519 : vector<16xf32>
    %mul3A_3521 = arith.mulf %get3A_422, %max3A_3506 : vector<16xf32>
    %mul3A_3522 = arith.mulf %get3A_427, %max3A_3513 : vector<16xf32>
    %add3A_3523 = arith.addf %mul3A_3521, %mul3A_3522 : vector<16xf32>
    %add3A_3524 = arith.addf %add3A_3523, %get3A_467 : vector<16xf32>
    %max3A_3525 = arith.constant 0.000000e+00 : f32
    %max3A_3526 = vector.broadcast %max3A_3525 : f32 to vector<16xf32>
    %max3A_3527 = arith.maximumf %add3A_3524, %max3A_3526 : vector<16xf32>
    %mul3A_3528 = arith.mulf %get3A_472, %mul3A_3470 : vector<16xf32>
    %mul3A_3529 = arith.mulf %get3A_477, %mul3A_3471 : vector<16xf32>
    %add3A_3530 = arith.addf %mul3A_3528, %mul3A_3529 : vector<16xf32>
    %mul3A_3531 = arith.mulf %get3A_482, %max3A_3520 : vector<16xf32>
    %add3A_3532 = arith.addf %add3A_3530, %mul3A_3531 : vector<16xf32>
    %mul3A_3533 = arith.mulf %get3A_487, %max3A_3527 : vector<16xf32>
    %add3A_3534 = arith.addf %add3A_3532, %mul3A_3533 : vector<16xf32>
    %add3A_3535 = arith.addf %add3A_3534, %get3A_492 : vector<16xf32>
    %neg3A_3536 = arith.constant 0.000000e+00 : f32
    %neg3A_3537 = vector.broadcast %neg3A_3536 : f32 to vector<16xf32>
    %neg3A_3538 = arith.subf %neg3A_3537, %add3A_3535 : vector<16xf32>
    %exp3A_3539 = math.exp %neg3A_3538 : vector<16xf32>
    %add3A_3540 = arith.constant 1.000000e+00 : f32
    %add3A_3541 = vector.broadcast %add3A_3540 : f32 to vector<16xf32>
    %add3A_3542 = arith.addf %add3A_3541, %exp3A_3539 : vector<16xf32>
    %div3A_3543 = arith.constant 1.000000e+00 : f32
    %div3A_3544 = vector.broadcast %div3A_3543 : f32 to vector<16xf32>
    %div3A_3545 = arith.divf %div3A_3544, %add3A_3542 : vector<16xf32>
    %swap3A_3546 = arith.constant 384 : index
    %swap3A_3547 = tpu.vector_load %arg15[%swap3A_3546] {strides = array<i32>} : memref<512xf32, #tpu.memory_space<vmem>>, vector<16xf32>,
    %swap3A_3548 = vector.shape_cast %swap3A_3547 : vector<16xf32> to vector<16xf32>
    %swap3A_3549 = vector.shape_cast %div3A_3545 : vector<16xf32> to vector<16xf32>
    tpu.vector_store %arg15[%swap3A_3546], %swap3A_3549 {strides = array<i32>} : memref<512xf32, #tpu.memory_space<vmem>>, vector<16xf32>,
    %get3A_3550 = arith.constant 0 : i32
    %get3A_3551 = arith.index_cast %get3A_3550 : i32 to index
    %get3A_3552 = arith.constant 400 : index
    %get3A_3553 = tpu.vector_load %arg13[%get3A_3551, %get3A_3552] {strides = array<i32>} : memref<6x512xf32, #tpu.memory_space<vmem>>, vector<1x16xf32>,
    %get3A_3554 = vector.shape_cast %get3A_3553 : vector<1x16xf32> to vector<16xf32>
    %get3A_3555 = arith.constant 1 : i32
    %get3A_3556 = arith.index_cast %get3A_3555 : i32 to index
    %get3A_3557 = arith.constant 400 : index
    %get3A_3558 = tpu.vector_load %arg13[%get3A_3556, %get3A_3557] {strides = array<i32>} : memref<6x512xf32, #tpu.memory_space<vmem>>, vector<1x16xf32>,
    %get3A_3559 = vector.shape_cast %get3A_3558 : vector<1x16xf32> to vector<16xf32>
    %get3A_3560 = arith.constant 2 : i32
    %get3A_3561 = arith.index_cast %get3A_3560 : i32 to index
    %get3A_3562 = arith.constant 400 : index
    %get3A_3563 = tpu.vector_load %arg13[%get3A_3561, %get3A_3562] {strides = array<i32>} : memref<6x512xf32, #tpu.memory_space<vmem>>, vector<1x16xf32>,
    %get3A_3564 = vector.shape_cast %get3A_3563 : vector<1x16xf32> to vector<16xf32>
    %get3A_3565 = arith.constant 3 : i32
    %get3A_3566 = arith.index_cast %get3A_3565 : i32 to index
    %get3A_3567 = arith.constant 400 : index
    %get3A_3568 = tpu.vector_load %arg13[%get3A_3566, %get3A_3567] {strides = array<i32>} : memref<6x512xf32, #tpu.memory_space<vmem>>, vector<1x16xf32>,
    %get3A_3569 = vector.shape_cast %get3A_3568 : vector<1x16xf32> to vector<16xf32>
    %get3A_3570 = arith.constant 4 : i32
    %get3A_3571 = arith.index_cast %get3A_3570 : i32 to index
    %get3A_3572 = arith.constant 400 : index
    %get3A_3573 = tpu.vector_load %arg13[%get3A_3571, %get3A_3572] {strides = array<i32>} : memref<6x512xf32, #tpu.memory_space<vmem>>, vector<1x16xf32>,
    %get3A_3574 = vector.shape_cast %get3A_3573 : vector<1x16xf32> to vector<16xf32>
    %get3A_3575 = arith.constant 5 : i32
    %get3A_3576 = arith.index_cast %get3A_3575 : i32 to index
    %get3A_3577 = arith.constant 400 : index
    %get3A_3578 = tpu.vector_load %arg13[%get3A_3576, %get3A_3577] {strides = array<i32>} : memref<6x512xf32, #tpu.memory_space<vmem>>, vector<1x16xf32>,
    %get3A_3579 = vector.shape_cast %get3A_3578 : vector<1x16xf32> to vector<16xf32>
    %mul3A_3580 = arith.mulf %get3A_3554, %get3A_3564 : vector<16xf32>
    %mul3A_3581 = arith.mulf %get3A_3559, %get3A_3569 : vector<16xf32>
    %mul3A_3582 = arith.mulf %get3A_352, %get3A_3574 : vector<16xf32>
    %mul3A_3583 = arith.mulf %get3A_357, %get3A_3579 : vector<16xf32>
    %add3A_3584 = arith.addf %mul3A_3582, %mul3A_3583 : vector<16xf32>
    %add3A_3585 = arith.addf %add3A_3584, %get3A_432 : vector<16xf32>
    %max3A_3586 = arith.constant 0.000000e+00 : f32
    %max3A_3587 = vector.broadcast %max3A_3586 : f32 to vector<16xf32>
    %max3A_3588 = arith.maximumf %add3A_3585, %max3A_3587 : vector<16xf32>
    %mul3A_3589 = arith.mulf %get3A_362, %get3A_3574 : vector<16xf32>
    %mul3A_3590 = arith.mulf %get3A_367, %get3A_3579 : vector<16xf32>
    %add3A_3591 = arith.addf %mul3A_3589, %mul3A_3590 : vector<16xf32>
    %add3A_3592 = arith.addf %add3A_3591, %get3A_437 : vector<16xf32>
    %max3A_3593 = arith.constant 0.000000e+00 : f32
    %max3A_3594 = vector.broadcast %max3A_3593 : f32 to vector<16xf32>
    %max3A_3595 = arith.maximumf %add3A_3592, %max3A_3594 : vector<16xf32>
    %mul3A_3596 = arith.mulf %get3A_372, %max3A_3588 : vector<16xf32>
    %mul3A_3597 = arith.mulf %get3A_377, %max3A_3595 : vector<16xf32>
    %add3A_3598 = arith.addf %mul3A_3596, %mul3A_3597 : vector<16xf32>
    %add3A_3599 = arith.addf %add3A_3598, %get3A_442 : vector<16xf32>
    %max3A_3600 = arith.constant 0.000000e+00 : f32
    %max3A_3601 = vector.broadcast %max3A_3600 : f32 to vector<16xf32>
    %max3A_3602 = arith.maximumf %add3A_3599, %max3A_3601 : vector<16xf32>
    %mul3A_3603 = arith.mulf %get3A_382, %max3A_3588 : vector<16xf32>
    %mul3A_3604 = arith.mulf %get3A_387, %max3A_3595 : vector<16xf32>
    %add3A_3605 = arith.addf %mul3A_3603, %mul3A_3604 : vector<16xf32>
    %add3A_3606 = arith.addf %add3A_3605, %get3A_447 : vector<16xf32>
    %max3A_3607 = arith.constant 0.000000e+00 : f32
    %max3A_3608 = vector.broadcast %max3A_3607 : f32 to vector<16xf32>
    %max3A_3609 = arith.maximumf %add3A_3606, %max3A_3608 : vector<16xf32>
    %mul3A_3610 = arith.mulf %get3A_392, %max3A_3602 : vector<16xf32>
    %mul3A_3611 = arith.mulf %get3A_397, %max3A_3609 : vector<16xf32>
    %add3A_3612 = arith.addf %mul3A_3610, %mul3A_3611 : vector<16xf32>
    %add3A_3613 = arith.addf %add3A_3612, %get3A_452 : vector<16xf32>
    %max3A_3614 = arith.constant 0.000000e+00 : f32
    %max3A_3615 = vector.broadcast %max3A_3614 : f32 to vector<16xf32>
    %max3A_3616 = arith.maximumf %add3A_3613, %max3A_3615 : vector<16xf32>
    %mul3A_3617 = arith.mulf %get3A_402, %max3A_3602 : vector<16xf32>
    %mul3A_3618 = arith.mulf %get3A_407, %max3A_3609 : vector<16xf32>
    %add3A_3619 = arith.addf %mul3A_3617, %mul3A_3618 : vector<16xf32>
    %add3A_3620 = arith.addf %add3A_3619, %get3A_457 : vector<16xf32>
    %max3A_3621 = arith.constant 0.000000e+00 : f32
    %max3A_3622 = vector.broadcast %max3A_3621 : f32 to vector<16xf32>
    %max3A_3623 = arith.maximumf %add3A_3620, %max3A_3622 : vector<16xf32>
    %mul3A_3624 = arith.mulf %get3A_412, %max3A_3616 : vector<16xf32>
    %mul3A_3625 = arith.mulf %get3A_417, %max3A_3623 : vector<16xf32>
    %add3A_3626 = arith.addf %mul3A_3624, %mul3A_3625 : vector<16xf32>
    %add3A_3627 = arith.addf %add3A_3626, %get3A_462 : vector<16xf32>
    %max3A_3628 = arith.constant 0.000000e+00 : f32
    %max3A_3629 = vector.broadcast %max3A_3628 : f32 to vector<16xf32>
    %max3A_3630 = arith.maximumf %add3A_3627, %max3A_3629 : vector<16xf32>
    %mul3A_3631 = arith.mulf %get3A_422, %max3A_3616 : vector<16xf32>
    %mul3A_3632 = arith.mulf %get3A_427, %max3A_3623 : vector<16xf32>
    %add3A_3633 = arith.addf %mul3A_3631, %mul3A_3632 : vector<16xf32>
    %add3A_3634 = arith.addf %add3A_3633, %get3A_467 : vector<16xf32>
    %max3A_3635 = arith.constant 0.000000e+00 : f32
    %max3A_3636 = vector.broadcast %max3A_3635 : f32 to vector<16xf32>
    %max3A_3637 = arith.maximumf %add3A_3634, %max3A_3636 : vector<16xf32>
    %mul3A_3638 = arith.mulf %get3A_472, %mul3A_3580 : vector<16xf32>
    %mul3A_3639 = arith.mulf %get3A_477, %mul3A_3581 : vector<16xf32>
    %add3A_3640 = arith.addf %mul3A_3638, %mul3A_3639 : vector<16xf32>
    %mul3A_3641 = arith.mulf %get3A_482, %max3A_3630 : vector<16xf32>
    %add3A_3642 = arith.addf %add3A_3640, %mul3A_3641 : vector<16xf32>
    %mul3A_3643 = arith.mulf %get3A_487, %max3A_3637 : vector<16xf32>
    %add3A_3644 = arith.addf %add3A_3642, %mul3A_3643 : vector<16xf32>
    %add3A_3645 = arith.addf %add3A_3644, %get3A_492 : vector<16xf32>
    %neg3A_3646 = arith.constant 0.000000e+00 : f32
    %neg3A_3647 = vector.broadcast %neg3A_3646 : f32 to vector<16xf32>
    %neg3A_3648 = arith.subf %neg3A_3647, %add3A_3645 : vector<16xf32>
    %exp3A_3649 = math.exp %neg3A_3648 : vector<16xf32>
    %add3A_3650 = arith.constant 1.000000e+00 : f32
    %add3A_3651 = vector.broadcast %add3A_3650 : f32 to vector<16xf32>
    %add3A_3652 = arith.addf %add3A_3651, %exp3A_3649 : vector<16xf32>
    %div3A_3653 = arith.constant 1.000000e+00 : f32
    %div3A_3654 = vector.broadcast %div3A_3653 : f32 to vector<16xf32>
    %div3A_3655 = arith.divf %div3A_3654, %add3A_3652 : vector<16xf32>
    %swap3A_3656 = arith.constant 400 : index
    %swap3A_3657 = tpu.vector_load %arg15[%swap3A_3656] {strides = array<i32>} : memref<512xf32, #tpu.memory_space<vmem>>, vector<16xf32>,
    %swap3A_3658 = vector.shape_cast %swap3A_3657 : vector<16xf32> to vector<16xf32>
    %swap3A_3659 = vector.shape_cast %div3A_3655 : vector<16xf32> to vector<16xf32>
    tpu.vector_store %arg15[%swap3A_3656], %swap3A_3659 {strides = array<i32>} : memref<512xf32, #tpu.memory_space<vmem>>, vector<16xf32>,
    %get3A_3660 = arith.constant 0 : i32
    %get3A_3661 = arith.index_cast %get3A_3660 : i32 to index
    %get3A_3662 = arith.constant 416 : index
    %get3A_3663 = tpu.vector_load %arg13[%get3A_3661, %get3A_3662] {strides = array<i32>} : memref<6x512xf32, #tpu.memory_space<vmem>>, vector<1x16xf32>,
    %get3A_3664 = vector.shape_cast %get3A_3663 : vector<1x16xf32> to vector<16xf32>
    %get3A_3665 = arith.constant 1 : i32
    %get3A_3666 = arith.index_cast %get3A_3665 : i32 to index
    %get3A_3667 = arith.constant 416 : index
    %get3A_3668 = tpu.vector_load %arg13[%get3A_3666, %get3A_3667] {strides = array<i32>} : memref<6x512xf32, #tpu.memory_space<vmem>>, vector<1x16xf32>,
    %get3A_3669 = vector.shape_cast %get3A_3668 : vector<1x16xf32> to vector<16xf32>
    %get3A_3670 = arith.constant 2 : i32
    %get3A_3671 = arith.index_cast %get3A_3670 : i32 to index
    %get3A_3672 = arith.constant 416 : index
    %get3A_3673 = tpu.vector_load %arg13[%get3A_3671, %get3A_3672] {strides = array<i32>} : memref<6x512xf32, #tpu.memory_space<vmem>>, vector<1x16xf32>,
    %get3A_3674 = vector.shape_cast %get3A_3673 : vector<1x16xf32> to vector<16xf32>
    %get3A_3675 = arith.constant 3 : i32
    %get3A_3676 = arith.index_cast %get3A_3675 : i32 to index
    %get3A_3677 = arith.constant 416 : index
    %get3A_3678 = tpu.vector_load %arg13[%get3A_3676, %get3A_3677] {strides = array<i32>} : memref<6x512xf32, #tpu.memory_space<vmem>>, vector<1x16xf32>,
    %get3A_3679 = vector.shape_cast %get3A_3678 : vector<1x16xf32> to vector<16xf32>
    %get3A_3680 = arith.constant 4 : i32
    %get3A_3681 = arith.index_cast %get3A_3680 : i32 to index
    %get3A_3682 = arith.constant 416 : index
    %get3A_3683 = tpu.vector_load %arg13[%get3A_3681, %get3A_3682] {strides = array<i32>} : memref<6x512xf32, #tpu.memory_space<vmem>>, vector<1x16xf32>,
    %get3A_3684 = vector.shape_cast %get3A_3683 : vector<1x16xf32> to vector<16xf32>
    %get3A_3685 = arith.constant 5 : i32
    %get3A_3686 = arith.index_cast %get3A_3685 : i32 to index
    %get3A_3687 = arith.constant 416 : index
    %get3A_3688 = tpu.vector_load %arg13[%get3A_3686, %get3A_3687] {strides = array<i32>} : memref<6x512xf32, #tpu.memory_space<vmem>>, vector<1x16xf32>,
    %get3A_3689 = vector.shape_cast %get3A_3688 : vector<1x16xf32> to vector<16xf32>
    %mul3A_3690 = arith.mulf %get3A_3664, %get3A_3674 : vector<16xf32>
    %mul3A_3691 = arith.mulf %get3A_3669, %get3A_3679 : vector<16xf32>
    %mul3A_3692 = arith.mulf %get3A_352, %get3A_3684 : vector<16xf32>
    %mul3A_3693 = arith.mulf %get3A_357, %get3A_3689 : vector<16xf32>
    %add3A_3694 = arith.addf %mul3A_3692, %mul3A_3693 : vector<16xf32>
    %add3A_3695 = arith.addf %add3A_3694, %get3A_432 : vector<16xf32>
    %max3A_3696 = arith.constant 0.000000e+00 : f32
    %max3A_3697 = vector.broadcast %max3A_3696 : f32 to vector<16xf32>
    %max3A_3698 = arith.maximumf %add3A_3695, %max3A_3697 : vector<16xf32>
    %mul3A_3699 = arith.mulf %get3A_362, %get3A_3684 : vector<16xf32>
    %mul3A_3700 = arith.mulf %get3A_367, %get3A_3689 : vector<16xf32>
    %add3A_3701 = arith.addf %mul3A_3699, %mul3A_3700 : vector<16xf32>
    %add3A_3702 = arith.addf %add3A_3701, %get3A_437 : vector<16xf32>
    %max3A_3703 = arith.constant 0.000000e+00 : f32
    %max3A_3704 = vector.broadcast %max3A_3703 : f32 to vector<16xf32>
    %max3A_3705 = arith.maximumf %add3A_3702, %max3A_3704 : vector<16xf32>
    %mul3A_3706 = arith.mulf %get3A_372, %max3A_3698 : vector<16xf32>
    %mul3A_3707 = arith.mulf %get3A_377, %max3A_3705 : vector<16xf32>
    %add3A_3708 = arith.addf %mul3A_3706, %mul3A_3707 : vector<16xf32>
    %add3A_3709 = arith.addf %add3A_3708, %get3A_442 : vector<16xf32>
    %max3A_3710 = arith.constant 0.000000e+00 : f32
    %max3A_3711 = vector.broadcast %max3A_3710 : f32 to vector<16xf32>
    %max3A_3712 = arith.maximumf %add3A_3709, %max3A_3711 : vector<16xf32>
    %mul3A_3713 = arith.mulf %get3A_382, %max3A_3698 : vector<16xf32>
    %mul3A_3714 = arith.mulf %get3A_387, %max3A_3705 : vector<16xf32>
    %add3A_3715 = arith.addf %mul3A_3713, %mul3A_3714 : vector<16xf32>
    %add3A_3716 = arith.addf %add3A_3715, %get3A_447 : vector<16xf32>
    %max3A_3717 = arith.constant 0.000000e+00 : f32
    %max3A_3718 = vector.broadcast %max3A_3717 : f32 to vector<16xf32>
    %max3A_3719 = arith.maximumf %add3A_3716, %max3A_3718 : vector<16xf32>
    %mul3A_3720 = arith.mulf %get3A_392, %max3A_3712 : vector<16xf32>
    %mul3A_3721 = arith.mulf %get3A_397, %max3A_3719 : vector<16xf32>
    %add3A_3722 = arith.addf %mul3A_3720, %mul3A_3721 : vector<16xf32>
    %add3A_3723 = arith.addf %add3A_3722, %get3A_452 : vector<16xf32>
    %max3A_3724 = arith.constant 0.000000e+00 : f32
    %max3A_3725 = vector.broadcast %max3A_3724 : f32 to vector<16xf32>
    %max3A_3726 = arith.maximumf %add3A_3723, %max3A_3725 : vector<16xf32>
    %mul3A_3727 = arith.mulf %get3A_402, %max3A_3712 : vector<16xf32>
    %mul3A_3728 = arith.mulf %get3A_407, %max3A_3719 : vector<16xf32>
    %add3A_3729 = arith.addf %mul3A_3727, %mul3A_3728 : vector<16xf32>
    %add3A_3730 = arith.addf %add3A_3729, %get3A_457 : vector<16xf32>
    %max3A_3731 = arith.constant 0.000000e+00 : f32
    %max3A_3732 = vector.broadcast %max3A_3731 : f32 to vector<16xf32>
    %max3A_3733 = arith.maximumf %add3A_3730, %max3A_3732 : vector<16xf32>
    %mul3A_3734 = arith.mulf %get3A_412, %max3A_3726 : vector<16xf32>
    %mul3A_3735 = arith.mulf %get3A_417, %max3A_3733 : vector<16xf32>
    %add3A_3736 = arith.addf %mul3A_3734, %mul3A_3735 : vector<16xf32>
    %add3A_3737 = arith.addf %add3A_3736, %get3A_462 : vector<16xf32>
    %max3A_3738 = arith.constant 0.000000e+00 : f32
    %max3A_3739 = vector.broadcast %max3A_3738 : f32 to vector<16xf32>
    %max3A_3740 = arith.maximumf %add3A_3737, %max3A_3739 : vector<16xf32>
    %mul3A_3741 = arith.mulf %get3A_422, %max3A_3726 : vector<16xf32>
    %mul3A_3742 = arith.mulf %get3A_427, %max3A_3733 : vector<16xf32>
    %add3A_3743 = arith.addf %mul3A_3741, %mul3A_3742 : vector<16xf32>
    %add3A_3744 = arith.addf %add3A_3743, %get3A_467 : vector<16xf32>
    %max3A_3745 = arith.constant 0.000000e+00 : f32
    %max3A_3746 = vector.broadcast %max3A_3745 : f32 to vector<16xf32>
    %max3A_3747 = arith.maximumf %add3A_3744, %max3A_3746 : vector<16xf32>
    %mul3A_3748 = arith.mulf %get3A_472, %mul3A_3690 : vector<16xf32>
    %mul3A_3749 = arith.mulf %get3A_477, %mul3A_3691 : vector<16xf32>
    %add3A_3750 = arith.addf %mul3A_3748, %mul3A_3749 : vector<16xf32>
    %mul3A_3751 = arith.mulf %get3A_482, %max3A_3740 : vector<16xf32>
    %add3A_3752 = arith.addf %add3A_3750, %mul3A_3751 : vector<16xf32>
    %mul3A_3753 = arith.mulf %get3A_487, %max3A_3747 : vector<16xf32>
    %add3A_3754 = arith.addf %add3A_3752, %mul3A_3753 : vector<16xf32>
    %add3A_3755 = arith.addf %add3A_3754, %get3A_492 : vector<16xf32>
    %neg3A_3756 = arith.constant 0.000000e+00 : f32
    %neg3A_3757 = vector.broadcast %neg3A_3756 : f32 to vector<16xf32>
    %neg3A_3758 = arith.subf %neg3A_3757, %add3A_3755 : vector<16xf32>
    %exp3A_3759 = math.exp %neg3A_3758 : vector<16xf32>
    %add3A_3760 = arith.constant 1.000000e+00 : f32
    %add3A_3761 = vector.broadcast %add3A_3760 : f32 to vector<16xf32>
    %add3A_3762 = arith.addf %add3A_3761, %exp3A_3759 : vector<16xf32>
    %div3A_3763 = arith.constant 1.000000e+00 : f32
    %div3A_3764 = vector.broadcast %div3A_3763 : f32 to vector<16xf32>
    %div3A_3765 = arith.divf %div3A_3764, %add3A_3762 : vector<16xf32>
    %swap3A_3766 = arith.constant 416 : index
    %swap3A_3767 = tpu.vector_load %arg15[%swap3A_3766] {strides = array<i32>} : memref<512xf32, #tpu.memory_space<vmem>>, vector<16xf32>,
    %swap3A_3768 = vector.shape_cast %swap3A_3767 : vector<16xf32> to vector<16xf32>
    %swap3A_3769 = vector.shape_cast %div3A_3765 : vector<16xf32> to vector<16xf32>
    tpu.vector_store %arg15[%swap3A_3766], %swap3A_3769 {strides = array<i32>} : memref<512xf32, #tpu.memory_space<vmem>>, vector<16xf32>,
    %get3A_3770 = arith.constant 0 : i32
    %get3A_3771 = arith.index_cast %get3A_3770 : i32 to index
    %get3A_3772 = arith.constant 432 : index
    %get3A_3773 = tpu.vector_load %arg13[%get3A_3771, %get3A_3772] {strides = array<i32>} : memref<6x512xf32, #tpu.memory_space<vmem>>, vector<1x16xf32>,
    %get3A_3774 = vector.shape_cast %get3A_3773 : vector<1x16xf32> to vector<16xf32>
    %get3A_3775 = arith.constant 1 : i32
    %get3A_3776 = arith.index_cast %get3A_3775 : i32 to index
    %get3A_3777 = arith.constant 432 : index
    %get3A_3778 = tpu.vector_load %arg13[%get3A_3776, %get3A_3777] {strides = array<i32>} : memref<6x512xf32, #tpu.memory_space<vmem>>, vector<1x16xf32>,
    %get3A_3779 = vector.shape_cast %get3A_3778 : vector<1x16xf32> to vector<16xf32>
    %get3A_3780 = arith.constant 2 : i32
    %get3A_3781 = arith.index_cast %get3A_3780 : i32 to index
    %get3A_3782 = arith.constant 432 : index
    %get3A_3783 = tpu.vector_load %arg13[%get3A_3781, %get3A_3782] {strides = array<i32>} : memref<6x512xf32, #tpu.memory_space<vmem>>, vector<1x16xf32>,
    %get3A_3784 = vector.shape_cast %get3A_3783 : vector<1x16xf32> to vector<16xf32>
    %get3A_3785 = arith.constant 3 : i32
    %get3A_3786 = arith.index_cast %get3A_3785 : i32 to index
    %get3A_3787 = arith.constant 432 : index
    %get3A_3788 = tpu.vector_load %arg13[%get3A_3786, %get3A_3787] {strides = array<i32>} : memref<6x512xf32, #tpu.memory_space<vmem>>, vector<1x16xf32>,
    %get3A_3789 = vector.shape_cast %get3A_3788 : vector<1x16xf32> to vector<16xf32>
    %get3A_3790 = arith.constant 4 : i32
    %get3A_3791 = arith.index_cast %get3A_3790 : i32 to index
    %get3A_3792 = arith.constant 432 : index
    %get3A_3793 = tpu.vector_load %arg13[%get3A_3791, %get3A_3792] {strides = array<i32>} : memref<6x512xf32, #tpu.memory_space<vmem>>, vector<1x16xf32>,
    %get3A_3794 = vector.shape_cast %get3A_3793 : vector<1x16xf32> to vector<16xf32>
    %get3A_3795 = arith.constant 5 : i32
    %get3A_3796 = arith.index_cast %get3A_3795 : i32 to index
    %get3A_3797 = arith.constant 432 : index
    %get3A_3798 = tpu.vector_load %arg13[%get3A_3796, %get3A_3797] {strides = array<i32>} : memref<6x512xf32, #tpu.memory_space<vmem>>, vector<1x16xf32>,
    %get3A_3799 = vector.shape_cast %get3A_3798 : vector<1x16xf32> to vector<16xf32>
    %mul3A_3800 = arith.mulf %get3A_3774, %get3A_3784 : vector<16xf32>
    %mul3A_3801 = arith.mulf %get3A_3779, %get3A_3789 : vector<16xf32>
    %mul3A_3802 = arith.mulf %get3A_352, %get3A_3794 : vector<16xf32>
    %mul3A_3803 = arith.mulf %get3A_357, %get3A_3799 : vector<16xf32>
    %add3A_3804 = arith.addf %mul3A_3802, %mul3A_3803 : vector<16xf32>
    %add3A_3805 = arith.addf %add3A_3804, %get3A_432 : vector<16xf32>
    %max3A_3806 = arith.constant 0.000000e+00 : f32
    %max3A_3807 = vector.broadcast %max3A_3806 : f32 to vector<16xf32>
    %max3A_3808 = arith.maximumf %add3A_3805, %max3A_3807 : vector<16xf32>
    %mul3A_3809 = arith.mulf %get3A_362, %get3A_3794 : vector<16xf32>
    %mul3A_3810 = arith.mulf %get3A_367, %get3A_3799 : vector<16xf32>
    %add3A_3811 = arith.addf %mul3A_3809, %mul3A_3810 : vector<16xf32>
    %add3A_3812 = arith.addf %add3A_3811, %get3A_437 : vector<16xf32>
    %max3A_3813 = arith.constant 0.000000e+00 : f32
    %max3A_3814 = vector.broadcast %max3A_3813 : f32 to vector<16xf32>
    %max3A_3815 = arith.maximumf %add3A_3812, %max3A_3814 : vector<16xf32>
    %mul3A_3816 = arith.mulf %get3A_372, %max3A_3808 : vector<16xf32>
    %mul3A_3817 = arith.mulf %get3A_377, %max3A_3815 : vector<16xf32>
    %add3A_3818 = arith.addf %mul3A_3816, %mul3A_3817 : vector<16xf32>
    %add3A_3819 = arith.addf %add3A_3818, %get3A_442 : vector<16xf32>
    %max3A_3820 = arith.constant 0.000000e+00 : f32
    %max3A_3821 = vector.broadcast %max3A_3820 : f32 to vector<16xf32>
    %max3A_3822 = arith.maximumf %add3A_3819, %max3A_3821 : vector<16xf32>
    %mul3A_3823 = arith.mulf %get3A_382, %max3A_3808 : vector<16xf32>
    %mul3A_3824 = arith.mulf %get3A_387, %max3A_3815 : vector<16xf32>
    %add3A_3825 = arith.addf %mul3A_3823, %mul3A_3824 : vector<16xf32>
    %add3A_3826 = arith.addf %add3A_3825, %get3A_447 : vector<16xf32>
    %max3A_3827 = arith.constant 0.000000e+00 : f32
    %max3A_3828 = vector.broadcast %max3A_3827 : f32 to vector<16xf32>
    %max3A_3829 = arith.maximumf %add3A_3826, %max3A_3828 : vector<16xf32>
    %mul3A_3830 = arith.mulf %get3A_392, %max3A_3822 : vector<16xf32>
    %mul3A_3831 = arith.mulf %get3A_397, %max3A_3829 : vector<16xf32>
    %add3A_3832 = arith.addf %mul3A_3830, %mul3A_3831 : vector<16xf32>
    %add3A_3833 = arith.addf %add3A_3832, %get3A_452 : vector<16xf32>
    %max3A_3834 = arith.constant 0.000000e+00 : f32
    %max3A_3835 = vector.broadcast %max3A_3834 : f32 to vector<16xf32>
    %max3A_3836 = arith.maximumf %add3A_3833, %max3A_3835 : vector<16xf32>
    %mul3A_3837 = arith.mulf %get3A_402, %max3A_3822 : vector<16xf32>
    %mul3A_3838 = arith.mulf %get3A_407, %max3A_3829 : vector<16xf32>
    %add3A_3839 = arith.addf %mul3A_3837, %mul3A_3838 : vector<16xf32>
    %add3A_3840 = arith.addf %add3A_3839, %get3A_457 : vector<16xf32>
    %max3A_3841 = arith.constant 0.000000e+00 : f32
    %max3A_3842 = vector.broadcast %max3A_3841 : f32 to vector<16xf32>
    %max3A_3843 = arith.maximumf %add3A_3840, %max3A_3842 : vector<16xf32>
    %mul3A_3844 = arith.mulf %get3A_412, %max3A_3836 : vector<16xf32>
    %mul3A_3845 = arith.mulf %get3A_417, %max3A_3843 : vector<16xf32>
    %add3A_3846 = arith.addf %mul3A_3844, %mul3A_3845 : vector<16xf32>
    %add3A_3847 = arith.addf %add3A_3846, %get3A_462 : vector<16xf32>
    %max3A_3848 = arith.constant 0.000000e+00 : f32
    %max3A_3849 = vector.broadcast %max3A_3848 : f32 to vector<16xf32>
    %max3A_3850 = arith.maximumf %add3A_3847, %max3A_3849 : vector<16xf32>
    %mul3A_3851 = arith.mulf %get3A_422, %max3A_3836 : vector<16xf32>
    %mul3A_3852 = arith.mulf %get3A_427, %max3A_3843 : vector<16xf32>
    %add3A_3853 = arith.addf %mul3A_3851, %mul3A_3852 : vector<16xf32>
    %add3A_3854 = arith.addf %add3A_3853, %get3A_467 : vector<16xf32>
    %max3A_3855 = arith.constant 0.000000e+00 : f32
    %max3A_3856 = vector.broadcast %max3A_3855 : f32 to vector<16xf32>
    %max3A_3857 = arith.maximumf %add3A_3854, %max3A_3856 : vector<16xf32>
    %mul3A_3858 = arith.mulf %get3A_472, %mul3A_3800 : vector<16xf32>
    %mul3A_3859 = arith.mulf %get3A_477, %mul3A_3801 : vector<16xf32>
    %add3A_3860 = arith.addf %mul3A_3858, %mul3A_3859 : vector<16xf32>
    %mul3A_3861 = arith.mulf %get3A_482, %max3A_3850 : vector<16xf32>
    %add3A_3862 = arith.addf %add3A_3860, %mul3A_3861 : vector<16xf32>
    %mul3A_3863 = arith.mulf %get3A_487, %max3A_3857 : vector<16xf32>
    %add3A_3864 = arith.addf %add3A_3862, %mul3A_3863 : vector<16xf32>
    %add3A_3865 = arith.addf %add3A_3864, %get3A_492 : vector<16xf32>
    %neg3A_3866 = arith.constant 0.000000e+00 : f32
    %neg3A_3867 = vector.broadcast %neg3A_3866 : f32 to vector<16xf32>
    %neg3A_3868 = arith.subf %neg3A_3867, %add3A_3865 : vector<16xf32>
    %exp3A_3869 = math.exp %neg3A_3868 : vector<16xf32>
    %add3A_3870 = arith.constant 1.000000e+00 : f32
    %add3A_3871 = vector.broadcast %add3A_3870 : f32 to vector<16xf32>
    %add3A_3872 = arith.addf %add3A_3871, %exp3A_3869 : vector<16xf32>
    %div3A_3873 = arith.constant 1.000000e+00 : f32
    %div3A_3874 = vector.broadcast %div3A_3873 : f32 to vector<16xf32>
    %div3A_3875 = arith.divf %div3A_3874, %add3A_3872 : vector<16xf32>
    %swap3A_3876 = arith.constant 432 : index
    %swap3A_3877 = tpu.vector_load %arg15[%swap3A_3876] {strides = array<i32>} : memref<512xf32, #tpu.memory_space<vmem>>, vector<16xf32>,
    %swap3A_3878 = vector.shape_cast %swap3A_3877 : vector<16xf32> to vector<16xf32>
    %swap3A_3879 = vector.shape_cast %div3A_3875 : vector<16xf32> to vector<16xf32>
    tpu.vector_store %arg15[%swap3A_3876], %swap3A_3879 {strides = array<i32>} : memref<512xf32, #tpu.memory_space<vmem>>, vector<16xf32>,
    %get3A_3880 = arith.constant 0 : i32
    %get3A_3881 = arith.index_cast %get3A_3880 : i32 to index
    %get3A_3882 = arith.constant 448 : index
    %get3A_3883 = tpu.vector_load %arg13[%get3A_3881, %get3A_3882] {strides = array<i32>} : memref<6x512xf32, #tpu.memory_space<vmem>>, vector<1x16xf32>,
    %get3A_3884 = vector.shape_cast %get3A_3883 : vector<1x16xf32> to vector<16xf32>
    %get3A_3885 = arith.constant 1 : i32
    %get3A_3886 = arith.index_cast %get3A_3885 : i32 to index
    %get3A_3887 = arith.constant 448 : index
    %get3A_3888 = tpu.vector_load %arg13[%get3A_3886, %get3A_3887] {strides = array<i32>} : memref<6x512xf32, #tpu.memory_space<vmem>>, vector<1x16xf32>,
    %get3A_3889 = vector.shape_cast %get3A_3888 : vector<1x16xf32> to vector<16xf32>
    %get3A_3890 = arith.constant 2 : i32
    %get3A_3891 = arith.index_cast %get3A_3890 : i32 to index
    %get3A_3892 = arith.constant 448 : index
    %get3A_3893 = tpu.vector_load %arg13[%get3A_3891, %get3A_3892] {strides = array<i32>} : memref<6x512xf32, #tpu.memory_space<vmem>>, vector<1x16xf32>,
    %get3A_3894 = vector.shape_cast %get3A_3893 : vector<1x16xf32> to vector<16xf32>
    %get3A_3895 = arith.constant 3 : i32
    %get3A_3896 = arith.index_cast %get3A_3895 : i32 to index
    %get3A_3897 = arith.constant 448 : index
    %get3A_3898 = tpu.vector_load %arg13[%get3A_3896, %get3A_3897] {strides = array<i32>} : memref<6x512xf32, #tpu.memory_space<vmem>>, vector<1x16xf32>,
    %get3A_3899 = vector.shape_cast %get3A_3898 : vector<1x16xf32> to vector<16xf32>
    %get3A_3900 = arith.constant 4 : i32
    %get3A_3901 = arith.index_cast %get3A_3900 : i32 to index
    %get3A_3902 = arith.constant 448 : index
    %get3A_3903 = tpu.vector_load %arg13[%get3A_3901, %get3A_3902] {strides = array<i32>} : memref<6x512xf32, #tpu.memory_space<vmem>>, vector<1x16xf32>,
    %get3A_3904 = vector.shape_cast %get3A_3903 : vector<1x16xf32> to vector<16xf32>
    %get3A_3905 = arith.constant 5 : i32
    %get3A_3906 = arith.index_cast %get3A_3905 : i32 to index
    %get3A_3907 = arith.constant 448 : index
    %get3A_3908 = tpu.vector_load %arg13[%get3A_3906, %get3A_3907] {strides = array<i32>} : memref<6x512xf32, #tpu.memory_space<vmem>>, vector<1x16xf32>,
    %get3A_3909 = vector.shape_cast %get3A_3908 : vector<1x16xf32> to vector<16xf32>
    %mul3A_3910 = arith.mulf %get3A_3884, %get3A_3894 : vector<16xf32>
    %mul3A_3911 = arith.mulf %get3A_3889, %get3A_3899 : vector<16xf32>
    %mul3A_3912 = arith.mulf %get3A_352, %get3A_3904 : vector<16xf32>
    %mul3A_3913 = arith.mulf %get3A_357, %get3A_3909 : vector<16xf32>
    %add3A_3914 = arith.addf %mul3A_3912, %mul3A_3913 : vector<16xf32>
    %add3A_3915 = arith.addf %add3A_3914, %get3A_432 : vector<16xf32>
    %max3A_3916 = arith.constant 0.000000e+00 : f32
    %max3A_3917 = vector.broadcast %max3A_3916 : f32 to vector<16xf32>
    %max3A_3918 = arith.maximumf %add3A_3915, %max3A_3917 : vector<16xf32>
    %mul3A_3919 = arith.mulf %get3A_362, %get3A_3904 : vector<16xf32>
    %mul3A_3920 = arith.mulf %get3A_367, %get3A_3909 : vector<16xf32>
    %add3A_3921 = arith.addf %mul3A_3919, %mul3A_3920 : vector<16xf32>
    %add3A_3922 = arith.addf %add3A_3921, %get3A_437 : vector<16xf32>
    %max3A_3923 = arith.constant 0.000000e+00 : f32
    %max3A_3924 = vector.broadcast %max3A_3923 : f32 to vector<16xf32>
    %max3A_3925 = arith.maximumf %add3A_3922, %max3A_3924 : vector<16xf32>
    %mul3A_3926 = arith.mulf %get3A_372, %max3A_3918 : vector<16xf32>
    %mul3A_3927 = arith.mulf %get3A_377, %max3A_3925 : vector<16xf32>
    %add3A_3928 = arith.addf %mul3A_3926, %mul3A_3927 : vector<16xf32>
    %add3A_3929 = arith.addf %add3A_3928, %get3A_442 : vector<16xf32>
    %max3A_3930 = arith.constant 0.000000e+00 : f32
    %max3A_3931 = vector.broadcast %max3A_3930 : f32 to vector<16xf32>
    %max3A_3932 = arith.maximumf %add3A_3929, %max3A_3931 : vector<16xf32>
    %mul3A_3933 = arith.mulf %get3A_382, %max3A_3918 : vector<16xf32>
    %mul3A_3934 = arith.mulf %get3A_387, %max3A_3925 : vector<16xf32>
    %add3A_3935 = arith.addf %mul3A_3933, %mul3A_3934 : vector<16xf32>
    %add3A_3936 = arith.addf %add3A_3935, %get3A_447 : vector<16xf32>
    %max3A_3937 = arith.constant 0.000000e+00 : f32
    %max3A_3938 = vector.broadcast %max3A_3937 : f32 to vector<16xf32>
    %max3A_3939 = arith.maximumf %add3A_3936, %max3A_3938 : vector<16xf32>
    %mul3A_3940 = arith.mulf %get3A_392, %max3A_3932 : vector<16xf32>
    %mul3A_3941 = arith.mulf %get3A_397, %max3A_3939 : vector<16xf32>
    %add3A_3942 = arith.addf %mul3A_3940, %mul3A_3941 : vector<16xf32>
    %add3A_3943 = arith.addf %add3A_3942, %get3A_452 : vector<16xf32>
    %max3A_3944 = arith.constant 0.000000e+00 : f32
    %max3A_3945 = vector.broadcast %max3A_3944 : f32 to vector<16xf32>
    %max3A_3946 = arith.maximumf %add3A_3943, %max3A_3945 : vector<16xf32>
    %mul3A_3947 = arith.mulf %get3A_402, %max3A_3932 : vector<16xf32>
    %mul3A_3948 = arith.mulf %get3A_407, %max3A_3939 : vector<16xf32>
    %add3A_3949 = arith.addf %mul3A_3947, %mul3A_3948 : vector<16xf32>
    %add3A_3950 = arith.addf %add3A_3949, %get3A_457 : vector<16xf32>
    %max3A_3951 = arith.constant 0.000000e+00 : f32
    %max3A_3952 = vector.broadcast %max3A_3951 : f32 to vector<16xf32>
    %max3A_3953 = arith.maximumf %add3A_3950, %max3A_3952 : vector<16xf32>
    %mul3A_3954 = arith.mulf %get3A_412, %max3A_3946 : vector<16xf32>
    %mul3A_3955 = arith.mulf %get3A_417, %max3A_3953 : vector<16xf32>
    %add3A_3956 = arith.addf %mul3A_3954, %mul3A_3955 : vector<16xf32>
    %add3A_3957 = arith.addf %add3A_3956, %get3A_462 : vector<16xf32>
    %max3A_3958 = arith.constant 0.000000e+00 : f32
    %max3A_3959 = vector.broadcast %max3A_3958 : f32 to vector<16xf32>
    %max3A_3960 = arith.maximumf %add3A_3957, %max3A_3959 : vector<16xf32>
    %mul3A_3961 = arith.mulf %get3A_422, %max3A_3946 : vector<16xf32>
    %mul3A_3962 = arith.mulf %get3A_427, %max3A_3953 : vector<16xf32>
    %add3A_3963 = arith.addf %mul3A_3961, %mul3A_3962 : vector<16xf32>
    %add3A_3964 = arith.addf %add3A_3963, %get3A_467 : vector<16xf32>
    %max3A_3965 = arith.constant 0.000000e+00 : f32
    %max3A_3966 = vector.broadcast %max3A_3965 : f32 to vector<16xf32>
    %max3A_3967 = arith.maximumf %add3A_3964, %max3A_3966 : vector<16xf32>
    %mul3A_3968 = arith.mulf %get3A_472, %mul3A_3910 : vector<16xf32>
    %mul3A_3969 = arith.mulf %get3A_477, %mul3A_3911 : vector<16xf32>
    %add3A_3970 = arith.addf %mul3A_3968, %mul3A_3969 : vector<16xf32>
    %mul3A_3971 = arith.mulf %get3A_482, %max3A_3960 : vector<16xf32>
    %add3A_3972 = arith.addf %add3A_3970, %mul3A_3971 : vector<16xf32>
    %mul3A_3973 = arith.mulf %get3A_487, %max3A_3967 : vector<16xf32>
    %add3A_3974 = arith.addf %add3A_3972, %mul3A_3973 : vector<16xf32>
    %add3A_3975 = arith.addf %add3A_3974, %get3A_492 : vector<16xf32>
    %neg3A_3976 = arith.constant 0.000000e+00 : f32
    %neg3A_3977 = vector.broadcast %neg3A_3976 : f32 to vector<16xf32>
    %neg3A_3978 = arith.subf %neg3A_3977, %add3A_3975 : vector<16xf32>
    %exp3A_3979 = math.exp %neg3A_3978 : vector<16xf32>
    %add3A_3980 = arith.constant 1.000000e+00 : f32
    %add3A_3981 = vector.broadcast %add3A_3980 : f32 to vector<16xf32>
    %add3A_3982 = arith.addf %add3A_3981, %exp3A_3979 : vector<16xf32>
    %div3A_3983 = arith.constant 1.000000e+00 : f32
    %div3A_3984 = vector.broadcast %div3A_3983 : f32 to vector<16xf32>
    %div3A_3985 = arith.divf %div3A_3984, %add3A_3982 : vector<16xf32>
    %swap3A_3986 = arith.constant 448 : index
    %swap3A_3987 = tpu.vector_load %arg15[%swap3A_3986] {strides = array<i32>} : memref<512xf32, #tpu.memory_space<vmem>>, vector<16xf32>,
    %swap3A_3988 = vector.shape_cast %swap3A_3987 : vector<16xf32> to vector<16xf32>
    %swap3A_3989 = vector.shape_cast %div3A_3985 : vector<16xf32> to vector<16xf32>
    tpu.vector_store %arg15[%swap3A_3986], %swap3A_3989 {strides = array<i32>} : memref<512xf32, #tpu.memory_space<vmem>>, vector<16xf32>,
    %get3A_3990 = arith.constant 0 : i32
    %get3A_3991 = arith.index_cast %get3A_3990 : i32 to index
    %get3A_3992 = arith.constant 464 : index
    %get3A_3993 = tpu.vector_load %arg13[%get3A_3991, %get3A_3992] {strides = array<i32>} : memref<6x512xf32, #tpu.memory_space<vmem>>, vector<1x16xf32>,
    %get3A_3994 = vector.shape_cast %get3A_3993 : vector<1x16xf32> to vector<16xf32>
    %get3A_3995 = arith.constant 1 : i32
    %get3A_3996 = arith.index_cast %get3A_3995 : i32 to index
    %get3A_3997 = arith.constant 464 : index
    %get3A_3998 = tpu.vector_load %arg13[%get3A_3996, %get3A_3997] {strides = array<i32>} : memref<6x512xf32, #tpu.memory_space<vmem>>, vector<1x16xf32>,
    %get3A_3999 = vector.shape_cast %get3A_3998 : vector<1x16xf32> to vector<16xf32>
    %get3A_4000 = arith.constant 2 : i32
    %get3A_4001 = arith.index_cast %get3A_4000 : i32 to index
    %get3A_4002 = arith.constant 464 : index
    %get3A_4003 = tpu.vector_load %arg13[%get3A_4001, %get3A_4002] {strides = array<i32>} : memref<6x512xf32, #tpu.memory_space<vmem>>, vector<1x16xf32>,
    %get3A_4004 = vector.shape_cast %get3A_4003 : vector<1x16xf32> to vector<16xf32>
    %get3A_4005 = arith.constant 3 : i32
    %get3A_4006 = arith.index_cast %get3A_4005 : i32 to index
    %get3A_4007 = arith.constant 464 : index
    %get3A_4008 = tpu.vector_load %arg13[%get3A_4006, %get3A_4007] {strides = array<i32>} : memref<6x512xf32, #tpu.memory_space<vmem>>, vector<1x16xf32>,
    %get3A_4009 = vector.shape_cast %get3A_4008 : vector<1x16xf32> to vector<16xf32>
    %get3A_4010 = arith.constant 4 : i32
    %get3A_4011 = arith.index_cast %get3A_4010 : i32 to index
    %get3A_4012 = arith.constant 464 : index
    %get3A_4013 = tpu.vector_load %arg13[%get3A_4011, %get3A_4012] {strides = array<i32>} : memref<6x512xf32, #tpu.memory_space<vmem>>, vector<1x16xf32>,
    %get3A_4014 = vector.shape_cast %get3A_4013 : vector<1x16xf32> to vector<16xf32>
    %get3A_4015 = arith.constant 5 : i32
    %get3A_4016 = arith.index_cast %get3A_4015 : i32 to index
    %get3A_4017 = arith.constant 464 : index
    %get3A_4018 = tpu.vector_load %arg13[%get3A_4016, %get3A_4017] {strides = array<i32>} : memref<6x512xf32, #tpu.memory_space<vmem>>, vector<1x16xf32>,
    %get3A_4019 = vector.shape_cast %get3A_4018 : vector<1x16xf32> to vector<16xf32>
    %mul3A_4020 = arith.mulf %get3A_3994, %get3A_4004 : vector<16xf32>
    %mul3A_4021 = arith.mulf %get3A_3999, %get3A_4009 : vector<16xf32>
    %mul3A_4022 = arith.mulf %get3A_352, %get3A_4014 : vector<16xf32>
    %mul3A_4023 = arith.mulf %get3A_357, %get3A_4019 : vector<16xf32>
    %add3A_4024 = arith.addf %mul3A_4022, %mul3A_4023 : vector<16xf32>
    %add3A_4025 = arith.addf %add3A_4024, %get3A_432 : vector<16xf32>
    %max3A_4026 = arith.constant 0.000000e+00 : f32
    %max3A_4027 = vector.broadcast %max3A_4026 : f32 to vector<16xf32>
    %max3A_4028 = arith.maximumf %add3A_4025, %max3A_4027 : vector<16xf32>
    %mul3A_4029 = arith.mulf %get3A_362, %get3A_4014 : vector<16xf32>
    %mul3A_4030 = arith.mulf %get3A_367, %get3A_4019 : vector<16xf32>
    %add3A_4031 = arith.addf %mul3A_4029, %mul3A_4030 : vector<16xf32>
    %add3A_4032 = arith.addf %add3A_4031, %get3A_437 : vector<16xf32>
    %max3A_4033 = arith.constant 0.000000e+00 : f32
    %max3A_4034 = vector.broadcast %max3A_4033 : f32 to vector<16xf32>
    %max3A_4035 = arith.maximumf %add3A_4032, %max3A_4034 : vector<16xf32>
    %mul3A_4036 = arith.mulf %get3A_372, %max3A_4028 : vector<16xf32>
    %mul3A_4037 = arith.mulf %get3A_377, %max3A_4035 : vector<16xf32>
    %add3A_4038 = arith.addf %mul3A_4036, %mul3A_4037 : vector<16xf32>
    %add3A_4039 = arith.addf %add3A_4038, %get3A_442 : vector<16xf32>
    %max3A_4040 = arith.constant 0.000000e+00 : f32
    %max3A_4041 = vector.broadcast %max3A_4040 : f32 to vector<16xf32>
    %max3A_4042 = arith.maximumf %add3A_4039, %max3A_4041 : vector<16xf32>
    %mul3A_4043 = arith.mulf %get3A_382, %max3A_4028 : vector<16xf32>
    %mul3A_4044 = arith.mulf %get3A_387, %max3A_4035 : vector<16xf32>
    %add3A_4045 = arith.addf %mul3A_4043, %mul3A_4044 : vector<16xf32>
    %add3A_4046 = arith.addf %add3A_4045, %get3A_447 : vector<16xf32>
    %max3A_4047 = arith.constant 0.000000e+00 : f32
    %max3A_4048 = vector.broadcast %max3A_4047 : f32 to vector<16xf32>
    %max3A_4049 = arith.maximumf %add3A_4046, %max3A_4048 : vector<16xf32>
    %mul3A_4050 = arith.mulf %get3A_392, %max3A_4042 : vector<16xf32>
    %mul3A_4051 = arith.mulf %get3A_397, %max3A_4049 : vector<16xf32>
    %add3A_4052 = arith.addf %mul3A_4050, %mul3A_4051 : vector<16xf32>
    %add3A_4053 = arith.addf %add3A_4052, %get3A_452 : vector<16xf32>
    %max3A_4054 = arith.constant 0.000000e+00 : f32
    %max3A_4055 = vector.broadcast %max3A_4054 : f32 to vector<16xf32>
    %max3A_4056 = arith.maximumf %add3A_4053, %max3A_4055 : vector<16xf32>
    %mul3A_4057 = arith.mulf %get3A_402, %max3A_4042 : vector<16xf32>
    %mul3A_4058 = arith.mulf %get3A_407, %max3A_4049 : vector<16xf32>
    %add3A_4059 = arith.addf %mul3A_4057, %mul3A_4058 : vector<16xf32>
    %add3A_4060 = arith.addf %add3A_4059, %get3A_457 : vector<16xf32>
    %max3A_4061 = arith.constant 0.000000e+00 : f32
    %max3A_4062 = vector.broadcast %max3A_4061 : f32 to vector<16xf32>
    %max3A_4063 = arith.maximumf %add3A_4060, %max3A_4062 : vector<16xf32>
    %mul3A_4064 = arith.mulf %get3A_412, %max3A_4056 : vector<16xf32>
    %mul3A_4065 = arith.mulf %get3A_417, %max3A_4063 : vector<16xf32>
    %add3A_4066 = arith.addf %mul3A_4064, %mul3A_4065 : vector<16xf32>
    %add3A_4067 = arith.addf %add3A_4066, %get3A_462 : vector<16xf32>
    %max3A_4068 = arith.constant 0.000000e+00 : f32
    %max3A_4069 = vector.broadcast %max3A_4068 : f32 to vector<16xf32>
    %max3A_4070 = arith.maximumf %add3A_4067, %max3A_4069 : vector<16xf32>
    %mul3A_4071 = arith.mulf %get3A_422, %max3A_4056 : vector<16xf32>
    %mul3A_4072 = arith.mulf %get3A_427, %max3A_4063 : vector<16xf32>
    %add3A_4073 = arith.addf %mul3A_4071, %mul3A_4072 : vector<16xf32>
    %add3A_4074 = arith.addf %add3A_4073, %get3A_467 : vector<16xf32>
    %max3A_4075 = arith.constant 0.000000e+00 : f32
    %max3A_4076 = vector.broadcast %max3A_4075 : f32 to vector<16xf32>
    %max3A_4077 = arith.maximumf %add3A_4074, %max3A_4076 : vector<16xf32>
    %mul3A_4078 = arith.mulf %get3A_472, %mul3A_4020 : vector<16xf32>
    %mul3A_4079 = arith.mulf %get3A_477, %mul3A_4021 : vector<16xf32>
    %add3A_4080 = arith.addf %mul3A_4078, %mul3A_4079 : vector<16xf32>
    %mul3A_4081 = arith.mulf %get3A_482, %max3A_4070 : vector<16xf32>
    %add3A_4082 = arith.addf %add3A_4080, %mul3A_4081 : vector<16xf32>
    %mul3A_4083 = arith.mulf %get3A_487, %max3A_4077 : vector<16xf32>
    %add3A_4084 = arith.addf %add3A_4082, %mul3A_4083 : vector<16xf32>
    %add3A_4085 = arith.addf %add3A_4084, %get3A_492 : vector<16xf32>
    %neg3A_4086 = arith.constant 0.000000e+00 : f32
    %neg3A_4087 = vector.broadcast %neg3A_4086 : f32 to vector<16xf32>
    %neg3A_4088 = arith.subf %neg3A_4087, %add3A_4085 : vector<16xf32>
    %exp3A_4089 = math.exp %neg3A_4088 : vector<16xf32>
    %add3A_4090 = arith.constant 1.000000e+00 : f32
    %add3A_4091 = vector.broadcast %add3A_4090 : f32 to vector<16xf32>
    %add3A_4092 = arith.addf %add3A_4091, %exp3A_4089 : vector<16xf32>
    %div3A_4093 = arith.constant 1.000000e+00 : f32
    %div3A_4094 = vector.broadcast %div3A_4093 : f32 to vector<16xf32>
    %div3A_4095 = arith.divf %div3A_4094, %add3A_4092 : vector<16xf32>
    %swap3A_4096 = arith.constant 464 : index
    %swap3A_4097 = tpu.vector_load %arg15[%swap3A_4096] {strides = array<i32>} : memref<512xf32, #tpu.memory_space<vmem>>, vector<16xf32>,
    %swap3A_4098 = vector.shape_cast %swap3A_4097 : vector<16xf32> to vector<16xf32>
    %swap3A_4099 = vector.shape_cast %div3A_4095 : vector<16xf32> to vector<16xf32>
    tpu.vector_store %arg15[%swap3A_4096], %swap3A_4099 {strides = array<i32>} : memref<512xf32, #tpu.memory_space<vmem>>, vector<16xf32>,
    %get3A_4100 = arith.constant 0 : i32
    %get3A_4101 = arith.index_cast %get3A_4100 : i32 to index
    %get3A_4102 = arith.constant 480 : index
    %get3A_4103 = tpu.vector_load %arg13[%get3A_4101, %get3A_4102] {strides = array<i32>} : memref<6x512xf32, #tpu.memory_space<vmem>>, vector<1x16xf32>,
    %get3A_4104 = vector.shape_cast %get3A_4103 : vector<1x16xf32> to vector<16xf32>
    %get3A_4105 = arith.constant 1 : i32
    %get3A_4106 = arith.index_cast %get3A_4105 : i32 to index
    %get3A_4107 = arith.constant 480 : index
    %get3A_4108 = tpu.vector_load %arg13[%get3A_4106, %get3A_4107] {strides = array<i32>} : memref<6x512xf32, #tpu.memory_space<vmem>>, vector<1x16xf32>,
    %get3A_4109 = vector.shape_cast %get3A_4108 : vector<1x16xf32> to vector<16xf32>
    %get3A_4110 = arith.constant 2 : i32
    %get3A_4111 = arith.index_cast %get3A_4110 : i32 to index
    %get3A_4112 = arith.constant 480 : index
    %get3A_4113 = tpu.vector_load %arg13[%get3A_4111, %get3A_4112] {strides = array<i32>} : memref<6x512xf32, #tpu.memory_space<vmem>>, vector<1x16xf32>,
    %get3A_4114 = vector.shape_cast %get3A_4113 : vector<1x16xf32> to vector<16xf32>
    %get3A_4115 = arith.constant 3 : i32
    %get3A_4116 = arith.index_cast %get3A_4115 : i32 to index
    %get3A_4117 = arith.constant 480 : index
    %get3A_4118 = tpu.vector_load %arg13[%get3A_4116, %get3A_4117] {strides = array<i32>} : memref<6x512xf32, #tpu.memory_space<vmem>>, vector<1x16xf32>,
    %get3A_4119 = vector.shape_cast %get3A_4118 : vector<1x16xf32> to vector<16xf32>
    %get3A_4120 = arith.constant 4 : i32
    %get3A_4121 = arith.index_cast %get3A_4120 : i32 to index
    %get3A_4122 = arith.constant 480 : index
    %get3A_4123 = tpu.vector_load %arg13[%get3A_4121, %get3A_4122] {strides = array<i32>} : memref<6x512xf32, #tpu.memory_space<vmem>>, vector<1x16xf32>,
    %get3A_4124 = vector.shape_cast %get3A_4123 : vector<1x16xf32> to vector<16xf32>
    %get3A_4125 = arith.constant 5 : i32
    %get3A_4126 = arith.index_cast %get3A_4125 : i32 to index
    %get3A_4127 = arith.constant 480 : index
    %get3A_4128 = tpu.vector_load %arg13[%get3A_4126, %get3A_4127] {strides = array<i32>} : memref<6x512xf32, #tpu.memory_space<vmem>>, vector<1x16xf32>,
    %get3A_4129 = vector.shape_cast %get3A_4128 : vector<1x16xf32> to vector<16xf32>
    %mul3A_4130 = arith.mulf %get3A_4104, %get3A_4114 : vector<16xf32>
    %mul3A_4131 = arith.mulf %get3A_4109, %get3A_4119 : vector<16xf32>
    %mul3A_4132 = arith.mulf %get3A_352, %get3A_4124 : vector<16xf32>
    %mul3A_4133 = arith.mulf %get3A_357, %get3A_4129 : vector<16xf32>
    %add3A_4134 = arith.addf %mul3A_4132, %mul3A_4133 : vector<16xf32>
    %add3A_4135 = arith.addf %add3A_4134, %get3A_432 : vector<16xf32>
    %max3A_4136 = arith.constant 0.000000e+00 : f32
    %max3A_4137 = vector.broadcast %max3A_4136 : f32 to vector<16xf32>
    %max3A_4138 = arith.maximumf %add3A_4135, %max3A_4137 : vector<16xf32>
    %mul3A_4139 = arith.mulf %get3A_362, %get3A_4124 : vector<16xf32>
    %mul3A_4140 = arith.mulf %get3A_367, %get3A_4129 : vector<16xf32>
    %add3A_4141 = arith.addf %mul3A_4139, %mul3A_4140 : vector<16xf32>
    %add3A_4142 = arith.addf %add3A_4141, %get3A_437 : vector<16xf32>
    %max3A_4143 = arith.constant 0.000000e+00 : f32
    %max3A_4144 = vector.broadcast %max3A_4143 : f32 to vector<16xf32>
    %max3A_4145 = arith.maximumf %add3A_4142, %max3A_4144 : vector<16xf32>
    %mul3A_4146 = arith.mulf %get3A_372, %max3A_4138 : vector<16xf32>
    %mul3A_4147 = arith.mulf %get3A_377, %max3A_4145 : vector<16xf32>
    %add3A_4148 = arith.addf %mul3A_4146, %mul3A_4147 : vector<16xf32>
    %add3A_4149 = arith.addf %add3A_4148, %get3A_442 : vector<16xf32>
    %max3A_4150 = arith.constant 0.000000e+00 : f32
    %max3A_4151 = vector.broadcast %max3A_4150 : f32 to vector<16xf32>
    %max3A_4152 = arith.maximumf %add3A_4149, %max3A_4151 : vector<16xf32>
    %mul3A_4153 = arith.mulf %get3A_382, %max3A_4138 : vector<16xf32>
    %mul3A_4154 = arith.mulf %get3A_387, %max3A_4145 : vector<16xf32>
    %add3A_4155 = arith.addf %mul3A_4153, %mul3A_4154 : vector<16xf32>
    %add3A_4156 = arith.addf %add3A_4155, %get3A_447 : vector<16xf32>
    %max3A_4157 = arith.constant 0.000000e+00 : f32
    %max3A_4158 = vector.broadcast %max3A_4157 : f32 to vector<16xf32>
    %max3A_4159 = arith.maximumf %add3A_4156, %max3A_4158 : vector<16xf32>
    %mul3A_4160 = arith.mulf %get3A_392, %max3A_4152 : vector<16xf32>
    %mul3A_4161 = arith.mulf %get3A_397, %max3A_4159 : vector<16xf32>
    %add3A_4162 = arith.addf %mul3A_4160, %mul3A_4161 : vector<16xf32>
    %add3A_4163 = arith.addf %add3A_4162, %get3A_452 : vector<16xf32>
    %max3A_4164 = arith.constant 0.000000e+00 : f32
    %max3A_4165 = vector.broadcast %max3A_4164 : f32 to vector<16xf32>
    %max3A_4166 = arith.maximumf %add3A_4163, %max3A_4165 : vector<16xf32>
    %mul3A_4167 = arith.mulf %get3A_402, %max3A_4152 : vector<16xf32>
    %mul3A_4168 = arith.mulf %get3A_407, %max3A_4159 : vector<16xf32>
    %add3A_4169 = arith.addf %mul3A_4167, %mul3A_4168 : vector<16xf32>
    %add3A_4170 = arith.addf %add3A_4169, %get3A_457 : vector<16xf32>
    %max3A_4171 = arith.constant 0.000000e+00 : f32
    %max3A_4172 = vector.broadcast %max3A_4171 : f32 to vector<16xf32>
    %max3A_4173 = arith.maximumf %add3A_4170, %max3A_4172 : vector<16xf32>
    %mul3A_4174 = arith.mulf %get3A_412, %max3A_4166 : vector<16xf32>
    %mul3A_4175 = arith.mulf %get3A_417, %max3A_4173 : vector<16xf32>
    %add3A_4176 = arith.addf %mul3A_4174, %mul3A_4175 : vector<16xf32>
    %add3A_4177 = arith.addf %add3A_4176, %get3A_462 : vector<16xf32>
    %max3A_4178 = arith.constant 0.000000e+00 : f32
    %max3A_4179 = vector.broadcast %max3A_4178 : f32 to vector<16xf32>
    %max3A_4180 = arith.maximumf %add3A_4177, %max3A_4179 : vector<16xf32>
    %mul3A_4181 = arith.mulf %get3A_422, %max3A_4166 : vector<16xf32>
    %mul3A_4182 = arith.mulf %get3A_427, %max3A_4173 : vector<16xf32>
    %add3A_4183 = arith.addf %mul3A_4181, %mul3A_4182 : vector<16xf32>
    %add3A_4184 = arith.addf %add3A_4183, %get3A_467 : vector<16xf32>
    %max3A_4185 = arith.constant 0.000000e+00 : f32
    %max3A_4186 = vector.broadcast %max3A_4185 : f32 to vector<16xf32>
    %max3A_4187 = arith.maximumf %add3A_4184, %max3A_4186 : vector<16xf32>
    %mul3A_4188 = arith.mulf %get3A_472, %mul3A_4130 : vector<16xf32>
    %mul3A_4189 = arith.mulf %get3A_477, %mul3A_4131 : vector<16xf32>
    %add3A_4190 = arith.addf %mul3A_4188, %mul3A_4189 : vector<16xf32>
    %mul3A_4191 = arith.mulf %get3A_482, %max3A_4180 : vector<16xf32>
    %add3A_4192 = arith.addf %add3A_4190, %mul3A_4191 : vector<16xf32>
    %mul3A_4193 = arith.mulf %get3A_487, %max3A_4187 : vector<16xf32>
    %add3A_4194 = arith.addf %add3A_4192, %mul3A_4193 : vector<16xf32>
    %add3A_4195 = arith.addf %add3A_4194, %get3A_492 : vector<16xf32>
    %neg3A_4196 = arith.constant 0.000000e+00 : f32
    %neg3A_4197 = vector.broadcast %neg3A_4196 : f32 to vector<16xf32>
    %neg3A_4198 = arith.subf %neg3A_4197, %add3A_4195 : vector<16xf32>
    %exp3A_4199 = math.exp %neg3A_4198 : vector<16xf32>
    %add3A_4200 = arith.constant 1.000000e+00 : f32
    %add3A_4201 = vector.broadcast %add3A_4200 : f32 to vector<16xf32>
    %add3A_4202 = arith.addf %add3A_4201, %exp3A_4199 : vector<16xf32>
    %div3A_4203 = arith.constant 1.000000e+00 : f32
    %div3A_4204 = vector.broadcast %div3A_4203 : f32 to vector<16xf32>
    %div3A_4205 = arith.divf %div3A_4204, %add3A_4202 : vector<16xf32>
    %swap3A_4206 = arith.constant 480 : index
    %swap3A_4207 = tpu.vector_load %arg15[%swap3A_4206] {strides = array<i32>} : memref<512xf32, #tpu.memory_space<vmem>>, vector<16xf32>,
    %swap3A_4208 = vector.shape_cast %swap3A_4207 : vector<16xf32> to vector<16xf32>
    %swap3A_4209 = vector.shape_cast %div3A_4205 : vector<16xf32> to vector<16xf32>
    tpu.vector_store %arg15[%swap3A_4206], %swap3A_4209 {strides = array<i32>} : memref<512xf32, #tpu.memory_space<vmem>>, vector<16xf32>,
    %get3A_4210 = arith.constant 0 : i32
    %get3A_4211 = arith.index_cast %get3A_4210 : i32 to index
    %get3A_4212 = arith.constant 496 : index
    %get3A_4213 = tpu.vector_load %arg13[%get3A_4211, %get3A_4212] {strides = array<i32>} : memref<6x512xf32, #tpu.memory_space<vmem>>, vector<1x16xf32>,
    %get3A_4214 = vector.shape_cast %get3A_4213 : vector<1x16xf32> to vector<16xf32>
    %get3A_4215 = arith.constant 1 : i32
    %get3A_4216 = arith.index_cast %get3A_4215 : i32 to index
    %get3A_4217 = arith.constant 496 : index
    %get3A_4218 = tpu.vector_load %arg13[%get3A_4216, %get3A_4217] {strides = array<i32>} : memref<6x512xf32, #tpu.memory_space<vmem>>, vector<1x16xf32>,
    %get3A_4219 = vector.shape_cast %get3A_4218 : vector<1x16xf32> to vector<16xf32>
    %get3A_4220 = arith.constant 2 : i32
    %get3A_4221 = arith.index_cast %get3A_4220 : i32 to index
    %get3A_4222 = arith.constant 496 : index
    %get3A_4223 = tpu.vector_load %arg13[%get3A_4221, %get3A_4222] {strides = array<i32>} : memref<6x512xf32, #tpu.memory_space<vmem>>, vector<1x16xf32>,
    %get3A_4224 = vector.shape_cast %get3A_4223 : vector<1x16xf32> to vector<16xf32>
    %get3A_4225 = arith.constant 3 : i32
    %get3A_4226 = arith.index_cast %get3A_4225 : i32 to index
    %get3A_4227 = arith.constant 496 : index
    %get3A_4228 = tpu.vector_load %arg13[%get3A_4226, %get3A_4227] {strides = array<i32>} : memref<6x512xf32, #tpu.memory_space<vmem>>, vector<1x16xf32>,
    %get3A_4229 = vector.shape_cast %get3A_4228 : vector<1x16xf32> to vector<16xf32>
    %get3A_4230 = arith.constant 4 : i32
    %get3A_4231 = arith.index_cast %get3A_4230 : i32 to index
    %get3A_4232 = arith.constant 496 : index
    %get3A_4233 = tpu.vector_load %arg13[%get3A_4231, %get3A_4232] {strides = array<i32>} : memref<6x512xf32, #tpu.memory_space<vmem>>, vector<1x16xf32>,
    %get3A_4234 = vector.shape_cast %get3A_4233 : vector<1x16xf32> to vector<16xf32>
    %get3A_4235 = arith.constant 5 : i32
    %get3A_4236 = arith.index_cast %get3A_4235 : i32 to index
    %get3A_4237 = arith.constant 496 : index
    %get3A_4238 = tpu.vector_load %arg13[%get3A_4236, %get3A_4237] {strides = array<i32>} : memref<6x512xf32, #tpu.memory_space<vmem>>, vector<1x16xf32>,
    %get3A_4239 = vector.shape_cast %get3A_4238 : vector<1x16xf32> to vector<16xf32>
    %mul3A_4240 = arith.mulf %get3A_4214, %get3A_4224 : vector<16xf32>
    %mul3A_4241 = arith.mulf %get3A_4219, %get3A_4229 : vector<16xf32>
    %mul3A_4242 = arith.mulf %get3A_352, %get3A_4234 : vector<16xf32>
    %mul3A_4243 = arith.mulf %get3A_357, %get3A_4239 : vector<16xf32>
    %add3A_4244 = arith.addf %mul3A_4242, %mul3A_4243 : vector<16xf32>
    %add3A_4245 = arith.addf %add3A_4244, %get3A_432 : vector<16xf32>
    %max3A_4246 = arith.constant 0.000000e+00 : f32
    %max3A_4247 = vector.broadcast %max3A_4246 : f32 to vector<16xf32>
    %max3A_4248 = arith.maximumf %add3A_4245, %max3A_4247 : vector<16xf32>
    %mul3A_4249 = arith.mulf %get3A_362, %get3A_4234 : vector<16xf32>
    %mul3A_4250 = arith.mulf %get3A_367, %get3A_4239 : vector<16xf32>
    %add3A_4251 = arith.addf %mul3A_4249, %mul3A_4250 : vector<16xf32>
    %add3A_4252 = arith.addf %add3A_4251, %get3A_437 : vector<16xf32>
    %max3A_4253 = arith.constant 0.000000e+00 : f32
    %max3A_4254 = vector.broadcast %max3A_4253 : f32 to vector<16xf32>
    %max3A_4255 = arith.maximumf %add3A_4252, %max3A_4254 : vector<16xf32>
    %mul3A_4256 = arith.mulf %get3A_372, %max3A_4248 : vector<16xf32>
    %mul3A_4257 = arith.mulf %get3A_377, %max3A_4255 : vector<16xf32>
    %add3A_4258 = arith.addf %mul3A_4256, %mul3A_4257 : vector<16xf32>
    %add3A_4259 = arith.addf %add3A_4258, %get3A_442 : vector<16xf32>
    %max3A_4260 = arith.constant 0.000000e+00 : f32
    %max3A_4261 = vector.broadcast %max3A_4260 : f32 to vector<16xf32>
    %max3A_4262 = arith.maximumf %add3A_4259, %max3A_4261 : vector<16xf32>
    %mul3A_4263 = arith.mulf %get3A_382, %max3A_4248 : vector<16xf32>
    %mul3A_4264 = arith.mulf %get3A_387, %max3A_4255 : vector<16xf32>
    %add3A_4265 = arith.addf %mul3A_4263, %mul3A_4264 : vector<16xf32>
    %add3A_4266 = arith.addf %add3A_4265, %get3A_447 : vector<16xf32>
    %max3A_4267 = arith.constant 0.000000e+00 : f32
    %max3A_4268 = vector.broadcast %max3A_4267 : f32 to vector<16xf32>
    %max3A_4269 = arith.maximumf %add3A_4266, %max3A_4268 : vector<16xf32>
    %mul3A_4270 = arith.mulf %get3A_392, %max3A_4262 : vector<16xf32>
    %mul3A_4271 = arith.mulf %get3A_397, %max3A_4269 : vector<16xf32>
    %add3A_4272 = arith.addf %mul3A_4270, %mul3A_4271 : vector<16xf32>
    %add3A_4273 = arith.addf %add3A_4272, %get3A_452 : vector<16xf32>
    %max3A_4274 = arith.constant 0.000000e+00 : f32
    %max3A_4275 = vector.broadcast %max3A_4274 : f32 to vector<16xf32>
    %max3A_4276 = arith.maximumf %add3A_4273, %max3A_4275 : vector<16xf32>
    %mul3A_4277 = arith.mulf %get3A_402, %max3A_4262 : vector<16xf32>
    %mul3A_4278 = arith.mulf %get3A_407, %max3A_4269 : vector<16xf32>
    %add3A_4279 = arith.addf %mul3A_4277, %mul3A_4278 : vector<16xf32>
    %add3A_4280 = arith.addf %add3A_4279, %get3A_457 : vector<16xf32>
    %max3A_4281 = arith.constant 0.000000e+00 : f32
    %max3A_4282 = vector.broadcast %max3A_4281 : f32 to vector<16xf32>
    %max3A_4283 = arith.maximumf %add3A_4280, %max3A_4282 : vector<16xf32>
    %mul3A_4284 = arith.mulf %get3A_412, %max3A_4276 : vector<16xf32>
    %mul3A_4285 = arith.mulf %get3A_417, %max3A_4283 : vector<16xf32>
    %add3A_4286 = arith.addf %mul3A_4284, %mul3A_4285 : vector<16xf32>
    %add3A_4287 = arith.addf %add3A_4286, %get3A_462 : vector<16xf32>
    %max3A_4288 = arith.constant 0.000000e+00 : f32
    %max3A_4289 = vector.broadcast %max3A_4288 : f32 to vector<16xf32>
    %max3A_4290 = arith.maximumf %add3A_4287, %max3A_4289 : vector<16xf32>
    %mul3A_4291 = arith.mulf %get3A_422, %max3A_4276 : vector<16xf32>
    %mul3A_4292 = arith.mulf %get3A_427, %max3A_4283 : vector<16xf32>
    %add3A_4293 = arith.addf %mul3A_4291, %mul3A_4292 : vector<16xf32>
    %add3A_4294 = arith.addf %add3A_4293, %get3A_467 : vector<16xf32>
    %max3A_4295 = arith.constant 0.000000e+00 : f32
    %max3A_4296 = vector.broadcast %max3A_4295 : f32 to vector<16xf32>
    %max3A_4297 = arith.maximumf %add3A_4294, %max3A_4296 : vector<16xf32>
    %mul3A_4298 = arith.mulf %get3A_472, %mul3A_4240 : vector<16xf32>
    %mul3A_4299 = arith.mulf %get3A_477, %mul3A_4241 : vector<16xf32>
    %add3A_4300 = arith.addf %mul3A_4298, %mul3A_4299 : vector<16xf32>
    %mul3A_4301 = arith.mulf %get3A_482, %max3A_4290 : vector<16xf32>
    %add3A_4302 = arith.addf %add3A_4300, %mul3A_4301 : vector<16xf32>
    %mul3A_4303 = arith.mulf %get3A_487, %max3A_4297 : vector<16xf32>
    %add3A_4304 = arith.addf %add3A_4302, %mul3A_4303 : vector<16xf32>
    %add3A_4305 = arith.addf %add3A_4304, %get3A_492 : vector<16xf32>
    %neg3A_4306 = arith.constant 0.000000e+00 : f32
    %neg3A_4307 = vector.broadcast %neg3A_4306 : f32 to vector<16xf32>
    %neg3A_4308 = arith.subf %neg3A_4307, %add3A_4305 : vector<16xf32>
    %exp3A_4309 = math.exp %neg3A_4308 : vector<16xf32>
    %add3A_4310 = arith.constant 1.000000e+00 : f32
    %add3A_4311 = vector.broadcast %add3A_4310 : f32 to vector<16xf32>
    %add3A_4312 = arith.addf %add3A_4311, %exp3A_4309 : vector<16xf32>
    %div3A_4313 = arith.constant 1.000000e+00 : f32
    %div3A_4314 = vector.broadcast %div3A_4313 : f32 to vector<16xf32>
    %div3A_4315 = arith.divf %div3A_4314, %add3A_4312 : vector<16xf32>
    %swap3A_4316 = arith.constant 496 : index
    %swap3A_4317 = tpu.vector_load %arg15[%swap3A_4316] {strides = array<i32>} : memref<512xf32, #tpu.memory_space<vmem>>, vector<16xf32>,
    %swap3A_4318 = vector.shape_cast %swap3A_4317 : vector<16xf32> to vector<16xf32>
    %swap3A_4319 = vector.shape_cast %div3A_4315 : vector<16xf32> to vector<16xf32>
    tpu.vector_store %arg15[%swap3A_4316], %swap3A_4319 {strides = array<i32>} : memref<512xf32, #tpu.memory_space<vmem>>, vector<16xf32>,
    "tpu.region"() ({
      %run_scoped3A = tpu.sem_alloc : memref<!tpu.dma_semaphore, #tpu.memory_space<semaphore_mem>>
      %dma_start3A_4320 = tpu.memref_slice %arg11[%mul3A_2] : memref<16384xf32, #tpu.memory_space<hbm>> -> memref<512xf32, #tpu.memory_space<hbm>>
      %dma_start3A_4321 = tpu.memref_slice %arg11[%mul3A_2] : memref<16384xf32, #tpu.memory_space<hbm>> -> memref<512xf32, #tpu.memory_space<hbm>>
      tpu.enqueue_dma source(%arg15 : memref<512xf32, #tpu.memory_space<vmem>>) target(%dma_start3A_4321 : memref<512xf32, #tpu.memory_space<hbm>>) target_semaphore(%run_scoped3A : memref<!tpu.dma_semaphore, #tpu.memory_space<semaphore_mem>>)
      %dma_wait3A_4322 = tpu.memref_slice %arg11[%mul3A_2] : memref<16384xf32, #tpu.memory_space<hbm>> -> memref<512xf32, #tpu.memory_space<hbm>>
      %dma_wait3A_4323 = tpu.memref_slice %arg11[%mul3A_2] : memref<16384xf32, #tpu.memory_space<hbm>> -> memref<512xf32, #tpu.memory_space<hbm>>
      tpu.wait_dma2 semaphore(%run_scoped3A : memref<!tpu.dma_semaphore, #tpu.memory_space<semaphore_mem>>) src(%arg15 : memref<512xf32, #tpu.memory_space<vmem>>) dst(%dma_wait3A_4323 : memref<512xf32, #tpu.memory_space<hbm>>)
      tpu.yield
    }) : () -> ()
    return
  }
}

</mosaic_0001>

<sc_bundles>
// kernel: _ncf_sc.3.cloned.1.call-start
scs
__scs_entry_jumppad:
0x0: {  	(pc) =	sbr.rel $0x88, $3  }
0x1: {  	(tag) =	ssettag $0x0;
	lr =	simm.s32 $0x1  }
0x2: {  	[smem:$0x3F98] =	sst lr;
	_ =	strace $0xD0000000  }
0x3: {  	_ = 	snop  }
0x4: {  	_ = 	snop  }
0x5: {  	_ = 	snop  }
0x6: {  	_ = 	snop  }
0x7: {  	_ = 	snop  }
__scs_overlays_trampoline_lowered:
0x8: {  	[smem:$0x3FA7] =	sst s0  }
0x9: {  	[smem:$0x3FA8] =	sst s1  }
0xa: {  	[smem:$0x3FA9] =	sst s2  }
0xb: {  	[smem:$0x3FAA] =	sst s3  }
0xc: {  	[smem:$0x3FAB] =	sst s4  }
0xd: {  	[smem:$0x3FAC] =	sst s5  }
0xe: {  	[smem:$0x3FAD] =	sst s6  }
0xf: {  	[smem:$0x3FAE] =	sst s7  }
0x10: {  	[smem:$0x3FAF] =	sst s8  }
0x11: {  	[smem:$0x3FB0] =	sst s9;
	s0 =	simm.s32 @!p0 $0x0  }
0x12: {  	s1 =	sld [smem:$0x3F96];
	s0 =	simm.s32 @p0 $0x1  }
0x13: {  	[smem:$0x3FB1] =	sst s0;
	s0 =	simm.s32 @!p1 $0x0  }
0x14: {  	s2 =	sld [smem:$0x3F95];
	s0 =	simm.s32 @p1 $0x1  }
0x15: {  	[smem:$0x3FB2] =	sst s0;
	s0 =	simm.s32 @!p2 $0x0  }
0x16: {  	s3 =	sld [smem:$0x3FDB];
	s0 =	simm.s32 @p2 $0x1  }
0x17: {  	s4 =	simm.s32 $0x1BF5;
	[smem:$0x3FB4] =	sst s0  }
0x18: {  	s0 =	sld [smem:$0x3F97];
	_ =	swait.ge [sflag:s4], $0x0  }
0x19: {  	s7 =	sld [smem:$0x3F98]  }
0x1a: {  	s8 =	sadd.s32 $0xFFFFE003, lr  }
0x1b: {  	s9 =	sadd.s32 $0xFFFFFEF7, lr;
	s5 =	simm.s32 $0xFFFFFFFF;
	p2 =	slt.u32 s8, $0xFFFFF086  }
0x1c: {  	p1 =	slt.u32 s9, $0xF7A;
	s5 =	simm.s32 @!p2 $0x0  }
0x1d: {  	s5 =	simm.s32 @p1 $0x1;
	p0 =	seq.s32 s7, s2  }
0x1e: {  	s7 =	smul.u32 @!p0 $0xF7A, s2;
	p2 =	seq.s32 @!p0 s5, $0x0  }
0x1f: {  	s9 =	smul.u32 $0xF7A, s1;
	s8 =	simm.s32 @!p0 $0x1BF5;
	p2 =	por !p2, p0  }
0x20: {  	[sflag:s8] =	ssyncset.s32 @!p0 $0xFFFFF086;
	s6 =	sadd.s32 @!p0 s3, s7;
	s7 =	simm.s32 @!p0 $0x108  }
0x21: {  	s3 =	sadd.s32 s3, s9;
	s6 =	sadd.s32 @!p0 $0x88, s6;
	s7 =	simm.s32 @p2 $0x1082  }
0x22: {  	[simem:s7], [sflag:s8] =	dma.local @!p0 [hbm:s6], $0xF7A  }
0x23: {  	s9 =	sor.u32 $0xD0000000, s2;
	s6 =	simm.s32 $0x108;
	_ =	swait.ge @!p0 [sflag:s8], $0x0  }
0x24: {  	s3 =	sadd.s32 $0x88, s3;
	s6 =	simm.s32 @!p1 $0x1082;
	[sflag:s4] =	ssyncset.s32 $0xFFFFF086  }
0x25: {  	[simem:s6], [sflag:s4] =	dma.local [hbm:s3], $0xF7A  }
0x26: {  	[smem:$0x3F98] =	sst s1;
	(tag) =	ssettag s2;
	_ =	strace s9  }
0x27: {  	s1 =	sld [smem:$0x3FA8]  }
0x28: {  	s2 =	sld [smem:$0x3FA9]  }
0x29: {  	s4 =	sld [smem:$0x3FAB]  }
0x2a: {  	p0 =	seq.s32 s5, $0x0;
	s5 =	sld [smem:$0x3FAC]  }
0x2b: {  	s6 =	sld [smem:$0x3FAD]  }
0x2c: {  	s7 =	sld [smem:$0x3FAE]  }
0x2d: {  	s3 =	simm.s32 $0x108;
	s8 =	sld [smem:$0x3FAF]  }
0x2e: {  	s3 =	simm.s32 @!p0 $0x1082;
	s9 =	sld [smem:$0x3FB0]  }
0x2f: {  	lr =	sadd.s32 s0, s3;
	s0 =	sld [smem:$0x3FA7]  }
0x30: {  	s3 =	sld [smem:$0x3FAA]  }
0x31: {  	[smem:$0x3FB3] =	sst s10  }
0x32: {  	s10 =	sld [smem:$0x3FB1];
	_ =	sdelay $0x3  }
0x33: {  	p0 =	seq.s32 s10, $0x1;
	s10 =	sld [smem:$0x3FB3];
	_ =	sdelay $0x3  }
0x34: {  	[smem:$0x3FB3] =	sst s10  }
0x35: {  	s10 =	sld [smem:$0x3FB2];
	_ =	sdelay $0x3  }
0x36: {  	p1 =	seq.s32 s10, $0x1;
	s10 =	sld [smem:$0x3FB3];
	_ =	sdelay $0x3  }
0x37: {  	[smem:$0x3FB3] =	sst s10  }
0x38: {  	s10 =	sld [smem:$0x3FB4]  }
0x39: {  	_ = 	snop;
	(pc) =	sbr.ind lr, $3  }
0x3a: {  	_ = 	snop  }
0x3b: {  	_ = 	snop  }
0x3c: {  	p2 =	seq.s32 s10, $0x1;
	s10 =	sld [smem:$0x3FB3]  }
0x3d: {  	_ =	shalt  }
0x3e: {  	_ =	shalt  }
0x3f: {  	_ =	shalt  }
0x40: {  	_ =	shalt  }
0x41: {  	_ =	shalt  }
0x42: {  	_ =	shalt  }
0x43: {  	_ =	shalt  }
0x44: {  	_ =	shalt  }
0x45: {  	_ =	shalt  }
0x46: {  	_ =	shalt  }
0x47: {  	_ =	shalt  }
0x48: {  	_ =	shalt  }
0x49: {  	_ =	shalt  }
0x4a: {  	_ =	shalt  }
0x4b: {  	_ =	shalt  }
0x4c: {  	_ =	shalt  }
0x4d: {  	_ =	shalt  }
0x4e: {  	_ =	shalt  }
0x4f: {  	_ =	shalt  }
0x50: {  	_ =	shalt  }
0x51: {  	_ =	shalt  }
0x52: {  	_ =	shalt  }
0x53: {  	_ =	shalt  }
0x54: {  	_ =	shalt  }
0x55: {  	_ =	shalt  }
0x56: {  	_ =	shalt  }
0x57: {  	_ =	shalt  }
0x58: {  	_ =	shalt  }
0x59: {  	_ =	shalt  }
0x5a: {  	_ =	shalt  }
0x5b: {  	_ =	shalt  }
0x5c: {  	_ =	shalt  }
0x5d: {  	_ =	shalt  }
0x5e: {  	_ =	shalt  }
0x5f: {  	_ =	shalt  }
0x60: {  	_ =	shalt  }
0x61: {  	_ =	shalt  }
0x62: {  	_ =	shalt  }
0x63: {  	_ =	shalt  }
0x64: {  	_ =	shalt  }
0x65: {  	_ =	shalt  }
0x66: {  	_ =	shalt  }
0x67: {  	_ =	shalt  }
0x68: {  	_ =	shalt  }
0x69: {  	_ =	shalt  }
0x6a: {  	_ =	shalt  }
0x6b: {  	_ =	shalt  }
0x6c: {  	_ =	shalt  }
0x6d: {  	_ =	shalt  }
0x6e: {  	_ =	shalt  }
0x6f: {  	_ =	shalt  }
0x70: {  	_ =	shalt  }
0x71: {  	_ =	shalt  }
0x72: {  	_ =	shalt  }
0x73: {  	_ =	shalt  }
0x74: {  	_ =	shalt  }
0x75: {  	_ =	shalt  }
0x76: {  	_ =	shalt  }
0x77: {  	_ =	shalt  }
0x78: {  	_ =	shalt  }
0x79: {  	_ =	shalt  }
0x7a: {  	_ =	shalt  }
0x7b: {  	_ =	shalt  }
0x7c: {  	_ =	shalt  }
0x7d: {  	_ =	shalt  }
0x7e: {  	_ =	shalt  }
0x7f: {  	_ =	shalt  }
0x80: {  	_ =	shalt  }
0x81: {  	_ =	shalt  }
0x82: {  	_ =	shalt  }
0x83: {  	_ =	shalt  }
0x84: {  	_ =	shalt  }
0x85: {  	_ =	shalt  }
0x86: {  	_ =	shalt  }
0x87: {  	_ =	shalt  }
.Lfunc_end0:
.L_simem_size_0:
called_computation_lowered:
.L_overlay_start_0:
0x88: {  	s2 =	sld [smem:$0x3FD9]  }
0x89: {  	s3 =	sld [smem:$0x3FFE];
	_ =	sdelay $0x1  }
0x8a: {  	s1 =	srdreg.scid  }
0x8b: {  	s0 =	sand.u32 $0x1, s1  }
0x8c: {  	s17 =	sshll.u32 s0, $0xA;
	s2 =	sadd.s32 s3, s2  }
0x8d: {  	s2 =	sadd.s32 s2, s17  }
0x8e: {  	[smem:$0x3FBF] =	sst s2  }
0x8f: {  	_ = 	snop  }
0x90: {  	s2 =	sld [smem:$0x3FC9]  }
0x91: {  	s18 =	sld [smem:$0x3FC8]  }
0x92: {  	s4 =	sld [smem:$0x3FC7]  }
0x93: {  	s5 =	sld [smem:$0x3FC6]  }
0x94: {  	s6 =	sld [smem:$0x3FC5]  }
0x95: {  	s7 =	sld [smem:$0x3FC4]  }
0x96: {  	s8 =	sld [smem:$0x3FC3]  }
0x97: {  	s9 =	sld [smem:$0x3FC2]  }
0x98: {  	s10 =	sld [smem:$0x3FD0];
	(tm) =	ssettm $0x1  }
0x99: {  	s11 =	sld [smem:$0x3FFB];
	_ =	sdelay $0x3  }
0x9a: {  	_ =	strace s11  }
0x9b: {  	s11 =	sld [smem:$0x3FFC];
	_ =	sdelay $0x3  }
0x9c: {  	_ =	strace s11  }
0x9d: {  	s11 =	sld [smem:$0x3FFD];
	_ =	sdelay $0x3  }
0x9e: {  	_ =	strace s11  }
0x9f: {  	_ =	strace $0x8FFFFFFF  }
0xa0: {  	s19 =	sld [smem:$0x3FDB];
	_ =	sdelay $0x1  }
0xa1: {  	s12 =	simm.s32 $_scs_section_size  }
0xa2: {  	s13 =	simm.s32 $_size__tile_overlayer_lowered;
	s14 =	simm.s32 $_tile_overlayer_lowered  }
0xa3: {  	s22 =	simm.s32 $0x1BFF;
	s21 =	sshll.u32 s14, $0x1;
	s11 =	sadd.s32 s12, s19  }
0xa4: {  	s15 =	simm.s32 $0x0;
	s20 =	sshll.u32 s13, $0x1;
	s13 =	sadd.s32 s21, s11  }
0xa5: {  	[timem:s15], [sflag:s22] =	dma.local [hbm:s13], s20  }
0xa6: {  	_ =	swait.ge [sflag:s22], s20  }
0xa7: {  	s12 =	ssub.s32 $0x0, s20;
	[sflag:s22] =	ssyncset.done $0x0  }
0xa8: {  	[sflag:s22] =	ssyncadd.s32 s12;
	_ =	sdelay $0x1  }
0xa9: {  	s23 =	simm.s32 $0x1B8B  }
0xaa: {  	_ =	swait.ge [sflag:s23], $0x1  }
0xab: {  	[sflag:s23] =	ssyncset.done $0x0  }
0xac: {  	s25 =	simm.s32 $0x1B8E;
	s24 =	sld [smem:$0x3FFE];
	[sflag:s23] =	ssyncadd.s32 $0xFFFFFFFF  }
0xad: {  	s26 =	simm.s32 $execute0_lowered;
	[smem:$0x3FD2] =	sst s25  }
0xae: {  	s13 =	sshll.u32 s26, $0x1;
	_ =	strace $0x80000046;
	[dreg:$0x1] =	wrdreg $0xFFFFFFFF  }
0xaf: {  	s28 =	simm.s32 $_size_execute0_lowered;
	s11 =	sadd.s32 s11, s13;
	[dreg:$0x0] =	wrdreg $0x0  }
0xb0: {  	s13 =	sshll.u32 s28, $0x1;
	[dreg:$0x2] =	wrdreg s11  }
0xb1: {  	[dreg:$0x3] =	wrdreg s13  }
0xb2: {  	[dreg:$0x4] =	wrdreg $0xC0  }
0xb3: {  	_ =	task [dreg:s15], $0x5FFFF  }
0xb4: {  	[dreg:$0x1] =	wrdreg $0xFFFFFFFF  }
0xb5: {  	[dreg:$0x0] =	wrdreg $0x60  }
0xb6: {  	[dreg:$0x2] =	wrdreg s2  }
0xb7: {  	[dreg:$0x3] =	wrdreg s18  }
0xb8: {  	[dreg:$0x4] =	wrdreg s4  }
0xb9: {  	[dreg:$0x5] =	wrdreg s5  }
0xba: {  	[dreg:$0x6] =	wrdreg s6  }
0xbb: {  	[dreg:$0x7] =	wrdreg s7  }
0xbc: {  	[dreg:$0x8] =	wrdreg s8  }
0xbd: {  	[dreg:$0x9] =	wrdreg s9  }
0xbe: {  	[dreg:$0xa] =	wrdreg s24  }
0xbf: {  	[dreg:$0xb] =	wrdreg s10  }
0xc0: {  	[dreg:$0xc] =	wrdreg $0x9  }
0xc1: {  	_ =	task.clear_ibuf [dreg:s15], $0xDFFFF;
	_ =	strace $0x90000046  }
0xc2: {  	s29 =	simm.s32 $0x9;
	_ =	strace $0x80000048  }
0xc3: {  	_ =	swait.ge [sflag:s29], $0x1  }
0xc4: {  	[sflag:s29] =	ssyncadd.s32 $0xFFFFFFFF  }
0xc5: {  	_ =	strace $0x90000048  }
0xc6: {  	_ =	sfence  }
0xc7: {  	s30 =	sld [smem:$0x0];
	_ =	sdelay $0x2  }
0xc8: {  	s31 =	sshll.u32 s1, $0xD;
	s1 =	sshrl.u32 s1, $0x2  }
0xc9: {  	s3 =	sand.u32 $0x4000, s31;
	s1 =	sadd.s32 s1, s30  }
0xca: {  	s0 =	sor.u32 s3, s0;
	s1 =	sshll.u32 s1, $0x11  }
0xcb: {  	s0 =	sor.u32 s1, s0  }
0xcc: {  	s0 =	sadd.s32 $0x8F2B, s0  }
0xcd: {  	[sflag:s0] =	ssyncadd.remote.s32 $0x1  }
0xce: {  	_ =	sfence.sel $0xFFFF  }
0xcf: {  	[dreg:$0x0] =	wrdreg $0xFFFFFFFF;
	(pc) =	sbr.abs _section_cstart, $3  }
0xd0: {  	[dreg:$0x1] =	wrdreg $0xFFFFFFFF  }
0xd1: {  	_ =	task.clear_ibuf [dreg:s15], $0x2FFFF;
	_ =	strace $0x9FFFFFFF  }
0xd2: {  	(tm) =	ssettm $0x7FFFFFFF  }
0xd3: {  	_ =	shalt  }
tec
execute0_lowered:
.L_overlay_start_1:
0x0: {  	(tag) =	ssettag $0x1  }
0x1: {  	s2 =	rddreg [dreg:$0x0]  }
0x2: {  	s10 =	rddreg [dreg:$0x1]  }
0x3: {  	s0 =	rddreg [dreg:$0x2]  }
0x4: {  	s1 =	rddreg [dreg:$0x3]  }
0x5: {  	s3 =	rddreg [dreg:$0x4]  }
0x6: {  	s4 =	rddreg [dreg:$0x5]  }
0x7: {  	s5 =	rddreg [dreg:$0x6]  }
0x8: {  	s6 =	rddreg [dreg:$0x7]  }
0x9: {  	s9 =	rddreg [dreg:$0x8]  }
0xa: {  	s11 =	rddreg [dreg:$0x9];
	s8 =	simm.s32 $0x0  }
0xb: {  	[smem:$0x7FF] =	sst s8;
	s9 =	sadd.s32 $0x400, s9  }
0xc: {  	s23 =	simm.s32 $0x1400;
	_ =	strace $0x80000047;
	[dreg:$0xb] =	wrdreg s9  }
0xd: {  	s24 =	simm.s32 $0x400;
	[dreg:$0x13] =	wrdreg s23  }
0xe: {  	s25 =	simm.s32 $0x480;
	[dreg:$0x14] =	wrdreg s24  }
0xf: {  	s7 =	stileid.u32;
	s26 =	simm.s32 $0x500;
	[dreg:$0x15] =	wrdreg s25  }
0x10: {  	s13 =	sshll.u32 s7, $0x7;
	s7 =	simm.s32 $0x580;
	[dreg:$0x16] =	wrdreg s26  }
0x11: {  	s15 =	simm.s32 $0x880;
	[dreg:$0x17] =	wrdreg s7  }
0x12: {  	s12 =	srdreg.scid;
	[dreg:$0x1b] =	wrdreg s15;
	s23 =	simm.s32 $0xD00  }
0x13: {  	s28 =	simm.s32 $0x3;
	s24 =	simm.s32 $0xD80;
	[smem:$0x7FA] =	sst s23  }
0x14: {  	s12 =	sand.u32 $0x1, s12;
	s25 =	simm.s32 $0xE00;
	[smem:$0x7FB] =	sst s24  }
0x15: {  	s14 =	sshll.u32 s12, $0x6;
	s26 =	simm.s32 $0xE80;
	[smem:$0x7FC] =	sst s25  }
0x16: {  	s13 =	sor.u32 s14, s13;
	s14 =	simm.s32 $0x800;
	[smem:$0x7FD] =	sst s26  }
0x17: {  	s29 =	simm.s32 $0x4;
	s16 =	sadd.s32 s11, s13;
	[dreg:$0x1a] =	wrdreg s14  }
0x18: {  	s9 =	sadd.s32 s2, s13;
	s11 =	simm.s32 $0x600;
	[dreg:$0xc] =	wrdreg s16  }
0x19: {  	s10 =	sadd.s32 s10, s13;
	s13 =	simm.s32 $0x680;
	[dreg:$0x18] =	wrdreg s11  }
0x1a: {  	s30 =	simm.s32 $0x5;
	s17 =	sadd.s32 $0x10, s9;
	[dreg:$0x19] =	wrdreg s13  }
0x1b: {  	s31 =	simm.s32 $0x2400;
	s18 =	sadd.s32 $0x20, s9;
	[dreg:$0xd] =	wrdreg s17  }
0x1c: {  	s15 =	simm.s32 $0x80;
	s19 =	sadd.s32 $0x30, s9;
	[dreg:$0xe] =	wrdreg s18  }
0x1d: {  	s23 =	simm.s32 $0x1180;
	s20 =	sadd.s32 $0x10, s10;
	[dreg:$0xf] =	wrdreg s19  }
0x1e: {  	s24 =	simm.s32 $0x1200;
	s21 =	sadd.s32 $0x20, s10;
	[dreg:$0x10] =	wrdreg s20  }
0x1f: {  	s25 =	simm.s32 $0x1280;
	s22 =	sadd.s32 $0x30, s10;
	[dreg:$0x11] =	wrdreg s21  }
0x20: {  	s26 =	simm.s32 $0x2;
	[dreg:$0x12] =	wrdreg s22;
	s17 =	simm.s32 $0x900  }
0x21: {  	s14 =	simm.s32 $0x300;
	s18 =	simm.s32 $0x980;
	[dreg:$0x1c] =	wrdreg s17  }
0x22: {  	s2 =	simm.s32 $0x6;
	s19 =	simm.s32 $0xA00;
	[dreg:$0x1d] =	wrdreg s18  }
0x23: {  	s16 =	ssub.s32 $0x2, s12;
	s20 =	simm.s32 $0xA80;
	[dreg:$0x1e] =	wrdreg s19  }
0x24: {  	s13 =	simm.s32 $0x200;
	s21 =	simm.s32 $0xC00;
	[dreg:$0x1f] =	wrdreg s20  }
0x25: {  	s12 =	sshrl.u32 s16, $0x1;
	s22 =	simm.s32 $0xC80;
	[smem:$0x7F8] =	sst s21  }
0x26: {  	s11 =	ssub.s32 s16, s12;
	s12 =	simm.s32 $0x100;
	[smem:$0x7F9] =	sst s22  }
0x27: {  	s16 =	simm.s32 $0x180;
	s17 =	simm.s32 $0x280;
	s18 =	simm.s32 $0x380  }
0x28: {  	s19 =	simm.s32 $0x1;
	s22 =	simm.s32 $0x1100;
	s11 =	smax.u32 s11, $0x1  }
.LBB2_1:
0x29: {  	[tilespmem:s8], [sflag:$0x1] =	stream.linear.gather [hbm4b:s9+s8], $0x80, $0x38;
	[tilespmem:$0x2600] =	vst v63  }
0x2a: {  	s7 =	rddreg [dreg:$0xd]  }
0x2b: {  	[tilespmem:s12], [sflag:$0x1] =	stream.linear.gather [hbm4b:s7+s8], $0x80, $0x38;
	[tilespmem:$0x2600] =	vst v63  }
0x2c: {  	s20 =	rddreg [dreg:$0xe]  }
0x2d: {  	[tilespmem:s13], [sflag:$0x1] =	stream.linear.gather [hbm4b:s20+s8], $0x80, $0x38;
	[tilespmem:$0x2600] =	vst v63  }
0x2e: {  	s21 =	rddreg [dreg:$0xf]  }
0x2f: {  	[tilespmem:s14], [sflag:$0x1] =	stream.linear.gather [hbm4b:s21+s8], $0x80, $0x38;
	[tilespmem:$0x2600] =	vst v63  }
0x30: {  	s7 =	rddreg [dreg:$0x12]  }
0x31: {  	[tilespmem:s15], [sflag:$0x1] =	stream.linear.gather [hbm4b:s10+s8], $0x80, $0x38;
	[tilespmem:$0x2600] =	vst v63  }
0x32: {  	s20 =	rddreg [dreg:$0x10]  }
0x33: {  	[tilespmem:s16], [sflag:$0x1] =	stream.linear.gather [hbm4b:s20+s8], $0x80, $0x38;
	[tilespmem:$0x2600] =	vst v63  }
0x34: {  	s21 =	rddreg [dreg:$0x11]  }
0x35: {  	[tilespmem:s17], [sflag:$0x1] =	stream.linear.gather [hbm4b:s21+s8], $0x80, $0x38;
	[tilespmem:$0x2600] =	vst v63  }
0x36: {  	s20 =	rddreg [dreg:$0xb]  }
0x37: {  	[tilespmem:s18], [sflag:$0x1] =	stream.linear.gather [hbm4b:s7+s8], $0x80, $0x38;
	[tilespmem:$0x2600] =	vst v63  }
0x38: {  	s21 =	rddreg [dreg:$0x13]  }
0x39: {  	[tilespmem:s21], [sflag:$0x1] =	stream.linear.gather [hbm4b:s20+s8], $0xE80, $0x38;
	[tilespmem:$0x2600] =	vst v63  }
0x3a: {  	_ =	swait.ge [sflag:s19], $0x200  }
0x3b: {  	[sflag:s19] =	ssyncset.done $0x0  }
0x3c: {  	[sflag:s19] =	ssyncadd.s32 $0xFFFFFE00  }
0x3d: {  	_ =	swait.ge [sflag:s19], $0x200  }
0x3e: {  	[sflag:s19] =	ssyncset.done $0x0  }
0x3f: {  	[sflag:s19] =	ssyncadd.s32 $0xFFFFFE00  }
0x40: {  	_ =	swait.ge [sflag:s19], $0xE80  }
0x41: {  	s20 =	rddreg [dreg:$0x14];
	[sflag:s19] =	ssyncset.done $0x0  }
0x42: {  	s21 =	rddreg [dreg:$0x15];
	[sflag:s19] =	ssyncadd.s32 $0xFFFFF180  }
0x43: {  	[tilespmem:s20], [sflag:$0x2] =	stream.indirect.gather [hbm4b:s0+s15], $0x1, s8, s15, $0xb8;
	[tilespmem:$0x2600] =	vst v63  }
0x44: {  	s7 =	rddreg [dreg:$0x16]  }
0x45: {  	[tilespmem:s21], [sflag:$0x2] =	stream.indirect.gather [hbm4b:s1+s15], $0x1, s8, s15, $0xb8;
	[tilespmem:$0x2600] =	vst v63  }
0x46: {  	s21 =	rddreg [dreg:$0x17]  }
0x47: {  	[tilespmem:s7], [sflag:$0x2] =	stream.indirect.gather [hbm4b:s3+s15], $0x1, s15, s15, $0xb8;
	[tilespmem:$0x2600] =	vst v63  }
0x48: {  	s7 =	rddreg [dreg:$0x18]  }
0x49: {  	[tilespmem:s21], [sflag:$0x2] =	stream.indirect.gather [hbm4b:s4+s15], $0x1, s15, s15, $0xb8;
	[tilespmem:$0x2600] =	vst v63  }
0x4a: {  	s21 =	rddreg [dreg:$0x19]  }
0x4b: {  	[tilespmem:s7], [sflag:$0x2] =	stream.indirect.gather [hbm4b:s5+s15], $0x1, s8, s15, $0xb8;
	[tilespmem:$0x2600] =	vst v63  }
0x4c: {  	s7 =	rddreg [dreg:$0x1a]  }
0x4d: {  	[tilespmem:s21], [sflag:$0x2] =	stream.indirect.gather [hbm4b:s6+s15], $0x1, s15, s15, $0xb8;
	[tilespmem:$0x2600] =	vst v63  }
0x4e: {  	s21 =	rddreg [dreg:$0x1b]  }
0x4f: {  	[tilespmem:s7], [sflag:$0x3] =	stream.indirect.gather [hbm4b:s0+s15], $0x1, s12, s15, $0xb8;
	[tilespmem:$0x2600] =	vst v63  }
0x50: {  	s7 =	rddreg [dreg:$0x1c]  }
0x51: {  	[tilespmem:s21], [sflag:$0x3] =	stream.indirect.gather [hbm4b:s1+s15], $0x1, s12, s15, $0xb8;
	[tilespmem:$0x2600] =	vst v63  }
0x52: {  	s21 =	rddreg [dreg:$0x1d]  }
0x53: {  	[tilespmem:s7], [sflag:$0x3] =	stream.indirect.gather [hbm4b:s3+s15], $0x1, s16, s15, $0xb8;
	[tilespmem:$0x2600] =	vst v63  }
0x54: {  	s7 =	rddreg [dreg:$0x1e]  }
0x55: {  	[tilespmem:s21], [sflag:$0x3] =	stream.indirect.gather [hbm4b:s4+s15], $0x1, s16, s15, $0xb8;
	[tilespmem:$0x2600] =	vst v63  }
0x56: {  	s21 =	rddreg [dreg:$0x1f]  }
0x57: {  	[tilespmem:s7], [sflag:$0x3] =	stream.indirect.gather [hbm4b:s5+s15], $0x1, s12, s15, $0xb8;
	[tilespmem:$0x2600] =	vst v63  }
0x58: {  	s7 =	sld [smem:$0x7F8]  }
0x59: {  	[tilespmem:s21], [sflag:$0x3] =	stream.indirect.gather [hbm4b:s6+s15], $0x1, s16, s15, $0xb8;
	[tilespmem:$0x2600] =	vst v63  }
0x5a: {  	s21 =	sld [smem:$0x7F9]  }
0x5b: {  	[tilespmem:s7], [sflag:$0x4] =	stream.indirect.gather [hbm4b:s0+s15], $0x1, s13, s15, $0xb8;
	[tilespmem:$0x2600] =	vst v63  }
0x5c: {  	s7 =	sld [smem:$0x7FA]  }
0x5d: {  	[tilespmem:s21], [sflag:$0x4] =	stream.indirect.gather [hbm4b:s1+s15], $0x1, s13, s15, $0xb8;
	[tilespmem:$0x2600] =	vst v63  }
0x5e: {  	s21 =	sld [smem:$0x7FB]  }
0x5f: {  	[tilespmem:s7], [sflag:$0x4] =	stream.indirect.gather [hbm4b:s3+s15], $0x1, s17, s15, $0xb8;
	[tilespmem:$0x2600] =	vst v63  }
0x60: {  	s7 =	sld [smem:$0x7FC]  }
0x61: {  	[tilespmem:s21], [sflag:$0x4] =	stream.indirect.gather [hbm4b:s4+s15], $0x1, s17, s15, $0xb8;
	[tilespmem:$0x2600] =	vst v63  }
0x62: {  	s21 =	sld [smem:$0x7FD]  }
0x63: {  	[tilespmem:s7], [sflag:$0x4] =	stream.indirect.gather [hbm4b:s5+s15], $0x1, s13, s15, $0xb8;
	[tilespmem:$0x2600] =	vst v63  }
0x64: {  	_ = 	snop  }
0x65: {  	[tilespmem:s21], [sflag:$0x4] =	stream.indirect.gather [hbm4b:s6+s15], $0x1, s17, s15, $0xb8;
	[tilespmem:$0x2600] =	vst v63  }
0x66: {  	s21 =	simm.s32 $0x1000  }
0x67: {  	[tilespmem:s21], [sflag:$0x5] =	stream.indirect.gather [hbm4b:s0+s15], $0x1, s14, s15, $0xb8;
	[tilespmem:$0x2600] =	vst v63  }
0x68: {  	s20 =	simm.s32 $0x1080  }
0x69: {  	[tilespmem:s20], [sflag:$0x5] =	stream.indirect.gather [hbm4b:s1+s15], $0x1, s14, s15, $0xb8;
	[tilespmem:$0x2600] =	vst v63  }
0x6a: {  	_ = 	snop  }
0x6b: {  	[tilespmem:s22], [sflag:$0x5] =	stream.indirect.gather [hbm4b:s3+s15], $0x1, s18, s15, $0xb8;
	[tilespmem:$0x2600] =	vst v63  }
0x6c: {  	_ = 	snop  }
0x6d: {  	[tilespmem:s23], [sflag:$0x5] =	stream.indirect.gather [hbm4b:s4+s15], $0x1, s18, s15, $0xb8;
	[tilespmem:$0x2600] =	vst v63  }
0x6e: {  	_ = 	snop  }
0x6f: {  	[tilespmem:s24], [sflag:$0x5] =	stream.indirect.gather [hbm4b:s5+s15], $0x1, s14, s15, $0xb8;
	[tilespmem:$0x2600] =	vst v63  }
0x70: {  	_ = 	snop  }
0x71: {  	[tilespmem:s25], [sflag:$0x5] =	stream.indirect.gather [hbm4b:s6+s15], $0x1, s18, s15, $0xb8;
	[tilespmem:$0x2600] =	vst v63  }
0x72: {  	v24 =	vld [tilespmem:$0x1400]  }
0x73: {  	v25 =	vld [tilespmem:$0x1480]  }
0x74: {  	v26 =	vld [tilespmem:$0x1500]  }
0x75: {  	v23 =	vld [tilespmem:$0x1580]  }
0x76: {  	v21 =	vld [tilespmem:$0x1600]  }
0x77: {  	v17 =	vld [tilespmem:$0x1680]  }
0x78: {  	v22 =	vld [tilespmem:$0x1700]  }
0x79: {  	v20 =	vld [tilespmem:$0x1780]  }
0x7a: {  	v15 =	vld [tilespmem:$0x1800]  }
0x7b: {  	v16 =	vld [tilespmem:$0x1880]  }
0x7c: {  	v13 =	vld [tilespmem:$0x1900]  }
0x7d: {  	v14 =	vld [tilespmem:$0x1980]  }
0x7e: {  	v6 =	vld [tilespmem:$0x1A00]  }
0x7f: {  	v7 =	vld [tilespmem:$0x1A80]  }
0x80: {  	v4 =	vld [tilespmem:$0x1B00]  }
0x81: {  	v5 =	vld [tilespmem:$0x1B80]  }
0x82: {  	v28 =	vld [tilespmem:$0x1C00]  }
0x83: {  	v27 =	vld [tilespmem:$0x1C80]  }
0x84: {  	v18 =	vld [tilespmem:$0x1D00]  }
0x85: {  	v19 =	vld [tilespmem:$0x1D80]  }
0x86: {  	v11 =	vld [tilespmem:$0x1E00]  }
0x87: {  	v12 =	vld [tilespmem:$0x1E80]  }
0x88: {  	v8 =	vld [tilespmem:$0x1F00]  }
0x89: {  	v2 =	vld [tilespmem:$0x1F80]  }
0x8a: {  	v9 =	vld [tilespmem:$0x2000]  }
0x8b: {  	v10 =	vld [tilespmem:$0x2080]  }
0x8c: {  	v3 =	vld [tilespmem:$0x2100]  }
0x8d: {  	v1 =	vld [tilespmem:$0x2180]  }
0x8e: {  	v0 =	vld [tilespmem:$0x2200];
	_ =	swait.ge [sflag:s26], $0x80  }
0x8f: {  	[sflag:s26] =	ssyncset.done $0x0  }
0x90: {  	[sflag:s26] =	ssyncadd.s32 $0xFFFFFF80  }
0x91: {  	_ =	swait.ge [sflag:s26], $0x80  }
0x92: {  	[sflag:s26] =	ssyncset.done $0x0  }
0x93: {  	[sflag:s26] =	ssyncadd.s32 $0xFFFFFF80  }
0x94: {  	_ =	swait.ge [sflag:s26], $0x80  }
0x95: {  	[sflag:s26] =	ssyncset.done $0x0  }
0x96: {  	[sflag:s26] =	ssyncadd.s32 $0xFFFFFF80  }
0x97: {  	_ =	swait.ge [sflag:s26], $0x80  }
0x98: {  	[sflag:s26] =	ssyncset.done $0x0  }
0x99: {  	[sflag:s26] =	ssyncadd.s32 $0xFFFFFF80  }
0x9a: {  	_ =	swait.ge [sflag:s26], $0x80  }
0x9b: {  	[sflag:s26] =	ssyncset.done $0x0  }
0x9c: {  	[sflag:s26] =	ssyncadd.s32 $0xFFFFFF80  }
0x9d: {  	_ =	swait.ge [sflag:s26], $0x80  }
0x9e: {  	[sflag:s26] =	ssyncset.done $0x0  }
0x9f: {  	[sflag:s26] =	ssyncadd.s32 $0xFFFFFF80  }
0xa0: {  	v29 =	vld [tilespmem:$0x600]  }
0xa1: {  	v30 =	vld [tilespmem:$0x680];
	_ =	sdelay $0x4  }
0xa2: {  	v31 =	vmul.f32 v29, v24;
	v32 =	vmul.f32 v30, v25  }
0xa3: {  	v29 =	vmul.f32 v29, v26;
	v30 =	vmul.f32 v30, v23;
	_ =	sdelay $0x1  }
0xa4: {  	v31 =	vadd.f32 v32, v31;
	v29 =	vadd.f32 v30, v29;
	_ =	sdelay $0x1  }
0xa5: {  	v38 =	vadd.f32 v31, v28;
	v29 =	vadd.f32 v29, v27;
	_ =	sdelay $0x1  }
0xa6: {  	v30 =	vmax.f32 v38, $0.0e+00;
	v29 =	vmax.f32 v29, $0.0e+00  }
0xa7: {  	v39 =	vmul.f32 v30, v21;
	v40 =	vmul.f32 v29, v17  }
0xa8: {  	v43 =	vld [tilespmem:$0x690];
	v30 =	vmul.f32 v30, v22;
	v29 =	vmul.f32 v29, v20  }
0xa9: {  	v42 =	vld [tilespmem:$0x610]  }
0xaa: {  	v31 =	vadd.f32 v40, v39;
	v29 =	vadd.f32 v29, v30;
	_ =	sdelay $0x1  }
0xab: {  	v35 =	vld [tilespmem:$0x400];
	v41 =	vadd.f32 v31, v18;
	v29 =	vadd.f32 v29, v19  }
0xac: {  	v36 =	vld [tilespmem:$0x500];
	v32 =	vmul.f32 v43, v23  }
0xad: {  	v46 =	vld [tilespmem:$0x480];
	v31 =	vmul.f32 v42, v26;
	v30 =	vmax.f32 v41, $0.0e+00;
	v29 =	vmax.f32 v29, $0.0e+00  }
0xae: {  	v48 =	vld [tilespmem:$0x580];
	v33 =	vmul.f32 v30, v15;
	v34 =	vmul.f32 v29, v16  }
0xaf: {  	v31 =	vadd.f32 v32, v31;
	v30 =	vmul.f32 v30, v13;
	v29 =	vmul.f32 v29, v14  }
0xb0: {  	v44 =	vmul.f32 v42, v24;
	v45 =	vmul.f32 v43, v25;
	v33 =	vadd.f32 v34, v33  }
0xb1: {  	v31 =	vadd.f32 v31, v27;
	v29 =	vadd.f32 v29, v30  }
0xb2: {  	v30 =	vadd.f32 v45, v44;
	v33 =	vadd.f32 v33, v11  }
0xb3: {  	v47 =	vmul.f32 v36, v35;
	v32 =	vmul.f32 v48, v46;
	v29 =	vadd.f32 v29, v12  }
0xb4: {  	v31 =	vmax.f32 v31, $0.0e+00;
	v30 =	vadd.f32 v30, v28;
	v33 =	vmax.f32 v33, $0.0e+00  }
0xb5: {  	v38 =	vmul.f32 v31, v17;
	v29 =	vmax.f32 v29, $0.0e+00;
	v49 =	vmul.f32 v33, v6  }
0xb6: {  	v30 =	vmax.f32 v30, $0.0e+00;
	v37 =	vmul.f32 v29, v7;
	v33 =	vmul.f32 v33, v4  }
0xb7: {  	v29 =	vmul.f32 v29, v5;
	v50 =	vmul.f32 v30, v21  }
0xb8: {  	v31 =	vmul.f32 v31, v20;
	v30 =	vmul.f32 v30, v22;
	v36 =	vadd.f32 v37, v49  }
0xb9: {  	v53 =	vmul.f32 v47, v9;
	v29 =	vadd.f32 v29, v33;
	v52 =	vadd.f32 v38, v50  }
0xba: {  	v59 =	vld [tilespmem:$0x620];
	v32 =	vmul.f32 v32, v10;
	v30 =	vadd.f32 v31, v30;
	v51 =	vadd.f32 v36, v8  }
0xbb: {  	v60 =	vld [tilespmem:$0x6A0];
	v29 =	vadd.f32 v29, v2;
	v33 =	vadd.f32 v52, v18  }
0xbc: {  	v61 =	vld [tilespmem:$0x410];
	v31 =	vadd.f32 v32, v53;
	v30 =	vadd.f32 v30, v19  }
0xbd: {  	v63 =	vld [tilespmem:$0x510];
	v54 =	vmax.f32 v51, $0.0e+00;
	v29 =	vmax.f32 v29, $0.0e+00;
	v33 =	vmax.f32 v33, $0.0e+00  }
0xbe: {  	v62 =	vld [tilespmem:$0x490];
	v30 =	vmax.f32 v30, $0.0e+00;
	v55 =	vmul.f32 v54, v3;
	v29 =	vmul.f32 v29, v1  }
0xbf: {  	v39 =	vld [tilespmem:$0x590];
	v56 =	vmul.f32 v33, v15;
	v57 =	vmul.f32 v30, v16  }
0xc0: {  	v33 =	vmul.f32 v33, v13;
	v30 =	vmul.f32 v30, v14;
	v31 =	vadd.f32 v55, v31  }
0xc1: {  	v40 =	vmul.f32 v60, v25;
	v58 =	vadd.f32 v57, v56  }
0xc2: {  	v46 =	vmul.f32 v63, v61;
	v30 =	vadd.f32 v30, v33;
	v29 =	vadd.f32 v31, v29  }
0xc3: {  	v32 =	vmul.f32 v59, v26;
	v33 =	vmul.f32 v60, v23;
	v31 =	vadd.f32 v58, v11  }
0xc4: {  	v47 =	vmul.f32 v39, v62;
	v30 =	vadd.f32 v30, v12;
	v29 =	vadd.f32 v29, v0  }
0xc5: {  	v44 =	vmul.f32 v59, v24;
	v32 =	vadd.f32 v33, v32;
	v31 =	vmax.f32 v31, $0.0e+00  }
0xc6: {  	v30 =	vmax.f32 v30, $0.0e+00;
	v42 =	vmul.f32 v31, v6;
	v29 =	vsub.f32 $0.0e+00, v29  }
0xc7: {  	v32 =	vadd.f32 v32, v27;
	v43 =	vmul.f32 v30, v7;
	v31 =	vmul.f32 v31, v4  }
0xc8: {  	v45 =	vadd.f32 v40, v44;
	v30 =	vmul.f32 v30, v5;
	v29 =	vmul.f32 $1.442695020e+00, v29  }
0xc9: {  	v34 =	vmul.f32 v47, v10;
	v32 =	vmax.f32 v32, $0.0e+00;
	v37 =	vadd.f32 v43, v42  }
0xca: {  	v30 =	vadd.f32 v30, v31;
	(erf) = vpow2.f32 v29;
	v29 =	vadd.f32 v45, v28  }
0xcb: {  	v55 =	vld [tilespmem:$0x6B0];
	v33 =	vmul.f32 v46, v9;
	v50 =	vmul.f32 v32, v17;
	v37 =	vadd.f32 v37, v8  }
0xcc: {  	v53 =	vld [tilespmem:$0x630];
	v32 =	vmul.f32 v32, v20;
	v30 =	vadd.f32 v30, v2;
	v29 =	vmax.f32 v29, $0.0e+00  }
0xcd: {  	v48 =	vmax.f32 v37, $0.0e+00;
	v49 =	vmul.f32 v29, v21;
	v29 =	vmul.f32 v29, v22  }
0xce: {  	v33 =	vadd.f32 v34, v33;
	v31 =	vmul.f32 v48, v3  }
0xcf: {  	v30 =	vmax.f32 v30, $0.0e+00;
	v51 =	vadd.f32 v50, v49;
	v29 =	vadd.f32 v32, v29  }
0xd0: {  	v56 =	vld [tilespmem:$0x420];
	v34 =	vmul.f32 v55, v23;
	v30 =	vmul.f32 v30, v1;
	v31 =	vadd.f32 v31, v33  }
0xd1: {  	v57 =	vld [tilespmem:$0x520];
	v32 =	vmul.f32 v53, v26;
	v52 =	vadd.f32 v51, v18;
	v29 =	vadd.f32 v29, v19  }
0xd2: {  	v62 =	vmul.f32 v53, v24;
	v63 =	vmul.f32 v55, v25;
	v48 =	vld [tilespmem:$0x640];
	v30 =	vadd.f32 v31, v30  }
0xd3: {  	v32 =	vadd.f32 v34, v32;
	v31 =	vmax.f32 v52, $0.0e+00;
	v29 =	vmax.f32 v29, $0.0e+00  }
0xd4: {  	v30 =	vadd.f32 v30, v0;
	v58 =	vmul.f32 v31, v15;
	v59 =	vmul.f32 v29, v16  }
0xd5: {  	v54 =	vpop (erf);
	v32 =	vadd.f32 v32, v27;
	v31 =	vmul.f32 v31, v13;
	v29 =	vmul.f32 v29, v14  }
0xd6: {  	v40 =	vmul.f32 v57, v56;
	v33 =	vadd.f32 $1.000000000e+00, v54;
	v30 =	vsub.f32 $0.0e+00, v30  }
0xd7: {  	v56 =	vmul.f32 v48, v24;
	v37 =	vadd.f32 v59, v58;
	v29 =	vadd.f32 v29, v31  }
0xd8: {  	v32 =	vmax.f32 v32, $0.0e+00;
	(erf) = vrcp.f32 v33;
	v31 =	vadd.f32 v63, v62  }
0xd9: {  	v61 =	vld [tilespmem:$0x5A0];
	v30 =	vmul.f32 $1.442695020e+00, v30;
	v37 =	vadd.f32 v37, v11;
	v29 =	vadd.f32 v29, v12  }
0xda: {  	v60 =	vld [tilespmem:$0x4A0];
	v45 =	vmul.f32 v32, v17;
	v32 =	vmul.f32 v32, v20  }
0xdb: {  	v31 =	vadd.f32 v31, v28;
	v41 =	vmax.f32 v37, $0.0e+00;
	v29 =	vmax.f32 v29, $0.0e+00  }
0xdc: {  	v42 =	vmul.f32 v41, v6;
	v43 =	vmul.f32 v29, v7  }
0xdd: {  	v50 =	vld [tilespmem:$0x6C0];
	v31 =	vmax.f32 v31, $0.0e+00;
	v35 =	vmul.f32 v41, v4;
	v29 =	vmul.f32 v29, v5  }
0xde: {  	v44 =	vmul.f32 v31, v21;
	v31 =	vmul.f32 v31, v22  }
0xdf: {  	v33 =	vmul.f32 v61, v60;
	v34 =	vadd.f32 v43, v42;
	v29 =	vadd.f32 v29, v35  }
0xe0: {  	(erf) = vpow2.f32 v30;
	v35 =	vadd.f32 v45, v44;
	v31 =	vadd.f32 v32, v31  }
0xe1: {  	v30 =	vmul.f32 v40, v9;
	v33 =	vmul.f32 v33, v10;
	v34 =	vadd.f32 v34, v8  }
0xe2: {  	v57 =	vmul.f32 v50, v25;
	v47 =	vadd.f32 v35, v18;
	v31 =	vadd.f32 v31, v19  }
0xe3: {  	v55 =	vld [tilespmem:$0x530];
	v30 =	vadd.f32 v33, v30;
	v29 =	vadd.f32 v29, v2;
	v34 =	vmax.f32 v34, $0.0e+00  }
0xe4: {  	v54 =	vld [tilespmem:$0x430];
	v33 =	vmax.f32 v47, $0.0e+00;
	v31 =	vmax.f32 v31, $0.0e+00;
	v46 =	vmul.f32 v34, v3  }
0xe5: {  	v58 =	vld [tilespmem:$0x4B0];
	v29 =	vmax.f32 v29, $0.0e+00;
	v52 =	vmul.f32 v33, v15;
	v53 =	vmul.f32 v31, v16  }
0xe6: {  	v60 =	vld [tilespmem:$0x5B0];
	v33 =	vmul.f32 v33, v13;
	v31 =	vmul.f32 v31, v14  }
0xe7: {  	v35 =	vmul.f32 v50, v23;
	v34 =	vmul.f32 v48, v26;
	v30 =	vadd.f32 v46, v30  }
0xe8: {  	v49 =	vmul.f32 v29, v1;
	v29 =	vpop (erf);
	v32 =	vadd.f32 v53, v52;
	v31 =	vadd.f32 v31, v33  }
0xe9: {  	v33 =	vadd.f32 v57, v56;
	v34 =	vadd.f32 v35, v34;
	v51 =	vpop (erf)  }
0xea: {  	v59 =	vmul.f32 v55, v54;
	v30 =	vadd.f32 v30, v49;
	v36 =	vadd.f32 $1.000000000e+00, v51  }
0xeb: {  	v35 =	vmul.f32 v60, v58;
	v32 =	vadd.f32 v32, v11;
	v31 =	vadd.f32 v31, v12  }
0xec: {  	v48 =	vmul.f32 v59, v9;
	v33 =	vadd.f32 v33, v28;
	v34 =	vadd.f32 v34, v27  }
0xed: {  	v57 =	vld [tilespmem:$0x6D0];
	v49 =	vmul.f32 v35, v10;
	v30 =	vadd.f32 v30, v0;
	v32 =	vmax.f32 v32, $0.0e+00  }
0xee: {  	(erf) = vrcp.f32 v36;
	v31 =	vmax.f32 v31, $0.0e+00;
	v61 =	vmul.f32 v32, v6  }
0xef: {  	v55 =	vld [tilespmem:$0x650];
	v33 =	vmax.f32 v33, $0.0e+00;
	v62 =	vmul.f32 v31, v7;
	v32 =	vmul.f32 v32, v4  }
0xf0: {  	v58 =	vld [tilespmem:$0x440];
	v34 =	vmax.f32 v34, $0.0e+00;
	v31 =	vmul.f32 v31, v5;
	v63 =	vmul.f32 v33, v21  }
0xf1: {  	v60 =	vld [tilespmem:$0x540];
	v44 =	vmul.f32 v34, v17;
	v33 =	vmul.f32 v33, v22  }
0xf2: {  	v34 =	vmul.f32 v34, v20;
	v42 =	vmul.f32 v57, v25;
	v30 =	vsub.f32 $0.0e+00, v30  }
0xf3: {  	v36 =	vmul.f32 v57, v23;
	v38 =	vadd.f32 v62, v61;
	v31 =	vadd.f32 v31, v32  }
0xf4: {  	v46 =	vadd.f32 v44, v63;
	v47 =	vadd.f32 v34, v33;
	v30 =	vmul.f32 $1.442695020e+00, v30  }
0xf5: {  	v33 =	vadd.f32 v49, v48;
	v34 =	vmul.f32 v55, v26;
	v45 =	vadd.f32 v38, v8  }
0xf6: {  	v44 =	vmul.f32 v60, v58;
	v32 =	vadd.f32 v47, v19;
	(erf) = vpow2.f32 v30  }
0xf7: {  	v31 =	vadd.f32 v31, v2;
	v30 =	vadd.f32 v46, v18;
	v50 =	vmax.f32 v45, $0.0e+00  }
0xf8: {  	v34 =	vadd.f32 v36, v34;
	v32 =	vmax.f32 v32, $0.0e+00;
	v51 =	vmul.f32 v50, v3  }
0xf9: {  	v30 =	vmax.f32 v30, $0.0e+00;
	v53 =	vmul.f32 v32, v16;
	v32 =	vmul.f32 v32, v14  }
0xfa: {  	v31 =	vmax.f32 v31, $0.0e+00;
	v50 =	vld [tilespmem:$0x660];
	v52 =	vmul.f32 v30, v15;
	v30 =	vmul.f32 v30, v13  }
0xfb: {  	v34 =	vadd.f32 v34, v27;
	v31 =	vmul.f32 v31, v1;
	v33 =	vadd.f32 v51, v33  }
0xfc: {  	v63 =	vmul.f32 v55, v24;
	v54 =	vadd.f32 v53, v52;
	v32 =	vadd.f32 v32, v30  }
0xfd: {  	v36 =	vmul.f32 v44, v9;
	v34 =	vmax.f32 v34, $0.0e+00;
	v31 =	vadd.f32 v33, v31  }
0xfe: {  	v59 =	vld [tilespmem:$0x4C0];
	v47 =	vmul.f32 v34, v17;
	v30 =	vpop (erf);
	v33 =	vadd.f32 v54, v11;
	v32 =	vadd.f32 v32, v12  }
0xff: {  	v62 =	vld [tilespmem:$0x5C0];
	v34 =	vmul.f32 v34, v20;
	v58 =	vmul.f32 v50, v24;
	v31 =	vadd.f32 v31, v0;
	v56 =	vpop (erf)  }
0x100: {  	v51 =	vld [tilespmem:$0x6E0];
	v33 =	vmax.f32 v33, $0.0e+00;
	v32 =	vmax.f32 v32, $0.0e+00;
	v35 =	vadd.f32 $1.000000000e+00, v56  }
0x101: {  	v57 =	vld [tilespmem:$0x550];
	v31 =	vsub.f32 $0.0e+00, v31;
	v61 =	vmul.f32 v33, v6;
	v41 =	vmul.f32 v32, v7  }
0x102: {  	v33 =	vmul.f32 v33, v4;
	v32 =	vmul.f32 v32, v5;
	v56 =	vld [tilespmem:$0x450]  }
0x103: {  	v43 =	vadd.f32 v42, v63;
	(erf) = vrcp.f32 v35;
	v31 =	vmul.f32 $1.442695020e+00, v31  }
0x104: {  	v40 =	vadd.f32 v41, v61;
	v35 =	vmul.f32 v62, v59;
	v32 =	vadd.f32 v32, v33  }
0x105: {  	v59 =	vmul.f32 v51, v25;
	(erf) = vpow2.f32 v31;
	v31 =	vadd.f32 v43, v28  }
0x106: {  	v40 =	vadd.f32 v40, v8;
	v32 =	vadd.f32 v32, v2;
	v35 =	vmul.f32 v35, v10  }
0x107: {  	v60 =	vadd.f32 v59, v58;
	v62 =	vmul.f32 v57, v56;
	v31 =	vmax.f32 v31, $0.0e+00  }
0x108: {  	v63 =	vld [tilespmem:$0x5D0];
	v45 =	vmax.f32 v40, $0.0e+00;
	v46 =	vmul.f32 v31, v21;
	v31 =	vmul.f32 v31, v22  }
0x109: {  	v61 =	vld [tilespmem:$0x4D0];
	v35 =	vadd.f32 v35, v36;
	v32 =	vmax.f32 v32, $0.0e+00;
	v33 =	vmul.f32 v45, v3  }
0x10a: {  	v32 =	vmul.f32 v32, v1;
	v48 =	vadd.f32 v47, v46;
	v31 =	vadd.f32 v34, v31  }
0x10b: {  	v33 =	vadd.f32 v33, v35;
	v34 =	vmul.f32 v50, v26;
	v35 =	vmul.f32 v51, v23  }
0x10c: {  	v49 =	vadd.f32 v48, v18;
	v31 =	vadd.f32 v31, v19  }
0x10d: {  	v50 =	vmul.f32 v62, v9;
	v32 =	vadd.f32 v33, v32;
	v34 =	vadd.f32 v35, v34  }
0x10e: {  	v35 =	vmul.f32 v63, v61;
	v33 =	vmax.f32 v49, $0.0e+00;
	v52 =	vmax.f32 v31, $0.0e+00  }
0x10f: {  	v32 =	vadd.f32 v32, v0;
	v53 =	vmul.f32 v33, v15;
	v54 =	vmul.f32 v52, v16  }
0x110: {  	v34 =	vadd.f32 v34, v27;
	v33 =	vmul.f32 v33, v13;
	v36 =	vmul.f32 v52, v14;
	v52 =	vld [tilespmem:$0x670];
	v31 =	vpop (erf)  }
0x111: {  	v35 =	vmul.f32 v35, v10;
	v32 =	vsub.f32 $0.0e+00, v32;
	v55 =	vpop (erf);
	v37 =	vadd.f32 v54, v53  }
0x112: {  	v34 =	vmax.f32 v34, $0.0e+00;
	v33 =	vadd.f32 v36, v33;
	v39 =	vadd.f32 $1.000000000e+00, v55  }
0x113: {  	v47 =	vmul.f32 v34, v17;
	v54 =	vld [tilespmem:$0x6F0];
	v32 =	vmul.f32 $1.442695020e+00, v32;
	v37 =	vadd.f32 v37, v11  }
0x114: {  	v34 =	vmul.f32 v34, v20;
	v33 =	vadd.f32 v33, v12;
	(erf) = vrcp.f32 v39  }
0x115: {  	v38 =	vmul.f32 v52, v26;
	(erf) = vpow2.f32 v32;
	v37 =	vmax.f32 v37, $0.0e+00  }
0x116: {  	v33 =	vmax.f32 v33, $0.0e+00;
	v32 =	vadd.f32 v60, v28;
	v44 =	vmul.f32 v37, v6  }
0x117: {  	v45 =	vmul.f32 v33, v7;
	v37 =	vmul.f32 v37, v4  }
0x118: {  	v61 =	vld [tilespmem:$0x460];
	v33 =	vmul.f32 v33, v5;
	v36 =	vmul.f32 v54, v23;
	v32 =	vmax.f32 v32, $0.0e+00  }
0x119: {  	v63 =	vld [tilespmem:$0x560];
	v59 =	vmul.f32 v52, v24;
	v39 =	vadd.f32 v45, v44;
	v46 =	vmul.f32 v32, v21  }
0x11a: {  	v32 =	vmul.f32 v32, v22;
	v33 =	vadd.f32 v33, v37;
	v36 =	vadd.f32 v36, v38  }
0x11b: {  	v60 =	vmul.f32 v54, v25;
	v48 =	vadd.f32 v39, v8;
	v49 =	vadd.f32 v47, v46  }
0x11c: {  	v32 =	vadd.f32 v34, v32;
	v33 =	vadd.f32 v33, v2  }
0x11d: {  	v34 =	vadd.f32 v35, v50;
	v35 =	vadd.f32 v60, v59  }
0x11e: {  	v36 =	vadd.f32 v36, v27;
	v50 =	vmul.f32 v63, v61;
	v51 =	vmax.f32 v48, $0.0e+00  }
0x11f: {  	v37 =	vadd.f32 v49, v18;
	v32 =	vadd.f32 v32, v19;
	v33 =	vmax.f32 v33, $0.0e+00  }
0x120: {  	v36 =	vmax.f32 v36, $0.0e+00;
	v53 =	vmul.f32 v51, v3;
	v33 =	vmul.f32 v33, v1  }
0x121: {  	v43 =	vld [tilespmem:$0x5E0];
	v44 =	vmul.f32 v36, v17;
	v37 =	vmax.f32 v37, $0.0e+00;
	v32 =	vmax.f32 v32, $0.0e+00  }
0x122: {  	v62 =	vld [tilespmem:$0x4E0];
	v35 =	vadd.f32 v35, v28;
	v39 =	vpop (erf);
	v56 =	vmul.f32 v37, v15;
	v57 =	vmul.f32 v32, v16  }
0x123: {  	v55 =	vpop (erf);
	v34 =	vadd.f32 v53, v34;
	v37 =	vmul.f32 v37, v13;
	v32 =	vmul.f32 v32, v14  }
0x124: {  	v36 =	vmul.f32 v36, v20;
	v40 =	vadd.f32 $1.000000000e+00, v55;
	v58 =	vadd.f32 v57, v56  }
0x125: {  	v35 =	vmax.f32 v35, $0.0e+00;
	v33 =	vadd.f32 v34, v33;
	v32 =	vadd.f32 v32, v37  }
0x126: {  	v48 =	vmul.f32 v35, v21;
	v35 =	vmul.f32 v35, v22;
	v34 =	vadd.f32 v58, v11  }
0x127: {  	v51 =	vmul.f32 v43, v62;
	v33 =	vadd.f32 v33, v0;
	v32 =	vadd.f32 v32, v12  }
0x128: {  	(erf) = vrcp.f32 v40;
	v35 =	vadd.f32 v36, v35;
	v34 =	vmax.f32 v34, $0.0e+00  }
0x129: {  	v33 =	vsub.f32 $0.0e+00, v33;
	v32 =	vmax.f32 v32, $0.0e+00;
	v46 =	vmul.f32 v34, v6  }
0x12a: {  	v35 =	vadd.f32 v35, v19;
	v47 =	vmul.f32 v32, v7;
	v34 =	vmul.f32 v34, v4  }
0x12b: {  	v49 =	vadd.f32 v44, v48;
	v32 =	vmul.f32 v32, v5;
	v33 =	vmul.f32 $1.442695020e+00, v33  }
0x12c: {  	v36 =	vmul.f32 v50, v9;
	v35 =	vmax.f32 v35, $0.0e+00;
	v41 =	vadd.f32 v47, v46  }
0x12d: {  	v32 =	vadd.f32 v32, v34;
	(erf) = vpow2.f32 v33;
	v33 =	vadd.f32 v49, v18  }
0x12e: {  	v37 =	vmul.f32 v51, v10;
	v54 =	vmul.f32 v35, v16;
	v41 =	vadd.f32 v41, v8  }
0x12f: {  	v35 =	vmul.f32 v35, v14;
	v32 =	vadd.f32 v32, v2;
	v33 =	vmax.f32 v33, $0.0e+00  }
0x130: {  	v52 =	vmax.f32 v41, $0.0e+00;
	v53 =	vmul.f32 v33, v15;
	v33 =	vmul.f32 v33, v13  }
0x131: {  	v36 =	vadd.f32 v37, v36;
	v34 =	vmul.f32 v52, v3  }
0x132: {  	v59 =	vld [tilespmem:$0x570];
	v32 =	vmax.f32 v32, $0.0e+00;
	v37 =	vadd.f32 v54, v53;
	v33 =	vadd.f32 v35, v33  }
0x133: {  	v55 =	vld [tilespmem:$0x470];
	v32 =	vmul.f32 v32, v1;
	v34 =	vadd.f32 v34, v36  }
0x134: {  	v60 =	vld [tilespmem:$0x5F0];
	v37 =	vadd.f32 v37, v11;
	v33 =	vadd.f32 v33, v12  }
0x135: {  	v57 =	vld [tilespmem:$0x4F0];
	v32 =	vadd.f32 v34, v32  }
0x136: {  	v56 =	vpop (erf);
	v37 =	vmax.f32 v37, $0.0e+00;
	v33 =	vmax.f32 v33, $0.0e+00  }
0x137: {  	v58 =	vpop (erf);
	v32 =	vadd.f32 v32, v0;
	v61 =	vmul.f32 v37, v6;
	v62 =	vmul.f32 v33, v7  }
0x138: {  	v36 =	vmul.f32 v59, v55;
	v38 =	vadd.f32 $1.000000000e+00, v58;
	v37 =	vmul.f32 v37, v4  }
0x139: {  	v33 =	vmul.f32 v33, v5;
	v32 =	vsub.f32 $0.0e+00, v32;
	v63 =	vadd.f32 v62, v61  }
0x13a: {  	v34 =	vmul.f32 v60, v57;
	(erf) = vrcp.f32 v38  }
0x13b: {  	v33 =	vadd.f32 v33, v37;
	v32 =	vmul.f32 $1.442695020e+00, v32;
	v38 =	vadd.f32 v63, v8  }
0x13c: {  	v36 =	vmul.f32 v36, v9;
	v34 =	vmul.f32 v34, v10  }
0x13d: {  	v33 =	vadd.f32 v33, v2;
	(erf) = vpow2.f32 v32;
	v41 =	vmax.f32 v38, $0.0e+00  }
0x13e: {  	v34 =	vadd.f32 v34, v36;
	v32 =	vmul.f32 v41, v3  }
0x13f: {  	v33 =	vmax.f32 v33, $0.0e+00  }
0x140: {  	v33 =	vmul.f32 v33, v1;
	v32 =	vadd.f32 v32, v34;
	_ =	sdelay $0x1  }
0x141: {  	v32 =	vadd.f32 v32, v33;
	_ =	sdelay $0x1  }
0x142: {  	v32 =	vadd.f32 v32, v0  }
0x143: {  	v42 =	vpop (erf)  }
0x144: {  	v43 =	vpop (erf);
	v32 =	vsub.f32 $0.0e+00, v32  }
0x145: {  	v34 =	vadd.f32 $1.000000000e+00, v43  }
0x146: {  	v32 =	vmul.f32 $1.442695020e+00, v32  }
0x147: {  	(erf) = vrcp.f32 v34  }
0x148: {  	(erf) = vpow2.f32 v32;
	_ =	sdelay $0x7  }
0x149: {  	v44 =	vpop (erf)  }
0x14a: {  	v45 =	vpop (erf)  }
0x14b: {  	v34 =	vadd.f32 $1.000000000e+00, v45;
	_ =	sdelay $0x1  }
0x14c: {  	(erf) = vrcp.f32 v34;
	_ =	sdelay $0x2  }
0x14d: {  	[tilespmem:$0x2400] =	vst v29  }
0x14e: {  	[tilespmem:$0x2410] =	vst v30  }
0x14f: {  	[tilespmem:$0x2420] =	vst v31  }
0x150: {  	[tilespmem:$0x2430] =	vst v39  }
0x151: {  	[tilespmem:$0x2440] =	vst v56  }
0x152: {  	[tilespmem:$0x2450] =	vst v42  }
0x153: {  	[tilespmem:$0x2460] =	vst v44;
	v46 =	vpop (erf)  }
0x154: {  	[tilespmem:$0x2470] =	vst v46  }
0x155: {  	_ =	swait.ge [sflag:s28], $0x80  }
0x156: {  	[sflag:s28] =	ssyncset.done $0x0  }
0x157: {  	[sflag:s28] =	ssyncadd.s32 $0xFFFFFF80  }
0x158: {  	_ =	swait.ge [sflag:s28], $0x80  }
0x159: {  	[sflag:s28] =	ssyncset.done $0x0  }
0x15a: {  	[sflag:s28] =	ssyncadd.s32 $0xFFFFFF80  }
0x15b: {  	_ =	swait.ge [sflag:s28], $0x80  }
0x15c: {  	[sflag:s28] =	ssyncset.done $0x0  }
0x15d: {  	[sflag:s28] =	ssyncadd.s32 $0xFFFFFF80  }
0x15e: {  	_ =	swait.ge [sflag:s28], $0x80  }
0x15f: {  	[sflag:s28] =	ssyncset.done $0x0  }
0x160: {  	[sflag:s28] =	ssyncadd.s32 $0xFFFFFF80  }
0x161: {  	_ =	swait.ge [sflag:s28], $0x80  }
0x162: {  	[sflag:s28] =	ssyncset.done $0x0  }
0x163: {  	[sflag:s28] =	ssyncadd.s32 $0xFFFFFF80  }
0x164: {  	_ =	swait.ge [sflag:s28], $0x80  }
0x165: {  	[sflag:s28] =	ssyncset.done $0x0  }
0x166: {  	[sflag:s28] =	ssyncadd.s32 $0xFFFFFF80  }
0x167: {  	v47 =	vld [tilespmem:$0xA00]  }
0x168: {  	v48 =	vld [tilespmem:$0xA80];
	_ =	sdelay $0x4  }
0x169: {  	v49 =	vmul.f32 v47, v24;
	v50 =	vmul.f32 v48, v25  }
0x16a: {  	v29 =	vmul.f32 v47, v26;
	v30 =	vmul.f32 v48, v23;
	_ =	sdelay $0x1  }
0x16b: {  	v31 =	vadd.f32 v50, v49;
	v29 =	vadd.f32 v30, v29;
	_ =	sdelay $0x1  }
0x16c: {  	v51 =	vadd.f32 v31, v28;
	v29 =	vadd.f32 v29, v27;
	_ =	sdelay $0x1  }
0x16d: {  	v30 =	vmax.f32 v51, $0.0e+00;
	v29 =	vmax.f32 v29, $0.0e+00  }
0x16e: {  	v52 =	vmul.f32 v30, v21;
	v53 =	vmul.f32 v29, v17  }
0x16f: {  	v56 =	vld [tilespmem:$0xA90];
	v30 =	vmul.f32 v30, v22;
	v29 =	vmul.f32 v29, v20  }
0x170: {  	v55 =	vld [tilespmem:$0xA10]  }
0x171: {  	v31 =	vadd.f32 v53, v52;
	v29 =	vadd.f32 v29, v30;
	_ =	sdelay $0x1  }
0x172: {  	v59 =	vld [tilespmem:$0x800];
	v54 =	vadd.f32 v31, v18;
	v29 =	vadd.f32 v29, v19  }
0x173: {  	v60 =	vld [tilespmem:$0x900];
	v32 =	vmul.f32 v56, v23  }
0x174: {  	v63 =	vld [tilespmem:$0x880];
	v31 =	vmul.f32 v55, v26;
	v30 =	vmax.f32 v54, $0.0e+00;
	v29 =	vmax.f32 v29, $0.0e+00  }
0x175: {  	v41 =	vld [tilespmem:$0x980];
	v57 =	vmul.f32 v30, v15;
	v58 =	vmul.f32 v29, v16  }
0x176: {  	v31 =	vadd.f32 v32, v31;
	v30 =	vmul.f32 v30, v13;
	v29 =	vmul.f32 v29, v14  }
0x177: {  	v61 =	vmul.f32 v55, v24;
	v62 =	vmul.f32 v56, v25;
	v33 =	vadd.f32 v58, v57  }
0x178: {  	v31 =	vadd.f32 v31, v27;
	v29 =	vadd.f32 v29, v30  }
0x179: {  	v30 =	vadd.f32 v62, v61;
	v33 =	vadd.f32 v33, v11  }
0x17a: {  	v40 =	vmul.f32 v60, v59;
	v32 =	vmul.f32 v41, v63;
	v29 =	vadd.f32 v29, v12  }
0x17b: {  	v31 =	vmax.f32 v31, $0.0e+00;
	v30 =	vadd.f32 v30, v28;
	v33 =	vmax.f32 v33, $0.0e+00  }
0x17c: {  	v45 =	vmul.f32 v31, v17;
	v29 =	vmax.f32 v29, $0.0e+00;
	v42 =	vmul.f32 v33, v6  }
0x17d: {  	v30 =	vmax.f32 v30, $0.0e+00;
	v43 =	vmul.f32 v29, v7;
	v33 =	vmul.f32 v33, v4  }
0x17e: {  	v29 =	vmul.f32 v29, v5;
	v44 =	vmul.f32 v30, v21  }
0x17f: {  	v31 =	vmul.f32 v31, v20;
	v30 =	vmul.f32 v30, v22;
	v36 =	vadd.f32 v43, v42  }
0x180: {  	v48 =	vmul.f32 v40, v9;
	v29 =	vadd.f32 v29, v33;
	v47 =	vadd.f32 v45, v44  }
0x181: {  	v32 =	vmul.f32 v32, v10;
	v30 =	vadd.f32 v31, v30;
	v46 =	vadd.f32 v36, v8  }
0x182: {  	v56 =	vld [tilespmem:$0x810];
	v29 =	vadd.f32 v29, v2;
	v33 =	vadd.f32 v47, v18  }
0x183: {  	v55 =	vld [tilespmem:$0xAA0];
	v31 =	vadd.f32 v32, v48;
	v30 =	vadd.f32 v30, v19  }
0x184: {  	v54 =	vld [tilespmem:$0xA20];
	v49 =	vmax.f32 v46, $0.0e+00;
	v29 =	vmax.f32 v29, $0.0e+00;
	v33 =	vmax.f32 v33, $0.0e+00  }
0x185: {  	v57 =	vld [tilespmem:$0x890];
	v30 =	vmax.f32 v30, $0.0e+00;
	v50 =	vmul.f32 v49, v3;
	v29 =	vmul.f32 v29, v1  }
0x186: {  	v58 =	vld [tilespmem:$0x910];
	v51 =	vmul.f32 v33, v15;
	v52 =	vmul.f32 v30, v16  }
0x187: {  	v61 =	vld [tilespmem:$0x990];
	v33 =	vmul.f32 v33, v13;
	v30 =	vmul.f32 v30, v14;
	v31 =	vadd.f32 v50, v31  }
0x188: {  	v63 =	vmul.f32 v55, v25;
	v53 =	vadd.f32 v52, v51  }
0x189: {  	v62 =	vmul.f32 v54, v24;
	v30 =	vadd.f32 v30, v33;
	v29 =	vadd.f32 v31, v29  }
0x18a: {  	v32 =	vmul.f32 v54, v26;
	v33 =	vmul.f32 v55, v23;
	v31 =	vadd.f32 v53, v11  }
0x18b: {  	v45 =	vmul.f32 v58, v56;
	v30 =	vadd.f32 v30, v12;
	v29 =	vadd.f32 v29, v0  }
0x18c: {  	v46 =	vmul.f32 v61, v57;
	v32 =	vadd.f32 v33, v32;
	v31 =	vmax.f32 v31, $0.0e+00  }
0x18d: {  	v30 =	vmax.f32 v30, $0.0e+00;
	v59 =	vmul.f32 v31, v6;
	v29 =	vsub.f32 $0.0e+00, v29  }
0x18e: {  	v32 =	vadd.f32 v32, v27;
	v60 =	vmul.f32 v30, v7;
	v31 =	vmul.f32 v31, v4  }
0x18f: {  	v44 =	vadd.f32 v63, v62;
	v30 =	vmul.f32 v30, v5;
	v29 =	vmul.f32 $1.442695020e+00, v29  }
0x190: {  	v54 =	vld [tilespmem:$0xAB0];
	v34 =	vmul.f32 v46, v10;
	v32 =	vmax.f32 v32, $0.0e+00;
	v37 =	vadd.f32 v60, v59  }
0x191: {  	v30 =	vadd.f32 v30, v31;
	(erf) = vpow2.f32 v29;
	v29 =	vadd.f32 v44, v28  }
0x192: {  	v56 =	vld [tilespmem:$0x920];
	v33 =	vmul.f32 v45, v9;
	v49 =	vmul.f32 v32, v17;
	v37 =	vadd.f32 v37, v8  }
0x193: {  	v52 =	vld [tilespmem:$0xA30];
	v32 =	vmul.f32 v32, v20;
	v30 =	vadd.f32 v30, v2;
	v29 =	vmax.f32 v29, $0.0e+00  }
0x194: {  	v55 =	vld [tilespmem:$0x820];
	v47 =	vmax.f32 v37, $0.0e+00;
	v48 =	vmul.f32 v29, v21;
	v29 =	vmul.f32 v29, v22  }
0x195: {  	v62 =	vmul.f32 v54, v25;
	v33 =	vadd.f32 v34, v33;
	v31 =	vmul.f32 v47, v3  }
0x196: {  	v30 =	vmax.f32 v30, $0.0e+00;
	v50 =	vadd.f32 v49, v48;
	v29 =	vadd.f32 v32, v29  }
0x197: {  	v34 =	vmul.f32 v54, v23;
	v30 =	vmul.f32 v30, v1;
	v31 =	vadd.f32 v31, v33  }
0x198: {  	v47 =	vld [tilespmem:$0xA40];
	v32 =	vmul.f32 v52, v26;
	v51 =	vadd.f32 v50, v18;
	v29 =	vadd.f32 v29, v19  }
0x199: {  	v61 =	vmul.f32 v52, v24;
	v63 =	vmul.f32 v56, v55;
	v30 =	vadd.f32 v31, v30  }
0x19a: {  	v59 =	vld [tilespmem:$0x8A0];
	v32 =	vadd.f32 v34, v32;
	v31 =	vmax.f32 v51, $0.0e+00;
	v29 =	vmax.f32 v29, $0.0e+00  }
0x19b: {  	v60 =	vld [tilespmem:$0x9A0];
	v30 =	vadd.f32 v30, v0;
	v57 =	vmul.f32 v31, v15;
	v58 =	vmul.f32 v29, v16  }
0x19c: {  	v53 =	vpop (erf);
	v32 =	vadd.f32 v32, v27;
	v31 =	vmul.f32 v31, v13;
	v29 =	vmul.f32 v29, v14  }
0x19d: {  	v55 =	vmul.f32 v47, v24;
	v33 =	vadd.f32 $1.000000000e+00, v53;
	v37 =	vadd.f32 v58, v57  }
0x19e: {  	v30 =	vsub.f32 $0.0e+00, v30;
	v32 =	vmax.f32 v32, $0.0e+00;
	v29 =	vadd.f32 v29, v31  }
0x19f: {  	(erf) = vrcp.f32 v33;
	v31 =	vadd.f32 v62, v61;
	v37 =	vadd.f32 v37, v11  }
0x1a0: {  	v30 =	vmul.f32 $1.442695020e+00, v30;
	v33 =	vmul.f32 v60, v59;
	v29 =	vadd.f32 v29, v12  }
0x1a1: {  	v44 =	vmul.f32 v32, v17;
	v31 =	vadd.f32 v31, v28;
	v40 =	vmax.f32 v37, $0.0e+00  }
0x1a2: {  	v32 =	vmul.f32 v32, v20;
	v29 =	vmax.f32 v29, $0.0e+00;
	v41 =	vmul.f32 v40, v6  }
0x1a3: {  	v49 =	vld [tilespmem:$0xAC0];
	v31 =	vmax.f32 v31, $0.0e+00;
	v42 =	vmul.f32 v29, v7;
	v35 =	vmul.f32 v40, v4  }
0x1a4: {  	v29 =	vmul.f32 v29, v5;
	v43 =	vmul.f32 v31, v21  }
0x1a5: {  	(erf) = vpow2.f32 v30;
	v31 =	vmul.f32 v31, v22;
	v34 =	vadd.f32 v42, v41  }
0x1a6: {  	v30 =	vmul.f32 v63, v9;
	v29 =	vadd.f32 v29, v35;
	v35 =	vadd.f32 v44, v43  }
0x1a7: {  	v33 =	vmul.f32 v33, v10;
	v31 =	vadd.f32 v32, v31;
	v34 =	vadd.f32 v34, v8  }
0x1a8: {  	v56 =	vmul.f32 v49, v25;
	v29 =	vadd.f32 v29, v2;
	v46 =	vadd.f32 v35, v18  }
0x1a9: {  	v54 =	vld [tilespmem:$0x930];
	v30 =	vadd.f32 v33, v30;
	v31 =	vadd.f32 v31, v19;
	v35 =	vmul.f32 v49, v23  }
0x1aa: {  	v53 =	vld [tilespmem:$0x830];
	v34 =	vmax.f32 v34, $0.0e+00;
	v29 =	vmax.f32 v29, $0.0e+00;
	v33 =	vmax.f32 v46, $0.0e+00  }
0x1ab: {  	v31 =	vmax.f32 v31, $0.0e+00;
	v45 =	vmul.f32 v34, v3;
	v48 =	vmul.f32 v29, v1  }
0x1ac: {  	v57 =	vld [tilespmem:$0x8B0];
	v51 =	vmul.f32 v33, v15;
	v52 =	vmul.f32 v31, v16  }
0x1ad: {  	v59 =	vld [tilespmem:$0x9B0];
	v33 =	vmul.f32 v33, v13;
	v31 =	vmul.f32 v31, v14  }
0x1ae: {  	v34 =	vmul.f32 v47, v26;
	v30 =	vadd.f32 v45, v30;
	v32 =	vadd.f32 v52, v51  }
0x1af: {  	v58 =	vmul.f32 v54, v53;
	v31 =	vadd.f32 v31, v33;
	v33 =	vadd.f32 v56, v55  }
0x1b0: {  	v34 =	vadd.f32 v35, v34;
	v30 =	vadd.f32 v30, v48  }
0x1b1: {  	v44 =	vmul.f32 v58, v9;
	v32 =	vadd.f32 v32, v11;
	v31 =	vadd.f32 v31, v12  }
0x1b2: {  	v35 =	vmul.f32 v59, v57;
	v33 =	vadd.f32 v33, v28;
	v34 =	vadd.f32 v34, v27  }
0x1b3: {  	v30 =	vadd.f32 v30, v0;
	v32 =	vmax.f32 v32, $0.0e+00;
	v31 =	vmax.f32 v31, $0.0e+00  }
0x1b4: {  	v29 =	vpop (erf);
	v33 =	vmax.f32 v33, $0.0e+00;
	v60 =	vmul.f32 v32, v6;
	v61 =	vmul.f32 v31, v7  }
0x1b5: {  	v50 =	vpop (erf);
	v34 =	vmax.f32 v34, $0.0e+00;
	v32 =	vmul.f32 v32, v4;
	v31 =	vmul.f32 v31, v5  }
0x1b6: {  	v53 =	vld [tilespmem:$0xAD0];
	v36 =	vadd.f32 $1.000000000e+00, v50;
	v62 =	vmul.f32 v33, v21;
	v63 =	vmul.f32 v34, v17  }
0x1b7: {  	v51 =	vld [tilespmem:$0xA50];
	v33 =	vmul.f32 v33, v22;
	v34 =	vmul.f32 v34, v20;
	v30 =	vsub.f32 $0.0e+00, v30  }
0x1b8: {  	v45 =	vmul.f32 v35, v10;
	v38 =	vadd.f32 v61, v60;
	v31 =	vadd.f32 v31, v32  }
0x1b9: {  	(erf) = vrcp.f32 v36;
	v42 =	vadd.f32 v63, v62;
	v43 =	vadd.f32 v34, v33  }
0x1ba: {  	v33 =	vadd.f32 v45, v44;
	v30 =	vmul.f32 $1.442695020e+00, v30;
	v41 =	vadd.f32 v38, v8  }
0x1bb: {  	v36 =	vmul.f32 v53, v23;
	v31 =	vadd.f32 v31, v2;
	v32 =	vadd.f32 v43, v19  }
0x1bc: {  	v34 =	vmul.f32 v51, v26;
	(erf) = vpow2.f32 v30;
	v30 =	vadd.f32 v42, v18  }
0x1bd: {  	v54 =	vld [tilespmem:$0x840];
	v46 =	vmax.f32 v41, $0.0e+00;
	v31 =	vmax.f32 v31, $0.0e+00;
	v32 =	vmax.f32 v32, $0.0e+00  }
0x1be: {  	v56 =	vld [tilespmem:$0x940];
	v47 =	vmul.f32 v46, v3;
	v31 =	vmul.f32 v31, v1;
	v30 =	vmax.f32 v30, $0.0e+00  }
0x1bf: {  	v34 =	vadd.f32 v36, v34;
	v49 =	vmul.f32 v32, v16;
	v48 =	vmul.f32 v30, v15  }
0x1c0: {  	v32 =	vmul.f32 v32, v14;
	v30 =	vmul.f32 v30, v13;
	v33 =	vadd.f32 v47, v33  }
0x1c1: {  	v34 =	vadd.f32 v34, v27;
	v50 =	vadd.f32 v49, v48  }
0x1c2: {  	v60 =	vmul.f32 v51, v24;
	v32 =	vadd.f32 v32, v30;
	v31 =	vadd.f32 v33, v31  }
0x1c3: {  	v55 =	vld [tilespmem:$0x8C0];
	v61 =	vmul.f32 v53, v25;
	v63 =	vmul.f32 v56, v54;
	v33 =	vadd.f32 v50, v11  }
0x1c4: {  	v59 =	vld [tilespmem:$0x9C0];
	v34 =	vmax.f32 v34, $0.0e+00;
	v32 =	vadd.f32 v32, v12;
	v31 =	vadd.f32 v31, v0  }
0x1c5: {  	v36 =	vmul.f32 v63, v9;
	v43 =	vmul.f32 v34, v17;
	v30 =	vpop (erf);
	v33 =	vmax.f32 v33, $0.0e+00  }
0x1c6: {  	v46 =	vld [tilespmem:$0xA60];
	v52 =	vpop (erf);
	v32 =	vmax.f32 v32, $0.0e+00;
	v31 =	vsub.f32 $0.0e+00, v31;
	v57 =	vmul.f32 v33, v6  }
0x1c7: {  	v35 =	vadd.f32 $1.000000000e+00, v52;
	v58 =	vmul.f32 v32, v7;
	v33 =	vmul.f32 v33, v4  }
0x1c8: {  	v62 =	vadd.f32 v61, v60;
	v32 =	vmul.f32 v32, v5;
	v31 =	vmul.f32 $1.442695020e+00, v31  }
0x1c9: {  	(erf) = vrcp.f32 v35;
	v40 =	vadd.f32 v58, v57;
	v35 =	vmul.f32 v59, v55  }
0x1ca: {  	v53 =	vld [tilespmem:$0x950];
	v32 =	vadd.f32 v32, v33;
	(erf) = vpow2.f32 v31;
	v31 =	vadd.f32 v62, v28  }
0x1cb: {  	v34 =	vmul.f32 v34, v20;
	v47 =	vld [tilespmem:$0xAE0];
	v54 =	vmul.f32 v46, v24;
	v40 =	vadd.f32 v40, v8  }
0x1cc: {  	v52 =	vld [tilespmem:$0x850];
	v32 =	vadd.f32 v32, v2;
	v35 =	vmul.f32 v35, v10;
	v31 =	vmax.f32 v31, $0.0e+00  }
0x1cd: {  	v57 =	vld [tilespmem:$0x8D0];
	v41 =	vmax.f32 v40, $0.0e+00;
	v42 =	vmul.f32 v31, v21;
	v31 =	vmul.f32 v31, v22  }
0x1ce: {  	v59 =	vld [tilespmem:$0x9D0];
	v35 =	vadd.f32 v35, v36;
	v32 =	vmax.f32 v32, $0.0e+00;
	v33 =	vmul.f32 v41, v3  }
0x1cf: {  	v32 =	vmul.f32 v32, v1;
	v44 =	vadd.f32 v43, v42;
	v31 =	vadd.f32 v34, v31  }
0x1d0: {  	v33 =	vadd.f32 v33, v35;
	v34 =	vmul.f32 v46, v26;
	v35 =	vmul.f32 v47, v23  }
0x1d1: {  	v55 =	vmul.f32 v47, v25;
	v45 =	vadd.f32 v44, v18;
	v31 =	vadd.f32 v31, v19  }
0x1d2: {  	v58 =	vmul.f32 v53, v52;
	v32 =	vadd.f32 v33, v32;
	v34 =	vadd.f32 v35, v34  }
0x1d3: {  	v35 =	vmul.f32 v59, v57;
	v33 =	vmax.f32 v45, $0.0e+00;
	v48 =	vmax.f32 v31, $0.0e+00  }
0x1d4: {  	v32 =	vadd.f32 v32, v0;
	v49 =	vmul.f32 v33, v15;
	v50 =	vmul.f32 v48, v16  }
0x1d5: {  	v34 =	vadd.f32 v34, v27;
	v33 =	vmul.f32 v33, v13;
	v36 =	vmul.f32 v48, v14;
	v48 =	vld [tilespmem:$0xA70]  }
0x1d6: {  	v46 =	vmul.f32 v58, v9;
	v35 =	vmul.f32 v35, v10;
	v31 =	vpop (erf);
	v32 =	vsub.f32 $0.0e+00, v32  }
0x1d7: {  	v34 =	vmax.f32 v34, $0.0e+00;
	v51 =	vpop (erf);
	v37 =	vadd.f32 v50, v49;
	v33 =	vadd.f32 v36, v33  }
0x1d8: {  	v63 =	vmul.f32 v34, v17;
	v34 =	vmul.f32 v34, v20;
	v39 =	vadd.f32 $1.000000000e+00, v51  }
0x1d9: {  	v50 =	vld [tilespmem:$0xAF0];
	v32 =	vmul.f32 $1.442695020e+00, v32;
	v37 =	vadd.f32 v37, v11;
	v33 =	vadd.f32 v33, v12  }
0x1da: {  	v56 =	vadd.f32 v55, v54;
	(erf) = vrcp.f32 v39;
	v38 =	vmul.f32 v48, v26  }
0x1db: {  	(erf) = vpow2.f32 v32;
	v37 =	vmax.f32 v37, $0.0e+00;
	v33 =	vmax.f32 v33, $0.0e+00  }
0x1dc: {  	v57 =	vld [tilespmem:$0x860];
	v32 =	vadd.f32 v56, v28;
	v60 =	vmul.f32 v37, v6;
	v61 =	vmul.f32 v33, v7  }
0x1dd: {  	v59 =	vld [tilespmem:$0x960];
	v37 =	vmul.f32 v37, v4;
	v33 =	vmul.f32 v33, v5  }
0x1de: {  	v36 =	vmul.f32 v50, v23;
	v32 =	vmax.f32 v32, $0.0e+00;
	v39 =	vadd.f32 v61, v60  }
0x1df: {  	v62 =	vmul.f32 v32, v21;
	v32 =	vmul.f32 v32, v22;
	v33 =	vadd.f32 v33, v37  }
0x1e0: {  	v55 =	vmul.f32 v48, v24;
	v36 =	vadd.f32 v36, v38;
	v44 =	vadd.f32 v39, v8  }
0x1e1: {  	v56 =	vmul.f32 v50, v25;
	v45 =	vadd.f32 v63, v62;
	v32 =	vadd.f32 v34, v32  }
0x1e2: {  	v50 =	vmul.f32 v59, v57;
	v33 =	vadd.f32 v33, v2;
	v34 =	vadd.f32 v35, v46  }
0x1e3: {  	v35 =	vadd.f32 v56, v55;
	v36 =	vadd.f32 v36, v27;
	v47 =	vmax.f32 v44, $0.0e+00  }
0x1e4: {  	v37 =	vadd.f32 v45, v18;
	v32 =	vadd.f32 v32, v19;
	v33 =	vmax.f32 v33, $0.0e+00  }
0x1e5: {  	v36 =	vmax.f32 v36, $0.0e+00;
	v49 =	vmul.f32 v47, v3;
	v33 =	vmul.f32 v33, v1  }
0x1e6: {  	v58 =	vld [tilespmem:$0x8E0];
	v48 =	vmul.f32 v36, v17;
	v37 =	vmax.f32 v37, $0.0e+00;
	v32 =	vmax.f32 v32, $0.0e+00  }
0x1e7: {  	v62 =	vld [tilespmem:$0x9E0];
	v35 =	vadd.f32 v35, v28;
	v39 =	vpop (erf);
	v52 =	vmul.f32 v37, v15;
	v53 =	vmul.f32 v32, v16  }
0x1e8: {  	v51 =	vpop (erf);
	v34 =	vadd.f32 v49, v34;
	v37 =	vmul.f32 v37, v13;
	v32 =	vmul.f32 v32, v14  }
0x1e9: {  	v36 =	vmul.f32 v36, v20;
	v40 =	vadd.f32 $1.000000000e+00, v51;
	v54 =	vadd.f32 v53, v52  }
0x1ea: {  	v35 =	vmax.f32 v35, $0.0e+00;
	v33 =	vadd.f32 v34, v33;
	v32 =	vadd.f32 v32, v37  }
0x1eb: {  	v63 =	vmul.f32 v35, v21;
	v35 =	vmul.f32 v35, v22;
	v34 =	vadd.f32 v54, v11  }
0x1ec: {  	v51 =	vmul.f32 v62, v58;
	v33 =	vadd.f32 v33, v0;
	v32 =	vadd.f32 v32, v12  }
0x1ed: {  	(erf) = vrcp.f32 v40;
	v35 =	vadd.f32 v36, v35;
	v34 =	vmax.f32 v34, $0.0e+00  }
0x1ee: {  	v33 =	vsub.f32 $0.0e+00, v33;
	v32 =	vmax.f32 v32, $0.0e+00;
	v60 =	vmul.f32 v34, v6  }
0x1ef: {  	v35 =	vadd.f32 v35, v19;
	v61 =	vmul.f32 v32, v7;
	v34 =	vmul.f32 v34, v4  }
0x1f0: {  	v49 =	vadd.f32 v48, v63;
	v32 =	vmul.f32 v32, v5;
	v33 =	vmul.f32 $1.442695020e+00, v33  }
0x1f1: {  	v36 =	vmul.f32 v50, v9;
	v35 =	vmax.f32 v35, $0.0e+00;
	v41 =	vadd.f32 v61, v60  }
0x1f2: {  	v32 =	vadd.f32 v32, v34;
	(erf) = vpow2.f32 v33;
	v33 =	vadd.f32 v49, v18  }
0x1f3: {  	v37 =	vmul.f32 v51, v10;
	v54 =	vmul.f32 v35, v16;
	v41 =	vadd.f32 v41, v8  }
0x1f4: {  	v35 =	vmul.f32 v35, v14;
	v32 =	vadd.f32 v32, v2;
	v33 =	vmax.f32 v33, $0.0e+00  }
0x1f5: {  	v52 =	vmax.f32 v41, $0.0e+00;
	v53 =	vmul.f32 v33, v15;
	v33 =	vmul.f32 v33, v13  }
0x1f6: {  	v36 =	vadd.f32 v37, v36;
	v34 =	vmul.f32 v52, v3  }
0x1f7: {  	v59 =	vld [tilespmem:$0x970];
	v32 =	vmax.f32 v32, $0.0e+00;
	v37 =	vadd.f32 v54, v53;
	v33 =	vadd.f32 v35, v33  }
0x1f8: {  	v55 =	vld [tilespmem:$0x870];
	v32 =	vmul.f32 v32, v1;
	v34 =	vadd.f32 v34, v36  }
0x1f9: {  	v57 =	vld [tilespmem:$0x8F0];
	v37 =	vadd.f32 v37, v11;
	v33 =	vadd.f32 v33, v12  }
0x1fa: {  	v60 =	vld [tilespmem:$0x9F0];
	v32 =	vadd.f32 v34, v32  }
0x1fb: {  	v56 =	vpop (erf);
	v37 =	vmax.f32 v37, $0.0e+00;
	v33 =	vmax.f32 v33, $0.0e+00  }
0x1fc: {  	v58 =	vpop (erf);
	v32 =	vadd.f32 v32, v0;
	v61 =	vmul.f32 v37, v6;
	v62 =	vmul.f32 v33, v7  }
0x1fd: {  	v36 =	vmul.f32 v59, v55;
	v38 =	vadd.f32 $1.000000000e+00, v58;
	v37 =	vmul.f32 v37, v4  }
0x1fe: {  	v33 =	vmul.f32 v33, v5;
	v32 =	vsub.f32 $0.0e+00, v32;
	v63 =	vadd.f32 v62, v61  }
0x1ff: {  	v34 =	vmul.f32 v60, v57;
	(erf) = vrcp.f32 v38  }
0x200: {  	v33 =	vadd.f32 v33, v37;
	v32 =	vmul.f32 $1.442695020e+00, v32;
	v38 =	vadd.f32 v63, v8  }
0x201: {  	v36 =	vmul.f32 v36, v9;
	v34 =	vmul.f32 v34, v10  }
0x202: {  	v33 =	vadd.f32 v33, v2;
	(erf) = vpow2.f32 v32;
	v41 =	vmax.f32 v38, $0.0e+00  }
0x203: {  	v34 =	vadd.f32 v34, v36;
	v32 =	vmul.f32 v41, v3  }
0x204: {  	v33 =	vmax.f32 v33, $0.0e+00  }
0x205: {  	v33 =	vmul.f32 v33, v1;
	v32 =	vadd.f32 v32, v34;
	_ =	sdelay $0x1  }
0x206: {  	v32 =	vadd.f32 v32, v33;
	_ =	sdelay $0x1  }
0x207: {  	v32 =	vadd.f32 v32, v0  }
0x208: {  	v42 =	vpop (erf)  }
0x209: {  	v43 =	vpop (erf);
	v32 =	vsub.f32 $0.0e+00, v32  }
0x20a: {  	v34 =	vadd.f32 $1.000000000e+00, v43  }
0x20b: {  	v32 =	vmul.f32 $1.442695020e+00, v32  }
0x20c: {  	(erf) = vrcp.f32 v34  }
0x20d: {  	(erf) = vpow2.f32 v32;
	_ =	sdelay $0x7  }
0x20e: {  	v44 =	vpop (erf)  }
0x20f: {  	v45 =	vpop (erf)  }
0x210: {  	v34 =	vadd.f32 $1.000000000e+00, v45;
	_ =	sdelay $0x1  }
0x211: {  	(erf) = vrcp.f32 v34;
	_ =	sdelay $0x2  }
0x212: {  	[tilespmem:$0x2480] =	vst v29  }
0x213: {  	[tilespmem:$0x2490] =	vst v30  }
0x214: {  	[tilespmem:$0x24A0] =	vst v31  }
0x215: {  	[tilespmem:$0x24B0] =	vst v39  }
0x216: {  	[tilespmem:$0x24C0] =	vst v56  }
0x217: {  	[tilespmem:$0x24D0] =	vst v42  }
0x218: {  	[tilespmem:$0x24E0] =	vst v44;
	v46 =	vpop (erf)  }
0x219: {  	[tilespmem:$0x24F0] =	vst v46  }
0x21a: {  	_ =	swait.ge [sflag:s29], $0x80  }
0x21b: {  	[sflag:s29] =	ssyncset.done $0x0  }
0x21c: {  	[sflag:s29] =	ssyncadd.s32 $0xFFFFFF80  }
0x21d: {  	_ =	swait.ge [sflag:s29], $0x80  }
0x21e: {  	[sflag:s29] =	ssyncset.done $0x0  }
0x21f: {  	[sflag:s29] =	ssyncadd.s32 $0xFFFFFF80  }
0x220: {  	_ =	swait.ge [sflag:s29], $0x80  }
0x221: {  	[sflag:s29] =	ssyncset.done $0x0  }
0x222: {  	[sflag:s29] =	ssyncadd.s32 $0xFFFFFF80  }
0x223: {  	_ =	swait.ge [sflag:s29], $0x80  }
0x224: {  	[sflag:s29] =	ssyncset.done $0x0  }
0x225: {  	[sflag:s29] =	ssyncadd.s32 $0xFFFFFF80  }
0x226: {  	_ =	swait.ge [sflag:s29], $0x80  }
0x227: {  	[sflag:s29] =	ssyncset.done $0x0  }
0x228: {  	[sflag:s29] =	ssyncadd.s32 $0xFFFFFF80  }
0x229: {  	_ =	swait.ge [sflag:s29], $0x80  }
0x22a: {  	[sflag:s29] =	ssyncset.done $0x0  }
0x22b: {  	[sflag:s29] =	ssyncadd.s32 $0xFFFFFF80  }
0x22c: {  	v47 =	vld [tilespmem:$0xE00]  }
0x22d: {  	v48 =	vld [tilespmem:$0xE80];
	_ =	sdelay $0x4  }
0x22e: {  	v49 =	vmul.f32 v47, v24;
	v50 =	vmul.f32 v48, v25  }
0x22f: {  	v29 =	vmul.f32 v47, v26;
	v30 =	vmul.f32 v48, v23;
	_ =	sdelay $0x1  }
0x230: {  	v31 =	vadd.f32 v50, v49;
	v29 =	vadd.f32 v30, v29;
	_ =	sdelay $0x1  }
0x231: {  	v51 =	vadd.f32 v31, v28;
	v29 =	vadd.f32 v29, v27;
	_ =	sdelay $0x1  }
0x232: {  	v30 =	vmax.f32 v51, $0.0e+00;
	v29 =	vmax.f32 v29, $0.0e+00  }
0x233: {  	v52 =	vmul.f32 v30, v21;
	v53 =	vmul.f32 v29, v17  }
0x234: {  	v56 =	vld [tilespmem:$0xE90];
	v30 =	vmul.f32 v30, v22;
	v29 =	vmul.f32 v29, v20  }
0x235: {  	v55 =	vld [tilespmem:$0xE10]  }
0x236: {  	v31 =	vadd.f32 v53, v52;
	v29 =	vadd.f32 v29, v30;
	_ =	sdelay $0x1  }
0x237: {  	v59 =	vld [tilespmem:$0xC00];
	v54 =	vadd.f32 v31, v18;
	v29 =	vadd.f32 v29, v19  }
0x238: {  	v60 =	vld [tilespmem:$0xD00];
	v32 =	vmul.f32 v56, v23  }
0x239: {  	v63 =	vld [tilespmem:$0xC80];
	v31 =	vmul.f32 v55, v26;
	v30 =	vmax.f32 v54, $0.0e+00;
	v29 =	vmax.f32 v29, $0.0e+00  }
0x23a: {  	v41 =	vld [tilespmem:$0xD80];
	v57 =	vmul.f32 v30, v15;
	v58 =	vmul.f32 v29, v16  }
0x23b: {  	v31 =	vadd.f32 v32, v31;
	v30 =	vmul.f32 v30, v13;
	v29 =	vmul.f32 v29, v14  }
0x23c: {  	v61 =	vmul.f32 v55, v24;
	v62 =	vmul.f32 v56, v25;
	v33 =	vadd.f32 v58, v57  }
0x23d: {  	v31 =	vadd.f32 v31, v27;
	v29 =	vadd.f32 v29, v30  }
0x23e: {  	v30 =	vadd.f32 v62, v61;
	v33 =	vadd.f32 v33, v11  }
0x23f: {  	v40 =	vmul.f32 v60, v59;
	v32 =	vmul.f32 v41, v63;
	v29 =	vadd.f32 v29, v12  }
0x240: {  	v31 =	vmax.f32 v31, $0.0e+00;
	v30 =	vadd.f32 v30, v28;
	v33 =	vmax.f32 v33, $0.0e+00  }
0x241: {  	v45 =	vmul.f32 v31, v17;
	v29 =	vmax.f32 v29, $0.0e+00;
	v42 =	vmul.f32 v33, v6  }
0x242: {  	v30 =	vmax.f32 v30, $0.0e+00;
	v43 =	vmul.f32 v29, v7;
	v33 =	vmul.f32 v33, v4  }
0x243: {  	v29 =	vmul.f32 v29, v5;
	v44 =	vmul.f32 v30, v21  }
0x244: {  	v31 =	vmul.f32 v31, v20;
	v30 =	vmul.f32 v30, v22;
	v36 =	vadd.f32 v43, v42  }
0x245: {  	v48 =	vmul.f32 v40, v9;
	v29 =	vadd.f32 v29, v33;
	v47 =	vadd.f32 v45, v44  }
0x246: {  	v32 =	vmul.f32 v32, v10;
	v30 =	vadd.f32 v31, v30;
	v46 =	vadd.f32 v36, v8  }
0x247: {  	v56 =	vld [tilespmem:$0xC10];
	v29 =	vadd.f32 v29, v2;
	v33 =	vadd.f32 v47, v18  }
0x248: {  	v55 =	vld [tilespmem:$0xEA0];
	v31 =	vadd.f32 v32, v48;
	v30 =	vadd.f32 v30, v19  }
0x249: {  	v54 =	vld [tilespmem:$0xE20];
	v49 =	vmax.f32 v46, $0.0e+00;
	v29 =	vmax.f32 v29, $0.0e+00;
	v33 =	vmax.f32 v33, $0.0e+00  }
0x24a: {  	v57 =	vld [tilespmem:$0xC90];
	v30 =	vmax.f32 v30, $0.0e+00;
	v50 =	vmul.f32 v49, v3;
	v29 =	vmul.f32 v29, v1  }
0x24b: {  	v58 =	vld [tilespmem:$0xD10];
	v51 =	vmul.f32 v33, v15;
	v52 =	vmul.f32 v30, v16  }
0x24c: {  	v61 =	vld [tilespmem:$0xD90];
	v33 =	vmul.f32 v33, v13;
	v30 =	vmul.f32 v30, v14;
	v31 =	vadd.f32 v50, v31  }
0x24d: {  	v63 =	vmul.f32 v55, v25;
	v53 =	vadd.f32 v52, v51  }
0x24e: {  	v62 =	vmul.f32 v54, v24;
	v30 =	vadd.f32 v30, v33;
	v29 =	vadd.f32 v31, v29  }
0x24f: {  	v32 =	vmul.f32 v54, v26;
	v33 =	vmul.f32 v55, v23;
	v31 =	vadd.f32 v53, v11  }
0x250: {  	v45 =	vmul.f32 v58, v56;
	v30 =	vadd.f32 v30, v12;
	v29 =	vadd.f32 v29, v0  }
0x251: {  	v46 =	vmul.f32 v61, v57;
	v32 =	vadd.f32 v33, v32;
	v31 =	vmax.f32 v31, $0.0e+00  }
0x252: {  	v30 =	vmax.f32 v30, $0.0e+00;
	v59 =	vmul.f32 v31, v6;
	v29 =	vsub.f32 $0.0e+00, v29  }
0x253: {  	v32 =	vadd.f32 v32, v27;
	v60 =	vmul.f32 v30, v7;
	v31 =	vmul.f32 v31, v4  }
0x254: {  	v44 =	vadd.f32 v63, v62;
	v30 =	vmul.f32 v30, v5;
	v29 =	vmul.f32 $1.442695020e+00, v29  }
0x255: {  	v54 =	vld [tilespmem:$0xEB0];
	v34 =	vmul.f32 v46, v10;
	v32 =	vmax.f32 v32, $0.0e+00;
	v37 =	vadd.f32 v60, v59  }
0x256: {  	v30 =	vadd.f32 v30, v31;
	(erf) = vpow2.f32 v29;
	v29 =	vadd.f32 v44, v28  }
0x257: {  	v56 =	vld [tilespmem:$0xD20];
	v33 =	vmul.f32 v45, v9;
	v49 =	vmul.f32 v32, v17;
	v37 =	vadd.f32 v37, v8  }
0x258: {  	v52 =	vld [tilespmem:$0xE30];
	v32 =	vmul.f32 v32, v20;
	v30 =	vadd.f32 v30, v2;
	v29 =	vmax.f32 v29, $0.0e+00  }
0x259: {  	v55 =	vld [tilespmem:$0xC20];
	v47 =	vmax.f32 v37, $0.0e+00;
	v48 =	vmul.f32 v29, v21;
	v29 =	vmul.f32 v29, v22  }
0x25a: {  	v62 =	vmul.f32 v54, v25;
	v33 =	vadd.f32 v34, v33;
	v31 =	vmul.f32 v47, v3  }
0x25b: {  	v30 =	vmax.f32 v30, $0.0e+00;
	v50 =	vadd.f32 v49, v48;
	v29 =	vadd.f32 v32, v29  }
0x25c: {  	v34 =	vmul.f32 v54, v23;
	v30 =	vmul.f32 v30, v1;
	v31 =	vadd.f32 v31, v33  }
0x25d: {  	v47 =	vld [tilespmem:$0xE40];
	v32 =	vmul.f32 v52, v26;
	v51 =	vadd.f32 v50, v18;
	v29 =	vadd.f32 v29, v19  }
0x25e: {  	v61 =	vmul.f32 v52, v24;
	v63 =	vmul.f32 v56, v55;
	v30 =	vadd.f32 v31, v30  }
0x25f: {  	v59 =	vld [tilespmem:$0xCA0];
	v32 =	vadd.f32 v34, v32;
	v31 =	vmax.f32 v51, $0.0e+00;
	v29 =	vmax.f32 v29, $0.0e+00  }
0x260: {  	v60 =	vld [tilespmem:$0xDA0];
	v30 =	vadd.f32 v30, v0;
	v57 =	vmul.f32 v31, v15;
	v58 =	vmul.f32 v29, v16  }
0x261: {  	v53 =	vpop (erf);
	v32 =	vadd.f32 v32, v27;
	v31 =	vmul.f32 v31, v13;
	v29 =	vmul.f32 v29, v14  }
0x262: {  	v55 =	vmul.f32 v47, v24;
	v33 =	vadd.f32 $1.000000000e+00, v53;
	v37 =	vadd.f32 v58, v57  }
0x263: {  	v30 =	vsub.f32 $0.0e+00, v30;
	v32 =	vmax.f32 v32, $0.0e+00;
	v29 =	vadd.f32 v29, v31  }
0x264: {  	(erf) = vrcp.f32 v33;
	v31 =	vadd.f32 v62, v61;
	v37 =	vadd.f32 v37, v11  }
0x265: {  	v30 =	vmul.f32 $1.442695020e+00, v30;
	v33 =	vmul.f32 v60, v59;
	v29 =	vadd.f32 v29, v12  }
0x266: {  	v44 =	vmul.f32 v32, v17;
	v31 =	vadd.f32 v31, v28;
	v40 =	vmax.f32 v37, $0.0e+00  }
0x267: {  	v32 =	vmul.f32 v32, v20;
	v29 =	vmax.f32 v29, $0.0e+00;
	v41 =	vmul.f32 v40, v6  }
0x268: {  	v49 =	vld [tilespmem:$0xEC0];
	v31 =	vmax.f32 v31, $0.0e+00;
	v42 =	vmul.f32 v29, v7;
	v35 =	vmul.f32 v40, v4  }
0x269: {  	v29 =	vmul.f32 v29, v5;
	v43 =	vmul.f32 v31, v21  }
0x26a: {  	(erf) = vpow2.f32 v30;
	v31 =	vmul.f32 v31, v22;
	v34 =	vadd.f32 v42, v41  }
0x26b: {  	v30 =	vmul.f32 v63, v9;
	v29 =	vadd.f32 v29, v35;
	v35 =	vadd.f32 v44, v43  }
0x26c: {  	v33 =	vmul.f32 v33, v10;
	v31 =	vadd.f32 v32, v31;
	v34 =	vadd.f32 v34, v8  }
0x26d: {  	v56 =	vmul.f32 v49, v25;
	v29 =	vadd.f32 v29, v2;
	v46 =	vadd.f32 v35, v18  }
0x26e: {  	v54 =	vld [tilespmem:$0xD30];
	v30 =	vadd.f32 v33, v30;
	v31 =	vadd.f32 v31, v19;
	v35 =	vmul.f32 v49, v23  }
0x26f: {  	v53 =	vld [tilespmem:$0xC30];
	v34 =	vmax.f32 v34, $0.0e+00;
	v29 =	vmax.f32 v29, $0.0e+00;
	v33 =	vmax.f32 v46, $0.0e+00  }
0x270: {  	v31 =	vmax.f32 v31, $0.0e+00;
	v45 =	vmul.f32 v34, v3;
	v48 =	vmul.f32 v29, v1  }
0x271: {  	v57 =	vld [tilespmem:$0xCB0];
	v51 =	vmul.f32 v33, v15;
	v52 =	vmul.f32 v31, v16  }
0x272: {  	v59 =	vld [tilespmem:$0xDB0];
	v33 =	vmul.f32 v33, v13;
	v31 =	vmul.f32 v31, v14  }
0x273: {  	v34 =	vmul.f32 v47, v26;
	v30 =	vadd.f32 v45, v30;
	v32 =	vadd.f32 v52, v51  }
0x274: {  	v58 =	vmul.f32 v54, v53;
	v31 =	vadd.f32 v31, v33;
	v33 =	vadd.f32 v56, v55  }
0x275: {  	v34 =	vadd.f32 v35, v34;
	v30 =	vadd.f32 v30, v48  }
0x276: {  	v44 =	vmul.f32 v58, v9;
	v32 =	vadd.f32 v32, v11;
	v31 =	vadd.f32 v31, v12  }
0x277: {  	v35 =	vmul.f32 v59, v57;
	v33 =	vadd.f32 v33, v28;
	v34 =	vadd.f32 v34, v27  }
0x278: {  	v30 =	vadd.f32 v30, v0;
	v32 =	vmax.f32 v32, $0.0e+00;
	v31 =	vmax.f32 v31, $0.0e+00  }
0x279: {  	v29 =	vpop (erf);
	v33 =	vmax.f32 v33, $0.0e+00;
	v60 =	vmul.f32 v32, v6;
	v61 =	vmul.f32 v31, v7  }
0x27a: {  	v50 =	vpop (erf);
	v34 =	vmax.f32 v34, $0.0e+00;
	v32 =	vmul.f32 v32, v4;
	v31 =	vmul.f32 v31, v5  }
0x27b: {  	v53 =	vld [tilespmem:$0xED0];
	v36 =	vadd.f32 $1.000000000e+00, v50;
	v62 =	vmul.f32 v33, v21;
	v63 =	vmul.f32 v34, v17  }
0x27c: {  	v51 =	vld [tilespmem:$0xE50];
	v33 =	vmul.f32 v33, v22;
	v34 =	vmul.f32 v34, v20;
	v30 =	vsub.f32 $0.0e+00, v30  }
0x27d: {  	v45 =	vmul.f32 v35, v10;
	v38 =	vadd.f32 v61, v60;
	v31 =	vadd.f32 v31, v32  }
0x27e: {  	(erf) = vrcp.f32 v36;
	v42 =	vadd.f32 v63, v62;
	v43 =	vadd.f32 v34, v33  }
0x27f: {  	v33 =	vadd.f32 v45, v44;
	v30 =	vmul.f32 $1.442695020e+00, v30;
	v41 =	vadd.f32 v38, v8  }
0x280: {  	v36 =	vmul.f32 v53, v23;
	v31 =	vadd.f32 v31, v2;
	v32 =	vadd.f32 v43, v19  }
0x281: {  	v34 =	vmul.f32 v51, v26;
	(erf) = vpow2.f32 v30;
	v30 =	vadd.f32 v42, v18  }
0x282: {  	v54 =	vld [tilespmem:$0xC40];
	v46 =	vmax.f32 v41, $0.0e+00;
	v31 =	vmax.f32 v31, $0.0e+00;
	v32 =	vmax.f32 v32, $0.0e+00  }
0x283: {  	v56 =	vld [tilespmem:$0xD40];
	v47 =	vmul.f32 v46, v3;
	v31 =	vmul.f32 v31, v1;
	v30 =	vmax.f32 v30, $0.0e+00  }
0x284: {  	v34 =	vadd.f32 v36, v34;
	v49 =	vmul.f32 v32, v16;
	v48 =	vmul.f32 v30, v15  }
0x285: {  	v32 =	vmul.f32 v32, v14;
	v30 =	vmul.f32 v30, v13;
	v33 =	vadd.f32 v47, v33  }
0x286: {  	v34 =	vadd.f32 v34, v27;
	v50 =	vadd.f32 v49, v48  }
0x287: {  	v60 =	vmul.f32 v51, v24;
	v32 =	vadd.f32 v32, v30;
	v31 =	vadd.f32 v33, v31  }
0x288: {  	v55 =	vld [tilespmem:$0xCC0];
	v61 =	vmul.f32 v53, v25;
	v63 =	vmul.f32 v56, v54;
	v33 =	vadd.f32 v50, v11  }
0x289: {  	v59 =	vld [tilespmem:$0xDC0];
	v34 =	vmax.f32 v34, $0.0e+00;
	v32 =	vadd.f32 v32, v12;
	v31 =	vadd.f32 v31, v0  }
0x28a: {  	v36 =	vmul.f32 v63, v9;
	v43 =	vmul.f32 v34, v17;
	v30 =	vpop (erf);
	v33 =	vmax.f32 v33, $0.0e+00  }
0x28b: {  	v46 =	vld [tilespmem:$0xE60];
	v52 =	vpop (erf);
	v32 =	vmax.f32 v32, $0.0e+00;
	v31 =	vsub.f32 $0.0e+00, v31;
	v57 =	vmul.f32 v33, v6  }
0x28c: {  	v35 =	vadd.f32 $1.000000000e+00, v52;
	v58 =	vmul.f32 v32, v7;
	v33 =	vmul.f32 v33, v4  }
0x28d: {  	v62 =	vadd.f32 v61, v60;
	v32 =	vmul.f32 v32, v5;
	v31 =	vmul.f32 $1.442695020e+00, v31  }
0x28e: {  	(erf) = vrcp.f32 v35;
	v40 =	vadd.f32 v58, v57;
	v35 =	vmul.f32 v59, v55  }
0x28f: {  	v53 =	vld [tilespmem:$0xD50];
	v32 =	vadd.f32 v32, v33;
	(erf) = vpow2.f32 v31;
	v31 =	vadd.f32 v62, v28  }
0x290: {  	v34 =	vmul.f32 v34, v20;
	v47 =	vld [tilespmem:$0xEE0];
	v54 =	vmul.f32 v46, v24;
	v40 =	vadd.f32 v40, v8  }
0x291: {  	v52 =	vld [tilespmem:$0xC50];
	v32 =	vadd.f32 v32, v2;
	v35 =	vmul.f32 v35, v10;
	v31 =	vmax.f32 v31, $0.0e+00  }
0x292: {  	v57 =	vld [tilespmem:$0xCD0];
	v41 =	vmax.f32 v40, $0.0e+00;
	v42 =	vmul.f32 v31, v21;
	v31 =	vmul.f32 v31, v22  }
0x293: {  	v59 =	vld [tilespmem:$0xDD0];
	v35 =	vadd.f32 v35, v36;
	v32 =	vmax.f32 v32, $0.0e+00;
	v33 =	vmul.f32 v41, v3  }
0x294: {  	v32 =	vmul.f32 v32, v1;
	v44 =	vadd.f32 v43, v42;
	v31 =	vadd.f32 v34, v31  }
0x295: {  	v33 =	vadd.f32 v33, v35;
	v34 =	vmul.f32 v46, v26;
	v35 =	vmul.f32 v47, v23  }
0x296: {  	v55 =	vmul.f32 v47, v25;
	v45 =	vadd.f32 v44, v18;
	v31 =	vadd.f32 v31, v19  }
0x297: {  	v58 =	vmul.f32 v53, v52;
	v32 =	vadd.f32 v33, v32;
	v34 =	vadd.f32 v35, v34  }
0x298: {  	v35 =	vmul.f32 v59, v57;
	v33 =	vmax.f32 v45, $0.0e+00;
	v48 =	vmax.f32 v31, $0.0e+00  }
0x299: {  	v32 =	vadd.f32 v32, v0;
	v49 =	vmul.f32 v33, v15;
	v50 =	vmul.f32 v48, v16  }
0x29a: {  	v34 =	vadd.f32 v34, v27;
	v33 =	vmul.f32 v33, v13;
	v36 =	vmul.f32 v48, v14;
	v48 =	vld [tilespmem:$0xE70]  }
0x29b: {  	v46 =	vmul.f32 v58, v9;
	v35 =	vmul.f32 v35, v10;
	v31 =	vpop (erf);
	v32 =	vsub.f32 $0.0e+00, v32  }
0x29c: {  	v34 =	vmax.f32 v34, $0.0e+00;
	v51 =	vpop (erf);
	v37 =	vadd.f32 v50, v49;
	v33 =	vadd.f32 v36, v33  }
0x29d: {  	v63 =	vmul.f32 v34, v17;
	v34 =	vmul.f32 v34, v20;
	v39 =	vadd.f32 $1.000000000e+00, v51  }
0x29e: {  	v50 =	vld [tilespmem:$0xEF0];
	v32 =	vmul.f32 $1.442695020e+00, v32;
	v37 =	vadd.f32 v37, v11;
	v33 =	vadd.f32 v33, v12  }
0x29f: {  	v56 =	vadd.f32 v55, v54;
	(erf) = vrcp.f32 v39;
	v38 =	vmul.f32 v48, v26  }
0x2a0: {  	(erf) = vpow2.f32 v32;
	v37 =	vmax.f32 v37, $0.0e+00;
	v33 =	vmax.f32 v33, $0.0e+00  }
0x2a1: {  	v57 =	vld [tilespmem:$0xC60];
	v32 =	vadd.f32 v56, v28;
	v60 =	vmul.f32 v37, v6;
	v61 =	vmul.f32 v33, v7  }
0x2a2: {  	v59 =	vld [tilespmem:$0xD60];
	v37 =	vmul.f32 v37, v4;
	v33 =	vmul.f32 v33, v5  }
0x2a3: {  	v36 =	vmul.f32 v50, v23;
	v32 =	vmax.f32 v32, $0.0e+00;
	v39 =	vadd.f32 v61, v60  }
0x2a4: {  	v62 =	vmul.f32 v32, v21;
	v32 =	vmul.f32 v32, v22;
	v33 =	vadd.f32 v33, v37  }
0x2a5: {  	v55 =	vmul.f32 v48, v24;
	v36 =	vadd.f32 v36, v38;
	v44 =	vadd.f32 v39, v8  }
0x2a6: {  	v56 =	vmul.f32 v50, v25;
	v45 =	vadd.f32 v63, v62;
	v32 =	vadd.f32 v34, v32  }
0x2a7: {  	v50 =	vmul.f32 v59, v57;
	v33 =	vadd.f32 v33, v2;
	v34 =	vadd.f32 v35, v46  }
0x2a8: {  	v35 =	vadd.f32 v56, v55;
	v36 =	vadd.f32 v36, v27;
	v47 =	vmax.f32 v44, $0.0e+00  }
0x2a9: {  	v37 =	vadd.f32 v45, v18;
	v32 =	vadd.f32 v32, v19;
	v33 =	vmax.f32 v33, $0.0e+00  }
0x2aa: {  	v36 =	vmax.f32 v36, $0.0e+00;
	v49 =	vmul.f32 v47, v3;
	v33 =	vmul.f32 v33, v1  }
0x2ab: {  	v58 =	vld [tilespmem:$0xCE0];
	v48 =	vmul.f32 v36, v17;
	v37 =	vmax.f32 v37, $0.0e+00;
	v32 =	vmax.f32 v32, $0.0e+00  }
0x2ac: {  	v62 =	vld [tilespmem:$0xDE0];
	v35 =	vadd.f32 v35, v28;
	v39 =	vpop (erf);
	v52 =	vmul.f32 v37, v15;
	v53 =	vmul.f32 v32, v16  }
0x2ad: {  	v51 =	vpop (erf);
	v34 =	vadd.f32 v49, v34;
	v37 =	vmul.f32 v37, v13;
	v32 =	vmul.f32 v32, v14  }
0x2ae: {  	v36 =	vmul.f32 v36, v20;
	v40 =	vadd.f32 $1.000000000e+00, v51;
	v54 =	vadd.f32 v53, v52  }
0x2af: {  	v35 =	vmax.f32 v35, $0.0e+00;
	v33 =	vadd.f32 v34, v33;
	v32 =	vadd.f32 v32, v37  }
0x2b0: {  	v63 =	vmul.f32 v35, v21;
	v35 =	vmul.f32 v35, v22;
	v34 =	vadd.f32 v54, v11  }
0x2b1: {  	v51 =	vmul.f32 v62, v58;
	v33 =	vadd.f32 v33, v0;
	v32 =	vadd.f32 v32, v12  }
0x2b2: {  	(erf) = vrcp.f32 v40;
	v35 =	vadd.f32 v36, v35;
	v34 =	vmax.f32 v34, $0.0e+00  }
0x2b3: {  	v33 =	vsub.f32 $0.0e+00, v33;
	v32 =	vmax.f32 v32, $0.0e+00;
	v60 =	vmul.f32 v34, v6  }
0x2b4: {  	v35 =	vadd.f32 v35, v19;
	v61 =	vmul.f32 v32, v7;
	v34 =	vmul.f32 v34, v4  }
0x2b5: {  	v49 =	vadd.f32 v48, v63;
	v32 =	vmul.f32 v32, v5;
	v33 =	vmul.f32 $1.442695020e+00, v33  }
0x2b6: {  	v36 =	vmul.f32 v50, v9;
	v35 =	vmax.f32 v35, $0.0e+00;
	v41 =	vadd.f32 v61, v60  }
0x2b7: {  	v32 =	vadd.f32 v32, v34;
	(erf) = vpow2.f32 v33;
	v33 =	vadd.f32 v49, v18  }
0x2b8: {  	v37 =	vmul.f32 v51, v10;
	v54 =	vmul.f32 v35, v16;
	v41 =	vadd.f32 v41, v8  }
0x2b9: {  	v35 =	vmul.f32 v35, v14;
	v32 =	vadd.f32 v32, v2;
	v33 =	vmax.f32 v33, $0.0e+00  }
0x2ba: {  	v52 =	vmax.f32 v41, $0.0e+00;
	v53 =	vmul.f32 v33, v15;
	v33 =	vmul.f32 v33, v13  }
0x2bb: {  	v36 =	vadd.f32 v37, v36;
	v34 =	vmul.f32 v52, v3  }
0x2bc: {  	v59 =	vld [tilespmem:$0xD70];
	v32 =	vmax.f32 v32, $0.0e+00;
	v37 =	vadd.f32 v54, v53;
	v33 =	vadd.f32 v35, v33  }
0x2bd: {  	v55 =	vld [tilespmem:$0xC70];
	v32 =	vmul.f32 v32, v1;
	v34 =	vadd.f32 v34, v36  }
0x2be: {  	v57 =	vld [tilespmem:$0xCF0];
	v37 =	vadd.f32 v37, v11;
	v33 =	vadd.f32 v33, v12  }
0x2bf: {  	v60 =	vld [tilespmem:$0xDF0];
	v32 =	vadd.f32 v34, v32  }
0x2c0: {  	v56 =	vpop (erf);
	v37 =	vmax.f32 v37, $0.0e+00;
	v33 =	vmax.f32 v33, $0.0e+00  }
0x2c1: {  	v58 =	vpop (erf);
	v32 =	vadd.f32 v32, v0;
	v61 =	vmul.f32 v37, v6;
	v62 =	vmul.f32 v33, v7  }
0x2c2: {  	v36 =	vmul.f32 v59, v55;
	v38 =	vadd.f32 $1.000000000e+00, v58;
	v37 =	vmul.f32 v37, v4  }
0x2c3: {  	v33 =	vmul.f32 v33, v5;
	v32 =	vsub.f32 $0.0e+00, v32;
	v63 =	vadd.f32 v62, v61  }
0x2c4: {  	v34 =	vmul.f32 v60, v57;
	(erf) = vrcp.f32 v38  }
0x2c5: {  	v33 =	vadd.f32 v33, v37;
	v32 =	vmul.f32 $1.442695020e+00, v32;
	v38 =	vadd.f32 v63, v8  }
0x2c6: {  	v36 =	vmul.f32 v36, v9;
	v34 =	vmul.f32 v34, v10  }
0x2c7: {  	v33 =	vadd.f32 v33, v2;
	(erf) = vpow2.f32 v32;
	v41 =	vmax.f32 v38, $0.0e+00  }
0x2c8: {  	v34 =	vadd.f32 v34, v36;
	v32 =	vmul.f32 v41, v3  }
0x2c9: {  	v33 =	vmax.f32 v33, $0.0e+00  }
0x2ca: {  	v33 =	vmul.f32 v33, v1;
	v32 =	vadd.f32 v32, v34;
	_ =	sdelay $0x1  }
0x2cb: {  	v32 =	vadd.f32 v32, v33;
	_ =	sdelay $0x1  }
0x2cc: {  	v32 =	vadd.f32 v32, v0  }
0x2cd: {  	v42 =	vpop (erf)  }
0x2ce: {  	v43 =	vpop (erf);
	v32 =	vsub.f32 $0.0e+00, v32  }
0x2cf: {  	v34 =	vadd.f32 $1.000000000e+00, v43  }
0x2d0: {  	v32 =	vmul.f32 $1.442695020e+00, v32  }
0x2d1: {  	(erf) = vrcp.f32 v34  }
0x2d2: {  	(erf) = vpow2.f32 v32;
	_ =	sdelay $0x7  }
0x2d3: {  	v44 =	vpop (erf)  }
0x2d4: {  	v45 =	vpop (erf)  }
0x2d5: {  	v34 =	vadd.f32 $1.000000000e+00, v45;
	_ =	sdelay $0x1  }
0x2d6: {  	(erf) = vrcp.f32 v34;
	_ =	sdelay $0x2  }
0x2d7: {  	[tilespmem:$0x2500] =	vst v29  }
0x2d8: {  	[tilespmem:$0x2510] =	vst v30  }
0x2d9: {  	[tilespmem:$0x2520] =	vst v31  }
0x2da: {  	[tilespmem:$0x2530] =	vst v39  }
0x2db: {  	[tilespmem:$0x2540] =	vst v56  }
0x2dc: {  	[tilespmem:$0x2550] =	vst v42  }
0x2dd: {  	[tilespmem:$0x2560] =	vst v44;
	v46 =	vpop (erf)  }
0x2de: {  	[tilespmem:$0x2570] =	vst v46  }
0x2df: {  	_ =	swait.ge [sflag:s30], $0x80  }
0x2e0: {  	[sflag:s30] =	ssyncset.done $0x0  }
0x2e1: {  	[sflag:s30] =	ssyncadd.s32 $0xFFFFFF80  }
0x2e2: {  	_ =	swait.ge [sflag:s30], $0x80  }
0x2e3: {  	[sflag:s30] =	ssyncset.done $0x0  }
0x2e4: {  	[sflag:s30] =	ssyncadd.s32 $0xFFFFFF80  }
0x2e5: {  	_ =	swait.ge [sflag:s30], $0x80  }
0x2e6: {  	[sflag:s30] =	ssyncset.done $0x0  }
0x2e7: {  	[sflag:s30] =	ssyncadd.s32 $0xFFFFFF80  }
0x2e8: {  	_ =	swait.ge [sflag:s30], $0x80  }
0x2e9: {  	[sflag:s30] =	ssyncset.done $0x0  }
0x2ea: {  	[sflag:s30] =	ssyncadd.s32 $0xFFFFFF80  }
0x2eb: {  	_ =	swait.ge [sflag:s30], $0x80  }
0x2ec: {  	[sflag:s30] =	ssyncset.done $0x0  }
0x2ed: {  	[sflag:s30] =	ssyncadd.s32 $0xFFFFFF80  }
0x2ee: {  	_ =	swait.ge [sflag:s30], $0x80  }
0x2ef: {  	[sflag:s30] =	ssyncset.done $0x0  }
0x2f0: {  	[sflag:s30] =	ssyncadd.s32 $0xFFFFFF80  }
0x2f1: {  	v47 =	vld [tilespmem:$0x1200]  }
0x2f2: {  	v48 =	vld [tilespmem:$0x1280];
	_ =	sdelay $0x4  }
0x2f3: {  	v49 =	vmul.f32 v47, v24;
	v50 =	vmul.f32 v48, v25  }
0x2f4: {  	v29 =	vmul.f32 v47, v26;
	v30 =	vmul.f32 v48, v23;
	_ =	sdelay $0x1  }
0x2f5: {  	v31 =	vadd.f32 v50, v49;
	v29 =	vadd.f32 v30, v29;
	_ =	sdelay $0x1  }
0x2f6: {  	v51 =	vadd.f32 v31, v28;
	v29 =	vadd.f32 v29, v27;
	_ =	sdelay $0x1  }
0x2f7: {  	v30 =	vmax.f32 v51, $0.0e+00;
	v29 =	vmax.f32 v29, $0.0e+00  }
0x2f8: {  	v52 =	vmul.f32 v30, v21;
	v53 =	vmul.f32 v29, v17  }
0x2f9: {  	v56 =	vld [tilespmem:$0x1290];
	v30 =	vmul.f32 v30, v22;
	v29 =	vmul.f32 v29, v20  }
0x2fa: {  	v55 =	vld [tilespmem:$0x1210]  }
0x2fb: {  	v31 =	vadd.f32 v53, v52;
	v29 =	vadd.f32 v29, v30;
	_ =	sdelay $0x1  }
0x2fc: {  	v59 =	vld [tilespmem:$0x1000];
	v54 =	vadd.f32 v31, v18;
	v29 =	vadd.f32 v29, v19  }
0x2fd: {  	v60 =	vld [tilespmem:$0x1100];
	v32 =	vmul.f32 v56, v23  }
0x2fe: {  	v63 =	vld [tilespmem:$0x1080];
	v31 =	vmul.f32 v55, v26;
	v30 =	vmax.f32 v54, $0.0e+00;
	v29 =	vmax.f32 v29, $0.0e+00  }
0x2ff: {  	v41 =	vld [tilespmem:$0x1180];
	v57 =	vmul.f32 v30, v15;
	v58 =	vmul.f32 v29, v16  }
0x300: {  	v31 =	vadd.f32 v32, v31;
	v30 =	vmul.f32 v30, v13;
	v29 =	vmul.f32 v29, v14  }
0x301: {  	v61 =	vmul.f32 v55, v24;
	v62 =	vmul.f32 v56, v25;
	v33 =	vadd.f32 v58, v57  }
0x302: {  	v31 =	vadd.f32 v31, v27;
	v29 =	vadd.f32 v29, v30  }
0x303: {  	v30 =	vadd.f32 v62, v61;
	v33 =	vadd.f32 v33, v11  }
0x304: {  	v40 =	vmul.f32 v60, v59;
	v32 =	vmul.f32 v41, v63;
	v29 =	vadd.f32 v29, v12  }
0x305: {  	v31 =	vmax.f32 v31, $0.0e+00;
	v30 =	vadd.f32 v30, v28;
	v33 =	vmax.f32 v33, $0.0e+00  }
0x306: {  	v45 =	vmul.f32 v31, v17;
	v29 =	vmax.f32 v29, $0.0e+00;
	v42 =	vmul.f32 v33, v6  }
0x307: {  	v30 =	vmax.f32 v30, $0.0e+00;
	v43 =	vmul.f32 v29, v7;
	v33 =	vmul.f32 v33, v4  }
0x308: {  	v29 =	vmul.f32 v29, v5;
	v44 =	vmul.f32 v30, v21  }
0x309: {  	v31 =	vmul.f32 v31, v20;
	v30 =	vmul.f32 v30, v22;
	v36 =	vadd.f32 v43, v42  }
0x30a: {  	v48 =	vmul.f32 v40, v9;
	v29 =	vadd.f32 v29, v33;
	v47 =	vadd.f32 v45, v44  }
0x30b: {  	v32 =	vmul.f32 v32, v10;
	v30 =	vadd.f32 v31, v30;
	v46 =	vadd.f32 v36, v8  }
0x30c: {  	v56 =	vld [tilespmem:$0x1010];
	v29 =	vadd.f32 v29, v2;
	v33 =	vadd.f32 v47, v18  }
0x30d: {  	v55 =	vld [tilespmem:$0x12A0];
	v31 =	vadd.f32 v32, v48;
	v30 =	vadd.f32 v30, v19  }
0x30e: {  	v54 =	vld [tilespmem:$0x1220];
	v49 =	vmax.f32 v46, $0.0e+00;
	v29 =	vmax.f32 v29, $0.0e+00;
	v33 =	vmax.f32 v33, $0.0e+00  }
0x30f: {  	v57 =	vld [tilespmem:$0x1090];
	v30 =	vmax.f32 v30, $0.0e+00;
	v50 =	vmul.f32 v49, v3;
	v29 =	vmul.f32 v29, v1  }
0x310: {  	v58 =	vld [tilespmem:$0x1110];
	v51 =	vmul.f32 v33, v15;
	v52 =	vmul.f32 v30, v16  }
0x311: {  	v61 =	vld [tilespmem:$0x1190];
	v33 =	vmul.f32 v33, v13;
	v30 =	vmul.f32 v30, v14;
	v31 =	vadd.f32 v50, v31  }
0x312: {  	v63 =	vmul.f32 v55, v25;
	v53 =	vadd.f32 v52, v51  }
0x313: {  	v62 =	vmul.f32 v54, v24;
	v30 =	vadd.f32 v30, v33;
	v29 =	vadd.f32 v31, v29  }
0x314: {  	v32 =	vmul.f32 v54, v26;
	v33 =	vmul.f32 v55, v23;
	v31 =	vadd.f32 v53, v11  }
0x315: {  	v45 =	vmul.f32 v58, v56;
	v30 =	vadd.f32 v30, v12;
	v29 =	vadd.f32 v29, v0  }
0x316: {  	v46 =	vmul.f32 v61, v57;
	v32 =	vadd.f32 v33, v32;
	v31 =	vmax.f32 v31, $0.0e+00  }
0x317: {  	v30 =	vmax.f32 v30, $0.0e+00;
	v59 =	vmul.f32 v31, v6;
	v29 =	vsub.f32 $0.0e+00, v29  }
0x318: {  	v32 =	vadd.f32 v32, v27;
	v60 =	vmul.f32 v30, v7;
	v31 =	vmul.f32 v31, v4  }
0x319: {  	v44 =	vadd.f32 v63, v62;
	v30 =	vmul.f32 v30, v5;
	v29 =	vmul.f32 $1.442695020e+00, v29  }
0x31a: {  	v54 =	vld [tilespmem:$0x12B0];
	v34 =	vmul.f32 v46, v10;
	v32 =	vmax.f32 v32, $0.0e+00;
	v37 =	vadd.f32 v60, v59  }
0x31b: {  	v30 =	vadd.f32 v30, v31;
	(erf) = vpow2.f32 v29;
	v29 =	vadd.f32 v44, v28  }
0x31c: {  	v56 =	vld [tilespmem:$0x1120];
	v33 =	vmul.f32 v45, v9;
	v49 =	vmul.f32 v32, v17;
	v37 =	vadd.f32 v37, v8  }
0x31d: {  	v52 =	vld [tilespmem:$0x1230];
	v32 =	vmul.f32 v32, v20;
	v30 =	vadd.f32 v30, v2;
	v29 =	vmax.f32 v29, $0.0e+00  }
0x31e: {  	v55 =	vld [tilespmem:$0x1020];
	v47 =	vmax.f32 v37, $0.0e+00;
	v48 =	vmul.f32 v29, v21;
	v29 =	vmul.f32 v29, v22  }
0x31f: {  	v62 =	vmul.f32 v54, v25;
	v33 =	vadd.f32 v34, v33;
	v31 =	vmul.f32 v47, v3  }
0x320: {  	v30 =	vmax.f32 v30, $0.0e+00;
	v50 =	vadd.f32 v49, v48;
	v29 =	vadd.f32 v32, v29  }
0x321: {  	v34 =	vmul.f32 v54, v23;
	v30 =	vmul.f32 v30, v1;
	v31 =	vadd.f32 v31, v33  }
0x322: {  	v47 =	vld [tilespmem:$0x1240];
	v32 =	vmul.f32 v52, v26;
	v51 =	vadd.f32 v50, v18;
	v29 =	vadd.f32 v29, v19  }
0x323: {  	v61 =	vmul.f32 v52, v24;
	v63 =	vmul.f32 v56, v55;
	v30 =	vadd.f32 v31, v30  }
0x324: {  	v59 =	vld [tilespmem:$0x10A0];
	v32 =	vadd.f32 v34, v32;
	v31 =	vmax.f32 v51, $0.0e+00;
	v29 =	vmax.f32 v29, $0.0e+00  }
0x325: {  	v60 =	vld [tilespmem:$0x11A0];
	v30 =	vadd.f32 v30, v0;
	v57 =	vmul.f32 v31, v15;
	v58 =	vmul.f32 v29, v16  }
0x326: {  	v53 =	vpop (erf);
	v32 =	vadd.f32 v32, v27;
	v31 =	vmul.f32 v31, v13;
	v29 =	vmul.f32 v29, v14  }
0x327: {  	v55 =	vmul.f32 v47, v24;
	v33 =	vadd.f32 $1.000000000e+00, v53;
	v37 =	vadd.f32 v58, v57  }
0x328: {  	v30 =	vsub.f32 $0.0e+00, v30;
	v32 =	vmax.f32 v32, $0.0e+00;
	v29 =	vadd.f32 v29, v31  }
0x329: {  	(erf) = vrcp.f32 v33;
	v31 =	vadd.f32 v62, v61;
	v37 =	vadd.f32 v37, v11  }
0x32a: {  	v30 =	vmul.f32 $1.442695020e+00, v30;
	v33 =	vmul.f32 v60, v59;
	v29 =	vadd.f32 v29, v12  }
0x32b: {  	v44 =	vmul.f32 v32, v17;
	v31 =	vadd.f32 v31, v28;
	v40 =	vmax.f32 v37, $0.0e+00  }
0x32c: {  	v32 =	vmul.f32 v32, v20;
	v29 =	vmax.f32 v29, $0.0e+00;
	v41 =	vmul.f32 v40, v6  }
0x32d: {  	v49 =	vld [tilespmem:$0x12C0];
	v31 =	vmax.f32 v31, $0.0e+00;
	v42 =	vmul.f32 v29, v7;
	v35 =	vmul.f32 v40, v4  }
0x32e: {  	v29 =	vmul.f32 v29, v5;
	v43 =	vmul.f32 v31, v21  }
0x32f: {  	(erf) = vpow2.f32 v30;
	v31 =	vmul.f32 v31, v22;
	v34 =	vadd.f32 v42, v41  }
0x330: {  	v30 =	vmul.f32 v63, v9;
	v29 =	vadd.f32 v29, v35;
	v35 =	vadd.f32 v44, v43  }
0x331: {  	v33 =	vmul.f32 v33, v10;
	v31 =	vadd.f32 v32, v31;
	v34 =	vadd.f32 v34, v8  }
0x332: {  	v54 =	vld [tilespmem:$0x1130];
	v56 =	vmul.f32 v49, v25;
	v29 =	vadd.f32 v29, v2;
	v46 =	vadd.f32 v35, v18  }
0x333: {  	v53 =	vld [tilespmem:$0x1030];
	v30 =	vadd.f32 v33, v30;
	v31 =	vadd.f32 v31, v19;
	v35 =	vmul.f32 v49, v23  }
0x334: {  	v57 =	vld [tilespmem:$0x10B0];
	v34 =	vmax.f32 v34, $0.0e+00;
	v29 =	vmax.f32 v29, $0.0e+00;
	v33 =	vmax.f32 v46, $0.0e+00  }
0x335: {  	v59 =	vld [tilespmem:$0x11B0];
	v31 =	vmax.f32 v31, $0.0e+00;
	v45 =	vmul.f32 v34, v3;
	v48 =	vmul.f32 v29, v1  }
0x336: {  	v51 =	vmul.f32 v33, v15;
	v52 =	vmul.f32 v31, v16  }
0x337: {  	v33 =	vmul.f32 v33, v13;
	v31 =	vmul.f32 v31, v14  }
0x338: {  	v34 =	vmul.f32 v47, v26;
	v30 =	vadd.f32 v45, v30;
	v32 =	vadd.f32 v52, v51  }
0x339: {  	v58 =	vmul.f32 v54, v53;
	v31 =	vadd.f32 v31, v33;
	v33 =	vadd.f32 v56, v55  }
0x33a: {  	v34 =	vadd.f32 v35, v34;
	v35 =	vmul.f32 v59, v57;
	v30 =	vadd.f32 v30, v48  }
0x33b: {  	v44 =	vmul.f32 v58, v9;
	v32 =	vadd.f32 v32, v11;
	v31 =	vadd.f32 v31, v12  }
0x33c: {  	v33 =	vadd.f32 v33, v28;
	v34 =	vadd.f32 v34, v27;
	v45 =	vmul.f32 v35, v10  }
0x33d: {  	v30 =	vadd.f32 v30, v0;
	v32 =	vmax.f32 v32, $0.0e+00;
	v31 =	vmax.f32 v31, $0.0e+00  }
0x33e: {  	v53 =	vld [tilespmem:$0x12D0];
	v29 =	vpop (erf);
	v33 =	vmax.f32 v33, $0.0e+00;
	v60 =	vmul.f32 v32, v6;
	v61 =	vmul.f32 v31, v7  }
0x33f: {  	v50 =	vpop (erf);
	v34 =	vmax.f32 v34, $0.0e+00;
	v32 =	vmul.f32 v32, v4;
	v31 =	vmul.f32 v31, v5  }
0x340: {  	v51 =	vld [tilespmem:$0x1250];
	v36 =	vadd.f32 $1.000000000e+00, v50;
	v62 =	vmul.f32 v33, v21;
	v63 =	vmul.f32 v34, v17  }
0x341: {  	v33 =	vmul.f32 v33, v22;
	v34 =	vmul.f32 v34, v20;
	v30 =	vsub.f32 $0.0e+00, v30  }
0x342: {  	(erf) = vrcp.f32 v36;
	v38 =	vadd.f32 v61, v60;
	v31 =	vadd.f32 v31, v32  }
0x343: {  	v36 =	vmul.f32 v53, v23;
	v42 =	vadd.f32 v63, v62;
	v43 =	vadd.f32 v34, v33  }
0x344: {  	v33 =	vadd.f32 v45, v44;
	v30 =	vmul.f32 $1.442695020e+00, v30;
	v41 =	vadd.f32 v38, v8  }
0x345: {  	v60 =	vmul.f32 v51, v24;
	v31 =	vadd.f32 v31, v2;
	v32 =	vadd.f32 v43, v19  }
0x346: {  	v61 =	vmul.f32 v53, v25;
	(erf) = vpow2.f32 v30;
	v30 =	vadd.f32 v42, v18  }
0x347: {  	v54 =	vld [tilespmem:$0x1040];
	v46 =	vmax.f32 v41, $0.0e+00;
	v31 =	vmax.f32 v31, $0.0e+00;
	v32 =	vmax.f32 v32, $0.0e+00  }
0x348: {  	v56 =	vld [tilespmem:$0x1140];
	v47 =	vmul.f32 v46, v3;
	v31 =	vmul.f32 v31, v1;
	v30 =	vmax.f32 v30, $0.0e+00  }
0x349: {  	v49 =	vmul.f32 v32, v16;
	v48 =	vmul.f32 v30, v15  }
0x34a: {  	v32 =	vmul.f32 v32, v14;
	v30 =	vmul.f32 v30, v13;
	v33 =	vadd.f32 v47, v33  }
0x34b: {  	v34 =	vmul.f32 v51, v26;
	v62 =	vadd.f32 v61, v60;
	v50 =	vadd.f32 v49, v48  }
0x34c: {  	v32 =	vadd.f32 v32, v30;
	v31 =	vadd.f32 v33, v31  }
0x34d: {  	v55 =	vld [tilespmem:$0x10C0];
	v63 =	vmul.f32 v56, v54;
	v34 =	vadd.f32 v36, v34;
	v33 =	vadd.f32 v50, v11  }
0x34e: {  	v59 =	vld [tilespmem:$0x11C0];
	v32 =	vadd.f32 v32, v12;
	v31 =	vadd.f32 v31, v0  }
0x34f: {  	v36 =	vmul.f32 v63, v9;
	v34 =	vadd.f32 v34, v27;
	v30 =	vpop (erf);
	v33 =	vmax.f32 v33, $0.0e+00  }
0x350: {  	v52 =	vpop (erf);
	v32 =	vmax.f32 v32, $0.0e+00;
	v31 =	vsub.f32 $0.0e+00, v31;
	v57 =	vmul.f32 v33, v6  }
0x351: {  	v35 =	vadd.f32 $1.000000000e+00, v52;
	v58 =	vmul.f32 v32, v7;
	v33 =	vmul.f32 v33, v4  }
0x352: {  	v34 =	vmax.f32 v34, $0.0e+00;
	v32 =	vmul.f32 v32, v5;
	v31 =	vmul.f32 $1.442695020e+00, v31  }
0x353: {  	v46 =	vld [tilespmem:$0x12E0];
	(erf) = vrcp.f32 v35;
	v40 =	vadd.f32 v58, v57;
	v35 =	vmul.f32 v59, v55  }
0x354: {  	v32 =	vadd.f32 v32, v33;
	(erf) = vpow2.f32 v31;
	v31 =	vadd.f32 v62, v28  }
0x355: {  	v45 =	vld [tilespmem:$0x1260];
	v42 =	vmul.f32 v34, v17;
	v34 =	vmul.f32 v34, v20;
	v40 =	vadd.f32 v40, v8  }
0x356: {  	v51 =	vld [tilespmem:$0x1050];
	v32 =	vadd.f32 v32, v2;
	v35 =	vmul.f32 v35, v10;
	v31 =	vmax.f32 v31, $0.0e+00  }
0x357: {  	v52 =	vld [tilespmem:$0x1150];
	v40 =	vmax.f32 v40, $0.0e+00;
	v41 =	vmul.f32 v31, v21;
	v31 =	vmul.f32 v31, v22  }
0x358: {  	v54 =	vmul.f32 v46, v25;
	v35 =	vadd.f32 v35, v36;
	v33 =	vmul.f32 v40, v3  }
0x359: {  	v56 =	vld [tilespmem:$0x10D0];
	v32 =	vmax.f32 v32, $0.0e+00;
	v43 =	vadd.f32 v42, v41;
	v31 =	vadd.f32 v34, v31  }
0x35a: {  	v58 =	vld [tilespmem:$0x11D0];
	v32 =	vmul.f32 v32, v1;
	v33 =	vadd.f32 v33, v35;
	v34 =	vmul.f32 v45, v26  }
0x35b: {  	v35 =	vmul.f32 v46, v23;
	v46 =	vld [tilespmem:$0x1270];
	v44 =	vadd.f32 v43, v18;
	v31 =	vadd.f32 v31, v19  }
0x35c: {  	v53 =	vmul.f32 v45, v24;
	v57 =	vmul.f32 v52, v51;
	v32 =	vadd.f32 v33, v32  }
0x35d: {  	v34 =	vadd.f32 v35, v34;
	v33 =	vmax.f32 v44, $0.0e+00;
	v47 =	vmax.f32 v31, $0.0e+00  }
0x35e: {  	v32 =	vadd.f32 v32, v0;
	v48 =	vmul.f32 v33, v15;
	v49 =	vmul.f32 v47, v16  }
0x35f: {  	v34 =	vadd.f32 v34, v27;
	v33 =	vmul.f32 v33, v13;
	v36 =	vmul.f32 v47, v14  }
0x360: {  	v35 =	vmul.f32 v58, v56;
	v24 =	vmul.f32 v46, v24;
	v31 =	vpop (erf);
	v32 =	vsub.f32 $0.0e+00, v32  }
0x361: {  	v34 =	vmax.f32 v34, $0.0e+00;
	v50 =	vpop (erf);
	v37 =	vadd.f32 v49, v48;
	v33 =	vadd.f32 v36, v33  }
0x362: {  	v26 =	vmul.f32 v46, v26;
	v62 =	vmul.f32 v34, v17;
	v39 =	vadd.f32 $1.000000000e+00, v50  }
0x363: {  	v48 =	vld [tilespmem:$0x12F0];
	v32 =	vmul.f32 $1.442695020e+00, v32;
	v37 =	vadd.f32 v37, v11;
	v33 =	vadd.f32 v33, v12  }
0x364: {  	v55 =	vadd.f32 v54, v53;
	v34 =	vmul.f32 v34, v20;
	(erf) = vrcp.f32 v39  }
0x365: {  	(erf) = vpow2.f32 v32;
	v37 =	vmax.f32 v37, $0.0e+00;
	v33 =	vmax.f32 v33, $0.0e+00  }
0x366: {  	v32 =	vadd.f32 v55, v28;
	v59 =	vmul.f32 v37, v6;
	v60 =	vmul.f32 v33, v7  }
0x367: {  	v37 =	vmul.f32 v37, v4;
	v33 =	vmul.f32 v33, v5  }
0x368: {  	v25 =	vmul.f32 v48, v25;
	v23 =	vmul.f32 v48, v23;
	v32 =	vmax.f32 v32, $0.0e+00  }
0x369: {  	v39 =	vadd.f32 v60, v59;
	v61 =	vmul.f32 v32, v21;
	v33 =	vadd.f32 v33, v37  }
0x36a: {  	v32 =	vmul.f32 v32, v22;
	v24 =	vadd.f32 v25, v24;
	v23 =	vadd.f32 v23, v26  }
0x36b: {  	v43 =	vmul.f32 v57, v9;
	v63 =	vadd.f32 v39, v8;
	v42 =	vadd.f32 v62, v61  }
0x36c: {  	v35 =	vmul.f32 v35, v10;
	v32 =	vadd.f32 v34, v32;
	v24 =	vadd.f32 v24, v28  }
0x36d: {  	v33 =	vadd.f32 v33, v2;
	v23 =	vadd.f32 v23, v27;
	v44 =	vmax.f32 v63, $0.0e+00  }
0x36e: {  	v45 =	vadd.f32 v42, v18;
	v32 =	vadd.f32 v32, v19;
	v24 =	vmax.f32 v24, $0.0e+00  }
0x36f: {  	v23 =	vmax.f32 v23, $0.0e+00;
	v47 =	vmul.f32 v44, v3;
	v21 =	vmul.f32 v24, v21  }
0x370: {  	v34 =	vadd.f32 v35, v43;
	v22 =	vmul.f32 v24, v22;
	v17 =	vmul.f32 v23, v17  }
0x371: {  	v20 =	vmul.f32 v23, v20;
	v37 =	vmax.f32 v45, $0.0e+00;
	v32 =	vmax.f32 v32, $0.0e+00  }
0x372: {  	v33 =	vmax.f32 v33, $0.0e+00;
	v49 =	vmul.f32 v37, v15;
	v50 =	vmul.f32 v32, v16  }
0x373: {  	v58 =	vld [tilespmem:$0x1160];
	v34 =	vadd.f32 v47, v34;
	v37 =	vmul.f32 v37, v13;
	v32 =	vmul.f32 v32, v14  }
0x374: {  	v55 =	vld [tilespmem:$0x1060];
	v33 =	vmul.f32 v33, v1;
	v35 =	vpop (erf);
	v17 =	vadd.f32 v17, v21;
	v20 =	vadd.f32 v20, v22  }
0x375: {  	v52 =	vpop (erf);
	v51 =	vadd.f32 v50, v49;
	v32 =	vadd.f32 v32, v37  }
0x376: {  	v33 =	vadd.f32 v34, v33;
	v37 =	vadd.f32 $1.000000000e+00, v52  }
0x377: {  	v34 =	vadd.f32 v51, v11;
	v53 =	vadd.f32 v32, v12  }
0x378: {  	v56 =	vld [tilespmem:$0x10E0];
	v17 =	vadd.f32 v17, v18;
	v54 =	vadd.f32 v33, v0  }
0x379: {  	v60 =	vld [tilespmem:$0x11E0];
	v33 =	vmul.f32 v58, v55;
	v57 =	vmax.f32 v34, $0.0e+00;
	v25 =	vmax.f32 v53, $0.0e+00  }
0x37a: {  	v17 =	vmax.f32 v17, $0.0e+00;
	v34 =	vmul.f32 v57, v6;
	v59 =	vmul.f32 v25, v7  }
0x37b: {  	(erf) = vrcp.f32 v37;
	v37 =	vadd.f32 v20, v19;
	v15 =	vmul.f32 v17, v15  }
0x37c: {  	v13 =	vmul.f32 v17, v13;
	v39 =	vmul.f32 v33, v9;
	v34 =	vadd.f32 v59, v34  }
0x37d: {  	v26 =	vsub.f32 $0.0e+00, v54;
	v63 =	vmul.f32 v57, v4;
	v25 =	vmul.f32 v25, v5  }
0x37e: {  	v18 =	vmax.f32 v37, $0.0e+00;
	v62 =	vadd.f32 v34, v8;
	v34 =	vmul.f32 v60, v56  }
0x37f: {  	v16 =	vmul.f32 v18, v16;
	v61 =	vmul.f32 $1.442695020e+00, v26;
	v36 =	vadd.f32 v25, v63  }
0x380: {  	v14 =	vmul.f32 v18, v14;
	v40 =	vmul.f32 v34, v10  }
0x381: {  	(erf) = vpow2.f32 v61;
	v38 =	vadd.f32 v36, v2;
	v24 =	vmax.f32 v62, $0.0e+00  }
0x382: {  	v41 =	vmul.f32 v24, v3;
	v20 =	vadd.f32 v40, v39  }
0x383: {  	v44 =	vld [tilespmem:$0x1070];
	v15 =	vadd.f32 v16, v15;
	v13 =	vadd.f32 v14, v13;
	v19 =	vmax.f32 v38, $0.0e+00  }
0x384: {  	v49 =	vld [tilespmem:$0x1170];
	v43 =	vmul.f32 v19, v1;
	v42 =	vadd.f32 v41, v20  }
0x385: {  	v47 =	vld [tilespmem:$0x10F0];
	v11 =	vadd.f32 v15, v11;
	v12 =	vadd.f32 v13, v12  }
0x386: {  	v51 =	vld [tilespmem:$0x11F0];
	v46 =	vadd.f32 v42, v43  }
0x387: {  	v11 =	vmax.f32 v11, $0.0e+00;
	v12 =	vmax.f32 v12, $0.0e+00  }
0x388: {  	v6 =	vmul.f32 v11, v6;
	v7 =	vmul.f32 v12, v7;
	v16 =	vadd.f32 v46, v0  }
0x389: {  	v53 =	vmul.f32 v49, v44;
	v45 =	vpop (erf);
	v4 =	vmul.f32 v11, v4  }
0x38a: {  	v5 =	vmul.f32 v12, v5;
	v6 =	vadd.f32 v7, v6;
	v48 =	vpop (erf);
	v52 =	vsub.f32 $0.0e+00, v16  }
0x38b: {  	v54 =	vmul.f32 v51, v47;
	v56 =	vmul.f32 v53, v9;
	v50 =	vadd.f32 $1.000000000e+00, v48  }
0x38c: {  	v4 =	vadd.f32 v5, v4;
	v6 =	vadd.f32 v6, v8;
	v55 =	vmul.f32 $1.442695020e+00, v52  }
0x38d: {  	v57 =	vmul.f32 v54, v10;
	(erf) = vrcp.f32 v50  }
0x38e: {  	v2 =	vadd.f32 v4, v2;
	v6 =	vmax.f32 v6, $0.0e+00;
	(erf) = vpow2.f32 v55  }
0x38f: {  	v58 =	vadd.f32 v57, v56;
	v3 =	vmul.f32 v6, v3  }
0x390: {  	v2 =	vmax.f32 v2, $0.0e+00  }
0x391: {  	v1 =	vmul.f32 v2, v1;
	v3 =	vadd.f32 v3, v58;
	_ =	sdelay $0x1  }
0x392: {  	v1 =	vadd.f32 v3, v1;
	_ =	sdelay $0x1  }
0x393: {  	v0 =	vadd.f32 v1, v0  }
0x394: {  	v59 =	vpop (erf)  }
0x395: {  	v0 =	vsub.f32 $0.0e+00, v0;
	v60 =	vpop (erf)  }
0x396: {  	v2 =	vadd.f32 $1.000000000e+00, v60  }
0x397: {  	v0 =	vmul.f32 $1.442695020e+00, v0  }
0x398: {  	(erf) = vrcp.f32 v2  }
0x399: {  	(erf) = vpow2.f32 v0;
	_ =	sdelay $0x7  }
0x39a: {  	v61 =	vpop (erf)  }
0x39b: {  	v62 =	vpop (erf)  }
0x39c: {  	v2 =	vadd.f32 $1.000000000e+00, v62;
	_ =	sdelay $0x1  }
0x39d: {  	(erf) = vrcp.f32 v2;
	_ =	sdelay $0x2  }
0x39e: {  	[tilespmem:$0x2580] =	vst v29  }
0x39f: {  	[tilespmem:$0x2590] =	vst v30  }
0x3a0: {  	[tilespmem:$0x25A0] =	vst v31  }
0x3a1: {  	[tilespmem:$0x25B0] =	vst v35  }
0x3a2: {  	[tilespmem:$0x25C0] =	vst v45  }
0x3a3: {  	[tilespmem:$0x25D0] =	vst v59  }
0x3a4: {  	p0 =	sne.s32 s11, $0x1;
	[tilespmem:$0x25E0] =	vst v61;
	v63 =	vpop (erf)  }
.Ltmp0:
0x3a5: {  	s21 =	rddreg [dreg:$0xc];
	[tilespmem:$0x25F0] =	vst v63;
	(pc) =	sbr.rel @p0 .LBB2_1-.Ltmp0, $4  }
0x3a6: {  	[hbm4b:s21+s8] =	stream.linear.scatter [tilespmem:s31], [sflag:$0x6], $0x200, $0x38;
	[tilespmem:$0x2600] =	vst v63  }
0x3a7: {  	_ =	swait.ge [sflag:s2], $0x200  }
0x3a8: {  	[sflag:s2] =	ssyncset.done $0x0  }
0x3a9: {  	s11 =	sadd.s32 $0xFFFFFFFF, s11;
	[sflag:s2] =	ssyncadd.s32 $0xFFFFFE00  }
0x3aa: {  	_ =	sfence.sel $0x180000  }
0x3ab: {  	[bflag:$0x0] =	sbarrier.arrive $0xFFFF  }
0x3ac: {  	_ =	strace $0x90000047  }
0x3ad: {  	s0 =	stileid.u32;
	[bflag:$0x2] =	sbarrier.arrive $0xFFFF  }
0x3ae: {  	p0 =	sne.s32 s0, $0x0;
	s0 =	rddreg [dreg:$0xa]  }
0x3af: {  	s0 =	sadd.s32 @!p0 $0x100000, s0  }
0x3b0: {  	[sflag:s0] =	ssyncadd.tile.s32 @!p0 $0x1;
	_ =	shalt  }
.Lfunc_end2:
_tile_overlayer_lowered:
.L_overlay_start_2:
0x3b1: {  	(tag) =	ssettag $0x2  }
0x3b2: {  	s0 =	rddreg [dreg:$0x0];
	s2 =	stileid.u32  }
0x3b3: {  	s1 =	rddreg [dreg:$0x1];
	p0 =	sne.s32 s2, $0x0  }
0x3b4: {  	s3 =	rddreg [dreg:$0x2];
	[bflag:$0x3] =	sbarrier.arrive $0xFFFF;
	s2 =	simm.s32 @!p0 $0x1C06  }
0x3b5: {  	[timem:s3], [sflag:s2] =	dma.local @!p0 [hbm:s0], s1  }
0x3b6: {  	s0 =	simm.s32 @!p0 $0x6  }
0x3b7: {  	_ =	swait.ge @!p0 [sflag:s0], s1  }
0x3b8: {  	s1 =	ssub.s32 @!p0 $0x0, s1;
	[sflag:s0] =	ssyncset.done @!p0 $0x0  }
0x3b9: {  	[sflag:s0] =	ssyncadd.s32 @!p0 s1  }
0x3ba: {  	[bflag:$0x3] =	sbarrier.arrive $0xFFFF  }
0x3bb: {  	_ =	shalt  }

</sc_bundles>
